<compile_context>
chip_gen: v7x
topology: tpu7x:2x2x1
jax: 0.10.2.dev20260603
libtpu: 0.0.44.dev20260713+nightly
codegen_flags: <defaults>
</compile_context>

<pallas_src>
import functools

import jax
import jax.numpy as jnp
from jax import lax
from jax.experimental import pallas as pl
from jax.experimental.pallas import tpu as pltpu
from jax.experimental.pallas import tpu_sc as plsc

N = 10000
E = 320000
DF = 128
D = 64
NCORE = 2
NSUB = 16
NW = NCORE * NSUB
EPW = E // NW
K = 80
NCHUNK = EPW // K
NP = 10240
RPS = NP // NSUB

_mesh = plsc.VectorSubcoreMesh(core_axis_name="c", subcore_axis_name="s")



@functools.partial(
    pl.kernel,
    out_type=jax.ShapeDtypeStruct((NCORE, NP, D), jnp.float32),
    mesh=_mesh,
    scratch_types=[
        pltpu.VMEM((NCHUNK, K), jnp.int32),
        pltpu.VMEM((NCHUNK, K), jnp.int32),
        [pltpu.VMEM((K, D), jnp.float32)] * 8,
        pltpu.VMEM_SHARED((NP, D), jnp.float32),
        [pltpu.SemaphoreType.DMA] * 8,
        [pltpu.SemaphoreType.DMA] * 8,
    ],
    compiler_params=pltpu.CompilerParams(use_tc_tiling_on_sc=False, skip_device_barrier=True),
)
def _sc_scatter(g_hbm, e_hbm, zero_hbm, out_hbm,
                src_v, dst_v, rows, acc_sh, gsem, ssem):
    c = lax.axis_index("c")
    s = lax.axis_index("s")
    pltpu.sync_copy(zero_hbm.at[pl.ds(s * RPS, RPS)],
                    acc_sh.at[pl.ds(s * RPS, RPS)])
    pltpu.sync_copy(e_hbm.at[0, c, s], src_v)
    pltpu.sync_copy(e_hbm.at[1, c, s], dst_v)
    plsc.subcore_barrier()

    def gather(j, b):
        pltpu.async_copy(g_hbm.at[src_v.at[j]], rows[b], gsem[b])

    def gather_wait(j, b):
        pltpu.make_async_copy(g_hbm.at[src_v.at[j]], rows[b], gsem[b]).wait()

    def scatter(j, b):
        pltpu.async_copy(rows[b], acc_sh.at[dst_v.at[j]], ssem[b], add=True)

    def scatter_wait(j, b):
        pltpu.make_async_copy(rows[b], acc_sh.at[dst_v.at[j]], ssem[b]).wait()

    NB = 8
    RING = NCHUNK - NCHUNK % NB
    for b in range(NB):
        gather(b, b)

    def body(i, carry):
        for b in range(NB):
            j = NB * i + b
            gather_wait(j, b)
            scatter(j, b)
        for b in range(NB):
            jn = NB * i + NB + b

            @pl.when(jn < RING)
            def _():
                scatter_wait(jn - NB, b)
                gather(jn, b)
        return carry

    lax.fori_loop(0, RING // NB, body, 0)
    for b in range(NB):
        scatter_wait(RING - NB + b, b)
    for t, j in enumerate(range(RING, NCHUNK)):
        gather(j, t)
    for t, j in enumerate(range(RING, NCHUNK)):
        gather_wait(j, t)
        scatter(j, t)
    for t, j in enumerate(range(RING, NCHUNK)):
        scatter_wait(j, t)
    plsc.subcore_barrier()
    pltpu.sync_copy(acc_sh.at[pl.ds(s * RPS, RPS)],
                    out_hbm.at[c, pl.ds(s * RPS, RPS)])


@functools.partial(
    pl.kernel,
    out_type=jax.ShapeDtypeStruct((NCORE, NP, 8), jnp.float32),
    mesh=_mesh,
    scratch_types=[
        pltpu.VMEM((NCHUNK, K), jnp.int32),
        pltpu.VMEM((K, 8), jnp.float32),
        pltpu.VMEM_SHARED((NP, 8), jnp.float32),
        pltpu.SemaphoreType.DMA,
    ],
    compiler_params=pltpu.CompilerParams(use_tc_tiling_on_sc=False, skip_device_barrier=True),
)
def _sc_degree(e_hbm, ones_hbm, zero_hbm, out_hbm, dst_v, ones_v, acc_sh, sem):
    c = lax.axis_index("c")
    s = lax.axis_index("s")
    pltpu.sync_copy(zero_hbm.at[pl.ds(s * RPS, RPS)],
                    acc_sh.at[pl.ds(s * RPS, RPS)])
    pltpu.sync_copy(e_hbm.at[1, c, s], dst_v)
    pltpu.sync_copy(ones_hbm, ones_v)
    plsc.subcore_barrier()

    for j0 in range(8):
        pltpu.async_copy(ones_v, acc_sh.at[dst_v.at[j0]], sem, add=True)

    def body(j, carry):
        pltpu.make_async_copy(ones_v, acc_sh.at[dst_v.at[j]], sem).wait()
        pltpu.async_copy(ones_v, acc_sh.at[dst_v.at[j + 8]], sem, add=True)
        return carry

    lax.fori_loop(0, NCHUNK - 8, body, 0)
    for j0 in range(NCHUNK - 8, NCHUNK):
        pltpu.make_async_copy(ones_v, acc_sh.at[dst_v.at[j0]], sem).wait()
    plsc.subcore_barrier()
    pltpu.sync_copy(acc_sh.at[pl.ds(s * RPS, RPS)],
                    out_hbm.at[c, pl.ds(s * RPS, RPS)])



_BLK = 1000
_NBLK = N // _BLK


def _dinv(degp_ref):
    deg = degp_ref[0, :, 0:1] + degp_ref[1, :, 0:1] + 1.0
    return lax.rsqrt(deg)


def _tc_pre_body(degp_ref, x_ref, w1_ref, g_ref):
    h = jnp.dot(x_ref[...], w1_ref[...], preferred_element_type=jnp.float32)
    g_ref[...] = h * _dinv(degp_ref)


def _tc_pre(degp, x, w1):
    return pl.pallas_call(
        _tc_pre_body,
        grid=(_NBLK,),
        in_specs=[
            pl.BlockSpec((NCORE, _BLK, 8), lambda i: (0, i, 0)),
            pl.BlockSpec((_BLK, DF), lambda i: (i, 0)),
            pl.BlockSpec((DF, D), lambda i: (0, 0)),
        ],
        out_specs=pl.BlockSpec((_BLK, D), lambda i: (i, 0)),
        out_shape=jax.ShapeDtypeStruct((N, D), jnp.float32),
    )(degp, x, w1)


def _tc_mid_body(p_ref, g_ref, degp_ref, b1_ref, w2_ref, g2_ref):
    dinv = _dinv(degp_ref)
    z = jax.nn.relu((p_ref[0] + p_ref[1] + g_ref[...]) * dinv + b1_ref[...])
    h2 = jnp.dot(z, w2_ref[...], preferred_element_type=jnp.float32)
    g2_ref[...] = h2 * dinv


def _tc_mid(p, g1, degp, b1, w2):
    return pl.pallas_call(
        _tc_mid_body,
        grid=(_NBLK,),
        in_specs=[
            pl.BlockSpec((NCORE, _BLK, D), lambda i: (0, i, 0)),
            pl.BlockSpec((_BLK, D), lambda i: (i, 0)),
            pl.BlockSpec((NCORE, _BLK, 8), lambda i: (0, i, 0)),
            pl.BlockSpec((1, D), lambda i: (0, 0)),
            pl.BlockSpec((D, D), lambda i: (0, 0)),
        ],
        out_specs=pl.BlockSpec((_BLK, D), lambda i: (i, 0)),
        out_shape=jax.ShapeDtypeStruct((N, D), jnp.float32),
    )(p, g1, degp, b1.reshape(1, D), w2)


def _tc_final_body(p_ref, g_ref, degp_ref, b2_ref, wa_ref, ba_ref,
                   wb_ref, bb_ref, h_ref, o3_ref):
    h = jax.nn.relu((p_ref[0] + p_ref[1] + g_ref[...]) * _dinv(degp_ref)
                    + b2_ref[...])
    h_ref[...] = h
    t = jax.nn.relu(jnp.dot(h, wa_ref[...], preferred_element_type=jnp.float32)
                    + ba_ref[...])
    o3_ref[...] = jax.nn.sigmoid(
        jnp.dot(t, wb_ref[...], preferred_element_type=jnp.float32)
        + bb_ref[...])


def _tc_final(p, g2, degp, b2, wa, ba, wb, bb):
    return pl.pallas_call(
        _tc_final_body,
        grid=(_NBLK,),
        in_specs=[
            pl.BlockSpec((NCORE, _BLK, D), lambda i: (0, i, 0)),
            pl.BlockSpec((_BLK, D), lambda i: (i, 0)),
            pl.BlockSpec((NCORE, _BLK, 8), lambda i: (0, i, 0)),
            pl.BlockSpec((1, D), lambda i: (0, 0)),
            pl.BlockSpec((D, 96), lambda i: (0, 0)),
            pl.BlockSpec((1, 96), lambda i: (0, 0)),
            pl.BlockSpec((96, 8), lambda i: (0, 0)),
            pl.BlockSpec((1, 8), lambda i: (0, 0)),
        ],
        out_specs=[
            pl.BlockSpec((_BLK, D), lambda i: (i, 0)),
            pl.BlockSpec((_BLK, 8), lambda i: (i, 0)),
        ],
        out_shape=[
            jax.ShapeDtypeStruct((N, D), jnp.float32),
            jax.ShapeDtypeStruct((N, 8), jnp.float32),
        ],
    )(p, g2, degp, b2.reshape(1, D), wa, ba, wb, bb)



def kernel(x, edge_index, W1, b1, W2, b2, dWa, dba, dWb, dbb,
           iWa, iba, iWb, ibb, cWa, cba, cWb, cbb):
    edges = edge_index.astype(jnp.int32).reshape(2, NCORE, NSUB, NCHUNK, K)
    zero64 = jnp.zeros((NP, D), jnp.float32)
    zero8 = jnp.zeros((NP, 8), jnp.float32)

    degp = _sc_degree(edges, jnp.ones((K, 8), jnp.float32), zero8)
    g1 = _tc_pre(degp, x, W1)
    p1 = _sc_scatter(g1, edges, zero64)
    g2 = _tc_mid(p1, g1, degp, b1, W2)
    p2 = _sc_scatter(g2, edges, zero64)

    wa = jnp.concatenate([dWa, iWa, cWa], axis=1)
    ba = jnp.concatenate([dba, iba, cba]).reshape(1, 96)
    wb = jnp.zeros((96, 8), jnp.float32)
    wb = wb.at[0:32, 0].set(dWb[:, 0]).at[32:64, 1].set(iWb[:, 0])
    wb = wb.at[64:96, 2].set(cWb[:, 0])
    bb = jnp.zeros((1, 8), jnp.float32)
    bb = bb.at[0, 0].set(dbb[0]).at[0, 1].set(ibb[0]).at[0, 2].set(cbb[0])

    h, o3 = _tc_final(p2, g2, degp, b2, wa, ba, wb, bb)
    return h, o3[:, 0:1], o3[:, 1:2], o3[:, 2:3]

# --- scband reference (transcript-rebuilt; emitter-appended) ---
"""Pipeline reference for scband-lightweight-supply-gnn-81853486727232 (READ-ONLY COPY).

The authoritative reference and input builder live on the scoring server;
editing this copy changes nothing except your own understanding.
"""

import jax, jax.numpy as jnp
import numpy as np

N_NODES = 10000
N_EDGES = 320000
D_FEAT = 128
HIDDEN = 64


def gcn_conv(x, src, dst, W, b, num_nodes):
    # linear transform
    h = x @ W
    # add self loops
    loop = jnp.arange(num_nodes, dtype=src.dtype)
    s = jnp.concatenate([src, loop])
    d = jnp.concatenate([dst, loop])
    # symmetric normalization (PyG GCNConv default)
    deg = jnp.zeros((num_nodes,), dtype=h.dtype).at[d].add(1.0)
    dinv = jnp.where(deg > 0, deg ** -0.5, 0.0)
    norm = dinv[s] * dinv[d]
    msg = h[s] * norm[:, None]
    out = jnp.zeros_like(h).at[d].add(msg)
    return out + b


def mlp_head(x, Wa, ba, Wb, bb):
    h = jax.nn.relu(x @ Wa + ba)
    return jax.nn.sigmoid(h @ Wb + bb)


def setup_inputs(seed: int = 0) -> dict:
    key = jax.random.key(seed)
    ks = jax.random.split(key, 20)
    x = jax.random.normal(ks[0], (N_NODES, D_FEAT), dtype=jnp.float32)
    edge_index = jax.random.randint(ks[1], (2, N_EDGES), 0, N_NODES, dtype=jnp.int64 if jax.config.read('jax_enable_x64') else jnp.int32)
    s = 0.05
    params = {
        'W1': jax.random.normal(ks[2], (D_FEAT, HIDDEN)) * s,
        'b1': jnp.zeros((HIDDEN,), jnp.float32),
        'W2': jax.random.normal(ks[3], (HIDDEN, HIDDEN)) * s,
        'b2': jnp.zeros((HIDDEN,), jnp.float32),
        'dWa': jax.random.normal(ks[4], (HIDDEN, HIDDEN // 2)) * s,
        'dba': jnp.zeros((HIDDEN // 2,), jnp.float32),
        'dWb': jax.random.normal(ks[5], (HIDDEN // 2, 1)) * s,
        'dbb': jnp.zeros((1,), jnp.float32),
        'iWa': jax.random.normal(ks[6], (HIDDEN, HIDDEN // 2)) * s,
        'iba': jnp.zeros((HIDDEN // 2,), jnp.float32),
        'iWb': jax.random.normal(ks[7], (HIDDEN // 2, 1)) * s,
        'ibb': jnp.zeros((1,), jnp.float32),
        'cWa': jax.random.normal(ks[8], (HIDDEN, HIDDEN // 2)) * s,
        'cba': jnp.zeros((HIDDEN // 2,), jnp.float32),
        'cWb': jax.random.normal(ks[9], (HIDDEN // 2, 1)) * s,
        'cbb': jnp.zeros((1,), jnp.float32),
    }
    return {'x': x, 'edge_index': edge_index, **params}


def reference(x, edge_index, W1, b1, W2, b2, dWa, dba, dWb, dbb, iWa, iba, iWb, ibb, cWa, cba, cWb, cbb):
    src, dst = edge_index[0], edge_index[1]
    n = x.shape[0]
    # layer 1 (dropout is identity in eval mode)
    h = gcn_conv(x, src, dst, W1, b1, n)
    h = jax.nn.relu(h)
    # layer 2
    h = gcn_conv(h, src, dst, W2, b2, n)
    h = jax.nn.relu(h)
    delay = mlp_head(h, dWa, dba, dWb, dbb)
    shortfall = mlp_head(h, iWa, iba, iWb, ibb)
    carbon = mlp_head(h, cWa, cba, cWb, cbb)
    return (h, delay, shortfall, carbon)

if __name__ == "__main__":
    import jax
    _d = setup_inputs()
    print(jax.jit(kernel)(*tuple(_d.values())))

</pallas_src>

<mosaic_0001>
#map = affine_map<(d0, d1) -> (0, 0, 0, 0, 0)>
#map1 = affine_map<(d0, d1) -> (0, 0)>
#map2 = affine_map<(d0, d1) -> (0, 0, 0)>
module attributes {stable_mosaic.version = 14 : i64} {
  func.func @_sc_degree(%arg0: i32, %arg1: i32, %arg2: memref<2x2x16x125x80xi32, #tpu.memory_space<hbm>>, %arg3: memref<80x8xf32, #tpu.memory_space<hbm>>, %arg4: memref<10240x8xf32, #tpu.memory_space<hbm>>, %arg5: memref<2x10240x8xf32, #tpu.memory_space<hbm>>, %arg6: memref<125x80xi32, #tpu.memory_space<vmem>>, %arg7: memref<80x8xf32, #tpu.memory_space<vmem>>, %arg8: memref<10240x8xf32, #tpu.memory_space<vmem_shared>>, %arg9: memref<!tpu.dma_semaphore, #tpu.memory_space<semaphore_mem>>) attributes {dimension_semantics = [#tpu.dimension_semantics<core_parallel>, #tpu.dimension_semantics<subcore_parallel>], iteration_bounds = array<i64: 2, 16>, scalar_prefetch = 0 : i64, scratch_operands = 4 : i64, tpu.core_type = #tpu.core_type<sc_vector_subcore>, window_params = [{transform_indices = #map}, {transform_indices = #map1}, {transform_indices = #map1}, {transform_indices = #map2}]} {
    %mul3A = arith.constant 640 : i32
    %mul3A_0 = arith.muli %arg1, %mul3A : i32
    %mul3A_1 = arith.constant 640 : i32
    %mul3A_2 = arith.muli %arg1, %mul3A_1 : i32
    "tpu.region"() ({
      %run_scoped3A_123 = tpu.sem_alloc : memref<!tpu.dma_semaphore, #tpu.memory_space<semaphore_mem>>
      %dma_start3A_124 = arith.constant 0 : i32
      %dma_start3A_125 = tpu.memref_slice %arg8[%mul3A_2, %dma_start3A_124] : memref<10240x8xf32, #tpu.memory_space<vmem_shared>> -> memref<640x8xf32, #tpu.memory_space<vmem_shared>>
      %dma_start3A_126 = arith.constant 0 : i32
      %dma_start3A_127 = tpu.memref_slice %arg4[%mul3A_0, %dma_start3A_126] : memref<10240x8xf32, #tpu.memory_space<hbm>> -> memref<640x8xf32, #tpu.memory_space<hbm>>
      tpu.enqueue_dma source(%dma_start3A_127 : memref<640x8xf32, #tpu.memory_space<hbm>>) target(%dma_start3A_125 : memref<640x8xf32, #tpu.memory_space<vmem_shared>>) target_semaphore(%run_scoped3A_123 : memref<!tpu.dma_semaphore, #tpu.memory_space<semaphore_mem>>)
      %dma_wait3A_128 = arith.constant 0 : i32
      %dma_wait3A_129 = tpu.memref_slice %arg8[%mul3A_2, %dma_wait3A_128] : memref<10240x8xf32, #tpu.memory_space<vmem_shared>> -> memref<640x8xf32, #tpu.memory_space<vmem_shared>>
      %dma_wait3A_130 = arith.constant 0 : i32
      %dma_wait3A_131 = tpu.memref_slice %arg4[%mul3A_0, %dma_wait3A_130] : memref<10240x8xf32, #tpu.memory_space<hbm>> -> memref<640x8xf32, #tpu.memory_space<hbm>>
      tpu.wait_dma2 semaphore(%run_scoped3A_123 : memref<!tpu.dma_semaphore, #tpu.memory_space<semaphore_mem>>) src(%dma_wait3A_131 : memref<640x8xf32, #tpu.memory_space<hbm>>) dst(%dma_wait3A_129 : memref<640x8xf32, #tpu.memory_space<vmem_shared>>)
      tpu.yield
    }) : () -> ()
    %run_scoped3A = arith.constant 1 : i32
    "tpu.region"() ({
      %run_scoped3A_123 = tpu.sem_alloc : memref<!tpu.dma_semaphore, #tpu.memory_space<semaphore_mem>>
      %dma_start3A_124 = arith.constant 0 : i32
      %dma_start3A_125 = arith.constant 0 : i32
      %dma_start3A_126 = tpu.memref_slice %arg2[%run_scoped3A, %arg0, %arg1, %dma_start3A_124, %dma_start3A_125] : memref<2x2x16x125x80xi32, #tpu.memory_space<hbm>> -> memref<1x1x1x125x80xi32, #tpu.memory_space<hbm>>
      %dma_start3A_127 = tpu.memref_squeeze %dma_start3A_126 : memref<1x1x1x125x80xi32, #tpu.memory_space<hbm>> -> memref<125x80xi32, #tpu.memory_space<hbm>>
      %dma_start3A_128 = arith.constant 0 : i32
      %dma_start3A_129 = arith.constant 0 : i32
      %dma_start3A_130 = tpu.memref_slice %arg2[%run_scoped3A, %arg0, %arg1, %dma_start3A_128, %dma_start3A_129] : memref<2x2x16x125x80xi32, #tpu.memory_space<hbm>> -> memref<1x1x1x125x80xi32, #tpu.memory_space<hbm>>
      %dma_start3A_131 = tpu.memref_squeeze %dma_start3A_130 : memref<1x1x1x125x80xi32, #tpu.memory_space<hbm>> -> memref<125x80xi32, #tpu.memory_space<hbm>>
      tpu.enqueue_dma source(%dma_start3A_131 : memref<125x80xi32, #tpu.memory_space<hbm>>) target(%arg6 : memref<125x80xi32, #tpu.memory_space<vmem>>) target_semaphore(%run_scoped3A_123 : memref<!tpu.dma_semaphore, #tpu.memory_space<semaphore_mem>>)
      %dma_wait3A_132 = arith.constant 0 : i32
      %dma_wait3A_133 = arith.constant 0 : i32
      %dma_wait3A_134 = tpu.memref_slice %arg2[%run_scoped3A, %arg0, %arg1, %dma_wait3A_132, %dma_wait3A_133] : memref<2x2x16x125x80xi32, #tpu.memory_space<hbm>> -> memref<1x1x1x125x80xi32, #tpu.memory_space<hbm>>
      %dma_wait3A_135 = tpu.memref_squeeze %dma_wait3A_134 : memref<1x1x1x125x80xi32, #tpu.memory_space<hbm>> -> memref<125x80xi32, #tpu.memory_space<hbm>>
      %dma_wait3A_136 = arith.constant 0 : i32
      %dma_wait3A_137 = arith.constant 0 : i32
      %dma_wait3A_138 = tpu.memref_slice %arg2[%run_scoped3A, %arg0, %arg1, %dma_wait3A_136, %dma_wait3A_137] : memref<2x2x16x125x80xi32, #tpu.memory_space<hbm>> -> memref<1x1x1x125x80xi32, #tpu.memory_space<hbm>>
      %dma_wait3A_139 = tpu.memref_squeeze %dma_wait3A_138 : memref<1x1x1x125x80xi32, #tpu.memory_space<hbm>> -> memref<125x80xi32, #tpu.memory_space<hbm>>
      tpu.wait_dma2 semaphore(%run_scoped3A_123 : memref<!tpu.dma_semaphore, #tpu.memory_space<semaphore_mem>>) src(%dma_wait3A_139 : memref<125x80xi32, #tpu.memory_space<hbm>>) dst(%arg6 : memref<125x80xi32, #tpu.memory_space<vmem>>)
      tpu.yield
    }) : () -> ()
    "tpu.region"() ({
      %run_scoped3A_123 = tpu.sem_alloc : memref<!tpu.dma_semaphore, #tpu.memory_space<semaphore_mem>>
      tpu.enqueue_dma source(%arg3 : memref<80x8xf32, #tpu.memory_space<hbm>>) target(%arg7 : memref<80x8xf32, #tpu.memory_space<vmem>>) target_semaphore(%run_scoped3A_123 : memref<!tpu.dma_semaphore, #tpu.memory_space<semaphore_mem>>)
      tpu.wait_dma2 semaphore(%run_scoped3A_123 : memref<!tpu.dma_semaphore, #tpu.memory_space<semaphore_mem>>) src(%arg3 : memref<80x8xf32, #tpu.memory_space<hbm>>) dst(%arg7 : memref<80x8xf32, #tpu.memory_space<vmem>>)
      tpu.yield
    }) : () -> ()
    %barrier3A = arith.constant 0 : index
    tpu.barrier barrier_id(%barrier3A)
    %dma_start3A = arith.constant 0 : i32
    %dma_start3A_3 = arith.constant 0 : i32
    %dma_start3A_4 = tpu.memref_slice %arg6[%dma_start3A, %dma_start3A_3] : memref<125x80xi32, #tpu.memory_space<vmem>> -> memref<1x80xi32, #tpu.memory_space<vmem>>
    %dma_start3A_5 = tpu.memref_squeeze %dma_start3A_4 : memref<1x80xi32, #tpu.memory_space<vmem>> -> memref<80xi32, #tpu.memory_space<vmem>>
    %dma_start3A_6 = arith.constant 0 : i32
    %dma_start3A_7 = arith.constant 0 : i32
    %dma_start3A_8 = tpu.memref_slice %arg8[%dma_start3A_6, %dma_start3A_7] : memref<10240x8xf32, #tpu.memory_space<vmem_shared>> -> memref<10240x8xf32, #tpu.memory_space<vmem_shared>>
    tpu.enqueue_indirect_dma source(%arg7 : memref<80x8xf32, #tpu.memory_space<vmem>>) target(%dma_start3A_8 : memref<10240x8xf32, #tpu.memory_space<vmem_shared>>) offsets(%dma_start3A_5 : memref<80xi32, #tpu.memory_space<vmem>>) semaphore(%arg9 : memref<!tpu.dma_semaphore, #tpu.memory_space<semaphore_mem>>) {add = true}
    %dma_start3A_9 = arith.constant 1 : i32
    %dma_start3A_10 = arith.constant 0 : i32
    %dma_start3A_11 = tpu.memref_slice %arg6[%dma_start3A_9, %dma_start3A_10] : memref<125x80xi32, #tpu.memory_space<vmem>> -> memref<1x80xi32, #tpu.memory_space<vmem>>
    %dma_start3A_12 = tpu.memref_squeeze %dma_start3A_11 : memref<1x80xi32, #tpu.memory_space<vmem>> -> memref<80xi32, #tpu.memory_space<vmem>>
    %dma_start3A_13 = arith.constant 0 : i32
    %dma_start3A_14 = arith.constant 0 : i32
    %dma_start3A_15 = tpu.memref_slice %arg8[%dma_start3A_13, %dma_start3A_14] : memref<10240x8xf32, #tpu.memory_space<vmem_shared>> -> memref<10240x8xf32, #tpu.memory_space<vmem_shared>>
    tpu.enqueue_indirect_dma source(%arg7 : memref<80x8xf32, #tpu.memory_space<vmem>>) target(%dma_start3A_15 : memref<10240x8xf32, #tpu.memory_space<vmem_shared>>) offsets(%dma_start3A_12 : memref<80xi32, #tpu.memory_space<vmem>>) semaphore(%arg9 : memref<!tpu.dma_semaphore, #tpu.memory_space<semaphore_mem>>) {add = true}
    %dma_start3A_16 = arith.constant 2 : i32
    %dma_start3A_17 = arith.constant 0 : i32
    %dma_start3A_18 = tpu.memref_slice %arg6[%dma_start3A_16, %dma_start3A_17] : memref<125x80xi32, #tpu.memory_space<vmem>> -> memref<1x80xi32, #tpu.memory_space<vmem>>
    %dma_start3A_19 = tpu.memref_squeeze %dma_start3A_18 : memref<1x80xi32, #tpu.memory_space<vmem>> -> memref<80xi32, #tpu.memory_space<vmem>>
    %dma_start3A_20 = arith.constant 0 : i32
    %dma_start3A_21 = arith.constant 0 : i32
    %dma_start3A_22 = tpu.memref_slice %arg8[%dma_start3A_20, %dma_start3A_21] : memref<10240x8xf32, #tpu.memory_space<vmem_shared>> -> memref<10240x8xf32, #tpu.memory_space<vmem_shared>>
    tpu.enqueue_indirect_dma source(%arg7 : memref<80x8xf32, #tpu.memory_space<vmem>>) target(%dma_start3A_22 : memref<10240x8xf32, #tpu.memory_space<vmem_shared>>) offsets(%dma_start3A_19 : memref<80xi32, #tpu.memory_space<vmem>>) semaphore(%arg9 : memref<!tpu.dma_semaphore, #tpu.memory_space<semaphore_mem>>) {add = true}
    %dma_start3A_23 = arith.constant 3 : i32
    %dma_start3A_24 = arith.constant 0 : i32
    %dma_start3A_25 = tpu.memref_slice %arg6[%dma_start3A_23, %dma_start3A_24] : memref<125x80xi32, #tpu.memory_space<vmem>> -> memref<1x80xi32, #tpu.memory_space<vmem>>
    %dma_start3A_26 = tpu.memref_squeeze %dma_start3A_25 : memref<1x80xi32, #tpu.memory_space<vmem>> -> memref<80xi32, #tpu.memory_space<vmem>>
    %dma_start3A_27 = arith.constant 0 : i32
    %dma_start3A_28 = arith.constant 0 : i32
    %dma_start3A_29 = tpu.memref_slice %arg8[%dma_start3A_27, %dma_start3A_28] : memref<10240x8xf32, #tpu.memory_space<vmem_shared>> -> memref<10240x8xf32, #tpu.memory_space<vmem_shared>>
    tpu.enqueue_indirect_dma source(%arg7 : memref<80x8xf32, #tpu.memory_space<vmem>>) target(%dma_start3A_29 : memref<10240x8xf32, #tpu.memory_space<vmem_shared>>) offsets(%dma_start3A_26 : memref<80xi32, #tpu.memory_space<vmem>>) semaphore(%arg9 : memref<!tpu.dma_semaphore, #tpu.memory_space<semaphore_mem>>) {add = true}
    %dma_start3A_30 = arith.constant 4 : i32
    %dma_start3A_31 = arith.constant 0 : i32
    %dma_start3A_32 = tpu.memref_slice %arg6[%dma_start3A_30, %dma_start3A_31] : memref<125x80xi32, #tpu.memory_space<vmem>> -> memref<1x80xi32, #tpu.memory_space<vmem>>
    %dma_start3A_33 = tpu.memref_squeeze %dma_start3A_32 : memref<1x80xi32, #tpu.memory_space<vmem>> -> memref<80xi32, #tpu.memory_space<vmem>>
    %dma_start3A_34 = arith.constant 0 : i32
    %dma_start3A_35 = arith.constant 0 : i32
    %dma_start3A_36 = tpu.memref_slice %arg8[%dma_start3A_34, %dma_start3A_35] : memref<10240x8xf32, #tpu.memory_space<vmem_shared>> -> memref<10240x8xf32, #tpu.memory_space<vmem_shared>>
    tpu.enqueue_indirect_dma source(%arg7 : memref<80x8xf32, #tpu.memory_space<vmem>>) target(%dma_start3A_36 : memref<10240x8xf32, #tpu.memory_space<vmem_shared>>) offsets(%dma_start3A_33 : memref<80xi32, #tpu.memory_space<vmem>>) semaphore(%arg9 : memref<!tpu.dma_semaphore, #tpu.memory_space<semaphore_mem>>) {add = true}
    %dma_start3A_37 = arith.constant 5 : i32
    %dma_start3A_38 = arith.constant 0 : i32
    %dma_start3A_39 = tpu.memref_slice %arg6[%dma_start3A_37, %dma_start3A_38] : memref<125x80xi32, #tpu.memory_space<vmem>> -> memref<1x80xi32, #tpu.memory_space<vmem>>
    %dma_start3A_40 = tpu.memref_squeeze %dma_start3A_39 : memref<1x80xi32, #tpu.memory_space<vmem>> -> memref<80xi32, #tpu.memory_space<vmem>>
    %dma_start3A_41 = arith.constant 0 : i32
    %dma_start3A_42 = arith.constant 0 : i32
    %dma_start3A_43 = tpu.memref_slice %arg8[%dma_start3A_41, %dma_start3A_42] : memref<10240x8xf32, #tpu.memory_space<vmem_shared>> -> memref<10240x8xf32, #tpu.memory_space<vmem_shared>>
    tpu.enqueue_indirect_dma source(%arg7 : memref<80x8xf32, #tpu.memory_space<vmem>>) target(%dma_start3A_43 : memref<10240x8xf32, #tpu.memory_space<vmem_shared>>) offsets(%dma_start3A_40 : memref<80xi32, #tpu.memory_space<vmem>>) semaphore(%arg9 : memref<!tpu.dma_semaphore, #tpu.memory_space<semaphore_mem>>) {add = true}
    %dma_start3A_44 = arith.constant 6 : i32
    %dma_start3A_45 = arith.constant 0 : i32
    %dma_start3A_46 = tpu.memref_slice %arg6[%dma_start3A_44, %dma_start3A_45] : memref<125x80xi32, #tpu.memory_space<vmem>> -> memref<1x80xi32, #tpu.memory_space<vmem>>
    %dma_start3A_47 = tpu.memref_squeeze %dma_start3A_46 : memref<1x80xi32, #tpu.memory_space<vmem>> -> memref<80xi32, #tpu.memory_space<vmem>>
    %dma_start3A_48 = arith.constant 0 : i32
    %dma_start3A_49 = arith.constant 0 : i32
    %dma_start3A_50 = tpu.memref_slice %arg8[%dma_start3A_48, %dma_start3A_49] : memref<10240x8xf32, #tpu.memory_space<vmem_shared>> -> memref<10240x8xf32, #tpu.memory_space<vmem_shared>>
    tpu.enqueue_indirect_dma source(%arg7 : memref<80x8xf32, #tpu.memory_space<vmem>>) target(%dma_start3A_50 : memref<10240x8xf32, #tpu.memory_space<vmem_shared>>) offsets(%dma_start3A_47 : memref<80xi32, #tpu.memory_space<vmem>>) semaphore(%arg9 : memref<!tpu.dma_semaphore, #tpu.memory_space<semaphore_mem>>) {add = true}
    %dma_start3A_51 = arith.constant 7 : i32
    %dma_start3A_52 = arith.constant 0 : i32
    %dma_start3A_53 = tpu.memref_slice %arg6[%dma_start3A_51, %dma_start3A_52] : memref<125x80xi32, #tpu.memory_space<vmem>> -> memref<1x80xi32, #tpu.memory_space<vmem>>
    %dma_start3A_54 = tpu.memref_squeeze %dma_start3A_53 : memref<1x80xi32, #tpu.memory_space<vmem>> -> memref<80xi32, #tpu.memory_space<vmem>>
    %dma_start3A_55 = arith.constant 0 : i32
    %dma_start3A_56 = arith.constant 0 : i32
    %dma_start3A_57 = tpu.memref_slice %arg8[%dma_start3A_55, %dma_start3A_56] : memref<10240x8xf32, #tpu.memory_space<vmem_shared>> -> memref<10240x8xf32, #tpu.memory_space<vmem_shared>>
    tpu.enqueue_indirect_dma source(%arg7 : memref<80x8xf32, #tpu.memory_space<vmem>>) target(%dma_start3A_57 : memref<10240x8xf32, #tpu.memory_space<vmem_shared>>) offsets(%dma_start3A_54 : memref<80xi32, #tpu.memory_space<vmem>>) semaphore(%arg9 : memref<!tpu.dma_semaphore, #tpu.memory_space<semaphore_mem>>) {add = true}
    %scan3A = arith.constant 0 : i32
    %scan3A_58 = arith.constant 0 : i32
    %scan3A_59 = arith.constant 117 : i32
    %scan3A_60 = arith.addi %scan3A_58, %scan3A_59 : i32
    %scan3A_61 = arith.constant 1 : i32
    scf.for %scan3A_123 = %scan3A_58 to %scan3A_60 step %scan3A_61  : i32 {
      %dma_wait3A_124 = arith.constant 0 : i32
      %dma_wait3A_125 = tpu.memref_slice %arg6[%scan3A_123, %dma_wait3A_124] : memref<125x80xi32, #tpu.memory_space<vmem>> -> memref<1x80xi32, #tpu.memory_space<vmem>>
      %dma_wait3A_126 = tpu.memref_squeeze %dma_wait3A_125 : memref<1x80xi32, #tpu.memory_space<vmem>> -> memref<80xi32, #tpu.memory_space<vmem>>
      %dma_wait3A_127 = arith.constant 0 : i32
      %dma_wait3A_128 = arith.constant 0 : i32
      %dma_wait3A_129 = tpu.memref_slice %arg8[%dma_wait3A_127, %dma_wait3A_128] : memref<10240x8xf32, #tpu.memory_space<vmem_shared>> -> memref<10240x8xf32, #tpu.memory_space<vmem_shared>>
      tpu.wait_indirect_dma semaphore(%arg9 : memref<!tpu.dma_semaphore, #tpu.memory_space<semaphore_mem>>) src(%arg7 : memref<80x8xf32, #tpu.memory_space<vmem>>) dst(%dma_wait3A_129 : memref<10240x8xf32, #tpu.memory_space<vmem_shared>>)
      %add3A = arith.constant 8 : i32
      %add3A_130 = arith.addi %scan3A_123, %add3A : i32
      %dma_start3A_131 = arith.constant 0 : i32
      %dma_start3A_132 = tpu.memref_slice %arg6[%add3A_130, %dma_start3A_131] : memref<125x80xi32, #tpu.memory_space<vmem>> -> memref<1x80xi32, #tpu.memory_space<vmem>>
      %dma_start3A_133 = tpu.memref_squeeze %dma_start3A_132 : memref<1x80xi32, #tpu.memory_space<vmem>> -> memref<80xi32, #tpu.memory_space<vmem>>
      %dma_start3A_134 = arith.constant 0 : i32
      %dma_start3A_135 = arith.constant 0 : i32
      %dma_start3A_136 = tpu.memref_slice %arg8[%dma_start3A_134, %dma_start3A_135] : memref<10240x8xf32, #tpu.memory_space<vmem_shared>> -> memref<10240x8xf32, #tpu.memory_space<vmem_shared>>
      tpu.enqueue_indirect_dma source(%arg7 : memref<80x8xf32, #tpu.memory_space<vmem>>) target(%dma_start3A_136 : memref<10240x8xf32, #tpu.memory_space<vmem_shared>>) offsets(%dma_start3A_133 : memref<80xi32, #tpu.memory_space<vmem>>) semaphore(%arg9 : memref<!tpu.dma_semaphore, #tpu.memory_space<semaphore_mem>>) {add = true}
    }
    %scan3A_62 = arith.constant 117 : i32
    %dma_wait3A = arith.constant 117 : i32
    %dma_wait3A_63 = arith.constant 0 : i32
    %dma_wait3A_64 = tpu.memref_slice %arg6[%dma_wait3A, %dma_wait3A_63] : memref<125x80xi32, #tpu.memory_space<vmem>> -> memref<1x80xi32, #tpu.memory_space<vmem>>
    %dma_wait3A_65 = tpu.memref_squeeze %dma_wait3A_64 : memref<1x80xi32, #tpu.memory_space<vmem>> -> memref<80xi32, #tpu.memory_space<vmem>>
    %dma_wait3A_66 = arith.constant 0 : i32
    %dma_wait3A_67 = arith.constant 0 : i32
    %dma_wait3A_68 = tpu.memref_slice %arg8[%dma_wait3A_66, %dma_wait3A_67] : memref<10240x8xf32, #tpu.memory_space<vmem_shared>> -> memref<10240x8xf32, #tpu.memory_space<vmem_shared>>
    tpu.wait_indirect_dma semaphore(%arg9 : memref<!tpu.dma_semaphore, #tpu.memory_space<semaphore_mem>>) src(%arg7 : memref<80x8xf32, #tpu.memory_space<vmem>>) dst(%dma_wait3A_68 : memref<10240x8xf32, #tpu.memory_space<vmem_shared>>)
    %dma_wait3A_69 = arith.constant 118 : i32
    %dma_wait3A_70 = arith.constant 0 : i32
    %dma_wait3A_71 = tpu.memref_slice %arg6[%dma_wait3A_69, %dma_wait3A_70] : memref<125x80xi32, #tpu.memory_space<vmem>> -> memref<1x80xi32, #tpu.memory_space<vmem>>
    %dma_wait3A_72 = tpu.memref_squeeze %dma_wait3A_71 : memref<1x80xi32, #tpu.memory_space<vmem>> -> memref<80xi32, #tpu.memory_space<vmem>>
    %dma_wait3A_73 = arith.constant 0 : i32
    %dma_wait3A_74 = arith.constant 0 : i32
    %dma_wait3A_75 = tpu.memref_slice %arg8[%dma_wait3A_73, %dma_wait3A_74] : memref<10240x8xf32, #tpu.memory_space<vmem_shared>> -> memref<10240x8xf32, #tpu.memory_space<vmem_shared>>
    tpu.wait_indirect_dma semaphore(%arg9 : memref<!tpu.dma_semaphore, #tpu.memory_space<semaphore_mem>>) src(%arg7 : memref<80x8xf32, #tpu.memory_space<vmem>>) dst(%dma_wait3A_75 : memref<10240x8xf32, #tpu.memory_space<vmem_shared>>)
    %dma_wait3A_76 = arith.constant 119 : i32
    %dma_wait3A_77 = arith.constant 0 : i32
    %dma_wait3A_78 = tpu.memref_slice %arg6[%dma_wait3A_76, %dma_wait3A_77] : memref<125x80xi32, #tpu.memory_space<vmem>> -> memref<1x80xi32, #tpu.memory_space<vmem>>
    %dma_wait3A_79 = tpu.memref_squeeze %dma_wait3A_78 : memref<1x80xi32, #tpu.memory_space<vmem>> -> memref<80xi32, #tpu.memory_space<vmem>>
    %dma_wait3A_80 = arith.constant 0 : i32
    %dma_wait3A_81 = arith.constant 0 : i32
    %dma_wait3A_82 = tpu.memref_slice %arg8[%dma_wait3A_80, %dma_wait3A_81] : memref<10240x8xf32, #tpu.memory_space<vmem_shared>> -> memref<10240x8xf32, #tpu.memory_space<vmem_shared>>
    tpu.wait_indirect_dma semaphore(%arg9 : memref<!tpu.dma_semaphore, #tpu.memory_space<semaphore_mem>>) src(%arg7 : memref<80x8xf32, #tpu.memory_space<vmem>>) dst(%dma_wait3A_82 : memref<10240x8xf32, #tpu.memory_space<vmem_shared>>)
    %dma_wait3A_83 = arith.constant 120 : i32
    %dma_wait3A_84 = arith.constant 0 : i32
    %dma_wait3A_85 = tpu.memref_slice %arg6[%dma_wait3A_83, %dma_wait3A_84] : memref<125x80xi32, #tpu.memory_space<vmem>> -> memref<1x80xi32, #tpu.memory_space<vmem>>
    %dma_wait3A_86 = tpu.memref_squeeze %dma_wait3A_85 : memref<1x80xi32, #tpu.memory_space<vmem>> -> memref<80xi32, #tpu.memory_space<vmem>>
    %dma_wait3A_87 = arith.constant 0 : i32
    %dma_wait3A_88 = arith.constant 0 : i32
    %dma_wait3A_89 = tpu.memref_slice %arg8[%dma_wait3A_87, %dma_wait3A_88] : memref<10240x8xf32, #tpu.memory_space<vmem_shared>> -> memref<10240x8xf32, #tpu.memory_space<vmem_shared>>
    tpu.wait_indirect_dma semaphore(%arg9 : memref<!tpu.dma_semaphore, #tpu.memory_space<semaphore_mem>>) src(%arg7 : memref<80x8xf32, #tpu.memory_space<vmem>>) dst(%dma_wait3A_89 : memref<10240x8xf32, #tpu.memory_space<vmem_shared>>)
    %dma_wait3A_90 = arith.constant 121 : i32
    %dma_wait3A_91 = arith.constant 0 : i32
    %dma_wait3A_92 = tpu.memref_slice %arg6[%dma_wait3A_90, %dma_wait3A_91] : memref<125x80xi32, #tpu.memory_space<vmem>> -> memref<1x80xi32, #tpu.memory_space<vmem>>
    %dma_wait3A_93 = tpu.memref_squeeze %dma_wait3A_92 : memref<1x80xi32, #tpu.memory_space<vmem>> -> memref<80xi32, #tpu.memory_space<vmem>>
    %dma_wait3A_94 = arith.constant 0 : i32
    %dma_wait3A_95 = arith.constant 0 : i32
    %dma_wait3A_96 = tpu.memref_slice %arg8[%dma_wait3A_94, %dma_wait3A_95] : memref<10240x8xf32, #tpu.memory_space<vmem_shared>> -> memref<10240x8xf32, #tpu.memory_space<vmem_shared>>
    tpu.wait_indirect_dma semaphore(%arg9 : memref<!tpu.dma_semaphore, #tpu.memory_space<semaphore_mem>>) src(%arg7 : memref<80x8xf32, #tpu.memory_space<vmem>>) dst(%dma_wait3A_96 : memref<10240x8xf32, #tpu.memory_space<vmem_shared>>)
    %dma_wait3A_97 = arith.constant 122 : i32
    %dma_wait3A_98 = arith.constant 0 : i32
    %dma_wait3A_99 = tpu.memref_slice %arg6[%dma_wait3A_97, %dma_wait3A_98] : memref<125x80xi32, #tpu.memory_space<vmem>> -> memref<1x80xi32, #tpu.memory_space<vmem>>
    %dma_wait3A_100 = tpu.memref_squeeze %dma_wait3A_99 : memref<1x80xi32, #tpu.memory_space<vmem>> -> memref<80xi32, #tpu.memory_space<vmem>>
    %dma_wait3A_101 = arith.constant 0 : i32
    %dma_wait3A_102 = arith.constant 0 : i32
    %dma_wait3A_103 = tpu.memref_slice %arg8[%dma_wait3A_101, %dma_wait3A_102] : memref<10240x8xf32, #tpu.memory_space<vmem_shared>> -> memref<10240x8xf32, #tpu.memory_space<vmem_shared>>
    tpu.wait_indirect_dma semaphore(%arg9 : memref<!tpu.dma_semaphore, #tpu.memory_space<semaphore_mem>>) src(%arg7 : memref<80x8xf32, #tpu.memory_space<vmem>>) dst(%dma_wait3A_103 : memref<10240x8xf32, #tpu.memory_space<vmem_shared>>)
    %dma_wait3A_104 = arith.constant 123 : i32
    %dma_wait3A_105 = arith.constant 0 : i32
    %dma_wait3A_106 = tpu.memref_slice %arg6[%dma_wait3A_104, %dma_wait3A_105] : memref<125x80xi32, #tpu.memory_space<vmem>> -> memref<1x80xi32, #tpu.memory_space<vmem>>
    %dma_wait3A_107 = tpu.memref_squeeze %dma_wait3A_106 : memref<1x80xi32, #tpu.memory_space<vmem>> -> memref<80xi32, #tpu.memory_space<vmem>>
    %dma_wait3A_108 = arith.constant 0 : i32
    %dma_wait3A_109 = arith.constant 0 : i32
    %dma_wait3A_110 = tpu.memref_slice %arg8[%dma_wait3A_108, %dma_wait3A_109] : memref<10240x8xf32, #tpu.memory_space<vmem_shared>> -> memref<10240x8xf32, #tpu.memory_space<vmem_shared>>
    tpu.wait_indirect_dma semaphore(%arg9 : memref<!tpu.dma_semaphore, #tpu.memory_space<semaphore_mem>>) src(%arg7 : memref<80x8xf32, #tpu.memory_space<vmem>>) dst(%dma_wait3A_110 : memref<10240x8xf32, #tpu.memory_space<vmem_shared>>)
    %dma_wait3A_111 = arith.constant 124 : i32
    %dma_wait3A_112 = arith.constant 0 : i32
    %dma_wait3A_113 = tpu.memref_slice %arg6[%dma_wait3A_111, %dma_wait3A_112] : memref<125x80xi32, #tpu.memory_space<vmem>> -> memref<1x80xi32, #tpu.memory_space<vmem>>
    %dma_wait3A_114 = tpu.memref_squeeze %dma_wait3A_113 : memref<1x80xi32, #tpu.memory_space<vmem>> -> memref<80xi32, #tpu.memory_space<vmem>>
    %dma_wait3A_115 = arith.constant 0 : i32
    %dma_wait3A_116 = arith.constant 0 : i32
    %dma_wait3A_117 = tpu.memref_slice %arg8[%dma_wait3A_115, %dma_wait3A_116] : memref<10240x8xf32, #tpu.memory_space<vmem_shared>> -> memref<10240x8xf32, #tpu.memory_space<vmem_shared>>
    tpu.wait_indirect_dma semaphore(%arg9 : memref<!tpu.dma_semaphore, #tpu.memory_space<semaphore_mem>>) src(%arg7 : memref<80x8xf32, #tpu.memory_space<vmem>>) dst(%dma_wait3A_117 : memref<10240x8xf32, #tpu.memory_space<vmem_shared>>)
    %barrier3A_118 = arith.constant 0 : index
    tpu.barrier barrier_id(%barrier3A_118)
    %mul3A_119 = arith.constant 640 : i32
    %mul3A_120 = arith.muli %arg1, %mul3A_119 : i32
    %mul3A_121 = arith.constant 640 : i32
    %mul3A_122 = arith.muli %arg1, %mul3A_121 : i32
    "tpu.region"() ({
      %run_scoped3A_123 = tpu.sem_alloc : memref<!tpu.dma_semaphore, #tpu.memory_space<semaphore_mem>>
      %dma_start3A_124 = arith.constant 0 : i32
      %dma_start3A_125 = tpu.memref_slice %arg5[%arg0, %mul3A_122, %dma_start3A_124] : memref<2x10240x8xf32, #tpu.memory_space<hbm>> -> memref<1x640x8xf32, #tpu.memory_space<hbm>>
      %dma_start3A_126 = tpu.memref_squeeze %dma_start3A_125 : memref<1x640x8xf32, #tpu.memory_space<hbm>> -> memref<640x8xf32, #tpu.memory_space<hbm>>
      %dma_start3A_127 = arith.constant 0 : i32
      %dma_start3A_128 = tpu.memref_slice %arg8[%mul3A_120, %dma_start3A_127] : memref<10240x8xf32, #tpu.memory_space<vmem_shared>> -> memref<640x8xf32, #tpu.memory_space<vmem_shared>>
      tpu.enqueue_dma source(%dma_start3A_128 : memref<640x8xf32, #tpu.memory_space<vmem_shared>>) target(%dma_start3A_126 : memref<640x8xf32, #tpu.memory_space<hbm>>) target_semaphore(%run_scoped3A_123 : memref<!tpu.dma_semaphore, #tpu.memory_space<semaphore_mem>>)
      %dma_wait3A_129 = arith.constant 0 : i32
      %dma_wait3A_130 = tpu.memref_slice %arg5[%arg0, %mul3A_122, %dma_wait3A_129] : memref<2x10240x8xf32, #tpu.memory_space<hbm>> -> memref<1x640x8xf32, #tpu.memory_space<hbm>>
      %dma_wait3A_131 = tpu.memref_squeeze %dma_wait3A_130 : memref<1x640x8xf32, #tpu.memory_space<hbm>> -> memref<640x8xf32, #tpu.memory_space<hbm>>
      %dma_wait3A_132 = arith.constant 0 : i32
      %dma_wait3A_133 = tpu.memref_slice %arg8[%mul3A_120, %dma_wait3A_132] : memref<10240x8xf32, #tpu.memory_space<vmem_shared>> -> memref<640x8xf32, #tpu.memory_space<vmem_shared>>
      tpu.wait_dma2 semaphore(%run_scoped3A_123 : memref<!tpu.dma_semaphore, #tpu.memory_space<semaphore_mem>>) src(%dma_wait3A_133 : memref<640x8xf32, #tpu.memory_space<vmem_shared>>) dst(%dma_wait3A_131 : memref<640x8xf32, #tpu.memory_space<hbm>>)
      tpu.yield
    }) : () -> ()
    return
  }
}

#map = affine_map<(d0, d1) -> (0, 0)>
#map1 = affine_map<(d0, d1) -> (0, 0, 0, 0, 0)>
#map2 = affine_map<(d0, d1) -> (0, 0, 0)>
module attributes {stable_mosaic.version = 14 : i64} {
  func.func @_sc_scatter(%arg0: i32, %arg1: i32, %arg2: memref<10000x64xf32, #tpu.memory_space<hbm>>, %arg3: memref<2x2x16x125x80xi32, #tpu.memory_space<hbm>>, %arg4: memref<10240x64xf32, #tpu.memory_space<hbm>>, %arg5: memref<2x10240x64xf32, #tpu.memory_space<hbm>>, %arg6: memref<125x80xi32, #tpu.memory_space<vmem>>, %arg7: memref<125x80xi32, #tpu.memory_space<vmem>>, %arg8: memref<80x64xf32, #tpu.memory_space<vmem>>, %arg9: memref<80x64xf32, #tpu.memory_space<vmem>>, %arg10: memref<80x64xf32, #tpu.memory_space<vmem>>, %arg11: memref<80x64xf32, #tpu.memory_space<vmem>>, %arg12: memref<80x64xf32, #tpu.memory_space<vmem>>, %arg13: memref<80x64xf32, #tpu.memory_space<vmem>>, %arg14: memref<80x64xf32, #tpu.memory_space<vmem>>, %arg15: memref<80x64xf32, #tpu.memory_space<vmem>>, %arg16: memref<10240x64xf32, #tpu.memory_space<vmem_shared>>, %arg17: memref<!tpu.dma_semaphore, #tpu.memory_space<semaphore_mem>>, %arg18: memref<!tpu.dma_semaphore, #tpu.memory_space<semaphore_mem>>, %arg19: memref<!tpu.dma_semaphore, #tpu.memory_space<semaphore_mem>>, %arg20: memref<!tpu.dma_semaphore, #tpu.memory_space<semaphore_mem>>, %arg21: memref<!tpu.dma_semaphore, #tpu.memory_space<semaphore_mem>>, %arg22: memref<!tpu.dma_semaphore, #tpu.memory_space<semaphore_mem>>, %arg23: memref<!tpu.dma_semaphore, #tpu.memory_space<semaphore_mem>>, %arg24: memref<!tpu.dma_semaphore, #tpu.memory_space<semaphore_mem>>, %arg25: memref<!tpu.dma_semaphore, #tpu.memory_space<semaphore_mem>>, %arg26: memref<!tpu.dma_semaphore, #tpu.memory_space<semaphore_mem>>, %arg27: memref<!tpu.dma_semaphore, #tpu.memory_space<semaphore_mem>>, %arg28: memref<!tpu.dma_semaphore, #tpu.memory_space<semaphore_mem>>, %arg29: memref<!tpu.dma_semaphore, #tpu.memory_space<semaphore_mem>>, %arg30: memref<!tpu.dma_semaphore, #tpu.memory_space<semaphore_mem>>, %arg31: memref<!tpu.dma_semaphore, #tpu.memory_space<semaphore_mem>>, %arg32: memref<!tpu.dma_semaphore, #tpu.memory_space<semaphore_mem>>) attributes {dimension_semantics = [#tpu.dimension_semantics<core_parallel>, #tpu.dimension_semantics<subcore_parallel>], iteration_bounds = array<i64: 2, 16>, scalar_prefetch = 0 : i64, scratch_operands = 27 : i64, tpu.core_type = #tpu.core_type<sc_vector_subcore>, window_params = [{transform_indices = #map}, {transform_indices = #map1}, {transform_indices = #map}, {transform_indices = #map2}]} {
    %mul3A = arith.constant 640 : i32
    %mul3A_0 = arith.muli %arg1, %mul3A : i32
    %mul3A_1 = arith.constant 640 : i32
    %mul3A_2 = arith.muli %arg1, %mul3A_1 : i32
    "tpu.region"() ({
      %run_scoped3A_264 = tpu.sem_alloc : memref<!tpu.dma_semaphore, #tpu.memory_space<semaphore_mem>>
      %dma_start3A_265 = arith.constant 0 : i32
      %dma_start3A_266 = tpu.memref_slice %arg16[%mul3A_2, %dma_start3A_265] : memref<10240x64xf32, #tpu.memory_space<vmem_shared>> -> memref<640x64xf32, #tpu.memory_space<vmem_shared>>
      %dma_start3A_267 = arith.constant 0 : i32
      %dma_start3A_268 = tpu.memref_slice %arg4[%mul3A_0, %dma_start3A_267] : memref<10240x64xf32, #tpu.memory_space<hbm>> -> memref<640x64xf32, #tpu.memory_space<hbm>>
      tpu.enqueue_dma source(%dma_start3A_268 : memref<640x64xf32, #tpu.memory_space<hbm>>) target(%dma_start3A_266 : memref<640x64xf32, #tpu.memory_space<vmem_shared>>) target_semaphore(%run_scoped3A_264 : memref<!tpu.dma_semaphore, #tpu.memory_space<semaphore_mem>>)
      %dma_wait3A_269 = arith.constant 0 : i32
      %dma_wait3A_270 = tpu.memref_slice %arg16[%mul3A_2, %dma_wait3A_269] : memref<10240x64xf32, #tpu.memory_space<vmem_shared>> -> memref<640x64xf32, #tpu.memory_space<vmem_shared>>
      %dma_wait3A_271 = arith.constant 0 : i32
      %dma_wait3A_272 = tpu.memref_slice %arg4[%mul3A_0, %dma_wait3A_271] : memref<10240x64xf32, #tpu.memory_space<hbm>> -> memref<640x64xf32, #tpu.memory_space<hbm>>
      tpu.wait_dma2 semaphore(%run_scoped3A_264 : memref<!tpu.dma_semaphore, #tpu.memory_space<semaphore_mem>>) src(%dma_wait3A_272 : memref<640x64xf32, #tpu.memory_space<hbm>>) dst(%dma_wait3A_270 : memref<640x64xf32, #tpu.memory_space<vmem_shared>>)
      tpu.yield
    }) : () -> ()
    %run_scoped3A = arith.constant 0 : i32
    "tpu.region"() ({
      %run_scoped3A_264 = tpu.sem_alloc : memref<!tpu.dma_semaphore, #tpu.memory_space<semaphore_mem>>
      %dma_start3A_265 = arith.constant 0 : i32
      %dma_start3A_266 = arith.constant 0 : i32
      %dma_start3A_267 = tpu.memref_slice %arg3[%run_scoped3A, %arg0, %arg1, %dma_start3A_265, %dma_start3A_266] : memref<2x2x16x125x80xi32, #tpu.memory_space<hbm>> -> memref<1x1x1x125x80xi32, #tpu.memory_space<hbm>>
      %dma_start3A_268 = tpu.memref_squeeze %dma_start3A_267 : memref<1x1x1x125x80xi32, #tpu.memory_space<hbm>> -> memref<125x80xi32, #tpu.memory_space<hbm>>
      %dma_start3A_269 = arith.constant 0 : i32
      %dma_start3A_270 = arith.constant 0 : i32
      %dma_start3A_271 = tpu.memref_slice %arg3[%run_scoped3A, %arg0, %arg1, %dma_start3A_269, %dma_start3A_270] : memref<2x2x16x125x80xi32, #tpu.memory_space<hbm>> -> memref<1x1x1x125x80xi32, #tpu.memory_space<hbm>>
      %dma_start3A_272 = tpu.memref_squeeze %dma_start3A_271 : memref<1x1x1x125x80xi32, #tpu.memory_space<hbm>> -> memref<125x80xi32, #tpu.memory_space<hbm>>
      tpu.enqueue_dma source(%dma_start3A_272 : memref<125x80xi32, #tpu.memory_space<hbm>>) target(%arg6 : memref<125x80xi32, #tpu.memory_space<vmem>>) target_semaphore(%run_scoped3A_264 : memref<!tpu.dma_semaphore, #tpu.memory_space<semaphore_mem>>)
      %dma_wait3A_273 = arith.constant 0 : i32
      %dma_wait3A_274 = arith.constant 0 : i32
      %dma_wait3A_275 = tpu.memref_slice %arg3[%run_scoped3A, %arg0, %arg1, %dma_wait3A_273, %dma_wait3A_274] : memref<2x2x16x125x80xi32, #tpu.memory_space<hbm>> -> memref<1x1x1x125x80xi32, #tpu.memory_space<hbm>>
      %dma_wait3A_276 = tpu.memref_squeeze %dma_wait3A_275 : memref<1x1x1x125x80xi32, #tpu.memory_space<hbm>> -> memref<125x80xi32, #tpu.memory_space<hbm>>
      %dma_wait3A_277 = arith.constant 0 : i32
      %dma_wait3A_278 = arith.constant 0 : i32
      %dma_wait3A_279 = tpu.memref_slice %arg3[%run_scoped3A, %arg0, %arg1, %dma_wait3A_277, %dma_wait3A_278] : memref<2x2x16x125x80xi32, #tpu.memory_space<hbm>> -> memref<1x1x1x125x80xi32, #tpu.memory_space<hbm>>
      %dma_wait3A_280 = tpu.memref_squeeze %dma_wait3A_279 : memref<1x1x1x125x80xi32, #tpu.memory_space<hbm>> -> memref<125x80xi32, #tpu.memory_space<hbm>>
      tpu.wait_dma2 semaphore(%run_scoped3A_264 : memref<!tpu.dma_semaphore, #tpu.memory_space<semaphore_mem>>) src(%dma_wait3A_280 : memref<125x80xi32, #tpu.memory_space<hbm>>) dst(%arg6 : memref<125x80xi32, #tpu.memory_space<vmem>>)
      tpu.yield
    }) : () -> ()
    %run_scoped3A_3 = arith.constant 1 : i32
    "tpu.region"() ({
      %run_scoped3A_264 = tpu.sem_alloc : memref<!tpu.dma_semaphore, #tpu.memory_space<semaphore_mem>>
      %dma_start3A_265 = arith.constant 0 : i32
      %dma_start3A_266 = arith.constant 0 : i32
      %dma_start3A_267 = tpu.memref_slice %arg3[%run_scoped3A_3, %arg0, %arg1, %dma_start3A_265, %dma_start3A_266] : memref<2x2x16x125x80xi32, #tpu.memory_space<hbm>> -> memref<1x1x1x125x80xi32, #tpu.memory_space<hbm>>
      %dma_start3A_268 = tpu.memref_squeeze %dma_start3A_267 : memref<1x1x1x125x80xi32, #tpu.memory_space<hbm>> -> memref<125x80xi32, #tpu.memory_space<hbm>>
      %dma_start3A_269 = arith.constant 0 : i32
      %dma_start3A_270 = arith.constant 0 : i32
      %dma_start3A_271 = tpu.memref_slice %arg3[%run_scoped3A_3, %arg0, %arg1, %dma_start3A_269, %dma_start3A_270] : memref<2x2x16x125x80xi32, #tpu.memory_space<hbm>> -> memref<1x1x1x125x80xi32, #tpu.memory_space<hbm>>
      %dma_start3A_272 = tpu.memref_squeeze %dma_start3A_271 : memref<1x1x1x125x80xi32, #tpu.memory_space<hbm>> -> memref<125x80xi32, #tpu.memory_space<hbm>>
      tpu.enqueue_dma source(%dma_start3A_272 : memref<125x80xi32, #tpu.memory_space<hbm>>) target(%arg7 : memref<125x80xi32, #tpu.memory_space<vmem>>) target_semaphore(%run_scoped3A_264 : memref<!tpu.dma_semaphore, #tpu.memory_space<semaphore_mem>>)
      %dma_wait3A_273 = arith.constant 0 : i32
      %dma_wait3A_274 = arith.constant 0 : i32
      %dma_wait3A_275 = tpu.memref_slice %arg3[%run_scoped3A_3, %arg0, %arg1, %dma_wait3A_273, %dma_wait3A_274] : memref<2x2x16x125x80xi32, #tpu.memory_space<hbm>> -> memref<1x1x1x125x80xi32, #tpu.memory_space<hbm>>
      %dma_wait3A_276 = tpu.memref_squeeze %dma_wait3A_275 : memref<1x1x1x125x80xi32, #tpu.memory_space<hbm>> -> memref<125x80xi32, #tpu.memory_space<hbm>>
      %dma_wait3A_277 = arith.constant 0 : i32
      %dma_wait3A_278 = arith.constant 0 : i32
      %dma_wait3A_279 = tpu.memref_slice %arg3[%run_scoped3A_3, %arg0, %arg1, %dma_wait3A_277, %dma_wait3A_278] : memref<2x2x16x125x80xi32, #tpu.memory_space<hbm>> -> memref<1x1x1x125x80xi32, #tpu.memory_space<hbm>>
      %dma_wait3A_280 = tpu.memref_squeeze %dma_wait3A_279 : memref<1x1x1x125x80xi32, #tpu.memory_space<hbm>> -> memref<125x80xi32, #tpu.memory_space<hbm>>
      tpu.wait_dma2 semaphore(%run_scoped3A_264 : memref<!tpu.dma_semaphore, #tpu.memory_space<semaphore_mem>>) src(%dma_wait3A_280 : memref<125x80xi32, #tpu.memory_space<hbm>>) dst(%arg7 : memref<125x80xi32, #tpu.memory_space<vmem>>)
      tpu.yield
    }) : () -> ()
    %barrier3A = arith.constant 0 : index
    tpu.barrier barrier_id(%barrier3A)
    %dma_start3A = arith.constant 0 : i32
    %dma_start3A_4 = arith.constant 0 : i32
    %dma_start3A_5 = tpu.memref_slice %arg6[%dma_start3A, %dma_start3A_4] : memref<125x80xi32, #tpu.memory_space<vmem>> -> memref<1x80xi32, #tpu.memory_space<vmem>>
    %dma_start3A_6 = tpu.memref_squeeze %dma_start3A_5 : memref<1x80xi32, #tpu.memory_space<vmem>> -> memref<80xi32, #tpu.memory_space<vmem>>
    %dma_start3A_7 = arith.constant 0 : i32
    %dma_start3A_8 = arith.constant 0 : i32
    %dma_start3A_9 = tpu.memref_slice %arg2[%dma_start3A_7, %dma_start3A_8] : memref<10000x64xf32, #tpu.memory_space<hbm>> -> memref<10000x64xf32, #tpu.memory_space<hbm>>
    tpu.enqueue_indirect_dma source(%dma_start3A_9 : memref<10000x64xf32, #tpu.memory_space<hbm>>) target(%arg8 : memref<80x64xf32, #tpu.memory_space<vmem>>) offsets(%dma_start3A_6 : memref<80xi32, #tpu.memory_space<vmem>>) semaphore(%arg17 : memref<!tpu.dma_semaphore, #tpu.memory_space<semaphore_mem>>)
    %dma_start3A_10 = arith.constant 1 : i32
    %dma_start3A_11 = arith.constant 0 : i32
    %dma_start3A_12 = tpu.memref_slice %arg6[%dma_start3A_10, %dma_start3A_11] : memref<125x80xi32, #tpu.memory_space<vmem>> -> memref<1x80xi32, #tpu.memory_space<vmem>>
    %dma_start3A_13 = tpu.memref_squeeze %dma_start3A_12 : memref<1x80xi32, #tpu.memory_space<vmem>> -> memref<80xi32, #tpu.memory_space<vmem>>
    %dma_start3A_14 = arith.constant 0 : i32
    %dma_start3A_15 = arith.constant 0 : i32
    %dma_start3A_16 = tpu.memref_slice %arg2[%dma_start3A_14, %dma_start3A_15] : memref<10000x64xf32, #tpu.memory_space<hbm>> -> memref<10000x64xf32, #tpu.memory_space<hbm>>
    tpu.enqueue_indirect_dma source(%dma_start3A_16 : memref<10000x64xf32, #tpu.memory_space<hbm>>) target(%arg9 : memref<80x64xf32, #tpu.memory_space<vmem>>) offsets(%dma_start3A_13 : memref<80xi32, #tpu.memory_space<vmem>>) semaphore(%arg18 : memref<!tpu.dma_semaphore, #tpu.memory_space<semaphore_mem>>)
    %dma_start3A_17 = arith.constant 2 : i32
    %dma_start3A_18 = arith.constant 0 : i32
    %dma_start3A_19 = tpu.memref_slice %arg6[%dma_start3A_17, %dma_start3A_18] : memref<125x80xi32, #tpu.memory_space<vmem>> -> memref<1x80xi32, #tpu.memory_space<vmem>>
    %dma_start3A_20 = tpu.memref_squeeze %dma_start3A_19 : memref<1x80xi32, #tpu.memory_space<vmem>> -> memref<80xi32, #tpu.memory_space<vmem>>
    %dma_start3A_21 = arith.constant 0 : i32
    %dma_start3A_22 = arith.constant 0 : i32
    %dma_start3A_23 = tpu.memref_slice %arg2[%dma_start3A_21, %dma_start3A_22] : memref<10000x64xf32, #tpu.memory_space<hbm>> -> memref<10000x64xf32, #tpu.memory_space<hbm>>
    tpu.enqueue_indirect_dma source(%dma_start3A_23 : memref<10000x64xf32, #tpu.memory_space<hbm>>) target(%arg10 : memref<80x64xf32, #tpu.memory_space<vmem>>) offsets(%dma_start3A_20 : memref<80xi32, #tpu.memory_space<vmem>>) semaphore(%arg19 : memref<!tpu.dma_semaphore, #tpu.memory_space<semaphore_mem>>)
    %dma_start3A_24 = arith.constant 3 : i32
    %dma_start3A_25 = arith.constant 0 : i32
    %dma_start3A_26 = tpu.memref_slice %arg6[%dma_start3A_24, %dma_start3A_25] : memref<125x80xi32, #tpu.memory_space<vmem>> -> memref<1x80xi32, #tpu.memory_space<vmem>>
    %dma_start3A_27 = tpu.memref_squeeze %dma_start3A_26 : memref<1x80xi32, #tpu.memory_space<vmem>> -> memref<80xi32, #tpu.memory_space<vmem>>
    %dma_start3A_28 = arith.constant 0 : i32
    %dma_start3A_29 = arith.constant 0 : i32
    %dma_start3A_30 = tpu.memref_slice %arg2[%dma_start3A_28, %dma_start3A_29] : memref<10000x64xf32, #tpu.memory_space<hbm>> -> memref<10000x64xf32, #tpu.memory_space<hbm>>
    tpu.enqueue_indirect_dma source(%dma_start3A_30 : memref<10000x64xf32, #tpu.memory_space<hbm>>) target(%arg11 : memref<80x64xf32, #tpu.memory_space<vmem>>) offsets(%dma_start3A_27 : memref<80xi32, #tpu.memory_space<vmem>>) semaphore(%arg20 : memref<!tpu.dma_semaphore, #tpu.memory_space<semaphore_mem>>)
    %dma_start3A_31 = arith.constant 4 : i32
    %dma_start3A_32 = arith.constant 0 : i32
    %dma_start3A_33 = tpu.memref_slice %arg6[%dma_start3A_31, %dma_start3A_32] : memref<125x80xi32, #tpu.memory_space<vmem>> -> memref<1x80xi32, #tpu.memory_space<vmem>>
    %dma_start3A_34 = tpu.memref_squeeze %dma_start3A_33 : memref<1x80xi32, #tpu.memory_space<vmem>> -> memref<80xi32, #tpu.memory_space<vmem>>
    %dma_start3A_35 = arith.constant 0 : i32
    %dma_start3A_36 = arith.constant 0 : i32
    %dma_start3A_37 = tpu.memref_slice %arg2[%dma_start3A_35, %dma_start3A_36] : memref<10000x64xf32, #tpu.memory_space<hbm>> -> memref<10000x64xf32, #tpu.memory_space<hbm>>
    tpu.enqueue_indirect_dma source(%dma_start3A_37 : memref<10000x64xf32, #tpu.memory_space<hbm>>) target(%arg12 : memref<80x64xf32, #tpu.memory_space<vmem>>) offsets(%dma_start3A_34 : memref<80xi32, #tpu.memory_space<vmem>>) semaphore(%arg21 : memref<!tpu.dma_semaphore, #tpu.memory_space<semaphore_mem>>)
    %dma_start3A_38 = arith.constant 5 : i32
    %dma_start3A_39 = arith.constant 0 : i32
    %dma_start3A_40 = tpu.memref_slice %arg6[%dma_start3A_38, %dma_start3A_39] : memref<125x80xi32, #tpu.memory_space<vmem>> -> memref<1x80xi32, #tpu.memory_space<vmem>>
    %dma_start3A_41 = tpu.memref_squeeze %dma_start3A_40 : memref<1x80xi32, #tpu.memory_space<vmem>> -> memref<80xi32, #tpu.memory_space<vmem>>
    %dma_start3A_42 = arith.constant 0 : i32
    %dma_start3A_43 = arith.constant 0 : i32
    %dma_start3A_44 = tpu.memref_slice %arg2[%dma_start3A_42, %dma_start3A_43] : memref<10000x64xf32, #tpu.memory_space<hbm>> -> memref<10000x64xf32, #tpu.memory_space<hbm>>
    tpu.enqueue_indirect_dma source(%dma_start3A_44 : memref<10000x64xf32, #tpu.memory_space<hbm>>) target(%arg13 : memref<80x64xf32, #tpu.memory_space<vmem>>) offsets(%dma_start3A_41 : memref<80xi32, #tpu.memory_space<vmem>>) semaphore(%arg22 : memref<!tpu.dma_semaphore, #tpu.memory_space<semaphore_mem>>)
    %dma_start3A_45 = arith.constant 6 : i32
    %dma_start3A_46 = arith.constant 0 : i32
    %dma_start3A_47 = tpu.memref_slice %arg6[%dma_start3A_45, %dma_start3A_46] : memref<125x80xi32, #tpu.memory_space<vmem>> -> memref<1x80xi32, #tpu.memory_space<vmem>>
    %dma_start3A_48 = tpu.memref_squeeze %dma_start3A_47 : memref<1x80xi32, #tpu.memory_space<vmem>> -> memref<80xi32, #tpu.memory_space<vmem>>
    %dma_start3A_49 = arith.constant 0 : i32
    %dma_start3A_50 = arith.constant 0 : i32
    %dma_start3A_51 = tpu.memref_slice %arg2[%dma_start3A_49, %dma_start3A_50] : memref<10000x64xf32, #tpu.memory_space<hbm>> -> memref<10000x64xf32, #tpu.memory_space<hbm>>
    tpu.enqueue_indirect_dma source(%dma_start3A_51 : memref<10000x64xf32, #tpu.memory_space<hbm>>) target(%arg14 : memref<80x64xf32, #tpu.memory_space<vmem>>) offsets(%dma_start3A_48 : memref<80xi32, #tpu.memory_space<vmem>>) semaphore(%arg23 : memref<!tpu.dma_semaphore, #tpu.memory_space<semaphore_mem>>)
    %dma_start3A_52 = arith.constant 7 : i32
    %dma_start3A_53 = arith.constant 0 : i32
    %dma_start3A_54 = tpu.memref_slice %arg6[%dma_start3A_52, %dma_start3A_53] : memref<125x80xi32, #tpu.memory_space<vmem>> -> memref<1x80xi32, #tpu.memory_space<vmem>>
    %dma_start3A_55 = tpu.memref_squeeze %dma_start3A_54 : memref<1x80xi32, #tpu.memory_space<vmem>> -> memref<80xi32, #tpu.memory_space<vmem>>
    %dma_start3A_56 = arith.constant 0 : i32
    %dma_start3A_57 = arith.constant 0 : i32
    %dma_start3A_58 = tpu.memref_slice %arg2[%dma_start3A_56, %dma_start3A_57] : memref<10000x64xf32, #tpu.memory_space<hbm>> -> memref<10000x64xf32, #tpu.memory_space<hbm>>
    tpu.enqueue_indirect_dma source(%dma_start3A_58 : memref<10000x64xf32, #tpu.memory_space<hbm>>) target(%arg15 : memref<80x64xf32, #tpu.memory_space<vmem>>) offsets(%dma_start3A_55 : memref<80xi32, #tpu.memory_space<vmem>>) semaphore(%arg24 : memref<!tpu.dma_semaphore, #tpu.memory_space<semaphore_mem>>)
    %scan3A = arith.constant 0 : i32
    %scan3A_59 = arith.constant 0 : i32
    %scan3A_60 = arith.constant 15 : i32
    %scan3A_61 = arith.addi %scan3A_59, %scan3A_60 : i32
    %scan3A_62 = arith.constant 1 : i32
    scf.for %scan3A_264 = %scan3A_59 to %scan3A_61 step %scan3A_62  : i32 {
      %mul3A_265 = arith.constant 8 : i32
      %mul3A_266 = arith.muli %mul3A_265, %scan3A_264 : i32
      %add3A = arith.constant 0 : i32
      %add3A_267 = arith.addi %mul3A_266, %add3A : i32
      %dma_wait3A_268 = arith.constant 0 : i32
      %dma_wait3A_269 = tpu.memref_slice %arg6[%add3A_267, %dma_wait3A_268] : memref<125x80xi32, #tpu.memory_space<vmem>> -> memref<1x80xi32, #tpu.memory_space<vmem>>
      %dma_wait3A_270 = tpu.memref_squeeze %dma_wait3A_269 : memref<1x80xi32, #tpu.memory_space<vmem>> -> memref<80xi32, #tpu.memory_space<vmem>>
      %dma_wait3A_271 = arith.constant 0 : i32
      %dma_wait3A_272 = arith.constant 0 : i32
      %dma_wait3A_273 = tpu.memref_slice %arg2[%dma_wait3A_271, %dma_wait3A_272] : memref<10000x64xf32, #tpu.memory_space<hbm>> -> memref<10000x64xf32, #tpu.memory_space<hbm>>
      tpu.wait_indirect_dma semaphore(%arg17 : memref<!tpu.dma_semaphore, #tpu.memory_space<semaphore_mem>>) src(%dma_wait3A_273 : memref<10000x64xf32, #tpu.memory_space<hbm>>) dst(%arg8 : memref<80x64xf32, #tpu.memory_space<vmem>>)
      %dma_start3A_274 = arith.constant 0 : i32
      %dma_start3A_275 = tpu.memref_slice %arg7[%add3A_267, %dma_start3A_274] : memref<125x80xi32, #tpu.memory_space<vmem>> -> memref<1x80xi32, #tpu.memory_space<vmem>>
      %dma_start3A_276 = tpu.memref_squeeze %dma_start3A_275 : memref<1x80xi32, #tpu.memory_space<vmem>> -> memref<80xi32, #tpu.memory_space<vmem>>
      %dma_start3A_277 = arith.constant 0 : i32
      %dma_start3A_278 = arith.constant 0 : i32
      %dma_start3A_279 = tpu.memref_slice %arg16[%dma_start3A_277, %dma_start3A_278] : memref<10240x64xf32, #tpu.memory_space<vmem_shared>> -> memref<10240x64xf32, #tpu.memory_space<vmem_shared>>
      tpu.enqueue_indirect_dma source(%arg8 : memref<80x64xf32, #tpu.memory_space<vmem>>) target(%dma_start3A_279 : memref<10240x64xf32, #tpu.memory_space<vmem_shared>>) offsets(%dma_start3A_276 : memref<80xi32, #tpu.memory_space<vmem>>) semaphore(%arg25 : memref<!tpu.dma_semaphore, #tpu.memory_space<semaphore_mem>>) {add = true}
      %mul3A_280 = arith.constant 8 : i32
      %mul3A_281 = arith.muli %mul3A_280, %scan3A_264 : i32
      %add3A_282 = arith.constant 1 : i32
      %add3A_283 = arith.addi %mul3A_281, %add3A_282 : i32
      %dma_wait3A_284 = arith.constant 0 : i32
      %dma_wait3A_285 = tpu.memref_slice %arg6[%add3A_283, %dma_wait3A_284] : memref<125x80xi32, #tpu.memory_space<vmem>> -> memref<1x80xi32, #tpu.memory_space<vmem>>
      %dma_wait3A_286 = tpu.memref_squeeze %dma_wait3A_285 : memref<1x80xi32, #tpu.memory_space<vmem>> -> memref<80xi32, #tpu.memory_space<vmem>>
      %dma_wait3A_287 = arith.constant 0 : i32
      %dma_wait3A_288 = arith.constant 0 : i32
      %dma_wait3A_289 = tpu.memref_slice %arg2[%dma_wait3A_287, %dma_wait3A_288] : memref<10000x64xf32, #tpu.memory_space<hbm>> -> memref<10000x64xf32, #tpu.memory_space<hbm>>
      tpu.wait_indirect_dma semaphore(%arg18 : memref<!tpu.dma_semaphore, #tpu.memory_space<semaphore_mem>>) src(%dma_wait3A_289 : memref<10000x64xf32, #tpu.memory_space<hbm>>) dst(%arg9 : memref<80x64xf32, #tpu.memory_space<vmem>>)
      %dma_start3A_290 = arith.constant 0 : i32
      %dma_start3A_291 = tpu.memref_slice %arg7[%add3A_283, %dma_start3A_290] : memref<125x80xi32, #tpu.memory_space<vmem>> -> memref<1x80xi32, #tpu.memory_space<vmem>>
      %dma_start3A_292 = tpu.memref_squeeze %dma_start3A_291 : memref<1x80xi32, #tpu.memory_space<vmem>> -> memref<80xi32, #tpu.memory_space<vmem>>
      %dma_start3A_293 = arith.constant 0 : i32
      %dma_start3A_294 = arith.constant 0 : i32
      %dma_start3A_295 = tpu.memref_slice %arg16[%dma_start3A_293, %dma_start3A_294] : memref<10240x64xf32, #tpu.memory_space<vmem_shared>> -> memref<10240x64xf32, #tpu.memory_space<vmem_shared>>
      tpu.enqueue_indirect_dma source(%arg9 : memref<80x64xf32, #tpu.memory_space<vmem>>) target(%dma_start3A_295 : memref<10240x64xf32, #tpu.memory_space<vmem_shared>>) offsets(%dma_start3A_292 : memref<80xi32, #tpu.memory_space<vmem>>) semaphore(%arg26 : memref<!tpu.dma_semaphore, #tpu.memory_space<semaphore_mem>>) {add = true}
      %mul3A_296 = arith.constant 8 : i32
      %mul3A_297 = arith.muli %mul3A_296, %scan3A_264 : i32
      %add3A_298 = arith.constant 2 : i32
      %add3A_299 = arith.addi %mul3A_297, %add3A_298 : i32
      %dma_wait3A_300 = arith.constant 0 : i32
      %dma_wait3A_301 = tpu.memref_slice %arg6[%add3A_299, %dma_wait3A_300] : memref<125x80xi32, #tpu.memory_space<vmem>> -> memref<1x80xi32, #tpu.memory_space<vmem>>
      %dma_wait3A_302 = tpu.memref_squeeze %dma_wait3A_301 : memref<1x80xi32, #tpu.memory_space<vmem>> -> memref<80xi32, #tpu.memory_space<vmem>>
      %dma_wait3A_303 = arith.constant 0 : i32
      %dma_wait3A_304 = arith.constant 0 : i32
      %dma_wait3A_305 = tpu.memref_slice %arg2[%dma_wait3A_303, %dma_wait3A_304] : memref<10000x64xf32, #tpu.memory_space<hbm>> -> memref<10000x64xf32, #tpu.memory_space<hbm>>
      tpu.wait_indirect_dma semaphore(%arg19 : memref<!tpu.dma_semaphore, #tpu.memory_space<semaphore_mem>>) src(%dma_wait3A_305 : memref<10000x64xf32, #tpu.memory_space<hbm>>) dst(%arg10 : memref<80x64xf32, #tpu.memory_space<vmem>>)
      %dma_start3A_306 = arith.constant 0 : i32
      %dma_start3A_307 = tpu.memref_slice %arg7[%add3A_299, %dma_start3A_306] : memref<125x80xi32, #tpu.memory_space<vmem>> -> memref<1x80xi32, #tpu.memory_space<vmem>>
      %dma_start3A_308 = tpu.memref_squeeze %dma_start3A_307 : memref<1x80xi32, #tpu.memory_space<vmem>> -> memref<80xi32, #tpu.memory_space<vmem>>
      %dma_start3A_309 = arith.constant 0 : i32
      %dma_start3A_310 = arith.constant 0 : i32
      %dma_start3A_311 = tpu.memref_slice %arg16[%dma_start3A_309, %dma_start3A_310] : memref<10240x64xf32, #tpu.memory_space<vmem_shared>> -> memref<10240x64xf32, #tpu.memory_space<vmem_shared>>
      tpu.enqueue_indirect_dma source(%arg10 : memref<80x64xf32, #tpu.memory_space<vmem>>) target(%dma_start3A_311 : memref<10240x64xf32, #tpu.memory_space<vmem_shared>>) offsets(%dma_start3A_308 : memref<80xi32, #tpu.memory_space<vmem>>) semaphore(%arg27 : memref<!tpu.dma_semaphore, #tpu.memory_space<semaphore_mem>>) {add = true}
      %mul3A_312 = arith.constant 8 : i32
      %mul3A_313 = arith.muli %mul3A_312, %scan3A_264 : i32
      %add3A_314 = arith.constant 3 : i32
      %add3A_315 = arith.addi %mul3A_313, %add3A_314 : i32
      %dma_wait3A_316 = arith.constant 0 : i32
      %dma_wait3A_317 = tpu.memref_slice %arg6[%add3A_315, %dma_wait3A_316] : memref<125x80xi32, #tpu.memory_space<vmem>> -> memref<1x80xi32, #tpu.memory_space<vmem>>
      %dma_wait3A_318 = tpu.memref_squeeze %dma_wait3A_317 : memref<1x80xi32, #tpu.memory_space<vmem>> -> memref<80xi32, #tpu.memory_space<vmem>>
      %dma_wait3A_319 = arith.constant 0 : i32
      %dma_wait3A_320 = arith.constant 0 : i32
      %dma_wait3A_321 = tpu.memref_slice %arg2[%dma_wait3A_319, %dma_wait3A_320] : memref<10000x64xf32, #tpu.memory_space<hbm>> -> memref<10000x64xf32, #tpu.memory_space<hbm>>
      tpu.wait_indirect_dma semaphore(%arg20 : memref<!tpu.dma_semaphore, #tpu.memory_space<semaphore_mem>>) src(%dma_wait3A_321 : memref<10000x64xf32, #tpu.memory_space<hbm>>) dst(%arg11 : memref<80x64xf32, #tpu.memory_space<vmem>>)
      %dma_start3A_322 = arith.constant 0 : i32
      %dma_start3A_323 = tpu.memref_slice %arg7[%add3A_315, %dma_start3A_322] : memref<125x80xi32, #tpu.memory_space<vmem>> -> memref<1x80xi32, #tpu.memory_space<vmem>>
      %dma_start3A_324 = tpu.memref_squeeze %dma_start3A_323 : memref<1x80xi32, #tpu.memory_space<vmem>> -> memref<80xi32, #tpu.memory_space<vmem>>
      %dma_start3A_325 = arith.constant 0 : i32
      %dma_start3A_326 = arith.constant 0 : i32
      %dma_start3A_327 = tpu.memref_slice %arg16[%dma_start3A_325, %dma_start3A_326] : memref<10240x64xf32, #tpu.memory_space<vmem_shared>> -> memref<10240x64xf32, #tpu.memory_space<vmem_shared>>
      tpu.enqueue_indirect_dma source(%arg11 : memref<80x64xf32, #tpu.memory_space<vmem>>) target(%dma_start3A_327 : memref<10240x64xf32, #tpu.memory_space<vmem_shared>>) offsets(%dma_start3A_324 : memref<80xi32, #tpu.memory_space<vmem>>) semaphore(%arg28 : memref<!tpu.dma_semaphore, #tpu.memory_space<semaphore_mem>>) {add = true}
      %mul3A_328 = arith.constant 8 : i32
      %mul3A_329 = arith.muli %mul3A_328, %scan3A_264 : i32
      %add3A_330 = arith.constant 4 : i32
      %add3A_331 = arith.addi %mul3A_329, %add3A_330 : i32
      %dma_wait3A_332 = arith.constant 0 : i32
      %dma_wait3A_333 = tpu.memref_slice %arg6[%add3A_331, %dma_wait3A_332] : memref<125x80xi32, #tpu.memory_space<vmem>> -> memref<1x80xi32, #tpu.memory_space<vmem>>
      %dma_wait3A_334 = tpu.memref_squeeze %dma_wait3A_333 : memref<1x80xi32, #tpu.memory_space<vmem>> -> memref<80xi32, #tpu.memory_space<vmem>>
      %dma_wait3A_335 = arith.constant 0 : i32
      %dma_wait3A_336 = arith.constant 0 : i32
      %dma_wait3A_337 = tpu.memref_slice %arg2[%dma_wait3A_335, %dma_wait3A_336] : memref<10000x64xf32, #tpu.memory_space<hbm>> -> memref<10000x64xf32, #tpu.memory_space<hbm>>
      tpu.wait_indirect_dma semaphore(%arg21 : memref<!tpu.dma_semaphore, #tpu.memory_space<semaphore_mem>>) src(%dma_wait3A_337 : memref<10000x64xf32, #tpu.memory_space<hbm>>) dst(%arg12 : memref<80x64xf32, #tpu.memory_space<vmem>>)
      %dma_start3A_338 = arith.constant 0 : i32
      %dma_start3A_339 = tpu.memref_slice %arg7[%add3A_331, %dma_start3A_338] : memref<125x80xi32, #tpu.memory_space<vmem>> -> memref<1x80xi32, #tpu.memory_space<vmem>>
      %dma_start3A_340 = tpu.memref_squeeze %dma_start3A_339 : memref<1x80xi32, #tpu.memory_space<vmem>> -> memref<80xi32, #tpu.memory_space<vmem>>
      %dma_start3A_341 = arith.constant 0 : i32
      %dma_start3A_342 = arith.constant 0 : i32
      %dma_start3A_343 = tpu.memref_slice %arg16[%dma_start3A_341, %dma_start3A_342] : memref<10240x64xf32, #tpu.memory_space<vmem_shared>> -> memref<10240x64xf32, #tpu.memory_space<vmem_shared>>
      tpu.enqueue_indirect_dma source(%arg12 : memref<80x64xf32, #tpu.memory_space<vmem>>) target(%dma_start3A_343 : memref<10240x64xf32, #tpu.memory_space<vmem_shared>>) offsets(%dma_start3A_340 : memref<80xi32, #tpu.memory_space<vmem>>) semaphore(%arg29 : memref<!tpu.dma_semaphore, #tpu.memory_space<semaphore_mem>>) {add = true}
      %mul3A_344 = arith.constant 8 : i32
      %mul3A_345 = arith.muli %mul3A_344, %scan3A_264 : i32
      %add3A_346 = arith.constant 5 : i32
      %add3A_347 = arith.addi %mul3A_345, %add3A_346 : i32
      %dma_wait3A_348 = arith.constant 0 : i32
      %dma_wait3A_349 = tpu.memref_slice %arg6[%add3A_347, %dma_wait3A_348] : memref<125x80xi32, #tpu.memory_space<vmem>> -> memref<1x80xi32, #tpu.memory_space<vmem>>
      %dma_wait3A_350 = tpu.memref_squeeze %dma_wait3A_349 : memref<1x80xi32, #tpu.memory_space<vmem>> -> memref<80xi32, #tpu.memory_space<vmem>>
      %dma_wait3A_351 = arith.constant 0 : i32
      %dma_wait3A_352 = arith.constant 0 : i32
      %dma_wait3A_353 = tpu.memref_slice %arg2[%dma_wait3A_351, %dma_wait3A_352] : memref<10000x64xf32, #tpu.memory_space<hbm>> -> memref<10000x64xf32, #tpu.memory_space<hbm>>
      tpu.wait_indirect_dma semaphore(%arg22 : memref<!tpu.dma_semaphore, #tpu.memory_space<semaphore_mem>>) src(%dma_wait3A_353 : memref<10000x64xf32, #tpu.memory_space<hbm>>) dst(%arg13 : memref<80x64xf32, #tpu.memory_space<vmem>>)
      %dma_start3A_354 = arith.constant 0 : i32
      %dma_start3A_355 = tpu.memref_slice %arg7[%add3A_347, %dma_start3A_354] : memref<125x80xi32, #tpu.memory_space<vmem>> -> memref<1x80xi32, #tpu.memory_space<vmem>>
      %dma_start3A_356 = tpu.memref_squeeze %dma_start3A_355 : memref<1x80xi32, #tpu.memory_space<vmem>> -> memref<80xi32, #tpu.memory_space<vmem>>
      %dma_start3A_357 = arith.constant 0 : i32
      %dma_start3A_358 = arith.constant 0 : i32
      %dma_start3A_359 = tpu.memref_slice %arg16[%dma_start3A_357, %dma_start3A_358] : memref<10240x64xf32, #tpu.memory_space<vmem_shared>> -> memref<10240x64xf32, #tpu.memory_space<vmem_shared>>
      tpu.enqueue_indirect_dma source(%arg13 : memref<80x64xf32, #tpu.memory_space<vmem>>) target(%dma_start3A_359 : memref<10240x64xf32, #tpu.memory_space<vmem_shared>>) offsets(%dma_start3A_356 : memref<80xi32, #tpu.memory_space<vmem>>) semaphore(%arg30 : memref<!tpu.dma_semaphore, #tpu.memory_space<semaphore_mem>>) {add = true}
      %mul3A_360 = arith.constant 8 : i32
      %mul3A_361 = arith.muli %mul3A_360, %scan3A_264 : i32
      %add3A_362 = arith.constant 6 : i32
      %add3A_363 = arith.addi %mul3A_361, %add3A_362 : i32
      %dma_wait3A_364 = arith.constant 0 : i32
      %dma_wait3A_365 = tpu.memref_slice %arg6[%add3A_363, %dma_wait3A_364] : memref<125x80xi32, #tpu.memory_space<vmem>> -> memref<1x80xi32, #tpu.memory_space<vmem>>
      %dma_wait3A_366 = tpu.memref_squeeze %dma_wait3A_365 : memref<1x80xi32, #tpu.memory_space<vmem>> -> memref<80xi32, #tpu.memory_space<vmem>>
      %dma_wait3A_367 = arith.constant 0 : i32
      %dma_wait3A_368 = arith.constant 0 : i32
      %dma_wait3A_369 = tpu.memref_slice %arg2[%dma_wait3A_367, %dma_wait3A_368] : memref<10000x64xf32, #tpu.memory_space<hbm>> -> memref<10000x64xf32, #tpu.memory_space<hbm>>
      tpu.wait_indirect_dma semaphore(%arg23 : memref<!tpu.dma_semaphore, #tpu.memory_space<semaphore_mem>>) src(%dma_wait3A_369 : memref<10000x64xf32, #tpu.memory_space<hbm>>) dst(%arg14 : memref<80x64xf32, #tpu.memory_space<vmem>>)
      %dma_start3A_370 = arith.constant 0 : i32
      %dma_start3A_371 = tpu.memref_slice %arg7[%add3A_363, %dma_start3A_370] : memref<125x80xi32, #tpu.memory_space<vmem>> -> memref<1x80xi32, #tpu.memory_space<vmem>>
      %dma_start3A_372 = tpu.memref_squeeze %dma_start3A_371 : memref<1x80xi32, #tpu.memory_space<vmem>> -> memref<80xi32, #tpu.memory_space<vmem>>
      %dma_start3A_373 = arith.constant 0 : i32
      %dma_start3A_374 = arith.constant 0 : i32
      %dma_start3A_375 = tpu.memref_slice %arg16[%dma_start3A_373, %dma_start3A_374] : memref<10240x64xf32, #tpu.memory_space<vmem_shared>> -> memref<10240x64xf32, #tpu.memory_space<vmem_shared>>
      tpu.enqueue_indirect_dma source(%arg14 : memref<80x64xf32, #tpu.memory_space<vmem>>) target(%dma_start3A_375 : memref<10240x64xf32, #tpu.memory_space<vmem_shared>>) offsets(%dma_start3A_372 : memref<80xi32, #tpu.memory_space<vmem>>) semaphore(%arg31 : memref<!tpu.dma_semaphore, #tpu.memory_space<semaphore_mem>>) {add = true}
      %mul3A_376 = arith.constant 8 : i32
      %mul3A_377 = arith.muli %mul3A_376, %scan3A_264 : i32
      %add3A_378 = arith.constant 7 : i32
      %add3A_379 = arith.addi %mul3A_377, %add3A_378 : i32
      %dma_wait3A_380 = arith.constant 0 : i32
      %dma_wait3A_381 = tpu.memref_slice %arg6[%add3A_379, %dma_wait3A_380] : memref<125x80xi32, #tpu.memory_space<vmem>> -> memref<1x80xi32, #tpu.memory_space<vmem>>
      %dma_wait3A_382 = tpu.memref_squeeze %dma_wait3A_381 : memref<1x80xi32, #tpu.memory_space<vmem>> -> memref<80xi32, #tpu.memory_space<vmem>>
      %dma_wait3A_383 = arith.constant 0 : i32
      %dma_wait3A_384 = arith.constant 0 : i32
      %dma_wait3A_385 = tpu.memref_slice %arg2[%dma_wait3A_383, %dma_wait3A_384] : memref<10000x64xf32, #tpu.memory_space<hbm>> -> memref<10000x64xf32, #tpu.memory_space<hbm>>
      tpu.wait_indirect_dma semaphore(%arg24 : memref<!tpu.dma_semaphore, #tpu.memory_space<semaphore_mem>>) src(%dma_wait3A_385 : memref<10000x64xf32, #tpu.memory_space<hbm>>) dst(%arg15 : memref<80x64xf32, #tpu.memory_space<vmem>>)
      %dma_start3A_386 = arith.constant 0 : i32
      %dma_start3A_387 = tpu.memref_slice %arg7[%add3A_379, %dma_start3A_386] : memref<125x80xi32, #tpu.memory_space<vmem>> -> memref<1x80xi32, #tpu.memory_space<vmem>>
      %dma_start3A_388 = tpu.memref_squeeze %dma_start3A_387 : memref<1x80xi32, #tpu.memory_space<vmem>> -> memref<80xi32, #tpu.memory_space<vmem>>
      %dma_start3A_389 = arith.constant 0 : i32
      %dma_start3A_390 = arith.constant 0 : i32
      %dma_start3A_391 = tpu.memref_slice %arg16[%dma_start3A_389, %dma_start3A_390] : memref<10240x64xf32, #tpu.memory_space<vmem_shared>> -> memref<10240x64xf32, #tpu.memory_space<vmem_shared>>
      tpu.enqueue_indirect_dma source(%arg15 : memref<80x64xf32, #tpu.memory_space<vmem>>) target(%dma_start3A_391 : memref<10240x64xf32, #tpu.memory_space<vmem_shared>>) offsets(%dma_start3A_388 : memref<80xi32, #tpu.memory_space<vmem>>) semaphore(%arg32 : memref<!tpu.dma_semaphore, #tpu.memory_space<semaphore_mem>>) {add = true}
      %mul3A_392 = arith.constant 8 : i32
      %mul3A_393 = arith.muli %mul3A_392, %scan3A_264 : i32
      %add3A_394 = arith.constant 8 : i32
      %add3A_395 = arith.addi %mul3A_393, %add3A_394 : i32
      %add3A_396 = arith.constant 0 : i32
      %add3A_397 = arith.addi %add3A_395, %add3A_396 : i32
      %lt3A = arith.constant 120 : i32
      %lt3A_398 = arith.cmpi slt, %add3A_397, %lt3A : i32
      %convert_element_type3A = arith.extui %lt3A_398 : i1 to i32
      %cond3A = arith.constant 0 : i32
      %cond3A_399 = arith.cmpi ne, %convert_element_type3A, %cond3A : i32
      scf.if %cond3A_399 {
        %sub3A = arith.constant 8 : i32
        %sub3A_477 = arith.subi %add3A_397, %sub3A : i32
        %dma_wait3A_478 = arith.constant 0 : i32
        %dma_wait3A_479 = tpu.memref_slice %arg7[%sub3A_477, %dma_wait3A_478] : memref<125x80xi32, #tpu.memory_space<vmem>> -> memref<1x80xi32, #tpu.memory_space<vmem>>
        %dma_wait3A_480 = tpu.memref_squeeze %dma_wait3A_479 : memref<1x80xi32, #tpu.memory_space<vmem>> -> memref<80xi32, #tpu.memory_space<vmem>>
        %dma_wait3A_481 = arith.constant 0 : i32
        %dma_wait3A_482 = arith.constant 0 : i32
        %dma_wait3A_483 = tpu.memref_slice %arg16[%dma_wait3A_481, %dma_wait3A_482] : memref<10240x64xf32, #tpu.memory_space<vmem_shared>> -> memref<10240x64xf32, #tpu.memory_space<vmem_shared>>
        tpu.wait_indirect_dma semaphore(%arg25 : memref<!tpu.dma_semaphore, #tpu.memory_space<semaphore_mem>>) src(%arg8 : memref<80x64xf32, #tpu.memory_space<vmem>>) dst(%dma_wait3A_483 : memref<10240x64xf32, #tpu.memory_space<vmem_shared>>)
        %dma_start3A_484 = arith.constant 0 : i32
        %dma_start3A_485 = tpu.memref_slice %arg6[%add3A_397, %dma_start3A_484] : memref<125x80xi32, #tpu.memory_space<vmem>> -> memref<1x80xi32, #tpu.memory_space<vmem>>
        %dma_start3A_486 = tpu.memref_squeeze %dma_start3A_485 : memref<1x80xi32, #tpu.memory_space<vmem>> -> memref<80xi32, #tpu.memory_space<vmem>>
        %dma_start3A_487 = arith.constant 0 : i32
        %dma_start3A_488 = arith.constant 0 : i32
        %dma_start3A_489 = tpu.memref_slice %arg2[%dma_start3A_487, %dma_start3A_488] : memref<10000x64xf32, #tpu.memory_space<hbm>> -> memref<10000x64xf32, #tpu.memory_space<hbm>>
        tpu.enqueue_indirect_dma source(%dma_start3A_489 : memref<10000x64xf32, #tpu.memory_space<hbm>>) target(%arg8 : memref<80x64xf32, #tpu.memory_space<vmem>>) offsets(%dma_start3A_486 : memref<80xi32, #tpu.memory_space<vmem>>) semaphore(%arg17 : memref<!tpu.dma_semaphore, #tpu.memory_space<semaphore_mem>>)
      } else {
      }
      %mul3A_400 = arith.constant 8 : i32
      %mul3A_401 = arith.muli %mul3A_400, %scan3A_264 : i32
      %add3A_402 = arith.constant 8 : i32
      %add3A_403 = arith.addi %mul3A_401, %add3A_402 : i32
      %add3A_404 = arith.constant 1 : i32
      %add3A_405 = arith.addi %add3A_403, %add3A_404 : i32
      %lt3A_406 = arith.constant 120 : i32
      %lt3A_407 = arith.cmpi slt, %add3A_405, %lt3A_406 : i32
      %convert_element_type3A_408 = arith.extui %lt3A_407 : i1 to i32
      %cond3A_409 = arith.constant 0 : i32
      %cond3A_410 = arith.cmpi ne, %convert_element_type3A_408, %cond3A_409 : i32
      scf.if %cond3A_410 {
        %sub3A = arith.constant 8 : i32
        %sub3A_477 = arith.subi %add3A_405, %sub3A : i32
        %dma_wait3A_478 = arith.constant 0 : i32
        %dma_wait3A_479 = tpu.memref_slice %arg7[%sub3A_477, %dma_wait3A_478] : memref<125x80xi32, #tpu.memory_space<vmem>> -> memref<1x80xi32, #tpu.memory_space<vmem>>
        %dma_wait3A_480 = tpu.memref_squeeze %dma_wait3A_479 : memref<1x80xi32, #tpu.memory_space<vmem>> -> memref<80xi32, #tpu.memory_space<vmem>>
        %dma_wait3A_481 = arith.constant 0 : i32
        %dma_wait3A_482 = arith.constant 0 : i32
        %dma_wait3A_483 = tpu.memref_slice %arg16[%dma_wait3A_481, %dma_wait3A_482] : memref<10240x64xf32, #tpu.memory_space<vmem_shared>> -> memref<10240x64xf32, #tpu.memory_space<vmem_shared>>
        tpu.wait_indirect_dma semaphore(%arg26 : memref<!tpu.dma_semaphore, #tpu.memory_space<semaphore_mem>>) src(%arg9 : memref<80x64xf32, #tpu.memory_space<vmem>>) dst(%dma_wait3A_483 : memref<10240x64xf32, #tpu.memory_space<vmem_shared>>)
        %dma_start3A_484 = arith.constant 0 : i32
        %dma_start3A_485 = tpu.memref_slice %arg6[%add3A_405, %dma_start3A_484] : memref<125x80xi32, #tpu.memory_space<vmem>> -> memref<1x80xi32, #tpu.memory_space<vmem>>
        %dma_start3A_486 = tpu.memref_squeeze %dma_start3A_485 : memref<1x80xi32, #tpu.memory_space<vmem>> -> memref<80xi32, #tpu.memory_space<vmem>>
        %dma_start3A_487 = arith.constant 0 : i32
        %dma_start3A_488 = arith.constant 0 : i32
        %dma_start3A_489 = tpu.memref_slice %arg2[%dma_start3A_487, %dma_start3A_488] : memref<10000x64xf32, #tpu.memory_space<hbm>> -> memref<10000x64xf32, #tpu.memory_space<hbm>>
        tpu.enqueue_indirect_dma source(%dma_start3A_489 : memref<10000x64xf32, #tpu.memory_space<hbm>>) target(%arg9 : memref<80x64xf32, #tpu.memory_space<vmem>>) offsets(%dma_start3A_486 : memref<80xi32, #tpu.memory_space<vmem>>) semaphore(%arg18 : memref<!tpu.dma_semaphore, #tpu.memory_space<semaphore_mem>>)
      } else {
      }
      %mul3A_411 = arith.constant 8 : i32
      %mul3A_412 = arith.muli %mul3A_411, %scan3A_264 : i32
      %add3A_413 = arith.constant 8 : i32
      %add3A_414 = arith.addi %mul3A_412, %add3A_413 : i32
      %add3A_415 = arith.constant 2 : i32
      %add3A_416 = arith.addi %add3A_414, %add3A_415 : i32
      %lt3A_417 = arith.constant 120 : i32
      %lt3A_418 = arith.cmpi slt, %add3A_416, %lt3A_417 : i32
      %convert_element_type3A_419 = arith.extui %lt3A_418 : i1 to i32
      %cond3A_420 = arith.constant 0 : i32
      %cond3A_421 = arith.cmpi ne, %convert_element_type3A_419, %cond3A_420 : i32
      scf.if %cond3A_421 {
        %sub3A = arith.constant 8 : i32
        %sub3A_477 = arith.subi %add3A_416, %sub3A : i32
        %dma_wait3A_478 = arith.constant 0 : i32
        %dma_wait3A_479 = tpu.memref_slice %arg7[%sub3A_477, %dma_wait3A_478] : memref<125x80xi32, #tpu.memory_space<vmem>> -> memref<1x80xi32, #tpu.memory_space<vmem>>
        %dma_wait3A_480 = tpu.memref_squeeze %dma_wait3A_479 : memref<1x80xi32, #tpu.memory_space<vmem>> -> memref<80xi32, #tpu.memory_space<vmem>>
        %dma_wait3A_481 = arith.constant 0 : i32
        %dma_wait3A_482 = arith.constant 0 : i32
        %dma_wait3A_483 = tpu.memref_slice %arg16[%dma_wait3A_481, %dma_wait3A_482] : memref<10240x64xf32, #tpu.memory_space<vmem_shared>> -> memref<10240x64xf32, #tpu.memory_space<vmem_shared>>
        tpu.wait_indirect_dma semaphore(%arg27 : memref<!tpu.dma_semaphore, #tpu.memory_space<semaphore_mem>>) src(%arg10 : memref<80x64xf32, #tpu.memory_space<vmem>>) dst(%dma_wait3A_483 : memref<10240x64xf32, #tpu.memory_space<vmem_shared>>)
        %dma_start3A_484 = arith.constant 0 : i32
        %dma_start3A_485 = tpu.memref_slice %arg6[%add3A_416, %dma_start3A_484] : memref<125x80xi32, #tpu.memory_space<vmem>> -> memref<1x80xi32, #tpu.memory_space<vmem>>
        %dma_start3A_486 = tpu.memref_squeeze %dma_start3A_485 : memref<1x80xi32, #tpu.memory_space<vmem>> -> memref<80xi32, #tpu.memory_space<vmem>>
        %dma_start3A_487 = arith.constant 0 : i32
        %dma_start3A_488 = arith.constant 0 : i32
        %dma_start3A_489 = tpu.memref_slice %arg2[%dma_start3A_487, %dma_start3A_488] : memref<10000x64xf32, #tpu.memory_space<hbm>> -> memref<10000x64xf32, #tpu.memory_space<hbm>>
        tpu.enqueue_indirect_dma source(%dma_start3A_489 : memref<10000x64xf32, #tpu.memory_space<hbm>>) target(%arg10 : memref<80x64xf32, #tpu.memory_space<vmem>>) offsets(%dma_start3A_486 : memref<80xi32, #tpu.memory_space<vmem>>) semaphore(%arg19 : memref<!tpu.dma_semaphore, #tpu.memory_space<semaphore_mem>>)
      } else {
      }
      %mul3A_422 = arith.constant 8 : i32
      %mul3A_423 = arith.muli %mul3A_422, %scan3A_264 : i32
      %add3A_424 = arith.constant 8 : i32
      %add3A_425 = arith.addi %mul3A_423, %add3A_424 : i32
      %add3A_426 = arith.constant 3 : i32
      %add3A_427 = arith.addi %add3A_425, %add3A_426 : i32
      %lt3A_428 = arith.constant 120 : i32
      %lt3A_429 = arith.cmpi slt, %add3A_427, %lt3A_428 : i32
      %convert_element_type3A_430 = arith.extui %lt3A_429 : i1 to i32
      %cond3A_431 = arith.constant 0 : i32
      %cond3A_432 = arith.cmpi ne, %convert_element_type3A_430, %cond3A_431 : i32
      scf.if %cond3A_432 {
        %sub3A = arith.constant 8 : i32
        %sub3A_477 = arith.subi %add3A_427, %sub3A : i32
        %dma_wait3A_478 = arith.constant 0 : i32
        %dma_wait3A_479 = tpu.memref_slice %arg7[%sub3A_477, %dma_wait3A_478] : memref<125x80xi32, #tpu.memory_space<vmem>> -> memref<1x80xi32, #tpu.memory_space<vmem>>
        %dma_wait3A_480 = tpu.memref_squeeze %dma_wait3A_479 : memref<1x80xi32, #tpu.memory_space<vmem>> -> memref<80xi32, #tpu.memory_space<vmem>>
        %dma_wait3A_481 = arith.constant 0 : i32
        %dma_wait3A_482 = arith.constant 0 : i32
        %dma_wait3A_483 = tpu.memref_slice %arg16[%dma_wait3A_481, %dma_wait3A_482] : memref<10240x64xf32, #tpu.memory_space<vmem_shared>> -> memref<10240x64xf32, #tpu.memory_space<vmem_shared>>
        tpu.wait_indirect_dma semaphore(%arg28 : memref<!tpu.dma_semaphore, #tpu.memory_space<semaphore_mem>>) src(%arg11 : memref<80x64xf32, #tpu.memory_space<vmem>>) dst(%dma_wait3A_483 : memref<10240x64xf32, #tpu.memory_space<vmem_shared>>)
        %dma_start3A_484 = arith.constant 0 : i32
        %dma_start3A_485 = tpu.memref_slice %arg6[%add3A_427, %dma_start3A_484] : memref<125x80xi32, #tpu.memory_space<vmem>> -> memref<1x80xi32, #tpu.memory_space<vmem>>
        %dma_start3A_486 = tpu.memref_squeeze %dma_start3A_485 : memref<1x80xi32, #tpu.memory_space<vmem>> -> memref<80xi32, #tpu.memory_space<vmem>>
        %dma_start3A_487 = arith.constant 0 : i32
        %dma_start3A_488 = arith.constant 0 : i32
        %dma_start3A_489 = tpu.memref_slice %arg2[%dma_start3A_487, %dma_start3A_488] : memref<10000x64xf32, #tpu.memory_space<hbm>> -> memref<10000x64xf32, #tpu.memory_space<hbm>>
        tpu.enqueue_indirect_dma source(%dma_start3A_489 : memref<10000x64xf32, #tpu.memory_space<hbm>>) target(%arg11 : memref<80x64xf32, #tpu.memory_space<vmem>>) offsets(%dma_start3A_486 : memref<80xi32, #tpu.memory_space<vmem>>) semaphore(%arg20 : memref<!tpu.dma_semaphore, #tpu.memory_space<semaphore_mem>>)
      } else {
      }
      %mul3A_433 = arith.constant 8 : i32
      %mul3A_434 = arith.muli %mul3A_433, %scan3A_264 : i32
      %add3A_435 = arith.constant 8 : i32
      %add3A_436 = arith.addi %mul3A_434, %add3A_435 : i32
      %add3A_437 = arith.constant 4 : i32
      %add3A_438 = arith.addi %add3A_436, %add3A_437 : i32
      %lt3A_439 = arith.constant 120 : i32
      %lt3A_440 = arith.cmpi slt, %add3A_438, %lt3A_439 : i32
      %convert_element_type3A_441 = arith.extui %lt3A_440 : i1 to i32
      %cond3A_442 = arith.constant 0 : i32
      %cond3A_443 = arith.cmpi ne, %convert_element_type3A_441, %cond3A_442 : i32
      scf.if %cond3A_443 {
        %sub3A = arith.constant 8 : i32
        %sub3A_477 = arith.subi %add3A_438, %sub3A : i32
        %dma_wait3A_478 = arith.constant 0 : i32
        %dma_wait3A_479 = tpu.memref_slice %arg7[%sub3A_477, %dma_wait3A_478] : memref<125x80xi32, #tpu.memory_space<vmem>> -> memref<1x80xi32, #tpu.memory_space<vmem>>
        %dma_wait3A_480 = tpu.memref_squeeze %dma_wait3A_479 : memref<1x80xi32, #tpu.memory_space<vmem>> -> memref<80xi32, #tpu.memory_space<vmem>>
        %dma_wait3A_481 = arith.constant 0 : i32
        %dma_wait3A_482 = arith.constant 0 : i32
        %dma_wait3A_483 = tpu.memref_slice %arg16[%dma_wait3A_481, %dma_wait3A_482] : memref<10240x64xf32, #tpu.memory_space<vmem_shared>> -> memref<10240x64xf32, #tpu.memory_space<vmem_shared>>
        tpu.wait_indirect_dma semaphore(%arg29 : memref<!tpu.dma_semaphore, #tpu.memory_space<semaphore_mem>>) src(%arg12 : memref<80x64xf32, #tpu.memory_space<vmem>>) dst(%dma_wait3A_483 : memref<10240x64xf32, #tpu.memory_space<vmem_shared>>)
        %dma_start3A_484 = arith.constant 0 : i32
        %dma_start3A_485 = tpu.memref_slice %arg6[%add3A_438, %dma_start3A_484] : memref<125x80xi32, #tpu.memory_space<vmem>> -> memref<1x80xi32, #tpu.memory_space<vmem>>
        %dma_start3A_486 = tpu.memref_squeeze %dma_start3A_485 : memref<1x80xi32, #tpu.memory_space<vmem>> -> memref<80xi32, #tpu.memory_space<vmem>>
        %dma_start3A_487 = arith.constant 0 : i32
        %dma_start3A_488 = arith.constant 0 : i32
        %dma_start3A_489 = tpu.memref_slice %arg2[%dma_start3A_487, %dma_start3A_488] : memref<10000x64xf32, #tpu.memory_space<hbm>> -> memref<10000x64xf32, #tpu.memory_space<hbm>>
        tpu.enqueue_indirect_dma source(%dma_start3A_489 : memref<10000x64xf32, #tpu.memory_space<hbm>>) target(%arg12 : memref<80x64xf32, #tpu.memory_space<vmem>>) offsets(%dma_start3A_486 : memref<80xi32, #tpu.memory_space<vmem>>) semaphore(%arg21 : memref<!tpu.dma_semaphore, #tpu.memory_space<semaphore_mem>>)
      } else {
      }
      %mul3A_444 = arith.constant 8 : i32
      %mul3A_445 = arith.muli %mul3A_444, %scan3A_264 : i32
      %add3A_446 = arith.constant 8 : i32
      %add3A_447 = arith.addi %mul3A_445, %add3A_446 : i32
      %add3A_448 = arith.constant 5 : i32
      %add3A_449 = arith.addi %add3A_447, %add3A_448 : i32
      %lt3A_450 = arith.constant 120 : i32
      %lt3A_451 = arith.cmpi slt, %add3A_449, %lt3A_450 : i32
      %convert_element_type3A_452 = arith.extui %lt3A_451 : i1 to i32
      %cond3A_453 = arith.constant 0 : i32
      %cond3A_454 = arith.cmpi ne, %convert_element_type3A_452, %cond3A_453 : i32
      scf.if %cond3A_454 {
        %sub3A = arith.constant 8 : i32
        %sub3A_477 = arith.subi %add3A_449, %sub3A : i32
        %dma_wait3A_478 = arith.constant 0 : i32
        %dma_wait3A_479 = tpu.memref_slice %arg7[%sub3A_477, %dma_wait3A_478] : memref<125x80xi32, #tpu.memory_space<vmem>> -> memref<1x80xi32, #tpu.memory_space<vmem>>
        %dma_wait3A_480 = tpu.memref_squeeze %dma_wait3A_479 : memref<1x80xi32, #tpu.memory_space<vmem>> -> memref<80xi32, #tpu.memory_space<vmem>>
        %dma_wait3A_481 = arith.constant 0 : i32
        %dma_wait3A_482 = arith.constant 0 : i32
        %dma_wait3A_483 = tpu.memref_slice %arg16[%dma_wait3A_481, %dma_wait3A_482] : memref<10240x64xf32, #tpu.memory_space<vmem_shared>> -> memref<10240x64xf32, #tpu.memory_space<vmem_shared>>
        tpu.wait_indirect_dma semaphore(%arg30 : memref<!tpu.dma_semaphore, #tpu.memory_space<semaphore_mem>>) src(%arg13 : memref<80x64xf32, #tpu.memory_space<vmem>>) dst(%dma_wait3A_483 : memref<10240x64xf32, #tpu.memory_space<vmem_shared>>)
        %dma_start3A_484 = arith.constant 0 : i32
        %dma_start3A_485 = tpu.memref_slice %arg6[%add3A_449, %dma_start3A_484] : memref<125x80xi32, #tpu.memory_space<vmem>> -> memref<1x80xi32, #tpu.memory_space<vmem>>
        %dma_start3A_486 = tpu.memref_squeeze %dma_start3A_485 : memref<1x80xi32, #tpu.memory_space<vmem>> -> memref<80xi32, #tpu.memory_space<vmem>>
        %dma_start3A_487 = arith.constant 0 : i32
        %dma_start3A_488 = arith.constant 0 : i32
        %dma_start3A_489 = tpu.memref_slice %arg2[%dma_start3A_487, %dma_start3A_488] : memref<10000x64xf32, #tpu.memory_space<hbm>> -> memref<10000x64xf32, #tpu.memory_space<hbm>>
        tpu.enqueue_indirect_dma source(%dma_start3A_489 : memref<10000x64xf32, #tpu.memory_space<hbm>>) target(%arg13 : memref<80x64xf32, #tpu.memory_space<vmem>>) offsets(%dma_start3A_486 : memref<80xi32, #tpu.memory_space<vmem>>) semaphore(%arg22 : memref<!tpu.dma_semaphore, #tpu.memory_space<semaphore_mem>>)
      } else {
      }
      %mul3A_455 = arith.constant 8 : i32
      %mul3A_456 = arith.muli %mul3A_455, %scan3A_264 : i32
      %add3A_457 = arith.constant 8 : i32
      %add3A_458 = arith.addi %mul3A_456, %add3A_457 : i32
      %add3A_459 = arith.constant 6 : i32
      %add3A_460 = arith.addi %add3A_458, %add3A_459 : i32
      %lt3A_461 = arith.constant 120 : i32
      %lt3A_462 = arith.cmpi slt, %add3A_460, %lt3A_461 : i32
      %convert_element_type3A_463 = arith.extui %lt3A_462 : i1 to i32
      %cond3A_464 = arith.constant 0 : i32
      %cond3A_465 = arith.cmpi ne, %convert_element_type3A_463, %cond3A_464 : i32
      scf.if %cond3A_465 {
        %sub3A = arith.constant 8 : i32
        %sub3A_477 = arith.subi %add3A_460, %sub3A : i32
        %dma_wait3A_478 = arith.constant 0 : i32
        %dma_wait3A_479 = tpu.memref_slice %arg7[%sub3A_477, %dma_wait3A_478] : memref<125x80xi32, #tpu.memory_space<vmem>> -> memref<1x80xi32, #tpu.memory_space<vmem>>
        %dma_wait3A_480 = tpu.memref_squeeze %dma_wait3A_479 : memref<1x80xi32, #tpu.memory_space<vmem>> -> memref<80xi32, #tpu.memory_space<vmem>>
        %dma_wait3A_481 = arith.constant 0 : i32
        %dma_wait3A_482 = arith.constant 0 : i32
        %dma_wait3A_483 = tpu.memref_slice %arg16[%dma_wait3A_481, %dma_wait3A_482] : memref<10240x64xf32, #tpu.memory_space<vmem_shared>> -> memref<10240x64xf32, #tpu.memory_space<vmem_shared>>
        tpu.wait_indirect_dma semaphore(%arg31 : memref<!tpu.dma_semaphore, #tpu.memory_space<semaphore_mem>>) src(%arg14 : memref<80x64xf32, #tpu.memory_space<vmem>>) dst(%dma_wait3A_483 : memref<10240x64xf32, #tpu.memory_space<vmem_shared>>)
        %dma_start3A_484 = arith.constant 0 : i32
        %dma_start3A_485 = tpu.memref_slice %arg6[%add3A_460, %dma_start3A_484] : memref<125x80xi32, #tpu.memory_space<vmem>> -> memref<1x80xi32, #tpu.memory_space<vmem>>
        %dma_start3A_486 = tpu.memref_squeeze %dma_start3A_485 : memref<1x80xi32, #tpu.memory_space<vmem>> -> memref<80xi32, #tpu.memory_space<vmem>>
        %dma_start3A_487 = arith.constant 0 : i32
        %dma_start3A_488 = arith.constant 0 : i32
        %dma_start3A_489 = tpu.memref_slice %arg2[%dma_start3A_487, %dma_start3A_488] : memref<10000x64xf32, #tpu.memory_space<hbm>> -> memref<10000x64xf32, #tpu.memory_space<hbm>>
        tpu.enqueue_indirect_dma source(%dma_start3A_489 : memref<10000x64xf32, #tpu.memory_space<hbm>>) target(%arg14 : memref<80x64xf32, #tpu.memory_space<vmem>>) offsets(%dma_start3A_486 : memref<80xi32, #tpu.memory_space<vmem>>) semaphore(%arg23 : memref<!tpu.dma_semaphore, #tpu.memory_space<semaphore_mem>>)
      } else {
      }
      %mul3A_466 = arith.constant 8 : i32
      %mul3A_467 = arith.muli %mul3A_466, %scan3A_264 : i32
      %add3A_468 = arith.constant 8 : i32
      %add3A_469 = arith.addi %mul3A_467, %add3A_468 : i32
      %add3A_470 = arith.constant 7 : i32
      %add3A_471 = arith.addi %add3A_469, %add3A_470 : i32
      %lt3A_472 = arith.constant 120 : i32
      %lt3A_473 = arith.cmpi slt, %add3A_471, %lt3A_472 : i32
      %convert_element_type3A_474 = arith.extui %lt3A_473 : i1 to i32
      %cond3A_475 = arith.constant 0 : i32
      %cond3A_476 = arith.cmpi ne, %convert_element_type3A_474, %cond3A_475 : i32
      scf.if %cond3A_476 {
        %sub3A = arith.constant 8 : i32
        %sub3A_477 = arith.subi %add3A_471, %sub3A : i32
        %dma_wait3A_478 = arith.constant 0 : i32
        %dma_wait3A_479 = tpu.memref_slice %arg7[%sub3A_477, %dma_wait3A_478] : memref<125x80xi32, #tpu.memory_space<vmem>> -> memref<1x80xi32, #tpu.memory_space<vmem>>
        %dma_wait3A_480 = tpu.memref_squeeze %dma_wait3A_479 : memref<1x80xi32, #tpu.memory_space<vmem>> -> memref<80xi32, #tpu.memory_space<vmem>>
        %dma_wait3A_481 = arith.constant 0 : i32
        %dma_wait3A_482 = arith.constant 0 : i32
        %dma_wait3A_483 = tpu.memref_slice %arg16[%dma_wait3A_481, %dma_wait3A_482] : memref<10240x64xf32, #tpu.memory_space<vmem_shared>> -> memref<10240x64xf32, #tpu.memory_space<vmem_shared>>
        tpu.wait_indirect_dma semaphore(%arg32 : memref<!tpu.dma_semaphore, #tpu.memory_space<semaphore_mem>>) src(%arg15 : memref<80x64xf32, #tpu.memory_space<vmem>>) dst(%dma_wait3A_483 : memref<10240x64xf32, #tpu.memory_space<vmem_shared>>)
        %dma_start3A_484 = arith.constant 0 : i32
        %dma_start3A_485 = tpu.memref_slice %arg6[%add3A_471, %dma_start3A_484] : memref<125x80xi32, #tpu.memory_space<vmem>> -> memref<1x80xi32, #tpu.memory_space<vmem>>
        %dma_start3A_486 = tpu.memref_squeeze %dma_start3A_485 : memref<1x80xi32, #tpu.memory_space<vmem>> -> memref<80xi32, #tpu.memory_space<vmem>>
        %dma_start3A_487 = arith.constant 0 : i32
        %dma_start3A_488 = arith.constant 0 : i32
        %dma_start3A_489 = tpu.memref_slice %arg2[%dma_start3A_487, %dma_start3A_488] : memref<10000x64xf32, #tpu.memory_space<hbm>> -> memref<10000x64xf32, #tpu.memory_space<hbm>>
        tpu.enqueue_indirect_dma source(%dma_start3A_489 : memref<10000x64xf32, #tpu.memory_space<hbm>>) target(%arg15 : memref<80x64xf32, #tpu.memory_space<vmem>>) offsets(%dma_start3A_486 : memref<80xi32, #tpu.memory_space<vmem>>) semaphore(%arg24 : memref<!tpu.dma_semaphore, #tpu.memory_space<semaphore_mem>>)
      } else {
      }
    }
    %scan3A_63 = arith.constant 15 : i32
    %dma_wait3A = arith.constant 112 : i32
    %dma_wait3A_64 = arith.constant 0 : i32
    %dma_wait3A_65 = tpu.memref_slice %arg7[%dma_wait3A, %dma_wait3A_64] : memref<125x80xi32, #tpu.memory_space<vmem>> -> memref<1x80xi32, #tpu.memory_space<vmem>>
    %dma_wait3A_66 = tpu.memref_squeeze %dma_wait3A_65 : memref<1x80xi32, #tpu.memory_space<vmem>> -> memref<80xi32, #tpu.memory_space<vmem>>
    %dma_wait3A_67 = arith.constant 0 : i32
    %dma_wait3A_68 = arith.constant 0 : i32
    %dma_wait3A_69 = tpu.memref_slice %arg16[%dma_wait3A_67, %dma_wait3A_68] : memref<10240x64xf32, #tpu.memory_space<vmem_shared>> -> memref<10240x64xf32, #tpu.memory_space<vmem_shared>>
    tpu.wait_indirect_dma semaphore(%arg25 : memref<!tpu.dma_semaphore, #tpu.memory_space<semaphore_mem>>) src(%arg8 : memref<80x64xf32, #tpu.memory_space<vmem>>) dst(%dma_wait3A_69 : memref<10240x64xf32, #tpu.memory_space<vmem_shared>>)
    %dma_wait3A_70 = arith.constant 113 : i32
    %dma_wait3A_71 = arith.constant 0 : i32
    %dma_wait3A_72 = tpu.memref_slice %arg7[%dma_wait3A_70, %dma_wait3A_71] : memref<125x80xi32, #tpu.memory_space<vmem>> -> memref<1x80xi32, #tpu.memory_space<vmem>>
    %dma_wait3A_73 = tpu.memref_squeeze %dma_wait3A_72 : memref<1x80xi32, #tpu.memory_space<vmem>> -> memref<80xi32, #tpu.memory_space<vmem>>
    %dma_wait3A_74 = arith.constant 0 : i32
    %dma_wait3A_75 = arith.constant 0 : i32
    %dma_wait3A_76 = tpu.memref_slice %arg16[%dma_wait3A_74, %dma_wait3A_75] : memref<10240x64xf32, #tpu.memory_space<vmem_shared>> -> memref<10240x64xf32, #tpu.memory_space<vmem_shared>>
    tpu.wait_indirect_dma semaphore(%arg26 : memref<!tpu.dma_semaphore, #tpu.memory_space<semaphore_mem>>) src(%arg9 : memref<80x64xf32, #tpu.memory_space<vmem>>) dst(%dma_wait3A_76 : memref<10240x64xf32, #tpu.memory_space<vmem_shared>>)
    %dma_wait3A_77 = arith.constant 114 : i32
    %dma_wait3A_78 = arith.constant 0 : i32
    %dma_wait3A_79 = tpu.memref_slice %arg7[%dma_wait3A_77, %dma_wait3A_78] : memref<125x80xi32, #tpu.memory_space<vmem>> -> memref<1x80xi32, #tpu.memory_space<vmem>>
    %dma_wait3A_80 = tpu.memref_squeeze %dma_wait3A_79 : memref<1x80xi32, #tpu.memory_space<vmem>> -> memref<80xi32, #tpu.memory_space<vmem>>
    %dma_wait3A_81 = arith.constant 0 : i32
    %dma_wait3A_82 = arith.constant 0 : i32
    %dma_wait3A_83 = tpu.memref_slice %arg16[%dma_wait3A_81, %dma_wait3A_82] : memref<10240x64xf32, #tpu.memory_space<vmem_shared>> -> memref<10240x64xf32, #tpu.memory_space<vmem_shared>>
    tpu.wait_indirect_dma semaphore(%arg27 : memref<!tpu.dma_semaphore, #tpu.memory_space<semaphore_mem>>) src(%arg10 : memref<80x64xf32, #tpu.memory_space<vmem>>) dst(%dma_wait3A_83 : memref<10240x64xf32, #tpu.memory_space<vmem_shared>>)
    %dma_wait3A_84 = arith.constant 115 : i32
    %dma_wait3A_85 = arith.constant 0 : i32
    %dma_wait3A_86 = tpu.memref_slice %arg7[%dma_wait3A_84, %dma_wait3A_85] : memref<125x80xi32, #tpu.memory_space<vmem>> -> memref<1x80xi32, #tpu.memory_space<vmem>>
    %dma_wait3A_87 = tpu.memref_squeeze %dma_wait3A_86 : memref<1x80xi32, #tpu.memory_space<vmem>> -> memref<80xi32, #tpu.memory_space<vmem>>
    %dma_wait3A_88 = arith.constant 0 : i32
    %dma_wait3A_89 = arith.constant 0 : i32
    %dma_wait3A_90 = tpu.memref_slice %arg16[%dma_wait3A_88, %dma_wait3A_89] : memref<10240x64xf32, #tpu.memory_space<vmem_shared>> -> memref<10240x64xf32, #tpu.memory_space<vmem_shared>>
    tpu.wait_indirect_dma semaphore(%arg28 : memref<!tpu.dma_semaphore, #tpu.memory_space<semaphore_mem>>) src(%arg11 : memref<80x64xf32, #tpu.memory_space<vmem>>) dst(%dma_wait3A_90 : memref<10240x64xf32, #tpu.memory_space<vmem_shared>>)
    %dma_wait3A_91 = arith.constant 116 : i32
    %dma_wait3A_92 = arith.constant 0 : i32
    %dma_wait3A_93 = tpu.memref_slice %arg7[%dma_wait3A_91, %dma_wait3A_92] : memref<125x80xi32, #tpu.memory_space<vmem>> -> memref<1x80xi32, #tpu.memory_space<vmem>>
    %dma_wait3A_94 = tpu.memref_squeeze %dma_wait3A_93 : memref<1x80xi32, #tpu.memory_space<vmem>> -> memref<80xi32, #tpu.memory_space<vmem>>
    %dma_wait3A_95 = arith.constant 0 : i32
    %dma_wait3A_96 = arith.constant 0 : i32
    %dma_wait3A_97 = tpu.memref_slice %arg16[%dma_wait3A_95, %dma_wait3A_96] : memref<10240x64xf32, #tpu.memory_space<vmem_shared>> -> memref<10240x64xf32, #tpu.memory_space<vmem_shared>>
    tpu.wait_indirect_dma semaphore(%arg29 : memref<!tpu.dma_semaphore, #tpu.memory_space<semaphore_mem>>) src(%arg12 : memref<80x64xf32, #tpu.memory_space<vmem>>) dst(%dma_wait3A_97 : memref<10240x64xf32, #tpu.memory_space<vmem_shared>>)
    %dma_wait3A_98 = arith.constant 117 : i32
    %dma_wait3A_99 = arith.constant 0 : i32
    %dma_wait3A_100 = tpu.memref_slice %arg7[%dma_wait3A_98, %dma_wait3A_99] : memref<125x80xi32, #tpu.memory_space<vmem>> -> memref<1x80xi32, #tpu.memory_space<vmem>>
    %dma_wait3A_101 = tpu.memref_squeeze %dma_wait3A_100 : memref<1x80xi32, #tpu.memory_space<vmem>> -> memref<80xi32, #tpu.memory_space<vmem>>
    %dma_wait3A_102 = arith.constant 0 : i32
    %dma_wait3A_103 = arith.constant 0 : i32
    %dma_wait3A_104 = tpu.memref_slice %arg16[%dma_wait3A_102, %dma_wait3A_103] : memref<10240x64xf32, #tpu.memory_space<vmem_shared>> -> memref<10240x64xf32, #tpu.memory_space<vmem_shared>>
    tpu.wait_indirect_dma semaphore(%arg30 : memref<!tpu.dma_semaphore, #tpu.memory_space<semaphore_mem>>) src(%arg13 : memref<80x64xf32, #tpu.memory_space<vmem>>) dst(%dma_wait3A_104 : memref<10240x64xf32, #tpu.memory_space<vmem_shared>>)
    %dma_wait3A_105 = arith.constant 118 : i32
    %dma_wait3A_106 = arith.constant 0 : i32
    %dma_wait3A_107 = tpu.memref_slice %arg7[%dma_wait3A_105, %dma_wait3A_106] : memref<125x80xi32, #tpu.memory_space<vmem>> -> memref<1x80xi32, #tpu.memory_space<vmem>>
    %dma_wait3A_108 = tpu.memref_squeeze %dma_wait3A_107 : memref<1x80xi32, #tpu.memory_space<vmem>> -> memref<80xi32, #tpu.memory_space<vmem>>
    %dma_wait3A_109 = arith.constant 0 : i32
    %dma_wait3A_110 = arith.constant 0 : i32
    %dma_wait3A_111 = tpu.memref_slice %arg16[%dma_wait3A_109, %dma_wait3A_110] : memref<10240x64xf32, #tpu.memory_space<vmem_shared>> -> memref<10240x64xf32, #tpu.memory_space<vmem_shared>>
    tpu.wait_indirect_dma semaphore(%arg31 : memref<!tpu.dma_semaphore, #tpu.memory_space<semaphore_mem>>) src(%arg14 : memref<80x64xf32, #tpu.memory_space<vmem>>) dst(%dma_wait3A_111 : memref<10240x64xf32, #tpu.memory_space<vmem_shared>>)
    %dma_wait3A_112 = arith.constant 119 : i32
    %dma_wait3A_113 = arith.constant 0 : i32
    %dma_wait3A_114 = tpu.memref_slice %arg7[%dma_wait3A_112, %dma_wait3A_113] : memref<125x80xi32, #tpu.memory_space<vmem>> -> memref<1x80xi32, #tpu.memory_space<vmem>>
    %dma_wait3A_115 = tpu.memref_squeeze %dma_wait3A_114 : memref<1x80xi32, #tpu.memory_space<vmem>> -> memref<80xi32, #tpu.memory_space<vmem>>
    %dma_wait3A_116 = arith.constant 0 : i32
    %dma_wait3A_117 = arith.constant 0 : i32
    %dma_wait3A_118 = tpu.memref_slice %arg16[%dma_wait3A_116, %dma_wait3A_117] : memref<10240x64xf32, #tpu.memory_space<vmem_shared>> -> memref<10240x64xf32, #tpu.memory_space<vmem_shared>>
    tpu.wait_indirect_dma semaphore(%arg32 : memref<!tpu.dma_semaphore, #tpu.memory_space<semaphore_mem>>) src(%arg15 : memref<80x64xf32, #tpu.memory_space<vmem>>) dst(%dma_wait3A_118 : memref<10240x64xf32, #tpu.memory_space<vmem_shared>>)
    %dma_start3A_119 = arith.constant 120 : i32
    %dma_start3A_120 = arith.constant 0 : i32
    %dma_start3A_121 = tpu.memref_slice %arg6[%dma_start3A_119, %dma_start3A_120] : memref<125x80xi32, #tpu.memory_space<vmem>> -> memref<1x80xi32, #tpu.memory_space<vmem>>
    %dma_start3A_122 = tpu.memref_squeeze %dma_start3A_121 : memref<1x80xi32, #tpu.memory_space<vmem>> -> memref<80xi32, #tpu.memory_space<vmem>>
    %dma_start3A_123 = arith.constant 0 : i32
    %dma_start3A_124 = arith.constant 0 : i32
    %dma_start3A_125 = tpu.memref_slice %arg2[%dma_start3A_123, %dma_start3A_124] : memref<10000x64xf32, #tpu.memory_space<hbm>> -> memref<10000x64xf32, #tpu.memory_space<hbm>>
    tpu.enqueue_indirect_dma source(%dma_start3A_125 : memref<10000x64xf32, #tpu.memory_space<hbm>>) target(%arg8 : memref<80x64xf32, #tpu.memory_space<vmem>>) offsets(%dma_start3A_122 : memref<80xi32, #tpu.memory_space<vmem>>) semaphore(%arg17 : memref<!tpu.dma_semaphore, #tpu.memory_space<semaphore_mem>>)
    %dma_start3A_126 = arith.constant 121 : i32
    %dma_start3A_127 = arith.constant 0 : i32
    %dma_start3A_128 = tpu.memref_slice %arg6[%dma_start3A_126, %dma_start3A_127] : memref<125x80xi32, #tpu.memory_space<vmem>> -> memref<1x80xi32, #tpu.memory_space<vmem>>
    %dma_start3A_129 = tpu.memref_squeeze %dma_start3A_128 : memref<1x80xi32, #tpu.memory_space<vmem>> -> memref<80xi32, #tpu.memory_space<vmem>>
    %dma_start3A_130 = arith.constant 0 : i32
    %dma_start3A_131 = arith.constant 0 : i32
    %dma_start3A_132 = tpu.memref_slice %arg2[%dma_start3A_130, %dma_start3A_131] : memref<10000x64xf32, #tpu.memory_space<hbm>> -> memref<10000x64xf32, #tpu.memory_space<hbm>>
    tpu.enqueue_indirect_dma source(%dma_start3A_132 : memref<10000x64xf32, #tpu.memory_space<hbm>>) target(%arg9 : memref<80x64xf32, #tpu.memory_space<vmem>>) offsets(%dma_start3A_129 : memref<80xi32, #tpu.memory_space<vmem>>) semaphore(%arg18 : memref<!tpu.dma_semaphore, #tpu.memory_space<semaphore_mem>>)
    %dma_start3A_133 = arith.constant 122 : i32
    %dma_start3A_134 = arith.constant 0 : i32
    %dma_start3A_135 = tpu.memref_slice %arg6[%dma_start3A_133, %dma_start3A_134] : memref<125x80xi32, #tpu.memory_space<vmem>> -> memref<1x80xi32, #tpu.memory_space<vmem>>
    %dma_start3A_136 = tpu.memref_squeeze %dma_start3A_135 : memref<1x80xi32, #tpu.memory_space<vmem>> -> memref<80xi32, #tpu.memory_space<vmem>>
    %dma_start3A_137 = arith.constant 0 : i32
    %dma_start3A_138 = arith.constant 0 : i32
    %dma_start3A_139 = tpu.memref_slice %arg2[%dma_start3A_137, %dma_start3A_138] : memref<10000x64xf32, #tpu.memory_space<hbm>> -> memref<10000x64xf32, #tpu.memory_space<hbm>>
    tpu.enqueue_indirect_dma source(%dma_start3A_139 : memref<10000x64xf32, #tpu.memory_space<hbm>>) target(%arg10 : memref<80x64xf32, #tpu.memory_space<vmem>>) offsets(%dma_start3A_136 : memref<80xi32, #tpu.memory_space<vmem>>) semaphore(%arg19 : memref<!tpu.dma_semaphore, #tpu.memory_space<semaphore_mem>>)
    %dma_start3A_140 = arith.constant 123 : i32
    %dma_start3A_141 = arith.constant 0 : i32
    %dma_start3A_142 = tpu.memref_slice %arg6[%dma_start3A_140, %dma_start3A_141] : memref<125x80xi32, #tpu.memory_space<vmem>> -> memref<1x80xi32, #tpu.memory_space<vmem>>
    %dma_start3A_143 = tpu.memref_squeeze %dma_start3A_142 : memref<1x80xi32, #tpu.memory_space<vmem>> -> memref<80xi32, #tpu.memory_space<vmem>>
    %dma_start3A_144 = arith.constant 0 : i32
    %dma_start3A_145 = arith.constant 0 : i32
    %dma_start3A_146 = tpu.memref_slice %arg2[%dma_start3A_144, %dma_start3A_145] : memref<10000x64xf32, #tpu.memory_space<hbm>> -> memref<10000x64xf32, #tpu.memory_space<hbm>>
    tpu.enqueue_indirect_dma source(%dma_start3A_146 : memref<10000x64xf32, #tpu.memory_space<hbm>>) target(%arg11 : memref<80x64xf32, #tpu.memory_space<vmem>>) offsets(%dma_start3A_143 : memref<80xi32, #tpu.memory_space<vmem>>) semaphore(%arg20 : memref<!tpu.dma_semaphore, #tpu.memory_space<semaphore_mem>>)
    %dma_start3A_147 = arith.constant 124 : i32
    %dma_start3A_148 = arith.constant 0 : i32
    %dma_start3A_149 = tpu.memref_slice %arg6[%dma_start3A_147, %dma_start3A_148] : memref<125x80xi32, #tpu.memory_space<vmem>> -> memref<1x80xi32, #tpu.memory_space<vmem>>
    %dma_start3A_150 = tpu.memref_squeeze %dma_start3A_149 : memref<1x80xi32, #tpu.memory_space<vmem>> -> memref<80xi32, #tpu.memory_space<vmem>>
    %dma_start3A_151 = arith.constant 0 : i32
    %dma_start3A_152 = arith.constant 0 : i32
    %dma_start3A_153 = tpu.memref_slice %arg2[%dma_start3A_151, %dma_start3A_152] : memref<10000x64xf32, #tpu.memory_space<hbm>> -> memref<10000x64xf32, #tpu.memory_space<hbm>>
    tpu.enqueue_indirect_dma source(%dma_start3A_153 : memref<10000x64xf32, #tpu.memory_space<hbm>>) target(%arg12 : memref<80x64xf32, #tpu.memory_space<vmem>>) offsets(%dma_start3A_150 : memref<80xi32, #tpu.memory_space<vmem>>) semaphore(%arg21 : memref<!tpu.dma_semaphore, #tpu.memory_space<semaphore_mem>>)
    %dma_wait3A_154 = arith.constant 120 : i32
    %dma_wait3A_155 = arith.constant 0 : i32
    %dma_wait3A_156 = tpu.memref_slice %arg6[%dma_wait3A_154, %dma_wait3A_155] : memref<125x80xi32, #tpu.memory_space<vmem>> -> memref<1x80xi32, #tpu.memory_space<vmem>>
    %dma_wait3A_157 = tpu.memref_squeeze %dma_wait3A_156 : memref<1x80xi32, #tpu.memory_space<vmem>> -> memref<80xi32, #tpu.memory_space<vmem>>
    %dma_wait3A_158 = arith.constant 0 : i32
    %dma_wait3A_159 = arith.constant 0 : i32
    %dma_wait3A_160 = tpu.memref_slice %arg2[%dma_wait3A_158, %dma_wait3A_159] : memref<10000x64xf32, #tpu.memory_space<hbm>> -> memref<10000x64xf32, #tpu.memory_space<hbm>>
    tpu.wait_indirect_dma semaphore(%arg17 : memref<!tpu.dma_semaphore, #tpu.memory_space<semaphore_mem>>) src(%dma_wait3A_160 : memref<10000x64xf32, #tpu.memory_space<hbm>>) dst(%arg8 : memref<80x64xf32, #tpu.memory_space<vmem>>)
    %dma_start3A_161 = arith.constant 120 : i32
    %dma_start3A_162 = arith.constant 0 : i32
    %dma_start3A_163 = tpu.memref_slice %arg7[%dma_start3A_161, %dma_start3A_162] : memref<125x80xi32, #tpu.memory_space<vmem>> -> memref<1x80xi32, #tpu.memory_space<vmem>>
    %dma_start3A_164 = tpu.memref_squeeze %dma_start3A_163 : memref<1x80xi32, #tpu.memory_space<vmem>> -> memref<80xi32, #tpu.memory_space<vmem>>
    %dma_start3A_165 = arith.constant 0 : i32
    %dma_start3A_166 = arith.constant 0 : i32
    %dma_start3A_167 = tpu.memref_slice %arg16[%dma_start3A_165, %dma_start3A_166] : memref<10240x64xf32, #tpu.memory_space<vmem_shared>> -> memref<10240x64xf32, #tpu.memory_space<vmem_shared>>
    tpu.enqueue_indirect_dma source(%arg8 : memref<80x64xf32, #tpu.memory_space<vmem>>) target(%dma_start3A_167 : memref<10240x64xf32, #tpu.memory_space<vmem_shared>>) offsets(%dma_start3A_164 : memref<80xi32, #tpu.memory_space<vmem>>) semaphore(%arg25 : memref<!tpu.dma_semaphore, #tpu.memory_space<semaphore_mem>>) {add = true}
    %dma_wait3A_168 = arith.constant 121 : i32
    %dma_wait3A_169 = arith.constant 0 : i32
    %dma_wait3A_170 = tpu.memref_slice %arg6[%dma_wait3A_168, %dma_wait3A_169] : memref<125x80xi32, #tpu.memory_space<vmem>> -> memref<1x80xi32, #tpu.memory_space<vmem>>
    %dma_wait3A_171 = tpu.memref_squeeze %dma_wait3A_170 : memref<1x80xi32, #tpu.memory_space<vmem>> -> memref<80xi32, #tpu.memory_space<vmem>>
    %dma_wait3A_172 = arith.constant 0 : i32
    %dma_wait3A_173 = arith.constant 0 : i32
    %dma_wait3A_174 = tpu.memref_slice %arg2[%dma_wait3A_172, %dma_wait3A_173] : memref<10000x64xf32, #tpu.memory_space<hbm>> -> memref<10000x64xf32, #tpu.memory_space<hbm>>
    tpu.wait_indirect_dma semaphore(%arg18 : memref<!tpu.dma_semaphore, #tpu.memory_space<semaphore_mem>>) src(%dma_wait3A_174 : memref<10000x64xf32, #tpu.memory_space<hbm>>) dst(%arg9 : memref<80x64xf32, #tpu.memory_space<vmem>>)
    %dma_start3A_175 = arith.constant 121 : i32
    %dma_start3A_176 = arith.constant 0 : i32
    %dma_start3A_177 = tpu.memref_slice %arg7[%dma_start3A_175, %dma_start3A_176] : memref<125x80xi32, #tpu.memory_space<vmem>> -> memref<1x80xi32, #tpu.memory_space<vmem>>
    %dma_start3A_178 = tpu.memref_squeeze %dma_start3A_177 : memref<1x80xi32, #tpu.memory_space<vmem>> -> memref<80xi32, #tpu.memory_space<vmem>>
    %dma_start3A_179 = arith.constant 0 : i32
    %dma_start3A_180 = arith.constant 0 : i32
    %dma_start3A_181 = tpu.memref_slice %arg16[%dma_start3A_179, %dma_start3A_180] : memref<10240x64xf32, #tpu.memory_space<vmem_shared>> -> memref<10240x64xf32, #tpu.memory_space<vmem_shared>>
    tpu.enqueue_indirect_dma source(%arg9 : memref<80x64xf32, #tpu.memory_space<vmem>>) target(%dma_start3A_181 : memref<10240x64xf32, #tpu.memory_space<vmem_shared>>) offsets(%dma_start3A_178 : memref<80xi32, #tpu.memory_space<vmem>>) semaphore(%arg26 : memref<!tpu.dma_semaphore, #tpu.memory_space<semaphore_mem>>) {add = true}
    %dma_wait3A_182 = arith.constant 122 : i32
    %dma_wait3A_183 = arith.constant 0 : i32
    %dma_wait3A_184 = tpu.memref_slice %arg6[%dma_wait3A_182, %dma_wait3A_183] : memref<125x80xi32, #tpu.memory_space<vmem>> -> memref<1x80xi32, #tpu.memory_space<vmem>>
    %dma_wait3A_185 = tpu.memref_squeeze %dma_wait3A_184 : memref<1x80xi32, #tpu.memory_space<vmem>> -> memref<80xi32, #tpu.memory_space<vmem>>
    %dma_wait3A_186 = arith.constant 0 : i32
    %dma_wait3A_187 = arith.constant 0 : i32
    %dma_wait3A_188 = tpu.memref_slice %arg2[%dma_wait3A_186, %dma_wait3A_187] : memref<10000x64xf32, #tpu.memory_space<hbm>> -> memref<10000x64xf32, #tpu.memory_space<hbm>>
    tpu.wait_indirect_dma semaphore(%arg19 : memref<!tpu.dma_semaphore, #tpu.memory_space<semaphore_mem>>) src(%dma_wait3A_188 : memref<10000x64xf32, #tpu.memory_space<hbm>>) dst(%arg10 : memref<80x64xf32, #tpu.memory_space<vmem>>)
    %dma_start3A_189 = arith.constant 122 : i32
    %dma_start3A_190 = arith.constant 0 : i32
    %dma_start3A_191 = tpu.memref_slice %arg7[%dma_start3A_189, %dma_start3A_190] : memref<125x80xi32, #tpu.memory_space<vmem>> -> memref<1x80xi32, #tpu.memory_space<vmem>>
    %dma_start3A_192 = tpu.memref_squeeze %dma_start3A_191 : memref<1x80xi32, #tpu.memory_space<vmem>> -> memref<80xi32, #tpu.memory_space<vmem>>
    %dma_start3A_193 = arith.constant 0 : i32
    %dma_start3A_194 = arith.constant 0 : i32
    %dma_start3A_195 = tpu.memref_slice %arg16[%dma_start3A_193, %dma_start3A_194] : memref<10240x64xf32, #tpu.memory_space<vmem_shared>> -> memref<10240x64xf32, #tpu.memory_space<vmem_shared>>
    tpu.enqueue_indirect_dma source(%arg10 : memref<80x64xf32, #tpu.memory_space<vmem>>) target(%dma_start3A_195 : memref<10240x64xf32, #tpu.memory_space<vmem_shared>>) offsets(%dma_start3A_192 : memref<80xi32, #tpu.memory_space<vmem>>) semaphore(%arg27 : memref<!tpu.dma_semaphore, #tpu.memory_space<semaphore_mem>>) {add = true}
    %dma_wait3A_196 = arith.constant 123 : i32
    %dma_wait3A_197 = arith.constant 0 : i32
    %dma_wait3A_198 = tpu.memref_slice %arg6[%dma_wait3A_196, %dma_wait3A_197] : memref<125x80xi32, #tpu.memory_space<vmem>> -> memref<1x80xi32, #tpu.memory_space<vmem>>
    %dma_wait3A_199 = tpu.memref_squeeze %dma_wait3A_198 : memref<1x80xi32, #tpu.memory_space<vmem>> -> memref<80xi32, #tpu.memory_space<vmem>>
    %dma_wait3A_200 = arith.constant 0 : i32
    %dma_wait3A_201 = arith.constant 0 : i32
    %dma_wait3A_202 = tpu.memref_slice %arg2[%dma_wait3A_200, %dma_wait3A_201] : memref<10000x64xf32, #tpu.memory_space<hbm>> -> memref<10000x64xf32, #tpu.memory_space<hbm>>
    tpu.wait_indirect_dma semaphore(%arg20 : memref<!tpu.dma_semaphore, #tpu.memory_space<semaphore_mem>>) src(%dma_wait3A_202 : memref<10000x64xf32, #tpu.memory_space<hbm>>) dst(%arg11 : memref<80x64xf32, #tpu.memory_space<vmem>>)
    %dma_start3A_203 = arith.constant 123 : i32
    %dma_start3A_204 = arith.constant 0 : i32
    %dma_start3A_205 = tpu.memref_slice %arg7[%dma_start3A_203, %dma_start3A_204] : memref<125x80xi32, #tpu.memory_space<vmem>> -> memref<1x80xi32, #tpu.memory_space<vmem>>
    %dma_start3A_206 = tpu.memref_squeeze %dma_start3A_205 : memref<1x80xi32, #tpu.memory_space<vmem>> -> memref<80xi32, #tpu.memory_space<vmem>>
    %dma_start3A_207 = arith.constant 0 : i32
    %dma_start3A_208 = arith.constant 0 : i32
    %dma_start3A_209 = tpu.memref_slice %arg16[%dma_start3A_207, %dma_start3A_208] : memref<10240x64xf32, #tpu.memory_space<vmem_shared>> -> memref<10240x64xf32, #tpu.memory_space<vmem_shared>>
    tpu.enqueue_indirect_dma source(%arg11 : memref<80x64xf32, #tpu.memory_space<vmem>>) target(%dma_start3A_209 : memref<10240x64xf32, #tpu.memory_space<vmem_shared>>) offsets(%dma_start3A_206 : memref<80xi32, #tpu.memory_space<vmem>>) semaphore(%arg28 : memref<!tpu.dma_semaphore, #tpu.memory_space<semaphore_mem>>) {add = true}
    %dma_wait3A_210 = arith.constant 124 : i32
    %dma_wait3A_211 = arith.constant 0 : i32
    %dma_wait3A_212 = tpu.memref_slice %arg6[%dma_wait3A_210, %dma_wait3A_211] : memref<125x80xi32, #tpu.memory_space<vmem>> -> memref<1x80xi32, #tpu.memory_space<vmem>>
    %dma_wait3A_213 = tpu.memref_squeeze %dma_wait3A_212 : memref<1x80xi32, #tpu.memory_space<vmem>> -> memref<80xi32, #tpu.memory_space<vmem>>
    %dma_wait3A_214 = arith.constant 0 : i32
    %dma_wait3A_215 = arith.constant 0 : i32
    %dma_wait3A_216 = tpu.memref_slice %arg2[%dma_wait3A_214, %dma_wait3A_215] : memref<10000x64xf32, #tpu.memory_space<hbm>> -> memref<10000x64xf32, #tpu.memory_space<hbm>>
    tpu.wait_indirect_dma semaphore(%arg21 : memref<!tpu.dma_semaphore, #tpu.memory_space<semaphore_mem>>) src(%dma_wait3A_216 : memref<10000x64xf32, #tpu.memory_space<hbm>>) dst(%arg12 : memref<80x64xf32, #tpu.memory_space<vmem>>)
    %dma_start3A_217 = arith.constant 124 : i32
    %dma_start3A_218 = arith.constant 0 : i32
    %dma_start3A_219 = tpu.memref_slice %arg7[%dma_start3A_217, %dma_start3A_218] : memref<125x80xi32, #tpu.memory_space<vmem>> -> memref<1x80xi32, #tpu.memory_space<vmem>>
    %dma_start3A_220 = tpu.memref_squeeze %dma_start3A_219 : memref<1x80xi32, #tpu.memory_space<vmem>> -> memref<80xi32, #tpu.memory_space<vmem>>
    %dma_start3A_221 = arith.constant 0 : i32
    %dma_start3A_222 = arith.constant 0 : i32
    %dma_start3A_223 = tpu.memref_slice %arg16[%dma_start3A_221, %dma_start3A_222] : memref<10240x64xf32, #tpu.memory_space<vmem_shared>> -> memref<10240x64xf32, #tpu.memory_space<vmem_shared>>
    tpu.enqueue_indirect_dma source(%arg12 : memref<80x64xf32, #tpu.memory_space<vmem>>) target(%dma_start3A_223 : memref<10240x64xf32, #tpu.memory_space<vmem_shared>>) offsets(%dma_start3A_220 : memref<80xi32, #tpu.memory_space<vmem>>) semaphore(%arg29 : memref<!tpu.dma_semaphore, #tpu.memory_space<semaphore_mem>>) {add = true}
    %dma_wait3A_224 = arith.constant 120 : i32
    %dma_wait3A_225 = arith.constant 0 : i32
    %dma_wait3A_226 = tpu.memref_slice %arg7[%dma_wait3A_224, %dma_wait3A_225] : memref<125x80xi32, #tpu.memory_space<vmem>> -> memref<1x80xi32, #tpu.memory_space<vmem>>
    %dma_wait3A_227 = tpu.memref_squeeze %dma_wait3A_226 : memref<1x80xi32, #tpu.memory_space<vmem>> -> memref<80xi32, #tpu.memory_space<vmem>>
    %dma_wait3A_228 = arith.constant 0 : i32
    %dma_wait3A_229 = arith.constant 0 : i32
    %dma_wait3A_230 = tpu.memref_slice %arg16[%dma_wait3A_228, %dma_wait3A_229] : memref<10240x64xf32, #tpu.memory_space<vmem_shared>> -> memref<10240x64xf32, #tpu.memory_space<vmem_shared>>
    tpu.wait_indirect_dma semaphore(%arg25 : memref<!tpu.dma_semaphore, #tpu.memory_space<semaphore_mem>>) src(%arg8 : memref<80x64xf32, #tpu.memory_space<vmem>>) dst(%dma_wait3A_230 : memref<10240x64xf32, #tpu.memory_space<vmem_shared>>)
    %dma_wait3A_231 = arith.constant 121 : i32
    %dma_wait3A_232 = arith.constant 0 : i32
    %dma_wait3A_233 = tpu.memref_slice %arg7[%dma_wait3A_231, %dma_wait3A_232] : memref<125x80xi32, #tpu.memory_space<vmem>> -> memref<1x80xi32, #tpu.memory_space<vmem>>
    %dma_wait3A_234 = tpu.memref_squeeze %dma_wait3A_233 : memref<1x80xi32, #tpu.memory_space<vmem>> -> memref<80xi32, #tpu.memory_space<vmem>>
    %dma_wait3A_235 = arith.constant 0 : i32
    %dma_wait3A_236 = arith.constant 0 : i32
    %dma_wait3A_237 = tpu.memref_slice %arg16[%dma_wait3A_235, %dma_wait3A_236] : memref<10240x64xf32, #tpu.memory_space<vmem_shared>> -> memref<10240x64xf32, #tpu.memory_space<vmem_shared>>
    tpu.wait_indirect_dma semaphore(%arg26 : memref<!tpu.dma_semaphore, #tpu.memory_space<semaphore_mem>>) src(%arg9 : memref<80x64xf32, #tpu.memory_space<vmem>>) dst(%dma_wait3A_237 : memref<10240x64xf32, #tpu.memory_space<vmem_shared>>)
    %dma_wait3A_238 = arith.constant 122 : i32
    %dma_wait3A_239 = arith.constant 0 : i32
    %dma_wait3A_240 = tpu.memref_slice %arg7[%dma_wait3A_238, %dma_wait3A_239] : memref<125x80xi32, #tpu.memory_space<vmem>> -> memref<1x80xi32, #tpu.memory_space<vmem>>
    %dma_wait3A_241 = tpu.memref_squeeze %dma_wait3A_240 : memref<1x80xi32, #tpu.memory_space<vmem>> -> memref<80xi32, #tpu.memory_space<vmem>>
    %dma_wait3A_242 = arith.constant 0 : i32
    %dma_wait3A_243 = arith.constant 0 : i32
    %dma_wait3A_244 = tpu.memref_slice %arg16[%dma_wait3A_242, %dma_wait3A_243] : memref<10240x64xf32, #tpu.memory_space<vmem_shared>> -> memref<10240x64xf32, #tpu.memory_space<vmem_shared>>
    tpu.wait_indirect_dma semaphore(%arg27 : memref<!tpu.dma_semaphore, #tpu.memory_space<semaphore_mem>>) src(%arg10 : memref<80x64xf32, #tpu.memory_space<vmem>>) dst(%dma_wait3A_244 : memref<10240x64xf32, #tpu.memory_space<vmem_shared>>)
    %dma_wait3A_245 = arith.constant 123 : i32
    %dma_wait3A_246 = arith.constant 0 : i32
    %dma_wait3A_247 = tpu.memref_slice %arg7[%dma_wait3A_245, %dma_wait3A_246] : memref<125x80xi32, #tpu.memory_space<vmem>> -> memref<1x80xi32, #tpu.memory_space<vmem>>
    %dma_wait3A_248 = tpu.memref_squeeze %dma_wait3A_247 : memref<1x80xi32, #tpu.memory_space<vmem>> -> memref<80xi32, #tpu.memory_space<vmem>>
    %dma_wait3A_249 = arith.constant 0 : i32
    %dma_wait3A_250 = arith.constant 0 : i32
    %dma_wait3A_251 = tpu.memref_slice %arg16[%dma_wait3A_249, %dma_wait3A_250] : memref<10240x64xf32, #tpu.memory_space<vmem_shared>> -> memref<10240x64xf32, #tpu.memory_space<vmem_shared>>
    tpu.wait_indirect_dma semaphore(%arg28 : memref<!tpu.dma_semaphore, #tpu.memory_space<semaphore_mem>>) src(%arg11 : memref<80x64xf32, #tpu.memory_space<vmem>>) dst(%dma_wait3A_251 : memref<10240x64xf32, #tpu.memory_space<vmem_shared>>)
    %dma_wait3A_252 = arith.constant 124 : i32
    %dma_wait3A_253 = arith.constant 0 : i32
    %dma_wait3A_254 = tpu.memref_slice %arg7[%dma_wait3A_252, %dma_wait3A_253] : memref<125x80xi32, #tpu.memory_space<vmem>> -> memref<1x80xi32, #tpu.memory_space<vmem>>
    %dma_wait3A_255 = tpu.memref_squeeze %dma_wait3A_254 : memref<1x80xi32, #tpu.memory_space<vmem>> -> memref<80xi32, #tpu.memory_space<vmem>>
    %dma_wait3A_256 = arith.constant 0 : i32
    %dma_wait3A_257 = arith.constant 0 : i32
    %dma_wait3A_258 = tpu.memref_slice %arg16[%dma_wait3A_256, %dma_wait3A_257] : memref<10240x64xf32, #tpu.memory_space<vmem_shared>> -> memref<10240x64xf32, #tpu.memory_space<vmem_shared>>
    tpu.wait_indirect_dma semaphore(%arg29 : memref<!tpu.dma_semaphore, #tpu.memory_space<semaphore_mem>>) src(%arg12 : memref<80x64xf32, #tpu.memory_space<vmem>>) dst(%dma_wait3A_258 : memref<10240x64xf32, #tpu.memory_space<vmem_shared>>)
    %barrier3A_259 = arith.constant 0 : index
    tpu.barrier barrier_id(%barrier3A_259)
    %mul3A_260 = arith.constant 640 : i32
    %mul3A_261 = arith.muli %arg1, %mul3A_260 : i32
    %mul3A_262 = arith.constant 640 : i32
    %mul3A_263 = arith.muli %arg1, %mul3A_262 : i32
    "tpu.region"() ({
      %run_scoped3A_264 = tpu.sem_alloc : memref<!tpu.dma_semaphore, #tpu.memory_space<semaphore_mem>>
      %dma_start3A_265 = arith.constant 0 : i32
      %dma_start3A_266 = tpu.memref_slice %arg5[%arg0, %mul3A_263, %dma_start3A_265] : memref<2x10240x64xf32, #tpu.memory_space<hbm>> -> memref<1x640x64xf32, #tpu.memory_space<hbm>>
      %dma_start3A_267 = tpu.memref_squeeze %dma_start3A_266 : memref<1x640x64xf32, #tpu.memory_space<hbm>> -> memref<640x64xf32, #tpu.memory_space<hbm>>
      %dma_start3A_268 = arith.constant 0 : i32
      %dma_start3A_269 = tpu.memref_slice %arg16[%mul3A_261, %dma_start3A_268] : memref<10240x64xf32, #tpu.memory_space<vmem_shared>> -> memref<640x64xf32, #tpu.memory_space<vmem_shared>>
      tpu.enqueue_dma source(%dma_start3A_269 : memref<640x64xf32, #tpu.memory_space<vmem_shared>>) target(%dma_start3A_267 : memref<640x64xf32, #tpu.memory_space<hbm>>) target_semaphore(%run_scoped3A_264 : memref<!tpu.dma_semaphore, #tpu.memory_space<semaphore_mem>>)
      %dma_wait3A_270 = arith.constant 0 : i32
      %dma_wait3A_271 = tpu.memref_slice %arg5[%arg0, %mul3A_263, %dma_wait3A_270] : memref<2x10240x64xf32, #tpu.memory_space<hbm>> -> memref<1x640x64xf32, #tpu.memory_space<hbm>>
      %dma_wait3A_272 = tpu.memref_squeeze %dma_wait3A_271 : memref<1x640x64xf32, #tpu.memory_space<hbm>> -> memref<640x64xf32, #tpu.memory_space<hbm>>
      %dma_wait3A_273 = arith.constant 0 : i32
      %dma_wait3A_274 = tpu.memref_slice %arg16[%mul3A_261, %dma_wait3A_273] : memref<10240x64xf32, #tpu.memory_space<vmem_shared>> -> memref<640x64xf32, #tpu.memory_space<vmem_shared>>
      tpu.wait_dma2 semaphore(%run_scoped3A_264 : memref<!tpu.dma_semaphore, #tpu.memory_space<semaphore_mem>>) src(%dma_wait3A_274 : memref<640x64xf32, #tpu.memory_space<vmem_shared>>) dst(%dma_wait3A_272 : memref<640x64xf32, #tpu.memory_space<hbm>>)
      tpu.yield
    }) : () -> ()
    return
  }
}

#map = affine_map<(d0, d1) -> (0, 0)>
#map1 = affine_map<(d0, d1) -> (0, 0, 0, 0, 0)>
#map2 = affine_map<(d0, d1) -> (0, 0, 0)>
module attributes {stable_mosaic.version = 14 : i64} {
  func.func @_sc_scatter(%arg0: i32, %arg1: i32, %arg2: memref<10000x64xf32, #tpu.memory_space<hbm>>, %arg3: memref<2x2x16x125x80xi32, #tpu.memory_space<hbm>>, %arg4: memref<10240x64xf32, #tpu.memory_space<hbm>>, %arg5: memref<2x10240x64xf32, #tpu.memory_space<hbm>>, %arg6: memref<125x80xi32, #tpu.memory_space<vmem>>, %arg7: memref<125x80xi32, #tpu.memory_space<vmem>>, %arg8: memref<80x64xf32, #tpu.memory_space<vmem>>, %arg9: memref<80x64xf32, #tpu.memory_space<vmem>>, %arg10: memref<80x64xf32, #tpu.memory_space<vmem>>, %arg11: memref<80x64xf32, #tpu.memory_space<vmem>>, %arg12: memref<80x64xf32, #tpu.memory_space<vmem>>, %arg13: memref<80x64xf32, #tpu.memory_space<vmem>>, %arg14: memref<80x64xf32, #tpu.memory_space<vmem>>, %arg15: memref<80x64xf32, #tpu.memory_space<vmem>>, %arg16: memref<10240x64xf32, #tpu.memory_space<vmem_shared>>, %arg17: memref<!tpu.dma_semaphore, #tpu.memory_space<semaphore_mem>>, %arg18: memref<!tpu.dma_semaphore, #tpu.memory_space<semaphore_mem>>, %arg19: memref<!tpu.dma_semaphore, #tpu.memory_space<semaphore_mem>>, %arg20: memref<!tpu.dma_semaphore, #tpu.memory_space<semaphore_mem>>, %arg21: memref<!tpu.dma_semaphore, #tpu.memory_space<semaphore_mem>>, %arg22: memref<!tpu.dma_semaphore, #tpu.memory_space<semaphore_mem>>, %arg23: memref<!tpu.dma_semaphore, #tpu.memory_space<semaphore_mem>>, %arg24: memref<!tpu.dma_semaphore, #tpu.memory_space<semaphore_mem>>, %arg25: memref<!tpu.dma_semaphore, #tpu.memory_space<semaphore_mem>>, %arg26: memref<!tpu.dma_semaphore, #tpu.memory_space<semaphore_mem>>, %arg27: memref<!tpu.dma_semaphore, #tpu.memory_space<semaphore_mem>>, %arg28: memref<!tpu.dma_semaphore, #tpu.memory_space<semaphore_mem>>, %arg29: memref<!tpu.dma_semaphore, #tpu.memory_space<semaphore_mem>>, %arg30: memref<!tpu.dma_semaphore, #tpu.memory_space<semaphore_mem>>, %arg31: memref<!tpu.dma_semaphore, #tpu.memory_space<semaphore_mem>>, %arg32: memref<!tpu.dma_semaphore, #tpu.memory_space<semaphore_mem>>) attributes {dimension_semantics = [#tpu.dimension_semantics<core_parallel>, #tpu.dimension_semantics<subcore_parallel>], iteration_bounds = array<i64: 2, 16>, scalar_prefetch = 0 : i64, scratch_operands = 27 : i64, tpu.core_type = #tpu.core_type<sc_vector_subcore>, window_params = [{transform_indices = #map}, {transform_indices = #map1}, {transform_indices = #map}, {transform_indices = #map2}]} {
    %mul3A = arith.constant 640 : i32
    %mul3A_0 = arith.muli %arg1, %mul3A : i32
    %mul3A_1 = arith.constant 640 : i32
    %mul3A_2 = arith.muli %arg1, %mul3A_1 : i32
    "tpu.region"() ({
      %run_scoped3A_264 = tpu.sem_alloc : memref<!tpu.dma_semaphore, #tpu.memory_space<semaphore_mem>>
      %dma_start3A_265 = arith.constant 0 : i32
      %dma_start3A_266 = tpu.memref_slice %arg16[%mul3A_2, %dma_start3A_265] : memref<10240x64xf32, #tpu.memory_space<vmem_shared>> -> memref<640x64xf32, #tpu.memory_space<vmem_shared>>
      %dma_start3A_267 = arith.constant 0 : i32
      %dma_start3A_268 = tpu.memref_slice %arg4[%mul3A_0, %dma_start3A_267] : memref<10240x64xf32, #tpu.memory_space<hbm>> -> memref<640x64xf32, #tpu.memory_space<hbm>>
      tpu.enqueue_dma source(%dma_start3A_268 : memref<640x64xf32, #tpu.memory_space<hbm>>) target(%dma_start3A_266 : memref<640x64xf32, #tpu.memory_space<vmem_shared>>) target_semaphore(%run_scoped3A_264 : memref<!tpu.dma_semaphore, #tpu.memory_space<semaphore_mem>>)
      %dma_wait3A_269 = arith.constant 0 : i32
      %dma_wait3A_270 = tpu.memref_slice %arg16[%mul3A_2, %dma_wait3A_269] : memref<10240x64xf32, #tpu.memory_space<vmem_shared>> -> memref<640x64xf32, #tpu.memory_space<vmem_shared>>
      %dma_wait3A_271 = arith.constant 0 : i32
      %dma_wait3A_272 = tpu.memref_slice %arg4[%mul3A_0, %dma_wait3A_271] : memref<10240x64xf32, #tpu.memory_space<hbm>> -> memref<640x64xf32, #tpu.memory_space<hbm>>
      tpu.wait_dma2 semaphore(%run_scoped3A_264 : memref<!tpu.dma_semaphore, #tpu.memory_space<semaphore_mem>>) src(%dma_wait3A_272 : memref<640x64xf32, #tpu.memory_space<hbm>>) dst(%dma_wait3A_270 : memref<640x64xf32, #tpu.memory_space<vmem_shared>>)
      tpu.yield
    }) : () -> ()
    %run_scoped3A = arith.constant 0 : i32
    "tpu.region"() ({
      %run_scoped3A_264 = tpu.sem_alloc : memref<!tpu.dma_semaphore, #tpu.memory_space<semaphore_mem>>
      %dma_start3A_265 = arith.constant 0 : i32
      %dma_start3A_266 = arith.constant 0 : i32
      %dma_start3A_267 = tpu.memref_slice %arg3[%run_scoped3A, %arg0, %arg1, %dma_start3A_265, %dma_start3A_266] : memref<2x2x16x125x80xi32, #tpu.memory_space<hbm>> -> memref<1x1x1x125x80xi32, #tpu.memory_space<hbm>>
      %dma_start3A_268 = tpu.memref_squeeze %dma_start3A_267 : memref<1x1x1x125x80xi32, #tpu.memory_space<hbm>> -> memref<125x80xi32, #tpu.memory_space<hbm>>
      %dma_start3A_269 = arith.constant 0 : i32
      %dma_start3A_270 = arith.constant 0 : i32
      %dma_start3A_271 = tpu.memref_slice %arg3[%run_scoped3A, %arg0, %arg1, %dma_start3A_269, %dma_start3A_270] : memref<2x2x16x125x80xi32, #tpu.memory_space<hbm>> -> memref<1x1x1x125x80xi32, #tpu.memory_space<hbm>>
      %dma_start3A_272 = tpu.memref_squeeze %dma_start3A_271 : memref<1x1x1x125x80xi32, #tpu.memory_space<hbm>> -> memref<125x80xi32, #tpu.memory_space<hbm>>
      tpu.enqueue_dma source(%dma_start3A_272 : memref<125x80xi32, #tpu.memory_space<hbm>>) target(%arg6 : memref<125x80xi32, #tpu.memory_space<vmem>>) target_semaphore(%run_scoped3A_264 : memref<!tpu.dma_semaphore, #tpu.memory_space<semaphore_mem>>)
      %dma_wait3A_273 = arith.constant 0 : i32
      %dma_wait3A_274 = arith.constant 0 : i32
      %dma_wait3A_275 = tpu.memref_slice %arg3[%run_scoped3A, %arg0, %arg1, %dma_wait3A_273, %dma_wait3A_274] : memref<2x2x16x125x80xi32, #tpu.memory_space<hbm>> -> memref<1x1x1x125x80xi32, #tpu.memory_space<hbm>>
      %dma_wait3A_276 = tpu.memref_squeeze %dma_wait3A_275 : memref<1x1x1x125x80xi32, #tpu.memory_space<hbm>> -> memref<125x80xi32, #tpu.memory_space<hbm>>
      %dma_wait3A_277 = arith.constant 0 : i32
      %dma_wait3A_278 = arith.constant 0 : i32
      %dma_wait3A_279 = tpu.memref_slice %arg3[%run_scoped3A, %arg0, %arg1, %dma_wait3A_277, %dma_wait3A_278] : memref<2x2x16x125x80xi32, #tpu.memory_space<hbm>> -> memref<1x1x1x125x80xi32, #tpu.memory_space<hbm>>
      %dma_wait3A_280 = tpu.memref_squeeze %dma_wait3A_279 : memref<1x1x1x125x80xi32, #tpu.memory_space<hbm>> -> memref<125x80xi32, #tpu.memory_space<hbm>>
      tpu.wait_dma2 semaphore(%run_scoped3A_264 : memref<!tpu.dma_semaphore, #tpu.memory_space<semaphore_mem>>) src(%dma_wait3A_280 : memref<125x80xi32, #tpu.memory_space<hbm>>) dst(%arg6 : memref<125x80xi32, #tpu.memory_space<vmem>>)
      tpu.yield
    }) : () -> ()
    %run_scoped3A_3 = arith.constant 1 : i32
    "tpu.region"() ({
      %run_scoped3A_264 = tpu.sem_alloc : memref<!tpu.dma_semaphore, #tpu.memory_space<semaphore_mem>>
      %dma_start3A_265 = arith.constant 0 : i32
      %dma_start3A_266 = arith.constant 0 : i32
      %dma_start3A_267 = tpu.memref_slice %arg3[%run_scoped3A_3, %arg0, %arg1, %dma_start3A_265, %dma_start3A_266] : memref<2x2x16x125x80xi32, #tpu.memory_space<hbm>> -> memref<1x1x1x125x80xi32, #tpu.memory_space<hbm>>
      %dma_start3A_268 = tpu.memref_squeeze %dma_start3A_267 : memref<1x1x1x125x80xi32, #tpu.memory_space<hbm>> -> memref<125x80xi32, #tpu.memory_space<hbm>>
      %dma_start3A_269 = arith.constant 0 : i32
      %dma_start3A_270 = arith.constant 0 : i32
      %dma_start3A_271 = tpu.memref_slice %arg3[%run_scoped3A_3, %arg0, %arg1, %dma_start3A_269, %dma_start3A_270] : memref<2x2x16x125x80xi32, #tpu.memory_space<hbm>> -> memref<1x1x1x125x80xi32, #tpu.memory_space<hbm>>
      %dma_start3A_272 = tpu.memref_squeeze %dma_start3A_271 : memref<1x1x1x125x80xi32, #tpu.memory_space<hbm>> -> memref<125x80xi32, #tpu.memory_space<hbm>>
      tpu.enqueue_dma source(%dma_start3A_272 : memref<125x80xi32, #tpu.memory_space<hbm>>) target(%arg7 : memref<125x80xi32, #tpu.memory_space<vmem>>) target_semaphore(%run_scoped3A_264 : memref<!tpu.dma_semaphore, #tpu.memory_space<semaphore_mem>>)
      %dma_wait3A_273 = arith.constant 0 : i32
      %dma_wait3A_274 = arith.constant 0 : i32
      %dma_wait3A_275 = tpu.memref_slice %arg3[%run_scoped3A_3, %arg0, %arg1, %dma_wait3A_273, %dma_wait3A_274] : memref<2x2x16x125x80xi32, #tpu.memory_space<hbm>> -> memref<1x1x1x125x80xi32, #tpu.memory_space<hbm>>
      %dma_wait3A_276 = tpu.memref_squeeze %dma_wait3A_275 : memref<1x1x1x125x80xi32, #tpu.memory_space<hbm>> -> memref<125x80xi32, #tpu.memory_space<hbm>>
      %dma_wait3A_277 = arith.constant 0 : i32
      %dma_wait3A_278 = arith.constant 0 : i32
      %dma_wait3A_279 = tpu.memref_slice %arg3[%run_scoped3A_3, %arg0, %arg1, %dma_wait3A_277, %dma_wait3A_278] : memref<2x2x16x125x80xi32, #tpu.memory_space<hbm>> -> memref<1x1x1x125x80xi32, #tpu.memory_space<hbm>>
      %dma_wait3A_280 = tpu.memref_squeeze %dma_wait3A_279 : memref<1x1x1x125x80xi32, #tpu.memory_space<hbm>> -> memref<125x80xi32, #tpu.memory_space<hbm>>
      tpu.wait_dma2 semaphore(%run_scoped3A_264 : memref<!tpu.dma_semaphore, #tpu.memory_space<semaphore_mem>>) src(%dma_wait3A_280 : memref<125x80xi32, #tpu.memory_space<hbm>>) dst(%arg7 : memref<125x80xi32, #tpu.memory_space<vmem>>)
      tpu.yield
    }) : () -> ()
    %barrier3A = arith.constant 0 : index
    tpu.barrier barrier_id(%barrier3A)
    %dma_start3A = arith.constant 0 : i32
    %dma_start3A_4 = arith.constant 0 : i32
    %dma_start3A_5 = tpu.memref_slice %arg6[%dma_start3A, %dma_start3A_4] : memref<125x80xi32, #tpu.memory_space<vmem>> -> memref<1x80xi32, #tpu.memory_space<vmem>>
    %dma_start3A_6 = tpu.memref_squeeze %dma_start3A_5 : memref<1x80xi32, #tpu.memory_space<vmem>> -> memref<80xi32, #tpu.memory_space<vmem>>
    %dma_start3A_7 = arith.constant 0 : i32
    %dma_start3A_8 = arith.constant 0 : i32
    %dma_start3A_9 = tpu.memref_slice %arg2[%dma_start3A_7, %dma_start3A_8] : memref<10000x64xf32, #tpu.memory_space<hbm>> -> memref<10000x64xf32, #tpu.memory_space<hbm>>
    tpu.enqueue_indirect_dma source(%dma_start3A_9 : memref<10000x64xf32, #tpu.memory_space<hbm>>) target(%arg8 : memref<80x64xf32, #tpu.memory_space<vmem>>) offsets(%dma_start3A_6 : memref<80xi32, #tpu.memory_space<vmem>>) semaphore(%arg17 : memref<!tpu.dma_semaphore, #tpu.memory_space<semaphore_mem>>)
    %dma_start3A_10 = arith.constant 1 : i32
    %dma_start3A_11 = arith.constant 0 : i32
    %dma_start3A_12 = tpu.memref_slice %arg6[%dma_start3A_10, %dma_start3A_11] : memref<125x80xi32, #tpu.memory_space<vmem>> -> memref<1x80xi32, #tpu.memory_space<vmem>>
    %dma_start3A_13 = tpu.memref_squeeze %dma_start3A_12 : memref<1x80xi32, #tpu.memory_space<vmem>> -> memref<80xi32, #tpu.memory_space<vmem>>
    %dma_start3A_14 = arith.constant 0 : i32
    %dma_start3A_15 = arith.constant 0 : i32
    %dma_start3A_16 = tpu.memref_slice %arg2[%dma_start3A_14, %dma_start3A_15] : memref<10000x64xf32, #tpu.memory_space<hbm>> -> memref<10000x64xf32, #tpu.memory_space<hbm>>
    tpu.enqueue_indirect_dma source(%dma_start3A_16 : memref<10000x64xf32, #tpu.memory_space<hbm>>) target(%arg9 : memref<80x64xf32, #tpu.memory_space<vmem>>) offsets(%dma_start3A_13 : memref<80xi32, #tpu.memory_space<vmem>>) semaphore(%arg18 : memref<!tpu.dma_semaphore, #tpu.memory_space<semaphore_mem>>)
    %dma_start3A_17 = arith.constant 2 : i32
    %dma_start3A_18 = arith.constant 0 : i32
    %dma_start3A_19 = tpu.memref_slice %arg6[%dma_start3A_17, %dma_start3A_18] : memref<125x80xi32, #tpu.memory_space<vmem>> -> memref<1x80xi32, #tpu.memory_space<vmem>>
    %dma_start3A_20 = tpu.memref_squeeze %dma_start3A_19 : memref<1x80xi32, #tpu.memory_space<vmem>> -> memref<80xi32, #tpu.memory_space<vmem>>
    %dma_start3A_21 = arith.constant 0 : i32
    %dma_start3A_22 = arith.constant 0 : i32
    %dma_start3A_23 = tpu.memref_slice %arg2[%dma_start3A_21, %dma_start3A_22] : memref<10000x64xf32, #tpu.memory_space<hbm>> -> memref<10000x64xf32, #tpu.memory_space<hbm>>
    tpu.enqueue_indirect_dma source(%dma_start3A_23 : memref<10000x64xf32, #tpu.memory_space<hbm>>) target(%arg10 : memref<80x64xf32, #tpu.memory_space<vmem>>) offsets(%dma_start3A_20 : memref<80xi32, #tpu.memory_space<vmem>>) semaphore(%arg19 : memref<!tpu.dma_semaphore, #tpu.memory_space<semaphore_mem>>)
    %dma_start3A_24 = arith.constant 3 : i32
    %dma_start3A_25 = arith.constant 0 : i32
    %dma_start3A_26 = tpu.memref_slice %arg6[%dma_start3A_24, %dma_start3A_25] : memref<125x80xi32, #tpu.memory_space<vmem>> -> memref<1x80xi32, #tpu.memory_space<vmem>>
    %dma_start3A_27 = tpu.memref_squeeze %dma_start3A_26 : memref<1x80xi32, #tpu.memory_space<vmem>> -> memref<80xi32, #tpu.memory_space<vmem>>
    %dma_start3A_28 = arith.constant 0 : i32
    %dma_start3A_29 = arith.constant 0 : i32
    %dma_start3A_30 = tpu.memref_slice %arg2[%dma_start3A_28, %dma_start3A_29] : memref<10000x64xf32, #tpu.memory_space<hbm>> -> memref<10000x64xf32, #tpu.memory_space<hbm>>
    tpu.enqueue_indirect_dma source(%dma_start3A_30 : memref<10000x64xf32, #tpu.memory_space<hbm>>) target(%arg11 : memref<80x64xf32, #tpu.memory_space<vmem>>) offsets(%dma_start3A_27 : memref<80xi32, #tpu.memory_space<vmem>>) semaphore(%arg20 : memref<!tpu.dma_semaphore, #tpu.memory_space<semaphore_mem>>)
    %dma_start3A_31 = arith.constant 4 : i32
    %dma_start3A_32 = arith.constant 0 : i32
    %dma_start3A_33 = tpu.memref_slice %arg6[%dma_start3A_31, %dma_start3A_32] : memref<125x80xi32, #tpu.memory_space<vmem>> -> memref<1x80xi32, #tpu.memory_space<vmem>>
    %dma_start3A_34 = tpu.memref_squeeze %dma_start3A_33 : memref<1x80xi32, #tpu.memory_space<vmem>> -> memref<80xi32, #tpu.memory_space<vmem>>
    %dma_start3A_35 = arith.constant 0 : i32
    %dma_start3A_36 = arith.constant 0 : i32
    %dma_start3A_37 = tpu.memref_slice %arg2[%dma_start3A_35, %dma_start3A_36] : memref<10000x64xf32, #tpu.memory_space<hbm>> -> memref<10000x64xf32, #tpu.memory_space<hbm>>
    tpu.enqueue_indirect_dma source(%dma_start3A_37 : memref<10000x64xf32, #tpu.memory_space<hbm>>) target(%arg12 : memref<80x64xf32, #tpu.memory_space<vmem>>) offsets(%dma_start3A_34 : memref<80xi32, #tpu.memory_space<vmem>>) semaphore(%arg21 : memref<!tpu.dma_semaphore, #tpu.memory_space<semaphore_mem>>)
    %dma_start3A_38 = arith.constant 5 : i32
    %dma_start3A_39 = arith.constant 0 : i32
    %dma_start3A_40 = tpu.memref_slice %arg6[%dma_start3A_38, %dma_start3A_39] : memref<125x80xi32, #tpu.memory_space<vmem>> -> memref<1x80xi32, #tpu.memory_space<vmem>>
    %dma_start3A_41 = tpu.memref_squeeze %dma_start3A_40 : memref<1x80xi32, #tpu.memory_space<vmem>> -> memref<80xi32, #tpu.memory_space<vmem>>
    %dma_start3A_42 = arith.constant 0 : i32
    %dma_start3A_43 = arith.constant 0 : i32
    %dma_start3A_44 = tpu.memref_slice %arg2[%dma_start3A_42, %dma_start3A_43] : memref<10000x64xf32, #tpu.memory_space<hbm>> -> memref<10000x64xf32, #tpu.memory_space<hbm>>
    tpu.enqueue_indirect_dma source(%dma_start3A_44 : memref<10000x64xf32, #tpu.memory_space<hbm>>) target(%arg13 : memref<80x64xf32, #tpu.memory_space<vmem>>) offsets(%dma_start3A_41 : memref<80xi32, #tpu.memory_space<vmem>>) semaphore(%arg22 : memref<!tpu.dma_semaphore, #tpu.memory_space<semaphore_mem>>)
    %dma_start3A_45 = arith.constant 6 : i32
    %dma_start3A_46 = arith.constant 0 : i32
    %dma_start3A_47 = tpu.memref_slice %arg6[%dma_start3A_45, %dma_start3A_46] : memref<125x80xi32, #tpu.memory_space<vmem>> -> memref<1x80xi32, #tpu.memory_space<vmem>>
    %dma_start3A_48 = tpu.memref_squeeze %dma_start3A_47 : memref<1x80xi32, #tpu.memory_space<vmem>> -> memref<80xi32, #tpu.memory_space<vmem>>
    %dma_start3A_49 = arith.constant 0 : i32
    %dma_start3A_50 = arith.constant 0 : i32
    %dma_start3A_51 = tpu.memref_slice %arg2[%dma_start3A_49, %dma_start3A_50] : memref<10000x64xf32, #tpu.memory_space<hbm>> -> memref<10000x64xf32, #tpu.memory_space<hbm>>
    tpu.enqueue_indirect_dma source(%dma_start3A_51 : memref<10000x64xf32, #tpu.memory_space<hbm>>) target(%arg14 : memref<80x64xf32, #tpu.memory_space<vmem>>) offsets(%dma_start3A_48 : memref<80xi32, #tpu.memory_space<vmem>>) semaphore(%arg23 : memref<!tpu.dma_semaphore, #tpu.memory_space<semaphore_mem>>)
    %dma_start3A_52 = arith.constant 7 : i32
    %dma_start3A_53 = arith.constant 0 : i32
    %dma_start3A_54 = tpu.memref_slice %arg6[%dma_start3A_52, %dma_start3A_53] : memref<125x80xi32, #tpu.memory_space<vmem>> -> memref<1x80xi32, #tpu.memory_space<vmem>>
    %dma_start3A_55 = tpu.memref_squeeze %dma_start3A_54 : memref<1x80xi32, #tpu.memory_space<vmem>> -> memref<80xi32, #tpu.memory_space<vmem>>
    %dma_start3A_56 = arith.constant 0 : i32
    %dma_start3A_57 = arith.constant 0 : i32
    %dma_start3A_58 = tpu.memref_slice %arg2[%dma_start3A_56, %dma_start3A_57] : memref<10000x64xf32, #tpu.memory_space<hbm>> -> memref<10000x64xf32, #tpu.memory_space<hbm>>
    tpu.enqueue_indirect_dma source(%dma_start3A_58 : memref<10000x64xf32, #tpu.memory_space<hbm>>) target(%arg15 : memref<80x64xf32, #tpu.memory_space<vmem>>) offsets(%dma_start3A_55 : memref<80xi32, #tpu.memory_space<vmem>>) semaphore(%arg24 : memref<!tpu.dma_semaphore, #tpu.memory_space<semaphore_mem>>)
    %scan3A = arith.constant 0 : i32
    %scan3A_59 = arith.constant 0 : i32
    %scan3A_60 = arith.constant 15 : i32
    %scan3A_61 = arith.addi %scan3A_59, %scan3A_60 : i32
    %scan3A_62 = arith.constant 1 : i32
    scf.for %scan3A_264 = %scan3A_59 to %scan3A_61 step %scan3A_62  : i32 {
      %mul3A_265 = arith.constant 8 : i32
      %mul3A_266 = arith.muli %mul3A_265, %scan3A_264 : i32
      %add3A = arith.constant 0 : i32
      %add3A_267 = arith.addi %mul3A_266, %add3A : i32
      %dma_wait3A_268 = arith.constant 0 : i32
      %dma_wait3A_269 = tpu.memref_slice %arg6[%add3A_267, %dma_wait3A_268] : memref<125x80xi32, #tpu.memory_space<vmem>> -> memref<1x80xi32, #tpu.memory_space<vmem>>
      %dma_wait3A_270 = tpu.memref_squeeze %dma_wait3A_269 : memref<1x80xi32, #tpu.memory_space<vmem>> -> memref<80xi32, #tpu.memory_space<vmem>>
      %dma_wait3A_271 = arith.constant 0 : i32
      %dma_wait3A_272 = arith.constant 0 : i32
      %dma_wait3A_273 = tpu.memref_slice %arg2[%dma_wait3A_271, %dma_wait3A_272] : memref<10000x64xf32, #tpu.memory_space<hbm>> -> memref<10000x64xf32, #tpu.memory_space<hbm>>
      tpu.wait_indirect_dma semaphore(%arg17 : memref<!tpu.dma_semaphore, #tpu.memory_space<semaphore_mem>>) src(%dma_wait3A_273 : memref<10000x64xf32, #tpu.memory_space<hbm>>) dst(%arg8 : memref<80x64xf32, #tpu.memory_space<vmem>>)
      %dma_start3A_274 = arith.constant 0 : i32
      %dma_start3A_275 = tpu.memref_slice %arg7[%add3A_267, %dma_start3A_274] : memref<125x80xi32, #tpu.memory_space<vmem>> -> memref<1x80xi32, #tpu.memory_space<vmem>>
      %dma_start3A_276 = tpu.memref_squeeze %dma_start3A_275 : memref<1x80xi32, #tpu.memory_space<vmem>> -> memref<80xi32, #tpu.memory_space<vmem>>
      %dma_start3A_277 = arith.constant 0 : i32
      %dma_start3A_278 = arith.constant 0 : i32
      %dma_start3A_279 = tpu.memref_slice %arg16[%dma_start3A_277, %dma_start3A_278] : memref<10240x64xf32, #tpu.memory_space<vmem_shared>> -> memref<10240x64xf32, #tpu.memory_space<vmem_shared>>
      tpu.enqueue_indirect_dma source(%arg8 : memref<80x64xf32, #tpu.memory_space<vmem>>) target(%dma_start3A_279 : memref<10240x64xf32, #tpu.memory_space<vmem_shared>>) offsets(%dma_start3A_276 : memref<80xi32, #tpu.memory_space<vmem>>) semaphore(%arg25 : memref<!tpu.dma_semaphore, #tpu.memory_space<semaphore_mem>>) {add = true}
      %mul3A_280 = arith.constant 8 : i32
      %mul3A_281 = arith.muli %mul3A_280, %scan3A_264 : i32
      %add3A_282 = arith.constant 1 : i32
      %add3A_283 = arith.addi %mul3A_281, %add3A_282 : i32
      %dma_wait3A_284 = arith.constant 0 : i32
      %dma_wait3A_285 = tpu.memref_slice %arg6[%add3A_283, %dma_wait3A_284] : memref<125x80xi32, #tpu.memory_space<vmem>> -> memref<1x80xi32, #tpu.memory_space<vmem>>
      %dma_wait3A_286 = tpu.memref_squeeze %dma_wait3A_285 : memref<1x80xi32, #tpu.memory_space<vmem>> -> memref<80xi32, #tpu.memory_space<vmem>>
      %dma_wait3A_287 = arith.constant 0 : i32
      %dma_wait3A_288 = arith.constant 0 : i32
      %dma_wait3A_289 = tpu.memref_slice %arg2[%dma_wait3A_287, %dma_wait3A_288] : memref<10000x64xf32, #tpu.memory_space<hbm>> -> memref<10000x64xf32, #tpu.memory_space<hbm>>
      tpu.wait_indirect_dma semaphore(%arg18 : memref<!tpu.dma_semaphore, #tpu.memory_space<semaphore_mem>>) src(%dma_wait3A_289 : memref<10000x64xf32, #tpu.memory_space<hbm>>) dst(%arg9 : memref<80x64xf32, #tpu.memory_space<vmem>>)
      %dma_start3A_290 = arith.constant 0 : i32
      %dma_start3A_291 = tpu.memref_slice %arg7[%add3A_283, %dma_start3A_290] : memref<125x80xi32, #tpu.memory_space<vmem>> -> memref<1x80xi32, #tpu.memory_space<vmem>>
      %dma_start3A_292 = tpu.memref_squeeze %dma_start3A_291 : memref<1x80xi32, #tpu.memory_space<vmem>> -> memref<80xi32, #tpu.memory_space<vmem>>
      %dma_start3A_293 = arith.constant 0 : i32
      %dma_start3A_294 = arith.constant 0 : i32
      %dma_start3A_295 = tpu.memref_slice %arg16[%dma_start3A_293, %dma_start3A_294] : memref<10240x64xf32, #tpu.memory_space<vmem_shared>> -> memref<10240x64xf32, #tpu.memory_space<vmem_shared>>
      tpu.enqueue_indirect_dma source(%arg9 : memref<80x64xf32, #tpu.memory_space<vmem>>) target(%dma_start3A_295 : memref<10240x64xf32, #tpu.memory_space<vmem_shared>>) offsets(%dma_start3A_292 : memref<80xi32, #tpu.memory_space<vmem>>) semaphore(%arg26 : memref<!tpu.dma_semaphore, #tpu.memory_space<semaphore_mem>>) {add = true}
      %mul3A_296 = arith.constant 8 : i32
      %mul3A_297 = arith.muli %mul3A_296, %scan3A_264 : i32
      %add3A_298 = arith.constant 2 : i32
      %add3A_299 = arith.addi %mul3A_297, %add3A_298 : i32
      %dma_wait3A_300 = arith.constant 0 : i32
      %dma_wait3A_301 = tpu.memref_slice %arg6[%add3A_299, %dma_wait3A_300] : memref<125x80xi32, #tpu.memory_space<vmem>> -> memref<1x80xi32, #tpu.memory_space<vmem>>
      %dma_wait3A_302 = tpu.memref_squeeze %dma_wait3A_301 : memref<1x80xi32, #tpu.memory_space<vmem>> -> memref<80xi32, #tpu.memory_space<vmem>>
      %dma_wait3A_303 = arith.constant 0 : i32
      %dma_wait3A_304 = arith.constant 0 : i32
      %dma_wait3A_305 = tpu.memref_slice %arg2[%dma_wait3A_303, %dma_wait3A_304] : memref<10000x64xf32, #tpu.memory_space<hbm>> -> memref<10000x64xf32, #tpu.memory_space<hbm>>
      tpu.wait_indirect_dma semaphore(%arg19 : memref<!tpu.dma_semaphore, #tpu.memory_space<semaphore_mem>>) src(%dma_wait3A_305 : memref<10000x64xf32, #tpu.memory_space<hbm>>) dst(%arg10 : memref<80x64xf32, #tpu.memory_space<vmem>>)
      %dma_start3A_306 = arith.constant 0 : i32
      %dma_start3A_307 = tpu.memref_slice %arg7[%add3A_299, %dma_start3A_306] : memref<125x80xi32, #tpu.memory_space<vmem>> -> memref<1x80xi32, #tpu.memory_space<vmem>>
      %dma_start3A_308 = tpu.memref_squeeze %dma_start3A_307 : memref<1x80xi32, #tpu.memory_space<vmem>> -> memref<80xi32, #tpu.memory_space<vmem>>
      %dma_start3A_309 = arith.constant 0 : i32
      %dma_start3A_310 = arith.constant 0 : i32
      %dma_start3A_311 = tpu.memref_slice %arg16[%dma_start3A_309, %dma_start3A_310] : memref<10240x64xf32, #tpu.memory_space<vmem_shared>> -> memref<10240x64xf32, #tpu.memory_space<vmem_shared>>
      tpu.enqueue_indirect_dma source(%arg10 : memref<80x64xf32, #tpu.memory_space<vmem>>) target(%dma_start3A_311 : memref<10240x64xf32, #tpu.memory_space<vmem_shared>>) offsets(%dma_start3A_308 : memref<80xi32, #tpu.memory_space<vmem>>) semaphore(%arg27 : memref<!tpu.dma_semaphore, #tpu.memory_space<semaphore_mem>>) {add = true}
      %mul3A_312 = arith.constant 8 : i32
      %mul3A_313 = arith.muli %mul3A_312, %scan3A_264 : i32
      %add3A_314 = arith.constant 3 : i32
      %add3A_315 = arith.addi %mul3A_313, %add3A_314 : i32
      %dma_wait3A_316 = arith.constant 0 : i32
      %dma_wait3A_317 = tpu.memref_slice %arg6[%add3A_315, %dma_wait3A_316] : memref<125x80xi32, #tpu.memory_space<vmem>> -> memref<1x80xi32, #tpu.memory_space<vmem>>
      %dma_wait3A_318 = tpu.memref_squeeze %dma_wait3A_317 : memref<1x80xi32, #tpu.memory_space<vmem>> -> memref<80xi32, #tpu.memory_space<vmem>>
      %dma_wait3A_319 = arith.constant 0 : i32
      %dma_wait3A_320 = arith.constant 0 : i32
      %dma_wait3A_321 = tpu.memref_slice %arg2[%dma_wait3A_319, %dma_wait3A_320] : memref<10000x64xf32, #tpu.memory_space<hbm>> -> memref<10000x64xf32, #tpu.memory_space<hbm>>
      tpu.wait_indirect_dma semaphore(%arg20 : memref<!tpu.dma_semaphore, #tpu.memory_space<semaphore_mem>>) src(%dma_wait3A_321 : memref<10000x64xf32, #tpu.memory_space<hbm>>) dst(%arg11 : memref<80x64xf32, #tpu.memory_space<vmem>>)
      %dma_start3A_322 = arith.constant 0 : i32
      %dma_start3A_323 = tpu.memref_slice %arg7[%add3A_315, %dma_start3A_322] : memref<125x80xi32, #tpu.memory_space<vmem>> -> memref<1x80xi32, #tpu.memory_space<vmem>>
      %dma_start3A_324 = tpu.memref_squeeze %dma_start3A_323 : memref<1x80xi32, #tpu.memory_space<vmem>> -> memref<80xi32, #tpu.memory_space<vmem>>
      %dma_start3A_325 = arith.constant 0 : i32
      %dma_start3A_326 = arith.constant 0 : i32
      %dma_start3A_327 = tpu.memref_slice %arg16[%dma_start3A_325, %dma_start3A_326] : memref<10240x64xf32, #tpu.memory_space<vmem_shared>> -> memref<10240x64xf32, #tpu.memory_space<vmem_shared>>
      tpu.enqueue_indirect_dma source(%arg11 : memref<80x64xf32, #tpu.memory_space<vmem>>) target(%dma_start3A_327 : memref<10240x64xf32, #tpu.memory_space<vmem_shared>>) offsets(%dma_start3A_324 : memref<80xi32, #tpu.memory_space<vmem>>) semaphore(%arg28 : memref<!tpu.dma_semaphore, #tpu.memory_space<semaphore_mem>>) {add = true}
      %mul3A_328 = arith.constant 8 : i32
      %mul3A_329 = arith.muli %mul3A_328, %scan3A_264 : i32
      %add3A_330 = arith.constant 4 : i32
      %add3A_331 = arith.addi %mul3A_329, %add3A_330 : i32
      %dma_wait3A_332 = arith.constant 0 : i32
      %dma_wait3A_333 = tpu.memref_slice %arg6[%add3A_331, %dma_wait3A_332] : memref<125x80xi32, #tpu.memory_space<vmem>> -> memref<1x80xi32, #tpu.memory_space<vmem>>
      %dma_wait3A_334 = tpu.memref_squeeze %dma_wait3A_333 : memref<1x80xi32, #tpu.memory_space<vmem>> -> memref<80xi32, #tpu.memory_space<vmem>>
      %dma_wait3A_335 = arith.constant 0 : i32
      %dma_wait3A_336 = arith.constant 0 : i32
      %dma_wait3A_337 = tpu.memref_slice %arg2[%dma_wait3A_335, %dma_wait3A_336] : memref<10000x64xf32, #tpu.memory_space<hbm>> -> memref<10000x64xf32, #tpu.memory_space<hbm>>
      tpu.wait_indirect_dma semaphore(%arg21 : memref<!tpu.dma_semaphore, #tpu.memory_space<semaphore_mem>>) src(%dma_wait3A_337 : memref<10000x64xf32, #tpu.memory_space<hbm>>) dst(%arg12 : memref<80x64xf32, #tpu.memory_space<vmem>>)
      %dma_start3A_338 = arith.constant 0 : i32
      %dma_start3A_339 = tpu.memref_slice %arg7[%add3A_331, %dma_start3A_338] : memref<125x80xi32, #tpu.memory_space<vmem>> -> memref<1x80xi32, #tpu.memory_space<vmem>>
      %dma_start3A_340 = tpu.memref_squeeze %dma_start3A_339 : memref<1x80xi32, #tpu.memory_space<vmem>> -> memref<80xi32, #tpu.memory_space<vmem>>
      %dma_start3A_341 = arith.constant 0 : i32
      %dma_start3A_342 = arith.constant 0 : i32
      %dma_start3A_343 = tpu.memref_slice %arg16[%dma_start3A_341, %dma_start3A_342] : memref<10240x64xf32, #tpu.memory_space<vmem_shared>> -> memref<10240x64xf32, #tpu.memory_space<vmem_shared>>
      tpu.enqueue_indirect_dma source(%arg12 : memref<80x64xf32, #tpu.memory_space<vmem>>) target(%dma_start3A_343 : memref<10240x64xf32, #tpu.memory_space<vmem_shared>>) offsets(%dma_start3A_340 : memref<80xi32, #tpu.memory_space<vmem>>) semaphore(%arg29 : memref<!tpu.dma_semaphore, #tpu.memory_space<semaphore_mem>>) {add = true}
      %mul3A_344 = arith.constant 8 : i32
      %mul3A_345 = arith.muli %mul3A_344, %scan3A_264 : i32
      %add3A_346 = arith.constant 5 : i32
      %add3A_347 = arith.addi %mul3A_345, %add3A_346 : i32
      %dma_wait3A_348 = arith.constant 0 : i32
      %dma_wait3A_349 = tpu.memref_slice %arg6[%add3A_347, %dma_wait3A_348] : memref<125x80xi32, #tpu.memory_space<vmem>> -> memref<1x80xi32, #tpu.memory_space<vmem>>
      %dma_wait3A_350 = tpu.memref_squeeze %dma_wait3A_349 : memref<1x80xi32, #tpu.memory_space<vmem>> -> memref<80xi32, #tpu.memory_space<vmem>>
      %dma_wait3A_351 = arith.constant 0 : i32
      %dma_wait3A_352 = arith.constant 0 : i32
      %dma_wait3A_353 = tpu.memref_slice %arg2[%dma_wait3A_351, %dma_wait3A_352] : memref<10000x64xf32, #tpu.memory_space<hbm>> -> memref<10000x64xf32, #tpu.memory_space<hbm>>
      tpu.wait_indirect_dma semaphore(%arg22 : memref<!tpu.dma_semaphore, #tpu.memory_space<semaphore_mem>>) src(%dma_wait3A_353 : memref<10000x64xf32, #tpu.memory_space<hbm>>) dst(%arg13 : memref<80x64xf32, #tpu.memory_space<vmem>>)
      %dma_start3A_354 = arith.constant 0 : i32
      %dma_start3A_355 = tpu.memref_slice %arg7[%add3A_347, %dma_start3A_354] : memref<125x80xi32, #tpu.memory_space<vmem>> -> memref<1x80xi32, #tpu.memory_space<vmem>>
      %dma_start3A_356 = tpu.memref_squeeze %dma_start3A_355 : memref<1x80xi32, #tpu.memory_space<vmem>> -> memref<80xi32, #tpu.memory_space<vmem>>
      %dma_start3A_357 = arith.constant 0 : i32
      %dma_start3A_358 = arith.constant 0 : i32
      %dma_start3A_359 = tpu.memref_slice %arg16[%dma_start3A_357, %dma_start3A_358] : memref<10240x64xf32, #tpu.memory_space<vmem_shared>> -> memref<10240x64xf32, #tpu.memory_space<vmem_shared>>
      tpu.enqueue_indirect_dma source(%arg13 : memref<80x64xf32, #tpu.memory_space<vmem>>) target(%dma_start3A_359 : memref<10240x64xf32, #tpu.memory_space<vmem_shared>>) offsets(%dma_start3A_356 : memref<80xi32, #tpu.memory_space<vmem>>) semaphore(%arg30 : memref<!tpu.dma_semaphore, #tpu.memory_space<semaphore_mem>>) {add = true}
      %mul3A_360 = arith.constant 8 : i32
      %mul3A_361 = arith.muli %mul3A_360, %scan3A_264 : i32
      %add3A_362 = arith.constant 6 : i32
      %add3A_363 = arith.addi %mul3A_361, %add3A_362 : i32
      %dma_wait3A_364 = arith.constant 0 : i32
      %dma_wait3A_365 = tpu.memref_slice %arg6[%add3A_363, %dma_wait3A_364] : memref<125x80xi32, #tpu.memory_space<vmem>> -> memref<1x80xi32, #tpu.memory_space<vmem>>
      %dma_wait3A_366 = tpu.memref_squeeze %dma_wait3A_365 : memref<1x80xi32, #tpu.memory_space<vmem>> -> memref<80xi32, #tpu.memory_space<vmem>>
      %dma_wait3A_367 = arith.constant 0 : i32
      %dma_wait3A_368 = arith.constant 0 : i32
      %dma_wait3A_369 = tpu.memref_slice %arg2[%dma_wait3A_367, %dma_wait3A_368] : memref<10000x64xf32, #tpu.memory_space<hbm>> -> memref<10000x64xf32, #tpu.memory_space<hbm>>
      tpu.wait_indirect_dma semaphore(%arg23 : memref<!tpu.dma_semaphore, #tpu.memory_space<semaphore_mem>>) src(%dma_wait3A_369 : memref<10000x64xf32, #tpu.memory_space<hbm>>) dst(%arg14 : memref<80x64xf32, #tpu.memory_space<vmem>>)
      %dma_start3A_370 = arith.constant 0 : i32
      %dma_start3A_371 = tpu.memref_slice %arg7[%add3A_363, %dma_start3A_370] : memref<125x80xi32, #tpu.memory_space<vmem>> -> memref<1x80xi32, #tpu.memory_space<vmem>>
      %dma_start3A_372 = tpu.memref_squeeze %dma_start3A_371 : memref<1x80xi32, #tpu.memory_space<vmem>> -> memref<80xi32, #tpu.memory_space<vmem>>
      %dma_start3A_373 = arith.constant 0 : i32
      %dma_start3A_374 = arith.constant 0 : i32
      %dma_start3A_375 = tpu.memref_slice %arg16[%dma_start3A_373, %dma_start3A_374] : memref<10240x64xf32, #tpu.memory_space<vmem_shared>> -> memref<10240x64xf32, #tpu.memory_space<vmem_shared>>
      tpu.enqueue_indirect_dma source(%arg14 : memref<80x64xf32, #tpu.memory_space<vmem>>) target(%dma_start3A_375 : memref<10240x64xf32, #tpu.memory_space<vmem_shared>>) offsets(%dma_start3A_372 : memref<80xi32, #tpu.memory_space<vmem>>) semaphore(%arg31 : memref<!tpu.dma_semaphore, #tpu.memory_space<semaphore_mem>>) {add = true}
      %mul3A_376 = arith.constant 8 : i32
      %mul3A_377 = arith.muli %mul3A_376, %scan3A_264 : i32
      %add3A_378 = arith.constant 7 : i32
      %add3A_379 = arith.addi %mul3A_377, %add3A_378 : i32
      %dma_wait3A_380 = arith.constant 0 : i32
      %dma_wait3A_381 = tpu.memref_slice %arg6[%add3A_379, %dma_wait3A_380] : memref<125x80xi32, #tpu.memory_space<vmem>> -> memref<1x80xi32, #tpu.memory_space<vmem>>
      %dma_wait3A_382 = tpu.memref_squeeze %dma_wait3A_381 : memref<1x80xi32, #tpu.memory_space<vmem>> -> memref<80xi32, #tpu.memory_space<vmem>>
      %dma_wait3A_383 = arith.constant 0 : i32
      %dma_wait3A_384 = arith.constant 0 : i32
      %dma_wait3A_385 = tpu.memref_slice %arg2[%dma_wait3A_383, %dma_wait3A_384] : memref<10000x64xf32, #tpu.memory_space<hbm>> -> memref<10000x64xf32, #tpu.memory_space<hbm>>
      tpu.wait_indirect_dma semaphore(%arg24 : memref<!tpu.dma_semaphore, #tpu.memory_space<semaphore_mem>>) src(%dma_wait3A_385 : memref<10000x64xf32, #tpu.memory_space<hbm>>) dst(%arg15 : memref<80x64xf32, #tpu.memory_space<vmem>>)
      %dma_start3A_386 = arith.constant 0 : i32
      %dma_start3A_387 = tpu.memref_slice %arg7[%add3A_379, %dma_start3A_386] : memref<125x80xi32, #tpu.memory_space<vmem>> -> memref<1x80xi32, #tpu.memory_space<vmem>>
      %dma_start3A_388 = tpu.memref_squeeze %dma_start3A_387 : memref<1x80xi32, #tpu.memory_space<vmem>> -> memref<80xi32, #tpu.memory_space<vmem>>
      %dma_start3A_389 = arith.constant 0 : i32
      %dma_start3A_390 = arith.constant 0 : i32
      %dma_start3A_391 = tpu.memref_slice %arg16[%dma_start3A_389, %dma_start3A_390] : memref<10240x64xf32, #tpu.memory_space<vmem_shared>> -> memref<10240x64xf32, #tpu.memory_space<vmem_shared>>
      tpu.enqueue_indirect_dma source(%arg15 : memref<80x64xf32, #tpu.memory_space<vmem>>) target(%dma_start3A_391 : memref<10240x64xf32, #tpu.memory_space<vmem_shared>>) offsets(%dma_start3A_388 : memref<80xi32, #tpu.memory_space<vmem>>) semaphore(%arg32 : memref<!tpu.dma_semaphore, #tpu.memory_space<semaphore_mem>>) {add = true}
      %mul3A_392 = arith.constant 8 : i32
      %mul3A_393 = arith.muli %mul3A_392, %scan3A_264 : i32
      %add3A_394 = arith.constant 8 : i32
      %add3A_395 = arith.addi %mul3A_393, %add3A_394 : i32
      %add3A_396 = arith.constant 0 : i32
      %add3A_397 = arith.addi %add3A_395, %add3A_396 : i32
      %lt3A = arith.constant 120 : i32
      %lt3A_398 = arith.cmpi slt, %add3A_397, %lt3A : i32
      %convert_element_type3A = arith.extui %lt3A_398 : i1 to i32
      %cond3A = arith.constant 0 : i32
      %cond3A_399 = arith.cmpi ne, %convert_element_type3A, %cond3A : i32
      scf.if %cond3A_399 {
        %sub3A = arith.constant 8 : i32
        %sub3A_477 = arith.subi %add3A_397, %sub3A : i32
        %dma_wait3A_478 = arith.constant 0 : i32
        %dma_wait3A_479 = tpu.memref_slice %arg7[%sub3A_477, %dma_wait3A_478] : memref<125x80xi32, #tpu.memory_space<vmem>> -> memref<1x80xi32, #tpu.memory_space<vmem>>
        %dma_wait3A_480 = tpu.memref_squeeze %dma_wait3A_479 : memref<1x80xi32, #tpu.memory_space<vmem>> -> memref<80xi32, #tpu.memory_space<vmem>>
        %dma_wait3A_481 = arith.constant 0 : i32
        %dma_wait3A_482 = arith.constant 0 : i32
        %dma_wait3A_483 = tpu.memref_slice %arg16[%dma_wait3A_481, %dma_wait3A_482] : memref<10240x64xf32, #tpu.memory_space<vmem_shared>> -> memref<10240x64xf32, #tpu.memory_space<vmem_shared>>
        tpu.wait_indirect_dma semaphore(%arg25 : memref<!tpu.dma_semaphore, #tpu.memory_space<semaphore_mem>>) src(%arg8 : memref<80x64xf32, #tpu.memory_space<vmem>>) dst(%dma_wait3A_483 : memref<10240x64xf32, #tpu.memory_space<vmem_shared>>)
        %dma_start3A_484 = arith.constant 0 : i32
        %dma_start3A_485 = tpu.memref_slice %arg6[%add3A_397, %dma_start3A_484] : memref<125x80xi32, #tpu.memory_space<vmem>> -> memref<1x80xi32, #tpu.memory_space<vmem>>
        %dma_start3A_486 = tpu.memref_squeeze %dma_start3A_485 : memref<1x80xi32, #tpu.memory_space<vmem>> -> memref<80xi32, #tpu.memory_space<vmem>>
        %dma_start3A_487 = arith.constant 0 : i32
        %dma_start3A_488 = arith.constant 0 : i32
        %dma_start3A_489 = tpu.memref_slice %arg2[%dma_start3A_487, %dma_start3A_488] : memref<10000x64xf32, #tpu.memory_space<hbm>> -> memref<10000x64xf32, #tpu.memory_space<hbm>>
        tpu.enqueue_indirect_dma source(%dma_start3A_489 : memref<10000x64xf32, #tpu.memory_space<hbm>>) target(%arg8 : memref<80x64xf32, #tpu.memory_space<vmem>>) offsets(%dma_start3A_486 : memref<80xi32, #tpu.memory_space<vmem>>) semaphore(%arg17 : memref<!tpu.dma_semaphore, #tpu.memory_space<semaphore_mem>>)
      } else {
      }
      %mul3A_400 = arith.constant 8 : i32
      %mul3A_401 = arith.muli %mul3A_400, %scan3A_264 : i32
      %add3A_402 = arith.constant 8 : i32
      %add3A_403 = arith.addi %mul3A_401, %add3A_402 : i32
      %add3A_404 = arith.constant 1 : i32
      %add3A_405 = arith.addi %add3A_403, %add3A_404 : i32
      %lt3A_406 = arith.constant 120 : i32
      %lt3A_407 = arith.cmpi slt, %add3A_405, %lt3A_406 : i32
      %convert_element_type3A_408 = arith.extui %lt3A_407 : i1 to i32
      %cond3A_409 = arith.constant 0 : i32
      %cond3A_410 = arith.cmpi ne, %convert_element_type3A_408, %cond3A_409 : i32
      scf.if %cond3A_410 {
        %sub3A = arith.constant 8 : i32
        %sub3A_477 = arith.subi %add3A_405, %sub3A : i32
        %dma_wait3A_478 = arith.constant 0 : i32
        %dma_wait3A_479 = tpu.memref_slice %arg7[%sub3A_477, %dma_wait3A_478] : memref<125x80xi32, #tpu.memory_space<vmem>> -> memref<1x80xi32, #tpu.memory_space<vmem>>
        %dma_wait3A_480 = tpu.memref_squeeze %dma_wait3A_479 : memref<1x80xi32, #tpu.memory_space<vmem>> -> memref<80xi32, #tpu.memory_space<vmem>>
        %dma_wait3A_481 = arith.constant 0 : i32
        %dma_wait3A_482 = arith.constant 0 : i32
        %dma_wait3A_483 = tpu.memref_slice %arg16[%dma_wait3A_481, %dma_wait3A_482] : memref<10240x64xf32, #tpu.memory_space<vmem_shared>> -> memref<10240x64xf32, #tpu.memory_space<vmem_shared>>
        tpu.wait_indirect_dma semaphore(%arg26 : memref<!tpu.dma_semaphore, #tpu.memory_space<semaphore_mem>>) src(%arg9 : memref<80x64xf32, #tpu.memory_space<vmem>>) dst(%dma_wait3A_483 : memref<10240x64xf32, #tpu.memory_space<vmem_shared>>)
        %dma_start3A_484 = arith.constant 0 : i32
        %dma_start3A_485 = tpu.memref_slice %arg6[%add3A_405, %dma_start3A_484] : memref<125x80xi32, #tpu.memory_space<vmem>> -> memref<1x80xi32, #tpu.memory_space<vmem>>
        %dma_start3A_486 = tpu.memref_squeeze %dma_start3A_485 : memref<1x80xi32, #tpu.memory_space<vmem>> -> memref<80xi32, #tpu.memory_space<vmem>>
        %dma_start3A_487 = arith.constant 0 : i32
        %dma_start3A_488 = arith.constant 0 : i32
        %dma_start3A_489 = tpu.memref_slice %arg2[%dma_start3A_487, %dma_start3A_488] : memref<10000x64xf32, #tpu.memory_space<hbm>> -> memref<10000x64xf32, #tpu.memory_space<hbm>>
        tpu.enqueue_indirect_dma source(%dma_start3A_489 : memref<10000x64xf32, #tpu.memory_space<hbm>>) target(%arg9 : memref<80x64xf32, #tpu.memory_space<vmem>>) offsets(%dma_start3A_486 : memref<80xi32, #tpu.memory_space<vmem>>) semaphore(%arg18 : memref<!tpu.dma_semaphore, #tpu.memory_space<semaphore_mem>>)
      } else {
      }
      %mul3A_411 = arith.constant 8 : i32
      %mul3A_412 = arith.muli %mul3A_411, %scan3A_264 : i32
      %add3A_413 = arith.constant 8 : i32
      %add3A_414 = arith.addi %mul3A_412, %add3A_413 : i32
      %add3A_415 = arith.constant 2 : i32
      %add3A_416 = arith.addi %add3A_414, %add3A_415 : i32
      %lt3A_417 = arith.constant 120 : i32
      %lt3A_418 = arith.cmpi slt, %add3A_416, %lt3A_417 : i32
      %convert_element_type3A_419 = arith.extui %lt3A_418 : i1 to i32
      %cond3A_420 = arith.constant 0 : i32
      %cond3A_421 = arith.cmpi ne, %convert_element_type3A_419, %cond3A_420 : i32
      scf.if %cond3A_421 {
        %sub3A = arith.constant 8 : i32
        %sub3A_477 = arith.subi %add3A_416, %sub3A : i32
        %dma_wait3A_478 = arith.constant 0 : i32
        %dma_wait3A_479 = tpu.memref_slice %arg7[%sub3A_477, %dma_wait3A_478] : memref<125x80xi32, #tpu.memory_space<vmem>> -> memref<1x80xi32, #tpu.memory_space<vmem>>
        %dma_wait3A_480 = tpu.memref_squeeze %dma_wait3A_479 : memref<1x80xi32, #tpu.memory_space<vmem>> -> memref<80xi32, #tpu.memory_space<vmem>>
        %dma_wait3A_481 = arith.constant 0 : i32
        %dma_wait3A_482 = arith.constant 0 : i32
        %dma_wait3A_483 = tpu.memref_slice %arg16[%dma_wait3A_481, %dma_wait3A_482] : memref<10240x64xf32, #tpu.memory_space<vmem_shared>> -> memref<10240x64xf32, #tpu.memory_space<vmem_shared>>
        tpu.wait_indirect_dma semaphore(%arg27 : memref<!tpu.dma_semaphore, #tpu.memory_space<semaphore_mem>>) src(%arg10 : memref<80x64xf32, #tpu.memory_space<vmem>>) dst(%dma_wait3A_483 : memref<10240x64xf32, #tpu.memory_space<vmem_shared>>)
        %dma_start3A_484 = arith.constant 0 : i32
        %dma_start3A_485 = tpu.memref_slice %arg6[%add3A_416, %dma_start3A_484] : memref<125x80xi32, #tpu.memory_space<vmem>> -> memref<1x80xi32, #tpu.memory_space<vmem>>
        %dma_start3A_486 = tpu.memref_squeeze %dma_start3A_485 : memref<1x80xi32, #tpu.memory_space<vmem>> -> memref<80xi32, #tpu.memory_space<vmem>>
        %dma_start3A_487 = arith.constant 0 : i32
        %dma_start3A_488 = arith.constant 0 : i32
        %dma_start3A_489 = tpu.memref_slice %arg2[%dma_start3A_487, %dma_start3A_488] : memref<10000x64xf32, #tpu.memory_space<hbm>> -> memref<10000x64xf32, #tpu.memory_space<hbm>>
        tpu.enqueue_indirect_dma source(%dma_start3A_489 : memref<10000x64xf32, #tpu.memory_space<hbm>>) target(%arg10 : memref<80x64xf32, #tpu.memory_space<vmem>>) offsets(%dma_start3A_486 : memref<80xi32, #tpu.memory_space<vmem>>) semaphore(%arg19 : memref<!tpu.dma_semaphore, #tpu.memory_space<semaphore_mem>>)
      } else {
      }
      %mul3A_422 = arith.constant 8 : i32
      %mul3A_423 = arith.muli %mul3A_422, %scan3A_264 : i32
      %add3A_424 = arith.constant 8 : i32
      %add3A_425 = arith.addi %mul3A_423, %add3A_424 : i32
      %add3A_426 = arith.constant 3 : i32
      %add3A_427 = arith.addi %add3A_425, %add3A_426 : i32
      %lt3A_428 = arith.constant 120 : i32
      %lt3A_429 = arith.cmpi slt, %add3A_427, %lt3A_428 : i32
      %convert_element_type3A_430 = arith.extui %lt3A_429 : i1 to i32
      %cond3A_431 = arith.constant 0 : i32
      %cond3A_432 = arith.cmpi ne, %convert_element_type3A_430, %cond3A_431 : i32
      scf.if %cond3A_432 {
        %sub3A = arith.constant 8 : i32
        %sub3A_477 = arith.subi %add3A_427, %sub3A : i32
        %dma_wait3A_478 = arith.constant 0 : i32
        %dma_wait3A_479 = tpu.memref_slice %arg7[%sub3A_477, %dma_wait3A_478] : memref<125x80xi32, #tpu.memory_space<vmem>> -> memref<1x80xi32, #tpu.memory_space<vmem>>
        %dma_wait3A_480 = tpu.memref_squeeze %dma_wait3A_479 : memref<1x80xi32, #tpu.memory_space<vmem>> -> memref<80xi32, #tpu.memory_space<vmem>>
        %dma_wait3A_481 = arith.constant 0 : i32
        %dma_wait3A_482 = arith.constant 0 : i32
        %dma_wait3A_483 = tpu.memref_slice %arg16[%dma_wait3A_481, %dma_wait3A_482] : memref<10240x64xf32, #tpu.memory_space<vmem_shared>> -> memref<10240x64xf32, #tpu.memory_space<vmem_shared>>
        tpu.wait_indirect_dma semaphore(%arg28 : memref<!tpu.dma_semaphore, #tpu.memory_space<semaphore_mem>>) src(%arg11 : memref<80x64xf32, #tpu.memory_space<vmem>>) dst(%dma_wait3A_483 : memref<10240x64xf32, #tpu.memory_space<vmem_shared>>)
        %dma_start3A_484 = arith.constant 0 : i32
        %dma_start3A_485 = tpu.memref_slice %arg6[%add3A_427, %dma_start3A_484] : memref<125x80xi32, #tpu.memory_space<vmem>> -> memref<1x80xi32, #tpu.memory_space<vmem>>
        %dma_start3A_486 = tpu.memref_squeeze %dma_start3A_485 : memref<1x80xi32, #tpu.memory_space<vmem>> -> memref<80xi32, #tpu.memory_space<vmem>>
        %dma_start3A_487 = arith.constant 0 : i32
        %dma_start3A_488 = arith.constant 0 : i32
        %dma_start3A_489 = tpu.memref_slice %arg2[%dma_start3A_487, %dma_start3A_488] : memref<10000x64xf32, #tpu.memory_space<hbm>> -> memref<10000x64xf32, #tpu.memory_space<hbm>>
        tpu.enqueue_indirect_dma source(%dma_start3A_489 : memref<10000x64xf32, #tpu.memory_space<hbm>>) target(%arg11 : memref<80x64xf32, #tpu.memory_space<vmem>>) offsets(%dma_start3A_486 : memref<80xi32, #tpu.memory_space<vmem>>) semaphore(%arg20 : memref<!tpu.dma_semaphore, #tpu.memory_space<semaphore_mem>>)
      } else {
      }
      %mul3A_433 = arith.constant 8 : i32
      %mul3A_434 = arith.muli %mul3A_433, %scan3A_264 : i32
      %add3A_435 = arith.constant 8 : i32
      %add3A_436 = arith.addi %mul3A_434, %add3A_435 : i32
      %add3A_437 = arith.constant 4 : i32
      %add3A_438 = arith.addi %add3A_436, %add3A_437 : i32
      %lt3A_439 = arith.constant 120 : i32
      %lt3A_440 = arith.cmpi slt, %add3A_438, %lt3A_439 : i32
      %convert_element_type3A_441 = arith.extui %lt3A_440 : i1 to i32
      %cond3A_442 = arith.constant 0 : i32
      %cond3A_443 = arith.cmpi ne, %convert_element_type3A_441, %cond3A_442 : i32
      scf.if %cond3A_443 {
        %sub3A = arith.constant 8 : i32
        %sub3A_477 = arith.subi %add3A_438, %sub3A : i32
        %dma_wait3A_478 = arith.constant 0 : i32
        %dma_wait3A_479 = tpu.memref_slice %arg7[%sub3A_477, %dma_wait3A_478] : memref<125x80xi32, #tpu.memory_space<vmem>> -> memref<1x80xi32, #tpu.memory_space<vmem>>
        %dma_wait3A_480 = tpu.memref_squeeze %dma_wait3A_479 : memref<1x80xi32, #tpu.memory_space<vmem>> -> memref<80xi32, #tpu.memory_space<vmem>>
        %dma_wait3A_481 = arith.constant 0 : i32
        %dma_wait3A_482 = arith.constant 0 : i32
        %dma_wait3A_483 = tpu.memref_slice %arg16[%dma_wait3A_481, %dma_wait3A_482] : memref<10240x64xf32, #tpu.memory_space<vmem_shared>> -> memref<10240x64xf32, #tpu.memory_space<vmem_shared>>
        tpu.wait_indirect_dma semaphore(%arg29 : memref<!tpu.dma_semaphore, #tpu.memory_space<semaphore_mem>>) src(%arg12 : memref<80x64xf32, #tpu.memory_space<vmem>>) dst(%dma_wait3A_483 : memref<10240x64xf32, #tpu.memory_space<vmem_shared>>)
        %dma_start3A_484 = arith.constant 0 : i32
        %dma_start3A_485 = tpu.memref_slice %arg6[%add3A_438, %dma_start3A_484] : memref<125x80xi32, #tpu.memory_space<vmem>> -> memref<1x80xi32, #tpu.memory_space<vmem>>
        %dma_start3A_486 = tpu.memref_squeeze %dma_start3A_485 : memref<1x80xi32, #tpu.memory_space<vmem>> -> memref<80xi32, #tpu.memory_space<vmem>>
        %dma_start3A_487 = arith.constant 0 : i32
        %dma_start3A_488 = arith.constant 0 : i32
        %dma_start3A_489 = tpu.memref_slice %arg2[%dma_start3A_487, %dma_start3A_488] : memref<10000x64xf32, #tpu.memory_space<hbm>> -> memref<10000x64xf32, #tpu.memory_space<hbm>>
        tpu.enqueue_indirect_dma source(%dma_start3A_489 : memref<10000x64xf32, #tpu.memory_space<hbm>>) target(%arg12 : memref<80x64xf32, #tpu.memory_space<vmem>>) offsets(%dma_start3A_486 : memref<80xi32, #tpu.memory_space<vmem>>) semaphore(%arg21 : memref<!tpu.dma_semaphore, #tpu.memory_space<semaphore_mem>>)
      } else {
      }
      %mul3A_444 = arith.constant 8 : i32
      %mul3A_445 = arith.muli %mul3A_444, %scan3A_264 : i32
      %add3A_446 = arith.constant 8 : i32
      %add3A_447 = arith.addi %mul3A_445, %add3A_446 : i32
      %add3A_448 = arith.constant 5 : i32
      %add3A_449 = arith.addi %add3A_447, %add3A_448 : i32
      %lt3A_450 = arith.constant 120 : i32
      %lt3A_451 = arith.cmpi slt, %add3A_449, %lt3A_450 : i32
      %convert_element_type3A_452 = arith.extui %lt3A_451 : i1 to i32
      %cond3A_453 = arith.constant 0 : i32
      %cond3A_454 = arith.cmpi ne, %convert_element_type3A_452, %cond3A_453 : i32
      scf.if %cond3A_454 {
        %sub3A = arith.constant 8 : i32
        %sub3A_477 = arith.subi %add3A_449, %sub3A : i32
        %dma_wait3A_478 = arith.constant 0 : i32
        %dma_wait3A_479 = tpu.memref_slice %arg7[%sub3A_477, %dma_wait3A_478] : memref<125x80xi32, #tpu.memory_space<vmem>> -> memref<1x80xi32, #tpu.memory_space<vmem>>
        %dma_wait3A_480 = tpu.memref_squeeze %dma_wait3A_479 : memref<1x80xi32, #tpu.memory_space<vmem>> -> memref<80xi32, #tpu.memory_space<vmem>>
        %dma_wait3A_481 = arith.constant 0 : i32
        %dma_wait3A_482 = arith.constant 0 : i32
        %dma_wait3A_483 = tpu.memref_slice %arg16[%dma_wait3A_481, %dma_wait3A_482] : memref<10240x64xf32, #tpu.memory_space<vmem_shared>> -> memref<10240x64xf32, #tpu.memory_space<vmem_shared>>
        tpu.wait_indirect_dma semaphore(%arg30 : memref<!tpu.dma_semaphore, #tpu.memory_space<semaphore_mem>>) src(%arg13 : memref<80x64xf32, #tpu.memory_space<vmem>>) dst(%dma_wait3A_483 : memref<10240x64xf32, #tpu.memory_space<vmem_shared>>)
        %dma_start3A_484 = arith.constant 0 : i32
        %dma_start3A_485 = tpu.memref_slice %arg6[%add3A_449, %dma_start3A_484] : memref<125x80xi32, #tpu.memory_space<vmem>> -> memref<1x80xi32, #tpu.memory_space<vmem>>
        %dma_start3A_486 = tpu.memref_squeeze %dma_start3A_485 : memref<1x80xi32, #tpu.memory_space<vmem>> -> memref<80xi32, #tpu.memory_space<vmem>>
        %dma_start3A_487 = arith.constant 0 : i32
        %dma_start3A_488 = arith.constant 0 : i32
        %dma_start3A_489 = tpu.memref_slice %arg2[%dma_start3A_487, %dma_start3A_488] : memref<10000x64xf32, #tpu.memory_space<hbm>> -> memref<10000x64xf32, #tpu.memory_space<hbm>>
        tpu.enqueue_indirect_dma source(%dma_start3A_489 : memref<10000x64xf32, #tpu.memory_space<hbm>>) target(%arg13 : memref<80x64xf32, #tpu.memory_space<vmem>>) offsets(%dma_start3A_486 : memref<80xi32, #tpu.memory_space<vmem>>) semaphore(%arg22 : memref<!tpu.dma_semaphore, #tpu.memory_space<semaphore_mem>>)
      } else {
      }
      %mul3A_455 = arith.constant 8 : i32
      %mul3A_456 = arith.muli %mul3A_455, %scan3A_264 : i32
      %add3A_457 = arith.constant 8 : i32
      %add3A_458 = arith.addi %mul3A_456, %add3A_457 : i32
      %add3A_459 = arith.constant 6 : i32
      %add3A_460 = arith.addi %add3A_458, %add3A_459 : i32
      %lt3A_461 = arith.constant 120 : i32
      %lt3A_462 = arith.cmpi slt, %add3A_460, %lt3A_461 : i32
      %convert_element_type3A_463 = arith.extui %lt3A_462 : i1 to i32
      %cond3A_464 = arith.constant 0 : i32
      %cond3A_465 = arith.cmpi ne, %convert_element_type3A_463, %cond3A_464 : i32
      scf.if %cond3A_465 {
        %sub3A = arith.constant 8 : i32
        %sub3A_477 = arith.subi %add3A_460, %sub3A : i32
        %dma_wait3A_478 = arith.constant 0 : i32
        %dma_wait3A_479 = tpu.memref_slice %arg7[%sub3A_477, %dma_wait3A_478] : memref<125x80xi32, #tpu.memory_space<vmem>> -> memref<1x80xi32, #tpu.memory_space<vmem>>
        %dma_wait3A_480 = tpu.memref_squeeze %dma_wait3A_479 : memref<1x80xi32, #tpu.memory_space<vmem>> -> memref<80xi32, #tpu.memory_space<vmem>>
        %dma_wait3A_481 = arith.constant 0 : i32
        %dma_wait3A_482 = arith.constant 0 : i32
        %dma_wait3A_483 = tpu.memref_slice %arg16[%dma_wait3A_481, %dma_wait3A_482] : memref<10240x64xf32, #tpu.memory_space<vmem_shared>> -> memref<10240x64xf32, #tpu.memory_space<vmem_shared>>
        tpu.wait_indirect_dma semaphore(%arg31 : memref<!tpu.dma_semaphore, #tpu.memory_space<semaphore_mem>>) src(%arg14 : memref<80x64xf32, #tpu.memory_space<vmem>>) dst(%dma_wait3A_483 : memref<10240x64xf32, #tpu.memory_space<vmem_shared>>)
        %dma_start3A_484 = arith.constant 0 : i32
        %dma_start3A_485 = tpu.memref_slice %arg6[%add3A_460, %dma_start3A_484] : memref<125x80xi32, #tpu.memory_space<vmem>> -> memref<1x80xi32, #tpu.memory_space<vmem>>
        %dma_start3A_486 = tpu.memref_squeeze %dma_start3A_485 : memref<1x80xi32, #tpu.memory_space<vmem>> -> memref<80xi32, #tpu.memory_space<vmem>>
        %dma_start3A_487 = arith.constant 0 : i32
        %dma_start3A_488 = arith.constant 0 : i32
        %dma_start3A_489 = tpu.memref_slice %arg2[%dma_start3A_487, %dma_start3A_488] : memref<10000x64xf32, #tpu.memory_space<hbm>> -> memref<10000x64xf32, #tpu.memory_space<hbm>>
        tpu.enqueue_indirect_dma source(%dma_start3A_489 : memref<10000x64xf32, #tpu.memory_space<hbm>>) target(%arg14 : memref<80x64xf32, #tpu.memory_space<vmem>>) offsets(%dma_start3A_486 : memref<80xi32, #tpu.memory_space<vmem>>) semaphore(%arg23 : memref<!tpu.dma_semaphore, #tpu.memory_space<semaphore_mem>>)
      } else {
      }
      %mul3A_466 = arith.constant 8 : i32
      %mul3A_467 = arith.muli %mul3A_466, %scan3A_264 : i32
      %add3A_468 = arith.constant 8 : i32
      %add3A_469 = arith.addi %mul3A_467, %add3A_468 : i32
      %add3A_470 = arith.constant 7 : i32
      %add3A_471 = arith.addi %add3A_469, %add3A_470 : i32
      %lt3A_472 = arith.constant 120 : i32
      %lt3A_473 = arith.cmpi slt, %add3A_471, %lt3A_472 : i32
      %convert_element_type3A_474 = arith.extui %lt3A_473 : i1 to i32
      %cond3A_475 = arith.constant 0 : i32
      %cond3A_476 = arith.cmpi ne, %convert_element_type3A_474, %cond3A_475 : i32
      scf.if %cond3A_476 {
        %sub3A = arith.constant 8 : i32
        %sub3A_477 = arith.subi %add3A_471, %sub3A : i32
        %dma_wait3A_478 = arith.constant 0 : i32
        %dma_wait3A_479 = tpu.memref_slice %arg7[%sub3A_477, %dma_wait3A_478] : memref<125x80xi32, #tpu.memory_space<vmem>> -> memref<1x80xi32, #tpu.memory_space<vmem>>
        %dma_wait3A_480 = tpu.memref_squeeze %dma_wait3A_479 : memref<1x80xi32, #tpu.memory_space<vmem>> -> memref<80xi32, #tpu.memory_space<vmem>>
        %dma_wait3A_481 = arith.constant 0 : i32
        %dma_wait3A_482 = arith.constant 0 : i32
        %dma_wait3A_483 = tpu.memref_slice %arg16[%dma_wait3A_481, %dma_wait3A_482] : memref<10240x64xf32, #tpu.memory_space<vmem_shared>> -> memref<10240x64xf32, #tpu.memory_space<vmem_shared>>
        tpu.wait_indirect_dma semaphore(%arg32 : memref<!tpu.dma_semaphore, #tpu.memory_space<semaphore_mem>>) src(%arg15 : memref<80x64xf32, #tpu.memory_space<vmem>>) dst(%dma_wait3A_483 : memref<10240x64xf32, #tpu.memory_space<vmem_shared>>)
        %dma_start3A_484 = arith.constant 0 : i32
        %dma_start3A_485 = tpu.memref_slice %arg6[%add3A_471, %dma_start3A_484] : memref<125x80xi32, #tpu.memory_space<vmem>> -> memref<1x80xi32, #tpu.memory_space<vmem>>
        %dma_start3A_486 = tpu.memref_squeeze %dma_start3A_485 : memref<1x80xi32, #tpu.memory_space<vmem>> -> memref<80xi32, #tpu.memory_space<vmem>>
        %dma_start3A_487 = arith.constant 0 : i32
        %dma_start3A_488 = arith.constant 0 : i32
        %dma_start3A_489 = tpu.memref_slice %arg2[%dma_start3A_487, %dma_start3A_488] : memref<10000x64xf32, #tpu.memory_space<hbm>> -> memref<10000x64xf32, #tpu.memory_space<hbm>>
        tpu.enqueue_indirect_dma source(%dma_start3A_489 : memref<10000x64xf32, #tpu.memory_space<hbm>>) target(%arg15 : memref<80x64xf32, #tpu.memory_space<vmem>>) offsets(%dma_start3A_486 : memref<80xi32, #tpu.memory_space<vmem>>) semaphore(%arg24 : memref<!tpu.dma_semaphore, #tpu.memory_space<semaphore_mem>>)
      } else {
      }
    }
    %scan3A_63 = arith.constant 15 : i32
    %dma_wait3A = arith.constant 112 : i32
    %dma_wait3A_64 = arith.constant 0 : i32
    %dma_wait3A_65 = tpu.memref_slice %arg7[%dma_wait3A, %dma_wait3A_64] : memref<125x80xi32, #tpu.memory_space<vmem>> -> memref<1x80xi32, #tpu.memory_space<vmem>>
    %dma_wait3A_66 = tpu.memref_squeeze %dma_wait3A_65 : memref<1x80xi32, #tpu.memory_space<vmem>> -> memref<80xi32, #tpu.memory_space<vmem>>
    %dma_wait3A_67 = arith.constant 0 : i32
    %dma_wait3A_68 = arith.constant 0 : i32
    %dma_wait3A_69 = tpu.memref_slice %arg16[%dma_wait3A_67, %dma_wait3A_68] : memref<10240x64xf32, #tpu.memory_space<vmem_shared>> -> memref<10240x64xf32, #tpu.memory_space<vmem_shared>>
    tpu.wait_indirect_dma semaphore(%arg25 : memref<!tpu.dma_semaphore, #tpu.memory_space<semaphore_mem>>) src(%arg8 : memref<80x64xf32, #tpu.memory_space<vmem>>) dst(%dma_wait3A_69 : memref<10240x64xf32, #tpu.memory_space<vmem_shared>>)
    %dma_wait3A_70 = arith.constant 113 : i32
    %dma_wait3A_71 = arith.constant 0 : i32
    %dma_wait3A_72 = tpu.memref_slice %arg7[%dma_wait3A_70, %dma_wait3A_71] : memref<125x80xi32, #tpu.memory_space<vmem>> -> memref<1x80xi32, #tpu.memory_space<vmem>>
    %dma_wait3A_73 = tpu.memref_squeeze %dma_wait3A_72 : memref<1x80xi32, #tpu.memory_space<vmem>> -> memref<80xi32, #tpu.memory_space<vmem>>
    %dma_wait3A_74 = arith.constant 0 : i32
    %dma_wait3A_75 = arith.constant 0 : i32
    %dma_wait3A_76 = tpu.memref_slice %arg16[%dma_wait3A_74, %dma_wait3A_75] : memref<10240x64xf32, #tpu.memory_space<vmem_shared>> -> memref<10240x64xf32, #tpu.memory_space<vmem_shared>>
    tpu.wait_indirect_dma semaphore(%arg26 : memref<!tpu.dma_semaphore, #tpu.memory_space<semaphore_mem>>) src(%arg9 : memref<80x64xf32, #tpu.memory_space<vmem>>) dst(%dma_wait3A_76 : memref<10240x64xf32, #tpu.memory_space<vmem_shared>>)
    %dma_wait3A_77 = arith.constant 114 : i32
    %dma_wait3A_78 = arith.constant 0 : i32
    %dma_wait3A_79 = tpu.memref_slice %arg7[%dma_wait3A_77, %dma_wait3A_78] : memref<125x80xi32, #tpu.memory_space<vmem>> -> memref<1x80xi32, #tpu.memory_space<vmem>>
    %dma_wait3A_80 = tpu.memref_squeeze %dma_wait3A_79 : memref<1x80xi32, #tpu.memory_space<vmem>> -> memref<80xi32, #tpu.memory_space<vmem>>
    %dma_wait3A_81 = arith.constant 0 : i32
    %dma_wait3A_82 = arith.constant 0 : i32
    %dma_wait3A_83 = tpu.memref_slice %arg16[%dma_wait3A_81, %dma_wait3A_82] : memref<10240x64xf32, #tpu.memory_space<vmem_shared>> -> memref<10240x64xf32, #tpu.memory_space<vmem_shared>>
    tpu.wait_indirect_dma semaphore(%arg27 : memref<!tpu.dma_semaphore, #tpu.memory_space<semaphore_mem>>) src(%arg10 : memref<80x64xf32, #tpu.memory_space<vmem>>) dst(%dma_wait3A_83 : memref<10240x64xf32, #tpu.memory_space<vmem_shared>>)
    %dma_wait3A_84 = arith.constant 115 : i32
    %dma_wait3A_85 = arith.constant 0 : i32
    %dma_wait3A_86 = tpu.memref_slice %arg7[%dma_wait3A_84, %dma_wait3A_85] : memref<125x80xi32, #tpu.memory_space<vmem>> -> memref<1x80xi32, #tpu.memory_space<vmem>>
    %dma_wait3A_87 = tpu.memref_squeeze %dma_wait3A_86 : memref<1x80xi32, #tpu.memory_space<vmem>> -> memref<80xi32, #tpu.memory_space<vmem>>
    %dma_wait3A_88 = arith.constant 0 : i32
    %dma_wait3A_89 = arith.constant 0 : i32
    %dma_wait3A_90 = tpu.memref_slice %arg16[%dma_wait3A_88, %dma_wait3A_89] : memref<10240x64xf32, #tpu.memory_space<vmem_shared>> -> memref<10240x64xf32, #tpu.memory_space<vmem_shared>>
    tpu.wait_indirect_dma semaphore(%arg28 : memref<!tpu.dma_semaphore, #tpu.memory_space<semaphore_mem>>) src(%arg11 : memref<80x64xf32, #tpu.memory_space<vmem>>) dst(%dma_wait3A_90 : memref<10240x64xf32, #tpu.memory_space<vmem_shared>>)
    %dma_wait3A_91 = arith.constant 116 : i32
    %dma_wait3A_92 = arith.constant 0 : i32
    %dma_wait3A_93 = tpu.memref_slice %arg7[%dma_wait3A_91, %dma_wait3A_92] : memref<125x80xi32, #tpu.memory_space<vmem>> -> memref<1x80xi32, #tpu.memory_space<vmem>>
    %dma_wait3A_94 = tpu.memref_squeeze %dma_wait3A_93 : memref<1x80xi32, #tpu.memory_space<vmem>> -> memref<80xi32, #tpu.memory_space<vmem>>
    %dma_wait3A_95 = arith.constant 0 : i32
    %dma_wait3A_96 = arith.constant 0 : i32
    %dma_wait3A_97 = tpu.memref_slice %arg16[%dma_wait3A_95, %dma_wait3A_96] : memref<10240x64xf32, #tpu.memory_space<vmem_shared>> -> memref<10240x64xf32, #tpu.memory_space<vmem_shared>>
    tpu.wait_indirect_dma semaphore(%arg29 : memref<!tpu.dma_semaphore, #tpu.memory_space<semaphore_mem>>) src(%arg12 : memref<80x64xf32, #tpu.memory_space<vmem>>) dst(%dma_wait3A_97 : memref<10240x64xf32, #tpu.memory_space<vmem_shared>>)
    %dma_wait3A_98 = arith.constant 117 : i32
    %dma_wait3A_99 = arith.constant 0 : i32
    %dma_wait3A_100 = tpu.memref_slice %arg7[%dma_wait3A_98, %dma_wait3A_99] : memref<125x80xi32, #tpu.memory_space<vmem>> -> memref<1x80xi32, #tpu.memory_space<vmem>>
    %dma_wait3A_101 = tpu.memref_squeeze %dma_wait3A_100 : memref<1x80xi32, #tpu.memory_space<vmem>> -> memref<80xi32, #tpu.memory_space<vmem>>
    %dma_wait3A_102 = arith.constant 0 : i32
    %dma_wait3A_103 = arith.constant 0 : i32
    %dma_wait3A_104 = tpu.memref_slice %arg16[%dma_wait3A_102, %dma_wait3A_103] : memref<10240x64xf32, #tpu.memory_space<vmem_shared>> -> memref<10240x64xf32, #tpu.memory_space<vmem_shared>>
    tpu.wait_indirect_dma semaphore(%arg30 : memref<!tpu.dma_semaphore, #tpu.memory_space<semaphore_mem>>) src(%arg13 : memref<80x64xf32, #tpu.memory_space<vmem>>) dst(%dma_wait3A_104 : memref<10240x64xf32, #tpu.memory_space<vmem_shared>>)
    %dma_wait3A_105 = arith.constant 118 : i32
    %dma_wait3A_106 = arith.constant 0 : i32
    %dma_wait3A_107 = tpu.memref_slice %arg7[%dma_wait3A_105, %dma_wait3A_106] : memref<125x80xi32, #tpu.memory_space<vmem>> -> memref<1x80xi32, #tpu.memory_space<vmem>>
    %dma_wait3A_108 = tpu.memref_squeeze %dma_wait3A_107 : memref<1x80xi32, #tpu.memory_space<vmem>> -> memref<80xi32, #tpu.memory_space<vmem>>
    %dma_wait3A_109 = arith.constant 0 : i32
    %dma_wait3A_110 = arith.constant 0 : i32
    %dma_wait3A_111 = tpu.memref_slice %arg16[%dma_wait3A_109, %dma_wait3A_110] : memref<10240x64xf32, #tpu.memory_space<vmem_shared>> -> memref<10240x64xf32, #tpu.memory_space<vmem_shared>>
    tpu.wait_indirect_dma semaphore(%arg31 : memref<!tpu.dma_semaphore, #tpu.memory_space<semaphore_mem>>) src(%arg14 : memref<80x64xf32, #tpu.memory_space<vmem>>) dst(%dma_wait3A_111 : memref<10240x64xf32, #tpu.memory_space<vmem_shared>>)
    %dma_wait3A_112 = arith.constant 119 : i32
    %dma_wait3A_113 = arith.constant 0 : i32
    %dma_wait3A_114 = tpu.memref_slice %arg7[%dma_wait3A_112, %dma_wait3A_113] : memref<125x80xi32, #tpu.memory_space<vmem>> -> memref<1x80xi32, #tpu.memory_space<vmem>>
    %dma_wait3A_115 = tpu.memref_squeeze %dma_wait3A_114 : memref<1x80xi32, #tpu.memory_space<vmem>> -> memref<80xi32, #tpu.memory_space<vmem>>
    %dma_wait3A_116 = arith.constant 0 : i32
    %dma_wait3A_117 = arith.constant 0 : i32
    %dma_wait3A_118 = tpu.memref_slice %arg16[%dma_wait3A_116, %dma_wait3A_117] : memref<10240x64xf32, #tpu.memory_space<vmem_shared>> -> memref<10240x64xf32, #tpu.memory_space<vmem_shared>>
    tpu.wait_indirect_dma semaphore(%arg32 : memref<!tpu.dma_semaphore, #tpu.memory_space<semaphore_mem>>) src(%arg15 : memref<80x64xf32, #tpu.memory_space<vmem>>) dst(%dma_wait3A_118 : memref<10240x64xf32, #tpu.memory_space<vmem_shared>>)
    %dma_start3A_119 = arith.constant 120 : i32
    %dma_start3A_120 = arith.constant 0 : i32
    %dma_start3A_121 = tpu.memref_slice %arg6[%dma_start3A_119, %dma_start3A_120] : memref<125x80xi32, #tpu.memory_space<vmem>> -> memref<1x80xi32, #tpu.memory_space<vmem>>
    %dma_start3A_122 = tpu.memref_squeeze %dma_start3A_121 : memref<1x80xi32, #tpu.memory_space<vmem>> -> memref<80xi32, #tpu.memory_space<vmem>>
    %dma_start3A_123 = arith.constant 0 : i32
    %dma_start3A_124 = arith.constant 0 : i32
    %dma_start3A_125 = tpu.memref_slice %arg2[%dma_start3A_123, %dma_start3A_124] : memref<10000x64xf32, #tpu.memory_space<hbm>> -> memref<10000x64xf32, #tpu.memory_space<hbm>>
    tpu.enqueue_indirect_dma source(%dma_start3A_125 : memref<10000x64xf32, #tpu.memory_space<hbm>>) target(%arg8 : memref<80x64xf32, #tpu.memory_space<vmem>>) offsets(%dma_start3A_122 : memref<80xi32, #tpu.memory_space<vmem>>) semaphore(%arg17 : memref<!tpu.dma_semaphore, #tpu.memory_space<semaphore_mem>>)
    %dma_start3A_126 = arith.constant 121 : i32
    %dma_start3A_127 = arith.constant 0 : i32
    %dma_start3A_128 = tpu.memref_slice %arg6[%dma_start3A_126, %dma_start3A_127] : memref<125x80xi32, #tpu.memory_space<vmem>> -> memref<1x80xi32, #tpu.memory_space<vmem>>
    %dma_start3A_129 = tpu.memref_squeeze %dma_start3A_128 : memref<1x80xi32, #tpu.memory_space<vmem>> -> memref<80xi32, #tpu.memory_space<vmem>>
    %dma_start3A_130 = arith.constant 0 : i32
    %dma_start3A_131 = arith.constant 0 : i32
    %dma_start3A_132 = tpu.memref_slice %arg2[%dma_start3A_130, %dma_start3A_131] : memref<10000x64xf32, #tpu.memory_space<hbm>> -> memref<10000x64xf32, #tpu.memory_space<hbm>>
    tpu.enqueue_indirect_dma source(%dma_start3A_132 : memref<10000x64xf32, #tpu.memory_space<hbm>>) target(%arg9 : memref<80x64xf32, #tpu.memory_space<vmem>>) offsets(%dma_start3A_129 : memref<80xi32, #tpu.memory_space<vmem>>) semaphore(%arg18 : memref<!tpu.dma_semaphore, #tpu.memory_space<semaphore_mem>>)
    %dma_start3A_133 = arith.constant 122 : i32
    %dma_start3A_134 = arith.constant 0 : i32
    %dma_start3A_135 = tpu.memref_slice %arg6[%dma_start3A_133, %dma_start3A_134] : memref<125x80xi32, #tpu.memory_space<vmem>> -> memref<1x80xi32, #tpu.memory_space<vmem>>
    %dma_start3A_136 = tpu.memref_squeeze %dma_start3A_135 : memref<1x80xi32, #tpu.memory_space<vmem>> -> memref<80xi32, #tpu.memory_space<vmem>>
    %dma_start3A_137 = arith.constant 0 : i32
    %dma_start3A_138 = arith.constant 0 : i32
    %dma_start3A_139 = tpu.memref_slice %arg2[%dma_start3A_137, %dma_start3A_138] : memref<10000x64xf32, #tpu.memory_space<hbm>> -> memref<10000x64xf32, #tpu.memory_space<hbm>>
    tpu.enqueue_indirect_dma source(%dma_start3A_139 : memref<10000x64xf32, #tpu.memory_space<hbm>>) target(%arg10 : memref<80x64xf32, #tpu.memory_space<vmem>>) offsets(%dma_start3A_136 : memref<80xi32, #tpu.memory_space<vmem>>) semaphore(%arg19 : memref<!tpu.dma_semaphore, #tpu.memory_space<semaphore_mem>>)
    %dma_start3A_140 = arith.constant 123 : i32
    %dma_start3A_141 = arith.constant 0 : i32
    %dma_start3A_142 = tpu.memref_slice %arg6[%dma_start3A_140, %dma_start3A_141] : memref<125x80xi32, #tpu.memory_space<vmem>> -> memref<1x80xi32, #tpu.memory_space<vmem>>
    %dma_start3A_143 = tpu.memref_squeeze %dma_start3A_142 : memref<1x80xi32, #tpu.memory_space<vmem>> -> memref<80xi32, #tpu.memory_space<vmem>>
    %dma_start3A_144 = arith.constant 0 : i32
    %dma_start3A_145 = arith.constant 0 : i32
    %dma_start3A_146 = tpu.memref_slice %arg2[%dma_start3A_144, %dma_start3A_145] : memref<10000x64xf32, #tpu.memory_space<hbm>> -> memref<10000x64xf32, #tpu.memory_space<hbm>>
    tpu.enqueue_indirect_dma source(%dma_start3A_146 : memref<10000x64xf32, #tpu.memory_space<hbm>>) target(%arg11 : memref<80x64xf32, #tpu.memory_space<vmem>>) offsets(%dma_start3A_143 : memref<80xi32, #tpu.memory_space<vmem>>) semaphore(%arg20 : memref<!tpu.dma_semaphore, #tpu.memory_space<semaphore_mem>>)
    %dma_start3A_147 = arith.constant 124 : i32
    %dma_start3A_148 = arith.constant 0 : i32
    %dma_start3A_149 = tpu.memref_slice %arg6[%dma_start3A_147, %dma_start3A_148] : memref<125x80xi32, #tpu.memory_space<vmem>> -> memref<1x80xi32, #tpu.memory_space<vmem>>
    %dma_start3A_150 = tpu.memref_squeeze %dma_start3A_149 : memref<1x80xi32, #tpu.memory_space<vmem>> -> memref<80xi32, #tpu.memory_space<vmem>>
    %dma_start3A_151 = arith.constant 0 : i32
    %dma_start3A_152 = arith.constant 0 : i32
    %dma_start3A_153 = tpu.memref_slice %arg2[%dma_start3A_151, %dma_start3A_152] : memref<10000x64xf32, #tpu.memory_space<hbm>> -> memref<10000x64xf32, #tpu.memory_space<hbm>>
    tpu.enqueue_indirect_dma source(%dma_start3A_153 : memref<10000x64xf32, #tpu.memory_space<hbm>>) target(%arg12 : memref<80x64xf32, #tpu.memory_space<vmem>>) offsets(%dma_start3A_150 : memref<80xi32, #tpu.memory_space<vmem>>) semaphore(%arg21 : memref<!tpu.dma_semaphore, #tpu.memory_space<semaphore_mem>>)
    %dma_wait3A_154 = arith.constant 120 : i32
    %dma_wait3A_155 = arith.constant 0 : i32
    %dma_wait3A_156 = tpu.memref_slice %arg6[%dma_wait3A_154, %dma_wait3A_155] : memref<125x80xi32, #tpu.memory_space<vmem>> -> memref<1x80xi32, #tpu.memory_space<vmem>>
    %dma_wait3A_157 = tpu.memref_squeeze %dma_wait3A_156 : memref<1x80xi32, #tpu.memory_space<vmem>> -> memref<80xi32, #tpu.memory_space<vmem>>
    %dma_wait3A_158 = arith.constant 0 : i32
    %dma_wait3A_159 = arith.constant 0 : i32
    %dma_wait3A_160 = tpu.memref_slice %arg2[%dma_wait3A_158, %dma_wait3A_159] : memref<10000x64xf32, #tpu.memory_space<hbm>> -> memref<10000x64xf32, #tpu.memory_space<hbm>>
    tpu.wait_indirect_dma semaphore(%arg17 : memref<!tpu.dma_semaphore, #tpu.memory_space<semaphore_mem>>) src(%dma_wait3A_160 : memref<10000x64xf32, #tpu.memory_space<hbm>>) dst(%arg8 : memref<80x64xf32, #tpu.memory_space<vmem>>)
    %dma_start3A_161 = arith.constant 120 : i32
    %dma_start3A_162 = arith.constant 0 : i32
    %dma_start3A_163 = tpu.memref_slice %arg7[%dma_start3A_161, %dma_start3A_162] : memref<125x80xi32, #tpu.memory_space<vmem>> -> memref<1x80xi32, #tpu.memory_space<vmem>>
    %dma_start3A_164 = tpu.memref_squeeze %dma_start3A_163 : memref<1x80xi32, #tpu.memory_space<vmem>> -> memref<80xi32, #tpu.memory_space<vmem>>
    %dma_start3A_165 = arith.constant 0 : i32
    %dma_start3A_166 = arith.constant 0 : i32
    %dma_start3A_167 = tpu.memref_slice %arg16[%dma_start3A_165, %dma_start3A_166] : memref<10240x64xf32, #tpu.memory_space<vmem_shared>> -> memref<10240x64xf32, #tpu.memory_space<vmem_shared>>
    tpu.enqueue_indirect_dma source(%arg8 : memref<80x64xf32, #tpu.memory_space<vmem>>) target(%dma_start3A_167 : memref<10240x64xf32, #tpu.memory_space<vmem_shared>>) offsets(%dma_start3A_164 : memref<80xi32, #tpu.memory_space<vmem>>) semaphore(%arg25 : memref<!tpu.dma_semaphore, #tpu.memory_space<semaphore_mem>>) {add = true}
    %dma_wait3A_168 = arith.constant 121 : i32
    %dma_wait3A_169 = arith.constant 0 : i32
    %dma_wait3A_170 = tpu.memref_slice %arg6[%dma_wait3A_168, %dma_wait3A_169] : memref<125x80xi32, #tpu.memory_space<vmem>> -> memref<1x80xi32, #tpu.memory_space<vmem>>
    %dma_wait3A_171 = tpu.memref_squeeze %dma_wait3A_170 : memref<1x80xi32, #tpu.memory_space<vmem>> -> memref<80xi32, #tpu.memory_space<vmem>>
    %dma_wait3A_172 = arith.constant 0 : i32
    %dma_wait3A_173 = arith.constant 0 : i32
    %dma_wait3A_174 = tpu.memref_slice %arg2[%dma_wait3A_172, %dma_wait3A_173] : memref<10000x64xf32, #tpu.memory_space<hbm>> -> memref<10000x64xf32, #tpu.memory_space<hbm>>
    tpu.wait_indirect_dma semaphore(%arg18 : memref<!tpu.dma_semaphore, #tpu.memory_space<semaphore_mem>>) src(%dma_wait3A_174 : memref<10000x64xf32, #tpu.memory_space<hbm>>) dst(%arg9 : memref<80x64xf32, #tpu.memory_space<vmem>>)
    %dma_start3A_175 = arith.constant 121 : i32
    %dma_start3A_176 = arith.constant 0 : i32
    %dma_start3A_177 = tpu.memref_slice %arg7[%dma_start3A_175, %dma_start3A_176] : memref<125x80xi32, #tpu.memory_space<vmem>> -> memref<1x80xi32, #tpu.memory_space<vmem>>
    %dma_start3A_178 = tpu.memref_squeeze %dma_start3A_177 : memref<1x80xi32, #tpu.memory_space<vmem>> -> memref<80xi32, #tpu.memory_space<vmem>>
    %dma_start3A_179 = arith.constant 0 : i32
    %dma_start3A_180 = arith.constant 0 : i32
    %dma_start3A_181 = tpu.memref_slice %arg16[%dma_start3A_179, %dma_start3A_180] : memref<10240x64xf32, #tpu.memory_space<vmem_shared>> -> memref<10240x64xf32, #tpu.memory_space<vmem_shared>>
    tpu.enqueue_indirect_dma source(%arg9 : memref<80x64xf32, #tpu.memory_space<vmem>>) target(%dma_start3A_181 : memref<10240x64xf32, #tpu.memory_space<vmem_shared>>) offsets(%dma_start3A_178 : memref<80xi32, #tpu.memory_space<vmem>>) semaphore(%arg26 : memref<!tpu.dma_semaphore, #tpu.memory_space<semaphore_mem>>) {add = true}
    %dma_wait3A_182 = arith.constant 122 : i32
    %dma_wait3A_183 = arith.constant 0 : i32
    %dma_wait3A_184 = tpu.memref_slice %arg6[%dma_wait3A_182, %dma_wait3A_183] : memref<125x80xi32, #tpu.memory_space<vmem>> -> memref<1x80xi32, #tpu.memory_space<vmem>>
    %dma_wait3A_185 = tpu.memref_squeeze %dma_wait3A_184 : memref<1x80xi32, #tpu.memory_space<vmem>> -> memref<80xi32, #tpu.memory_space<vmem>>
    %dma_wait3A_186 = arith.constant 0 : i32
    %dma_wait3A_187 = arith.constant 0 : i32
    %dma_wait3A_188 = tpu.memref_slice %arg2[%dma_wait3A_186, %dma_wait3A_187] : memref<10000x64xf32, #tpu.memory_space<hbm>> -> memref<10000x64xf32, #tpu.memory_space<hbm>>
    tpu.wait_indirect_dma semaphore(%arg19 : memref<!tpu.dma_semaphore, #tpu.memory_space<semaphore_mem>>) src(%dma_wait3A_188 : memref<10000x64xf32, #tpu.memory_space<hbm>>) dst(%arg10 : memref<80x64xf32, #tpu.memory_space<vmem>>)
    %dma_start3A_189 = arith.constant 122 : i32
    %dma_start3A_190 = arith.constant 0 : i32
    %dma_start3A_191 = tpu.memref_slice %arg7[%dma_start3A_189, %dma_start3A_190] : memref<125x80xi32, #tpu.memory_space<vmem>> -> memref<1x80xi32, #tpu.memory_space<vmem>>
    %dma_start3A_192 = tpu.memref_squeeze %dma_start3A_191 : memref<1x80xi32, #tpu.memory_space<vmem>> -> memref<80xi32, #tpu.memory_space<vmem>>
    %dma_start3A_193 = arith.constant 0 : i32
    %dma_start3A_194 = arith.constant 0 : i32
    %dma_start3A_195 = tpu.memref_slice %arg16[%dma_start3A_193, %dma_start3A_194] : memref<10240x64xf32, #tpu.memory_space<vmem_shared>> -> memref<10240x64xf32, #tpu.memory_space<vmem_shared>>
    tpu.enqueue_indirect_dma source(%arg10 : memref<80x64xf32, #tpu.memory_space<vmem>>) target(%dma_start3A_195 : memref<10240x64xf32, #tpu.memory_space<vmem_shared>>) offsets(%dma_start3A_192 : memref<80xi32, #tpu.memory_space<vmem>>) semaphore(%arg27 : memref<!tpu.dma_semaphore, #tpu.memory_space<semaphore_mem>>) {add = true}
    %dma_wait3A_196 = arith.constant 123 : i32
    %dma_wait3A_197 = arith.constant 0 : i32
    %dma_wait3A_198 = tpu.memref_slice %arg6[%dma_wait3A_196, %dma_wait3A_197] : memref<125x80xi32, #tpu.memory_space<vmem>> -> memref<1x80xi32, #tpu.memory_space<vmem>>
    %dma_wait3A_199 = tpu.memref_squeeze %dma_wait3A_198 : memref<1x80xi32, #tpu.memory_space<vmem>> -> memref<80xi32, #tpu.memory_space<vmem>>
    %dma_wait3A_200 = arith.constant 0 : i32
    %dma_wait3A_201 = arith.constant 0 : i32
    %dma_wait3A_202 = tpu.memref_slice %arg2[%dma_wait3A_200, %dma_wait3A_201] : memref<10000x64xf32, #tpu.memory_space<hbm>> -> memref<10000x64xf32, #tpu.memory_space<hbm>>
    tpu.wait_indirect_dma semaphore(%arg20 : memref<!tpu.dma_semaphore, #tpu.memory_space<semaphore_mem>>) src(%dma_wait3A_202 : memref<10000x64xf32, #tpu.memory_space<hbm>>) dst(%arg11 : memref<80x64xf32, #tpu.memory_space<vmem>>)
    %dma_start3A_203 = arith.constant 123 : i32
    %dma_start3A_204 = arith.constant 0 : i32
    %dma_start3A_205 = tpu.memref_slice %arg7[%dma_start3A_203, %dma_start3A_204] : memref<125x80xi32, #tpu.memory_space<vmem>> -> memref<1x80xi32, #tpu.memory_space<vmem>>
    %dma_start3A_206 = tpu.memref_squeeze %dma_start3A_205 : memref<1x80xi32, #tpu.memory_space<vmem>> -> memref<80xi32, #tpu.memory_space<vmem>>
    %dma_start3A_207 = arith.constant 0 : i32
    %dma_start3A_208 = arith.constant 0 : i32
    %dma_start3A_209 = tpu.memref_slice %arg16[%dma_start3A_207, %dma_start3A_208] : memref<10240x64xf32, #tpu.memory_space<vmem_shared>> -> memref<10240x64xf32, #tpu.memory_space<vmem_shared>>
    tpu.enqueue_indirect_dma source(%arg11 : memref<80x64xf32, #tpu.memory_space<vmem>>) target(%dma_start3A_209 : memref<10240x64xf32, #tpu.memory_space<vmem_shared>>) offsets(%dma_start3A_206 : memref<80xi32, #tpu.memory_space<vmem>>) semaphore(%arg28 : memref<!tpu.dma_semaphore, #tpu.memory_space<semaphore_mem>>) {add = true}
    %dma_wait3A_210 = arith.constant 124 : i32
    %dma_wait3A_211 = arith.constant 0 : i32
    %dma_wait3A_212 = tpu.memref_slice %arg6[%dma_wait3A_210, %dma_wait3A_211] : memref<125x80xi32, #tpu.memory_space<vmem>> -> memref<1x80xi32, #tpu.memory_space<vmem>>
    %dma_wait3A_213 = tpu.memref_squeeze %dma_wait3A_212 : memref<1x80xi32, #tpu.memory_space<vmem>> -> memref<80xi32, #tpu.memory_space<vmem>>
    %dma_wait3A_214 = arith.constant 0 : i32
    %dma_wait3A_215 = arith.constant 0 : i32
    %dma_wait3A_216 = tpu.memref_slice %arg2[%dma_wait3A_214, %dma_wait3A_215] : memref<10000x64xf32, #tpu.memory_space<hbm>> -> memref<10000x64xf32, #tpu.memory_space<hbm>>
    tpu.wait_indirect_dma semaphore(%arg21 : memref<!tpu.dma_semaphore, #tpu.memory_space<semaphore_mem>>) src(%dma_wait3A_216 : memref<10000x64xf32, #tpu.memory_space<hbm>>) dst(%arg12 : memref<80x64xf32, #tpu.memory_space<vmem>>)
    %dma_start3A_217 = arith.constant 124 : i32
    %dma_start3A_218 = arith.constant 0 : i32
    %dma_start3A_219 = tpu.memref_slice %arg7[%dma_start3A_217, %dma_start3A_218] : memref<125x80xi32, #tpu.memory_space<vmem>> -> memref<1x80xi32, #tpu.memory_space<vmem>>
    %dma_start3A_220 = tpu.memref_squeeze %dma_start3A_219 : memref<1x80xi32, #tpu.memory_space<vmem>> -> memref<80xi32, #tpu.memory_space<vmem>>
    %dma_start3A_221 = arith.constant 0 : i32
    %dma_start3A_222 = arith.constant 0 : i32
    %dma_start3A_223 = tpu.memref_slice %arg16[%dma_start3A_221, %dma_start3A_222] : memref<10240x64xf32, #tpu.memory_space<vmem_shared>> -> memref<10240x64xf32, #tpu.memory_space<vmem_shared>>
    tpu.enqueue_indirect_dma source(%arg12 : memref<80x64xf32, #tpu.memory_space<vmem>>) target(%dma_start3A_223 : memref<10240x64xf32, #tpu.memory_space<vmem_shared>>) offsets(%dma_start3A_220 : memref<80xi32, #tpu.memory_space<vmem>>) semaphore(%arg29 : memref<!tpu.dma_semaphore, #tpu.memory_space<semaphore_mem>>) {add = true}
    %dma_wait3A_224 = arith.constant 120 : i32
    %dma_wait3A_225 = arith.constant 0 : i32
    %dma_wait3A_226 = tpu.memref_slice %arg7[%dma_wait3A_224, %dma_wait3A_225] : memref<125x80xi32, #tpu.memory_space<vmem>> -> memref<1x80xi32, #tpu.memory_space<vmem>>
    %dma_wait3A_227 = tpu.memref_squeeze %dma_wait3A_226 : memref<1x80xi32, #tpu.memory_space<vmem>> -> memref<80xi32, #tpu.memory_space<vmem>>
    %dma_wait3A_228 = arith.constant 0 : i32
    %dma_wait3A_229 = arith.constant 0 : i32
    %dma_wait3A_230 = tpu.memref_slice %arg16[%dma_wait3A_228, %dma_wait3A_229] : memref<10240x64xf32, #tpu.memory_space<vmem_shared>> -> memref<10240x64xf32, #tpu.memory_space<vmem_shared>>
    tpu.wait_indirect_dma semaphore(%arg25 : memref<!tpu.dma_semaphore, #tpu.memory_space<semaphore_mem>>) src(%arg8 : memref<80x64xf32, #tpu.memory_space<vmem>>) dst(%dma_wait3A_230 : memref<10240x64xf32, #tpu.memory_space<vmem_shared>>)
    %dma_wait3A_231 = arith.constant 121 : i32
    %dma_wait3A_232 = arith.constant 0 : i32
    %dma_wait3A_233 = tpu.memref_slice %arg7[%dma_wait3A_231, %dma_wait3A_232] : memref<125x80xi32, #tpu.memory_space<vmem>> -> memref<1x80xi32, #tpu.memory_space<vmem>>
    %dma_wait3A_234 = tpu.memref_squeeze %dma_wait3A_233 : memref<1x80xi32, #tpu.memory_space<vmem>> -> memref<80xi32, #tpu.memory_space<vmem>>
    %dma_wait3A_235 = arith.constant 0 : i32
    %dma_wait3A_236 = arith.constant 0 : i32
    %dma_wait3A_237 = tpu.memref_slice %arg16[%dma_wait3A_235, %dma_wait3A_236] : memref<10240x64xf32, #tpu.memory_space<vmem_shared>> -> memref<10240x64xf32, #tpu.memory_space<vmem_shared>>
    tpu.wait_indirect_dma semaphore(%arg26 : memref<!tpu.dma_semaphore, #tpu.memory_space<semaphore_mem>>) src(%arg9 : memref<80x64xf32, #tpu.memory_space<vmem>>) dst(%dma_wait3A_237 : memref<10240x64xf32, #tpu.memory_space<vmem_shared>>)
    %dma_wait3A_238 = arith.constant 122 : i32
    %dma_wait3A_239 = arith.constant 0 : i32
    %dma_wait3A_240 = tpu.memref_slice %arg7[%dma_wait3A_238, %dma_wait3A_239] : memref<125x80xi32, #tpu.memory_space<vmem>> -> memref<1x80xi32, #tpu.memory_space<vmem>>
    %dma_wait3A_241 = tpu.memref_squeeze %dma_wait3A_240 : memref<1x80xi32, #tpu.memory_space<vmem>> -> memref<80xi32, #tpu.memory_space<vmem>>
    %dma_wait3A_242 = arith.constant 0 : i32
    %dma_wait3A_243 = arith.constant 0 : i32
    %dma_wait3A_244 = tpu.memref_slice %arg16[%dma_wait3A_242, %dma_wait3A_243] : memref<10240x64xf32, #tpu.memory_space<vmem_shared>> -> memref<10240x64xf32, #tpu.memory_space<vmem_shared>>
    tpu.wait_indirect_dma semaphore(%arg27 : memref<!tpu.dma_semaphore, #tpu.memory_space<semaphore_mem>>) src(%arg10 : memref<80x64xf32, #tpu.memory_space<vmem>>) dst(%dma_wait3A_244 : memref<10240x64xf32, #tpu.memory_space<vmem_shared>>)
    %dma_wait3A_245 = arith.constant 123 : i32
    %dma_wait3A_246 = arith.constant 0 : i32
    %dma_wait3A_247 = tpu.memref_slice %arg7[%dma_wait3A_245, %dma_wait3A_246] : memref<125x80xi32, #tpu.memory_space<vmem>> -> memref<1x80xi32, #tpu.memory_space<vmem>>
    %dma_wait3A_248 = tpu.memref_squeeze %dma_wait3A_247 : memref<1x80xi32, #tpu.memory_space<vmem>> -> memref<80xi32, #tpu.memory_space<vmem>>
    %dma_wait3A_249 = arith.constant 0 : i32
    %dma_wait3A_250 = arith.constant 0 : i32
    %dma_wait3A_251 = tpu.memref_slice %arg16[%dma_wait3A_249, %dma_wait3A_250] : memref<10240x64xf32, #tpu.memory_space<vmem_shared>> -> memref<10240x64xf32, #tpu.memory_space<vmem_shared>>
    tpu.wait_indirect_dma semaphore(%arg28 : memref<!tpu.dma_semaphore, #tpu.memory_space<semaphore_mem>>) src(%arg11 : memref<80x64xf32, #tpu.memory_space<vmem>>) dst(%dma_wait3A_251 : memref<10240x64xf32, #tpu.memory_space<vmem_shared>>)
    %dma_wait3A_252 = arith.constant 124 : i32
    %dma_wait3A_253 = arith.constant 0 : i32
    %dma_wait3A_254 = tpu.memref_slice %arg7[%dma_wait3A_252, %dma_wait3A_253] : memref<125x80xi32, #tpu.memory_space<vmem>> -> memref<1x80xi32, #tpu.memory_space<vmem>>
    %dma_wait3A_255 = tpu.memref_squeeze %dma_wait3A_254 : memref<1x80xi32, #tpu.memory_space<vmem>> -> memref<80xi32, #tpu.memory_space<vmem>>
    %dma_wait3A_256 = arith.constant 0 : i32
    %dma_wait3A_257 = arith.constant 0 : i32
    %dma_wait3A_258 = tpu.memref_slice %arg16[%dma_wait3A_256, %dma_wait3A_257] : memref<10240x64xf32, #tpu.memory_space<vmem_shared>> -> memref<10240x64xf32, #tpu.memory_space<vmem_shared>>
    tpu.wait_indirect_dma semaphore(%arg29 : memref<!tpu.dma_semaphore, #tpu.memory_space<semaphore_mem>>) src(%arg12 : memref<80x64xf32, #tpu.memory_space<vmem>>) dst(%dma_wait3A_258 : memref<10240x64xf32, #tpu.memory_space<vmem_shared>>)
    %barrier3A_259 = arith.constant 0 : index
    tpu.barrier barrier_id(%barrier3A_259)
    %mul3A_260 = arith.constant 640 : i32
    %mul3A_261 = arith.muli %arg1, %mul3A_260 : i32
    %mul3A_262 = arith.constant 640 : i32
    %mul3A_263 = arith.muli %arg1, %mul3A_262 : i32
    "tpu.region"() ({
      %run_scoped3A_264 = tpu.sem_alloc : memref<!tpu.dma_semaphore, #tpu.memory_space<semaphore_mem>>
      %dma_start3A_265 = arith.constant 0 : i32
      %dma_start3A_266 = tpu.memref_slice %arg5[%arg0, %mul3A_263, %dma_start3A_265] : memref<2x10240x64xf32, #tpu.memory_space<hbm>> -> memref<1x640x64xf32, #tpu.memory_space<hbm>>
      %dma_start3A_267 = tpu.memref_squeeze %dma_start3A_266 : memref<1x640x64xf32, #tpu.memory_space<hbm>> -> memref<640x64xf32, #tpu.memory_space<hbm>>
      %dma_start3A_268 = arith.constant 0 : i32
      %dma_start3A_269 = tpu.memref_slice %arg16[%mul3A_261, %dma_start3A_268] : memref<10240x64xf32, #tpu.memory_space<vmem_shared>> -> memref<640x64xf32, #tpu.memory_space<vmem_shared>>
      tpu.enqueue_dma source(%dma_start3A_269 : memref<640x64xf32, #tpu.memory_space<vmem_shared>>) target(%dma_start3A_267 : memref<640x64xf32, #tpu.memory_space<hbm>>) target_semaphore(%run_scoped3A_264 : memref<!tpu.dma_semaphore, #tpu.memory_space<semaphore_mem>>)
      %dma_wait3A_270 = arith.constant 0 : i32
      %dma_wait3A_271 = tpu.memref_slice %arg5[%arg0, %mul3A_263, %dma_wait3A_270] : memref<2x10240x64xf32, #tpu.memory_space<hbm>> -> memref<1x640x64xf32, #tpu.memory_space<hbm>>
      %dma_wait3A_272 = tpu.memref_squeeze %dma_wait3A_271 : memref<1x640x64xf32, #tpu.memory_space<hbm>> -> memref<640x64xf32, #tpu.memory_space<hbm>>
      %dma_wait3A_273 = arith.constant 0 : i32
      %dma_wait3A_274 = tpu.memref_slice %arg16[%mul3A_261, %dma_wait3A_273] : memref<10240x64xf32, #tpu.memory_space<vmem_shared>> -> memref<640x64xf32, #tpu.memory_space<vmem_shared>>
      tpu.wait_dma2 semaphore(%run_scoped3A_264 : memref<!tpu.dma_semaphore, #tpu.memory_space<semaphore_mem>>) src(%dma_wait3A_274 : memref<640x64xf32, #tpu.memory_space<vmem_shared>>) dst(%dma_wait3A_272 : memref<640x64xf32, #tpu.memory_space<hbm>>)
      tpu.yield
    }) : () -> ()
    return
  }
}

module attributes {stable_mosaic.version = 14 : i64} {
  func.func @_tc_pre_body(%arg0: i32, %arg1: memref<2x1000x8xf32, #tpu.memory_space<vmem>>, %arg2: memref<1000x128xf32, #tpu.memory_space<vmem>>, %arg3: memref<128x64xf32, #tpu.memory_space<vmem>>, %arg4: memref<1000x64xf32, #tpu.memory_space<vmem>>) attributes {dimension_semantics = [#tpu.dimension_semantics<arbitrary>], iteration_bounds = array<i64: 10>, scalar_prefetch = 0 : i64, scratch_operands = 0 : i64, tpu.core_type = #tpu.core_type<tc>, window_params = [{transform_indices = @transform_0, window_bounds = array<i64: 2, 1000, 8>}, {transform_indices = @transform_1, window_bounds = array<i64: 1000, 128>}, {pipeline_mode = #tpu.pipeline_mode<synchronous>, transform_indices = @transform_2, window_bounds = array<i64: 128, 64>}, {transform_indices = @transform_3, window_bounds = array<i64: 1000, 64>}]} {
    %get3A = arith.constant 0 : index
    %get3A_0 = arith.constant 0 : index
    %get3A_1 = vector.load %arg2[%get3A, %get3A_0] : memref<1000x128xf32, #tpu.memory_space<vmem>>, vector<1000x128xf32>
    %get3A_2 = arith.constant 0 : index
    %get3A_3 = arith.constant 0 : index
    %get3A_4 = vector.load %arg3[%get3A_2, %get3A_3] : memref<128x64xf32, #tpu.memory_space<vmem>>, vector<128x64xf32>
    %dot_general3A = arith.constant dense<0.000000e+00> : vector<1000x64xf32>
    %dot_general3A_5 = tpu.matmul %get3A_1, %get3A_4, %dot_general3A {dimension_numbers = #tpu.dot_dimension_numbers<[1], [0], [0], [1], [0, 0, 1, 1], [], []>, transpose_lhs_hint = false} : vector<1000x128xf32>, vector<128x64xf32>, vector<1000x64xf32> -> vector<1000x64xf32>
    %get3A_6 = arith.constant 0 : index
    %get3A_7 = arith.constant 0 : index
    %get3A_8 = arith.constant 0 : index
    %get3A_9 = vector.load %arg1[%get3A_6, %get3A_7, %get3A_8] : memref<2x1000x8xf32, #tpu.memory_space<vmem>>, vector<1x1000x1xf32>
    %get3A_10 = vector.shape_cast %get3A_9 : vector<1x1000x1xf32> to vector<1000x1xf32>
    %get3A_11 = arith.constant 1 : index
    %get3A_12 = arith.constant 0 : index
    %get3A_13 = arith.constant 0 : index
    %get3A_14 = vector.load %arg1[%get3A_11, %get3A_12, %get3A_13] : memref<2x1000x8xf32, #tpu.memory_space<vmem>>, vector<1x1000x1xf32>
    %get3A_15 = vector.shape_cast %get3A_14 : vector<1x1000x1xf32> to vector<1000x1xf32>
    %add3A = arith.addf %get3A_10, %get3A_15 : vector<1000x1xf32>
    %add3A_16 = arith.constant 1.000000e+00 : f32
    %add3A_17 = vector.broadcast %add3A_16 : f32 to vector<1000x1xf32>
    %add3A_18 = arith.addf %add3A, %add3A_17 : vector<1000x1xf32>
    %rsqrt3A = math.rsqrt %add3A_18 : vector<1000x1xf32>
    %mul3A = vector.broadcast %rsqrt3A : vector<1000x1xf32> to vector<1000x64xf32>
    %mul3A_19 = arith.mulf %dot_general3A_5, %mul3A : vector<1000x64xf32>
    %swap3A = arith.constant 0 : index
    %swap3A_20 = arith.constant 0 : index
    %swap3A_21 = vector.load %arg4[%swap3A, %swap3A_20] : memref<1000x64xf32, #tpu.memory_space<vmem>>, vector<1000x64xf32>
    tpu.vector_store %arg4[%swap3A, %swap3A_20], %mul3A_19 {strides = array<i32>} : memref<1000x64xf32, #tpu.memory_space<vmem>>, vector<1000x64xf32>,
    return
  }
  func.func @transform_0(%arg0: i32) -> (i32, i32, i32) {
    %c0_i32 = arith.constant 0 : i32
    %c0_i32_0 = arith.constant 0 : i32
    %c0_i32_1 = arith.constant 0 : i32
    return %c0_i32, %arg0, %c0_i32_0 : i32, i32, i32
  }
  func.func @transform_1(%arg0: i32) -> (i32, i32) {
    %c0_i32 = arith.constant 0 : i32
    %c0_i32_0 = arith.constant 0 : i32
    return %arg0, %c0_i32 : i32, i32
  }
  func.func @transform_2(%arg0: i32) -> (i32, i32) {
    %c0_i32 = arith.constant 0 : i32
    %c0_i32_0 = arith.constant 0 : i32
    %c0_i32_1 = arith.constant 0 : i32
    return %c0_i32, %c0_i32_0 : i32, i32
  }
  func.func @transform_3(%arg0: i32) -> (i32, i32) {
    %c0_i32 = arith.constant 0 : i32
    %c0_i32_0 = arith.constant 0 : i32
    return %arg0, %c0_i32 : i32, i32
  }
}

module attributes {stable_mosaic.version = 14 : i64} {
  func.func @_tc_mid_body(%arg0: i32, %arg1: memref<2x1000x64xf32, #tpu.memory_space<vmem>>, %arg2: memref<1000x64xf32, #tpu.memory_space<vmem>>, %arg3: memref<2x1000x8xf32, #tpu.memory_space<vmem>>, %arg4: memref<1x64xf32, #tpu.memory_space<vmem>>, %arg5: memref<64x64xf32, #tpu.memory_space<vmem>>, %arg6: memref<1000x64xf32, #tpu.memory_space<vmem>>) attributes {dimension_semantics = [#tpu.dimension_semantics<arbitrary>], iteration_bounds = array<i64: 10>, scalar_prefetch = 0 : i64, scratch_operands = 0 : i64, tpu.core_type = #tpu.core_type<tc>, window_params = [{transform_indices = @transform_0, window_bounds = array<i64: 2, 1000, 64>}, {transform_indices = @transform_1, window_bounds = array<i64: 1000, 64>}, {transform_indices = @transform_2, window_bounds = array<i64: 2, 1000, 8>}, {pipeline_mode = #tpu.pipeline_mode<synchronous>, transform_indices = @transform_3, window_bounds = array<i64: 1, 64>}, {pipeline_mode = #tpu.pipeline_mode<synchronous>, transform_indices = @transform_4, window_bounds = array<i64: 64, 64>}, {transform_indices = @transform_5, window_bounds = array<i64: 1000, 64>}]} {
    %get3A = arith.constant 0 : index
    %get3A_0 = arith.constant 0 : index
    %get3A_1 = arith.constant 0 : index
    %get3A_2 = vector.load %arg3[%get3A, %get3A_0, %get3A_1] : memref<2x1000x8xf32, #tpu.memory_space<vmem>>, vector<1x1000x1xf32>
    %get3A_3 = vector.shape_cast %get3A_2 : vector<1x1000x1xf32> to vector<1000x1xf32>
    %get3A_4 = arith.constant 1 : index
    %get3A_5 = arith.constant 0 : index
    %get3A_6 = arith.constant 0 : index
    %get3A_7 = vector.load %arg3[%get3A_4, %get3A_5, %get3A_6] : memref<2x1000x8xf32, #tpu.memory_space<vmem>>, vector<1x1000x1xf32>
    %get3A_8 = vector.shape_cast %get3A_7 : vector<1x1000x1xf32> to vector<1000x1xf32>
    %add3A = arith.addf %get3A_3, %get3A_8 : vector<1000x1xf32>
    %add3A_9 = arith.constant 1.000000e+00 : f32
    %add3A_10 = vector.broadcast %add3A_9 : f32 to vector<1000x1xf32>
    %add3A_11 = arith.addf %add3A, %add3A_10 : vector<1000x1xf32>
    %rsqrt3A = math.rsqrt %add3A_11 : vector<1000x1xf32>
    %get3A_12 = arith.constant 0 : index
    %get3A_13 = arith.constant 0 : index
    %get3A_14 = arith.constant 0 : index
    %get3A_15 = vector.load %arg1[%get3A_12, %get3A_13, %get3A_14] : memref<2x1000x64xf32, #tpu.memory_space<vmem>>, vector<1x1000x64xf32>
    %get3A_16 = vector.shape_cast %get3A_15 : vector<1x1000x64xf32> to vector<1000x64xf32>
    %get3A_17 = arith.constant 1 : index
    %get3A_18 = arith.constant 0 : index
    %get3A_19 = arith.constant 0 : index
    %get3A_20 = vector.load %arg1[%get3A_17, %get3A_18, %get3A_19] : memref<2x1000x64xf32, #tpu.memory_space<vmem>>, vector<1x1000x64xf32>
    %get3A_21 = vector.shape_cast %get3A_20 : vector<1x1000x64xf32> to vector<1000x64xf32>
    %add3A_22 = arith.addf %get3A_16, %get3A_21 : vector<1000x64xf32>
    %get3A_23 = arith.constant 0 : index
    %get3A_24 = arith.constant 0 : index
    %get3A_25 = vector.load %arg2[%get3A_23, %get3A_24] : memref<1000x64xf32, #tpu.memory_space<vmem>>, vector<1000x64xf32>
    %add3A_26 = arith.addf %add3A_22, %get3A_25 : vector<1000x64xf32>
    %mul3A = vector.broadcast %rsqrt3A : vector<1000x1xf32> to vector<1000x64xf32>
    %mul3A_27 = arith.mulf %add3A_26, %mul3A : vector<1000x64xf32>
    %get3A_28 = arith.constant 0 : index
    %get3A_29 = arith.constant 0 : index
    %get3A_30 = vector.load %arg4[%get3A_28, %get3A_29] : memref<1x64xf32, #tpu.memory_space<vmem>>, vector<1x64xf32>
    %add3A_31 = vector.broadcast %get3A_30 : vector<1x64xf32> to vector<1000x64xf32>
    %add3A_32 = arith.addf %mul3A_27, %add3A_31 : vector<1000x64xf32>
    %max3A = arith.constant 0.000000e+00 : f32
    %max3A_33 = vector.broadcast %max3A : f32 to vector<1000x64xf32>
    %max3A_34 = arith.maximumf %add3A_32, %max3A_33 : vector<1000x64xf32>
    %get3A_35 = arith.constant 0 : index
    %get3A_36 = arith.constant 0 : index
    %get3A_37 = vector.load %arg5[%get3A_35, %get3A_36] : memref<64x64xf32, #tpu.memory_space<vmem>>, vector<64x64xf32>
    %dot_general3A = arith.constant dense<0.000000e+00> : vector<1000x64xf32>
    %dot_general3A_38 = tpu.matmul %max3A_34, %get3A_37, %dot_general3A {dimension_numbers = #tpu.dot_dimension_numbers<[1], [0], [0], [1], [0, 0, 1, 1], [], []>, transpose_lhs_hint = false} : vector<1000x64xf32>, vector<64x64xf32>, vector<1000x64xf32> -> vector<1000x64xf32>
    %mul3A_39 = vector.broadcast %rsqrt3A : vector<1000x1xf32> to vector<1000x64xf32>
    %mul3A_40 = arith.mulf %dot_general3A_38, %mul3A_39 : vector<1000x64xf32>
    %swap3A = arith.constant 0 : index
    %swap3A_41 = arith.constant 0 : index
    %swap3A_42 = vector.load %arg6[%swap3A, %swap3A_41] : memref<1000x64xf32, #tpu.memory_space<vmem>>, vector<1000x64xf32>
    tpu.vector_store %arg6[%swap3A, %swap3A_41], %mul3A_40 {strides = array<i32>} : memref<1000x64xf32, #tpu.memory_space<vmem>>, vector<1000x64xf32>,
    return
  }
  func.func @transform_0(%arg0: i32) -> (i32, i32, i32) {
    %c0_i32 = arith.constant 0 : i32
    %c0_i32_0 = arith.constant 0 : i32
    %c0_i32_1 = arith.constant 0 : i32
    return %c0_i32, %arg0, %c0_i32_0 : i32, i32, i32
  }
  func.func @transform_1(%arg0: i32) -> (i32, i32) {
    %c0_i32 = arith.constant 0 : i32
    %c0_i32_0 = arith.constant 0 : i32
    return %arg0, %c0_i32 : i32, i32
  }
  func.func @transform_2(%arg0: i32) -> (i32, i32, i32) {
    %c0_i32 = arith.constant 0 : i32
    %c0_i32_0 = arith.constant 0 : i32
    %c0_i32_1 = arith.constant 0 : i32
    return %c0_i32, %arg0, %c0_i32_0 : i32, i32, i32
  }
  func.func @transform_3(%arg0: i32) -> (i32, i32) {
    %c0_i32 = arith.constant 0 : i32
    %c0_i32_0 = arith.constant 0 : i32
    %c0_i32_1 = arith.constant 0 : i32
    return %c0_i32, %c0_i32_0 : i32, i32
  }
  func.func @transform_4(%arg0: i32) -> (i32, i32) {
    %c0_i32 = arith.constant 0 : i32
    %c0_i32_0 = arith.constant 0 : i32
    %c0_i32_1 = arith.constant 0 : i32
    return %c0_i32, %c0_i32_0 : i32, i32
  }
  func.func @transform_5(%arg0: i32) -> (i32, i32) {
    %c0_i32 = arith.constant 0 : i32
    %c0_i32_0 = arith.constant 0 : i32
    return %arg0, %c0_i32 : i32, i32
  }
}

module attributes {stable_mosaic.version = 14 : i64} {
  func.func @_tc_final_body(%arg0: i32, %arg1: memref<2x1000x64xf32, #tpu.memory_space<vmem>>, %arg2: memref<1000x64xf32, #tpu.memory_space<vmem>>, %arg3: memref<2x1000x8xf32, #tpu.memory_space<vmem>>, %arg4: memref<1x64xf32, #tpu.memory_space<vmem>>, %arg5: memref<64x96xf32, #tpu.memory_space<vmem>>, %arg6: memref<1x96xf32, #tpu.memory_space<vmem>>, %arg7: memref<96x8xf32, #tpu.memory_space<vmem>>, %arg8: memref<1x8xf32, #tpu.memory_space<vmem>>, %arg9: memref<1000x64xf32, #tpu.memory_space<vmem>>, %arg10: memref<1000x8xf32, #tpu.memory_space<vmem>>) attributes {dimension_semantics = [#tpu.dimension_semantics<arbitrary>], iteration_bounds = array<i64: 10>, scalar_prefetch = 0 : i64, scratch_operands = 0 : i64, tpu.core_type = #tpu.core_type<tc>, window_params = [{transform_indices = @transform_0, window_bounds = array<i64: 2, 1000, 64>}, {transform_indices = @transform_1, window_bounds = array<i64: 1000, 64>}, {transform_indices = @transform_2, window_bounds = array<i64: 2, 1000, 8>}, {pipeline_mode = #tpu.pipeline_mode<synchronous>, transform_indices = @transform_3, window_bounds = array<i64: 1, 64>}, {pipeline_mode = #tpu.pipeline_mode<synchronous>, transform_indices = @transform_4, window_bounds = array<i64: 64, 96>}, {pipeline_mode = #tpu.pipeline_mode<synchronous>, transform_indices = @transform_5, window_bounds = array<i64: 1, 96>}, {pipeline_mode = #tpu.pipeline_mode<synchronous>, transform_indices = @transform_6, window_bounds = array<i64: 96, 8>}, {pipeline_mode = #tpu.pipeline_mode<synchronous>, transform_indices = @transform_7, window_bounds = array<i64: 1, 8>}, {transform_indices = @transform_8, window_bounds = array<i64: 1000, 64>}, {transform_indices = @transform_9, window_bounds = array<i64: 1000, 8>}]} {
    %get3A = arith.constant 0 : index
    %get3A_0 = arith.constant 0 : index
    %get3A_1 = arith.constant 0 : index
    %get3A_2 = vector.load %arg1[%get3A, %get3A_0, %get3A_1] : memref<2x1000x64xf32, #tpu.memory_space<vmem>>, vector<1x1000x64xf32>
    %get3A_3 = vector.shape_cast %get3A_2 : vector<1x1000x64xf32> to vector<1000x64xf32>
    %get3A_4 = arith.constant 1 : index
    %get3A_5 = arith.constant 0 : index
    %get3A_6 = arith.constant 0 : index
    %get3A_7 = vector.load %arg1[%get3A_4, %get3A_5, %get3A_6] : memref<2x1000x64xf32, #tpu.memory_space<vmem>>, vector<1x1000x64xf32>
    %get3A_8 = vector.shape_cast %get3A_7 : vector<1x1000x64xf32> to vector<1000x64xf32>
    %add3A = arith.addf %get3A_3, %get3A_8 : vector<1000x64xf32>
    %get3A_9 = arith.constant 0 : index
    %get3A_10 = arith.constant 0 : index
    %get3A_11 = vector.load %arg2[%get3A_9, %get3A_10] : memref<1000x64xf32, #tpu.memory_space<vmem>>, vector<1000x64xf32>
    %add3A_12 = arith.addf %add3A, %get3A_11 : vector<1000x64xf32>
    %get3A_13 = arith.constant 0 : index
    %get3A_14 = arith.constant 0 : index
    %get3A_15 = arith.constant 0 : index
    %get3A_16 = vector.load %arg3[%get3A_13, %get3A_14, %get3A_15] : memref<2x1000x8xf32, #tpu.memory_space<vmem>>, vector<1x1000x1xf32>
    %get3A_17 = vector.shape_cast %get3A_16 : vector<1x1000x1xf32> to vector<1000x1xf32>
    %get3A_18 = arith.constant 1 : index
    %get3A_19 = arith.constant 0 : index
    %get3A_20 = arith.constant 0 : index
    %get3A_21 = vector.load %arg3[%get3A_18, %get3A_19, %get3A_20] : memref<2x1000x8xf32, #tpu.memory_space<vmem>>, vector<1x1000x1xf32>
    %get3A_22 = vector.shape_cast %get3A_21 : vector<1x1000x1xf32> to vector<1000x1xf32>
    %add3A_23 = arith.addf %get3A_17, %get3A_22 : vector<1000x1xf32>
    %add3A_24 = arith.constant 1.000000e+00 : f32
    %add3A_25 = vector.broadcast %add3A_24 : f32 to vector<1000x1xf32>
    %add3A_26 = arith.addf %add3A_23, %add3A_25 : vector<1000x1xf32>
    %rsqrt3A = math.rsqrt %add3A_26 : vector<1000x1xf32>
    %mul3A = vector.broadcast %rsqrt3A : vector<1000x1xf32> to vector<1000x64xf32>
    %mul3A_27 = arith.mulf %add3A_12, %mul3A : vector<1000x64xf32>
    %get3A_28 = arith.constant 0 : index
    %get3A_29 = arith.constant 0 : index
    %get3A_30 = vector.load %arg4[%get3A_28, %get3A_29] : memref<1x64xf32, #tpu.memory_space<vmem>>, vector<1x64xf32>
    %add3A_31 = vector.broadcast %get3A_30 : vector<1x64xf32> to vector<1000x64xf32>
    %add3A_32 = arith.addf %mul3A_27, %add3A_31 : vector<1000x64xf32>
    %max3A = arith.constant 0.000000e+00 : f32
    %max3A_33 = vector.broadcast %max3A : f32 to vector<1000x64xf32>
    %max3A_34 = arith.maximumf %add3A_32, %max3A_33 : vector<1000x64xf32>
    %swap3A = arith.constant 0 : index
    %swap3A_35 = arith.constant 0 : index
    %swap3A_36 = vector.load %arg9[%swap3A, %swap3A_35] : memref<1000x64xf32, #tpu.memory_space<vmem>>, vector<1000x64xf32>
    tpu.vector_store %arg9[%swap3A, %swap3A_35], %max3A_34 {strides = array<i32>} : memref<1000x64xf32, #tpu.memory_space<vmem>>, vector<1000x64xf32>,
    %get3A_37 = arith.constant 0 : index
    %get3A_38 = arith.constant 0 : index
    %get3A_39 = vector.load %arg5[%get3A_37, %get3A_38] : memref<64x96xf32, #tpu.memory_space<vmem>>, vector<64x96xf32>
    %dot_general3A = arith.constant dense<0.000000e+00> : vector<1000x96xf32>
    %dot_general3A_40 = tpu.matmul %max3A_34, %get3A_39, %dot_general3A {dimension_numbers = #tpu.dot_dimension_numbers<[1], [0], [0], [1], [0, 0, 1, 1], [], []>, transpose_lhs_hint = false} : vector<1000x64xf32>, vector<64x96xf32>, vector<1000x96xf32> -> vector<1000x96xf32>
    %get3A_41 = arith.constant 0 : index
    %get3A_42 = arith.constant 0 : index
    %get3A_43 = vector.load %arg6[%get3A_41, %get3A_42] : memref<1x96xf32, #tpu.memory_space<vmem>>, vector<1x96xf32>
    %add3A_44 = vector.broadcast %get3A_43 : vector<1x96xf32> to vector<1000x96xf32>
    %add3A_45 = arith.addf %dot_general3A_40, %add3A_44 : vector<1000x96xf32>
    %max3A_46 = arith.constant 0.000000e+00 : f32
    %max3A_47 = vector.broadcast %max3A_46 : f32 to vector<1000x96xf32>
    %max3A_48 = arith.maximumf %add3A_45, %max3A_47 : vector<1000x96xf32>
    %get3A_49 = arith.constant 0 : index
    %get3A_50 = arith.constant 0 : index
    %get3A_51 = vector.load %arg7[%get3A_49, %get3A_50] : memref<96x8xf32, #tpu.memory_space<vmem>>, vector<96x8xf32>
    %dot_general3A_52 = arith.constant dense<0.000000e+00> : vector<1000x8xf32>
    %dot_general3A_53 = tpu.matmul %max3A_48, %get3A_51, %dot_general3A_52 {dimension_numbers = #tpu.dot_dimension_numbers<[1], [0], [0], [1], [0, 0, 1, 1], [], []>, transpose_lhs_hint = false} : vector<1000x96xf32>, vector<96x8xf32>, vector<1000x8xf32> -> vector<1000x8xf32>
    %get3A_54 = arith.constant 0 : index
    %get3A_55 = arith.constant 0 : index
    %get3A_56 = vector.load %arg8[%get3A_54, %get3A_55] : memref<1x8xf32, #tpu.memory_space<vmem>>, vector<1x8xf32>
    %add3A_57 = vector.broadcast %get3A_56 : vector<1x8xf32> to vector<1000x8xf32>
    %add3A_58 = arith.addf %dot_general3A_53, %add3A_57 : vector<1000x8xf32>
    %logistic3A = arith.negf %add3A_58 : vector<1000x8xf32>
    %logistic3A_59 = math.exp %logistic3A : vector<1000x8xf32>
    %logistic3A_60 = arith.constant 1.000000e+00 : f32
    %logistic3A_61 = vector.broadcast %logistic3A_60 : f32 to vector<1000x8xf32>
    %logistic3A_62 = arith.addf %logistic3A_61, %logistic3A_59 : vector<1000x8xf32>
    %logistic3A_63 = arith.divf %logistic3A_61, %logistic3A_62 : vector<1000x8xf32>
    %swap3A_64 = arith.constant 0 : index
    %swap3A_65 = arith.constant 0 : index
    %swap3A_66 = vector.load %arg10[%swap3A_64, %swap3A_65] : memref<1000x8xf32, #tpu.memory_space<vmem>>, vector<1000x8xf32>
    tpu.vector_store %arg10[%swap3A_64, %swap3A_65], %logistic3A_63 {strides = array<i32>} : memref<1000x8xf32, #tpu.memory_space<vmem>>, vector<1000x8xf32>,
    return
  }
  func.func @transform_0(%arg0: i32) -> (i32, i32, i32) {
    %c0_i32 = arith.constant 0 : i32
    %c0_i32_0 = arith.constant 0 : i32
    %c0_i32_1 = arith.constant 0 : i32
    return %c0_i32, %arg0, %c0_i32_0 : i32, i32, i32
  }
  func.func @transform_1(%arg0: i32) -> (i32, i32) {
    %c0_i32 = arith.constant 0 : i32
    %c0_i32_0 = arith.constant 0 : i32
    return %arg0, %c0_i32 : i32, i32
  }
  func.func @transform_2(%arg0: i32) -> (i32, i32, i32) {
    %c0_i32 = arith.constant 0 : i32
    %c0_i32_0 = arith.constant 0 : i32
    %c0_i32_1 = arith.constant 0 : i32
    return %c0_i32, %arg0, %c0_i32_0 : i32, i32, i32
  }
  func.func @transform_3(%arg0: i32) -> (i32, i32) {
    %c0_i32 = arith.constant 0 : i32
    %c0_i32_0 = arith.constant 0 : i32
    %c0_i32_1 = arith.constant 0 : i32
    return %c0_i32, %c0_i32_0 : i32, i32
  }
  func.func @transform_4(%arg0: i32) -> (i32, i32) {
    %c0_i32 = arith.constant 0 : i32
    %c0_i32_0 = arith.constant 0 : i32
    %c0_i32_1 = arith.constant 0 : i32
    return %c0_i32, %c0_i32_0 : i32, i32
  }
  func.func @transform_5(%arg0: i32) -> (i32, i32) {
    %c0_i32 = arith.constant 0 : i32
    %c0_i32_0 = arith.constant 0 : i32
    %c0_i32_1 = arith.constant 0 : i32
    return %c0_i32, %c0_i32_0 : i32, i32
  }
  func.func @transform_6(%arg0: i32) -> (i32, i32) {
    %c0_i32 = arith.constant 0 : i32
    %c0_i32_0 = arith.constant 0 : i32
    %c0_i32_1 = arith.constant 0 : i32
    return %c0_i32, %c0_i32_0 : i32, i32
  }
  func.func @transform_7(%arg0: i32) -> (i32, i32) {
    %c0_i32 = arith.constant 0 : i32
    %c0_i32_0 = arith.constant 0 : i32
    %c0_i32_1 = arith.constant 0 : i32
    return %c0_i32, %c0_i32_0 : i32, i32
  }
  func.func @transform_8(%arg0: i32) -> (i32, i32) {
    %c0_i32 = arith.constant 0 : i32
    %c0_i32_0 = arith.constant 0 : i32
    return %arg0, %c0_i32 : i32, i32
  }
  func.func @transform_9(%arg0: i32) -> (i32, i32) {
    %c0_i32 = arith.constant 0 : i32
    %c0_i32_0 = arith.constant 0 : i32
    return %arg0, %c0_i32 : i32, i32
  }
}

</mosaic_0001>

<sc_bundles>
// kernel: kernel.11.cloned.1.call-start
scs
__scs_entry_jumppad:
0x0: {  	(pc) =	sbr.rel $0x88, $3  }
0x1: {  	(tag) =	ssettag $0x0;
	lr =	simm.s32 $0x1  }
0x2: {  	[smem:$0x3F8F] =	sst lr;
	_ =	strace $0xD0000000  }
0x3: {  	_ = 	snop  }
0x4: {  	_ = 	snop  }
0x5: {  	_ = 	snop  }
0x6: {  	_ = 	snop  }
0x7: {  	_ = 	snop  }
__scs_overlays_trampoline_lowered:
0x8: {  	[smem:$0x3F9E] =	sst s0  }
0x9: {  	[smem:$0x3F9F] =	sst s1  }
0xa: {  	[smem:$0x3FA0] =	sst s2  }
0xb: {  	[smem:$0x3FA1] =	sst s3  }
0xc: {  	[smem:$0x3FA2] =	sst s4  }
0xd: {  	[smem:$0x3FA3] =	sst s5  }
0xe: {  	[smem:$0x3FA4] =	sst s6  }
0xf: {  	[smem:$0x3FA5] =	sst s7  }
0x10: {  	[smem:$0x3FA6] =	sst s8  }
0x11: {  	[smem:$0x3FA7] =	sst s9;
	s0 =	simm.s32 @!p0 $0x0  }
0x12: {  	s1 =	sld [smem:$0x3F8D];
	s0 =	simm.s32 @p0 $0x1  }
0x13: {  	[smem:$0x3FA8] =	sst s0;
	s0 =	simm.s32 @!p1 $0x0  }
0x14: {  	s2 =	sld [smem:$0x3F8C];
	s0 =	simm.s32 @p1 $0x1  }
0x15: {  	[smem:$0x3FA9] =	sst s0;
	s0 =	simm.s32 @!p2 $0x0  }
0x16: {  	s3 =	sld [smem:$0x3FDB];
	s0 =	simm.s32 @p2 $0x1  }
0x17: {  	s4 =	simm.s32 $0x1BF5;
	[smem:$0x3FAB] =	sst s0  }
0x18: {  	s0 =	sld [smem:$0x3F8E];
	_ =	swait.ge [sflag:s4], $0x0  }
0x19: {  	s7 =	sld [smem:$0x3F8F]  }
0x1a: {  	s8 =	sadd.s32 $0xFFFFE003, lr  }
0x1b: {  	s9 =	sadd.s32 $0xFFFFFEF7, lr;
	s5 =	simm.s32 $0xFFFFFFFF;
	p2 =	slt.u32 s8, $0xFFFFF086  }
0x1c: {  	p1 =	slt.u32 s9, $0xF7A;
	s5 =	simm.s32 @!p2 $0x0  }
0x1d: {  	s5 =	simm.s32 @p1 $0x1;
	p0 =	seq.s32 s7, s2  }
0x1e: {  	s7 =	smul.u32 @!p0 $0xF7A, s2;
	p2 =	seq.s32 @!p0 s5, $0x0  }
0x1f: {  	s9 =	smul.u32 $0xF7A, s1;
	s8 =	simm.s32 @!p0 $0x1BF5;
	p2 =	por !p2, p0  }
0x20: {  	[sflag:s8] =	ssyncset.s32 @!p0 $0xFFFFF086;
	s6 =	sadd.s32 @!p0 s3, s7;
	s7 =	simm.s32 @!p0 $0x108  }
0x21: {  	s3 =	sadd.s32 s3, s9;
	s6 =	sadd.s32 @!p0 $0x88, s6;
	s7 =	simm.s32 @p2 $0x1082  }
0x22: {  	[simem:s7], [sflag:s8] =	dma.local @!p0 [hbm:s6], $0xF7A  }
0x23: {  	s9 =	sor.u32 $0xD0000000, s2;
	s6 =	simm.s32 $0x108;
	_ =	swait.ge @!p0 [sflag:s8], $0x0  }
0x24: {  	s3 =	sadd.s32 $0x88, s3;
	s6 =	simm.s32 @!p1 $0x1082;
	[sflag:s4] =	ssyncset.s32 $0xFFFFF086  }
0x25: {  	[simem:s6], [sflag:s4] =	dma.local [hbm:s3], $0xF7A  }
0x26: {  	[smem:$0x3F8F] =	sst s1;
	(tag) =	ssettag s2;
	_ =	strace s9  }
0x27: {  	s1 =	sld [smem:$0x3F9F]  }
0x28: {  	s2 =	sld [smem:$0x3FA0]  }
0x29: {  	s4 =	sld [smem:$0x3FA2]  }
0x2a: {  	p0 =	seq.s32 s5, $0x0;
	s5 =	sld [smem:$0x3FA3]  }
0x2b: {  	s6 =	sld [smem:$0x3FA4]  }
0x2c: {  	s7 =	sld [smem:$0x3FA5]  }
0x2d: {  	s3 =	simm.s32 $0x108;
	s8 =	sld [smem:$0x3FA6]  }
0x2e: {  	s3 =	simm.s32 @!p0 $0x1082;
	s9 =	sld [smem:$0x3FA7]  }
0x2f: {  	lr =	sadd.s32 s0, s3;
	s0 =	sld [smem:$0x3F9E]  }
0x30: {  	s3 =	sld [smem:$0x3FA1]  }
0x31: {  	[smem:$0x3FAA] =	sst s10  }
0x32: {  	s10 =	sld [smem:$0x3FA8];
	_ =	sdelay $0x3  }
0x33: {  	p0 =	seq.s32 s10, $0x1;
	s10 =	sld [smem:$0x3FAA];
	_ =	sdelay $0x3  }
0x34: {  	[smem:$0x3FAA] =	sst s10  }
0x35: {  	s10 =	sld [smem:$0x3FA9];
	_ =	sdelay $0x3  }
0x36: {  	p1 =	seq.s32 s10, $0x1;
	s10 =	sld [smem:$0x3FAA];
	_ =	sdelay $0x3  }
0x37: {  	[smem:$0x3FAA] =	sst s10  }
0x38: {  	s10 =	sld [smem:$0x3FAB]  }
0x39: {  	_ = 	snop;
	(pc) =	sbr.ind lr, $3  }
0x3a: {  	_ = 	snop  }
0x3b: {  	_ = 	snop  }
0x3c: {  	p2 =	seq.s32 s10, $0x1;
	s10 =	sld [smem:$0x3FAA]  }
0x3d: {  	_ =	shalt  }
0x3e: {  	_ =	shalt  }
0x3f: {  	_ =	shalt  }
0x40: {  	_ =	shalt  }
0x41: {  	_ =	shalt  }
0x42: {  	_ =	shalt  }
0x43: {  	_ =	shalt  }
0x44: {  	_ =	shalt  }
0x45: {  	_ =	shalt  }
0x46: {  	_ =	shalt  }
0x47: {  	_ =	shalt  }
0x48: {  	_ =	shalt  }
0x49: {  	_ =	shalt  }
0x4a: {  	_ =	shalt  }
0x4b: {  	_ =	shalt  }
0x4c: {  	_ =	shalt  }
0x4d: {  	_ =	shalt  }
0x4e: {  	_ =	shalt  }
0x4f: {  	_ =	shalt  }
0x50: {  	_ =	shalt  }
0x51: {  	_ =	shalt  }
0x52: {  	_ =	shalt  }
0x53: {  	_ =	shalt  }
0x54: {  	_ =	shalt  }
0x55: {  	_ =	shalt  }
0x56: {  	_ =	shalt  }
0x57: {  	_ =	shalt  }
0x58: {  	_ =	shalt  }
0x59: {  	_ =	shalt  }
0x5a: {  	_ =	shalt  }
0x5b: {  	_ =	shalt  }
0x5c: {  	_ =	shalt  }
0x5d: {  	_ =	shalt  }
0x5e: {  	_ =	shalt  }
0x5f: {  	_ =	shalt  }
0x60: {  	_ =	shalt  }
0x61: {  	_ =	shalt  }
0x62: {  	_ =	shalt  }
0x63: {  	_ =	shalt  }
0x64: {  	_ =	shalt  }
0x65: {  	_ =	shalt  }
0x66: {  	_ =	shalt  }
0x67: {  	_ =	shalt  }
0x68: {  	_ =	shalt  }
0x69: {  	_ =	shalt  }
0x6a: {  	_ =	shalt  }
0x6b: {  	_ =	shalt  }
0x6c: {  	_ =	shalt  }
0x6d: {  	_ =	shalt  }
0x6e: {  	_ =	shalt  }
0x6f: {  	_ =	shalt  }
0x70: {  	_ =	shalt  }
0x71: {  	_ =	shalt  }
0x72: {  	_ =	shalt  }
0x73: {  	_ =	shalt  }
0x74: {  	_ =	shalt  }
0x75: {  	_ =	shalt  }
0x76: {  	_ =	shalt  }
0x77: {  	_ =	shalt  }
0x78: {  	_ =	shalt  }
0x79: {  	_ =	shalt  }
0x7a: {  	_ =	shalt  }
0x7b: {  	_ =	shalt  }
0x7c: {  	_ =	shalt  }
0x7d: {  	_ =	shalt  }
0x7e: {  	_ =	shalt  }
0x7f: {  	_ =	shalt  }
0x80: {  	_ =	shalt  }
0x81: {  	_ =	shalt  }
0x82: {  	_ =	shalt  }
0x83: {  	_ =	shalt  }
0x84: {  	_ =	shalt  }
0x85: {  	_ =	shalt  }
0x86: {  	_ =	shalt  }
0x87: {  	_ =	shalt  }
.Lfunc_end0:
.L_simem_size_0:
called_computation.1_lowered:
.L_overlay_start_0:
0x88: {  	s2 =	sld [smem:$0x3FD9]  }
0x89: {  	s3 =	sld [smem:$0x3FFE];
	_ =	sdelay $0x1  }
0x8a: {  	s1 =	srdreg.scid  }
0x8b: {  	s0 =	sand.u32 $0x1, s1  }
0x8c: {  	s14 =	sshll.u32 s0, $0xA;
	s2 =	sadd.s32 s3, s2  }
0x8d: {  	s2 =	sadd.s32 s2, s14  }
0x8e: {  	[smem:$0x3FB6] =	sst s2  }
0x8f: {  	_ = 	snop  }
0x90: {  	s2 =	sld [smem:$0x3FD0];
	_ =	sdelay $0x2  }
0x91: {  	s15 =	simm.s32 $0xA;
	s4 =	simm.s32 $0x10  }
0x92: {  	[smem:s4], [sflag:s15] =	dma.local [hbm:s2], $0x1  }
0x93: {  	_ =	swait.eq [sflag:s15], $0x1  }
0x94: {  	[sflag:s15] =	ssyncset.done $0x0  }
0x95: {  	[sflag:s15] =	ssyncadd.s32 $0xFFFFFFFF  }
0x96: {  	s16 =	sld [smem:$0x10];
	(tm) =	ssettm $0x1  }
0x97: {  	s17 =	sld [smem:$0x3FFB];
	_ =	sdelay $0x3  }
0x98: {  	_ =	strace s17  }
0x99: {  	s3 =	sld [smem:$0x3FFC];
	_ =	sdelay $0x3  }
0x9a: {  	_ =	strace s3  }
0x9b: {  	s3 =	sld [smem:$0x3FFD];
	_ =	sdelay $0x3  }
0x9c: {  	_ =	strace s3  }
0x9d: {  	_ =	strace $0x8FFFFFFF  }
0x9e: {  	s18 =	sld [smem:$0x3FDB];
	_ =	sdelay $0x1  }
0x9f: {  	s19 =	simm.s32 $_scs_section_size  }
0xa0: {  	s5 =	simm.s32 $_size__tile_overlayer_lowered;
	s6 =	simm.s32 $_tile_overlayer_lowered  }
0xa1: {  	s22 =	simm.s32 $0x1BFF;
	s21 =	sshll.u32 s6, $0x1;
	s3 =	sadd.s32 s19, s18  }
0xa2: {  	s7 =	simm.s32 $0x0;
	s20 =	sshll.u32 s5, $0x1;
	s5 =	sadd.s32 s21, s3  }
0xa3: {  	[timem:s7], [sflag:s22] =	dma.local [hbm:s5], s20  }
0xa4: {  	_ =	swait.ge [sflag:s22], s20  }
0xa5: {  	s4 =	ssub.s32 $0x0, s20;
	[sflag:s22] =	ssyncset.done $0x0  }
0xa6: {  	[sflag:s22] =	ssyncadd.s32 s4;
	_ =	sdelay $0x1  }
0xa7: {  	s23 =	simm.s32 $0x1B8B  }
0xa8: {  	_ =	swait.ge [sflag:s23], $0x1  }
0xa9: {  	[sflag:s23] =	ssyncset.done $0x0  }
0xaa: {  	s25 =	simm.s32 $0x1B8E;
	s24 =	sld [smem:$0x3FFE];
	[sflag:s23] =	ssyncadd.s32 $0xFFFFFFFF  }
0xab: {  	s26 =	simm.s32 $execute0_lowered;
	[smem:$0x3FD2] =	sst s25  }
0xac: {  	s5 =	sshll.u32 s26, $0x1;
	_ =	strace $0x80000049;
	[dreg:$0x1] =	wrdreg $0xFFFFFFFF  }
0xad: {  	s28 =	simm.s32 $_size_execute0_lowered;
	s3 =	sadd.s32 s3, s5;
	[dreg:$0x0] =	wrdreg $0x0  }
0xae: {  	s5 =	sshll.u32 s28, $0x1;
	[dreg:$0x2] =	wrdreg s3  }
0xaf: {  	[dreg:$0x3] =	wrdreg s5  }
0xb0: {  	[dreg:$0x4] =	wrdreg $0xC0  }
0xb1: {  	_ =	task [dreg:s7], $0x5FFFF  }
0xb2: {  	[dreg:$0x1] =	wrdreg $0xFFFFFFFF  }
0xb3: {  	[dreg:$0x0] =	wrdreg $0x60  }
0xb4: {  	[dreg:$0x2] =	wrdreg s24  }
0xb5: {  	[dreg:$0x3] =	wrdreg s16  }
0xb6: {  	[dreg:$0x4] =	wrdreg $0xEE200  }
0xb7: {  	[dreg:$0x5] =	wrdreg $0x9  }
0xb8: {  	_ =	task.clear_ibuf [dreg:s7], $0x6FFFF;
	_ =	strace $0x90000049  }
0xb9: {  	s29 =	simm.s32 $0x9;
	_ =	strace $0x8000004B  }
0xba: {  	_ =	swait.ge [sflag:s29], $0x1  }
0xbb: {  	[sflag:s29] =	ssyncadd.s32 $0xFFFFFFFF  }
0xbc: {  	_ =	strace $0x9000004B  }
0xbd: {  	_ =	sfence  }
0xbe: {  	s30 =	sld [smem:$0x0];
	_ =	sdelay $0x2  }
0xbf: {  	s31 =	sshll.u32 s1, $0xD;
	s1 =	sshrl.u32 s1, $0x2  }
0xc0: {  	s3 =	sand.u32 $0x4000, s31;
	s1 =	sadd.s32 s1, s30  }
0xc1: {  	s0 =	sor.u32 s3, s0;
	s1 =	sshll.u32 s1, $0x11  }
0xc2: {  	s0 =	sor.u32 s1, s0  }
0xc3: {  	s0 =	sadd.s32 $0x8F2B, s0  }
0xc4: {  	[sflag:s0] =	ssyncadd.remote.s32 $0x1  }
0xc5: {  	_ =	sfence.sel $0xFFFF  }
0xc6: {  	[dreg:$0x0] =	wrdreg $0xFFFFFFFF;
	(pc) =	sbr.abs _section_cstart, $3  }
0xc7: {  	[dreg:$0x1] =	wrdreg $0xFFFFFFFF  }
0xc8: {  	_ =	task.clear_ibuf [dreg:s7], $0x2FFFF;
	_ =	strace $0x9FFFFFFF  }
0xc9: {  	(tm) =	ssettm $0x7FFFFFFF  }
tec
execute0_lowered:
.L_overlay_start_1:
0x0: {  	(tag) =	ssettag $0x1  }
0x1: {  	s0 =	rddreg [dreg:$0x0]  }
0x2: {  	s1 =	rddreg [dreg:$0x1]  }
0x3: {  	s2 =	rddreg [dreg:$0x2];
	s10 =	stileid.u32  }
0x4: {  	s3 =	srdreg.scid;
	s4 =	simm.s32 $0x0;
	s14 =	simm.s32 $0x50  }
0x5: {  	s15 =	simm.s32 $0x4E20;
	s16 =	simm.s32 $0x6220;
	s18 =	simm.s32 $0x7620  }
0x6: {  	s20 =	simm.s32 $0x8A20;
	s22 =	simm.s32 $0x9E20;
	s29 =	simm.s32 $0xDA20  }
0x7: {  	s30 =	simm.s32 $0x1;
	s31 =	simm.s32 $0x2;
	s13 =	simm.s32 $0x5  }
0x8: {  	s17 =	simm.s32 $0x6;
	s19 =	simm.s32 $0x7;
	s21 =	simm.s32 $0x8  }
0x9: {  	s28 =	simm.s32 $0xB;
	s5 =	smul.u32 $0xA000, s10;
	s3 =	sand.u32 $0x1, s3  }
0xa: {  	[smem:$0x7FF] =	sst s4;
	s4 =	sadd.s32 $0x79C00, s0;
	s9 =	smul.u32 $0x2710, s10  }
0xb: {  	s26 =	sshll.u32 s10, $0x6;
	s10 =	simm.s32 $0xF;
	s6 =	smul.u32 $0xA0000, s3  }
0xc: {  	_ =	strace $0x8000004A;
	s7 =	smul.u32 $0x27100, s3;
	s3 =	ssub.s32 $0x2, s3  }
0xd: {  	s11 =	sor.u32 $0x1C11, s26;
	s26 =	simm.s32 $0xC620;
	s8 =	sshrl.u32 s5, $0x3  }
0xe: {  	s23 =	sshrl.u32 s3, $0x1;
	[dreg:$0x6] =	wrdreg s11;
	s6 =	sadd.s32 s5, s6  }
0xf: {  	s8 =	sadd.s32 s8, s0;
	s7 =	sadd.s32 s9, s7;
	s3 =	ssub.s32 s3, s23  }
0x10: {  	s5 =	sadd.s32 s5, s2;
	s23 =	simm.s32 $0x9;
	s9 =	simm.s32 $0xE  }
0x11: {  	s6 =	sshrl.u32 s6, $0x3;
	s24 =	sshrl.u32 s7, $0x3;
	s25 =	sadd.s32 $0x8D600, s8  }
0x12: {  	s12 =	sshrl.u32 s5, $0x3;
	s7 =	simm.s32 $0x0;
	[dreg:$0x4] =	wrdreg s25  }
0x13: {  	s5 =	simm.s32 $0xC;
	s8 =	simm.s32 $0xD;
	[dreg:$0xb] =	wrdreg s7  }
0x14: {  	s0 =	sadd.s32 s6, s0;
	s1 =	sadd.s32 s1, s24;
	[dreg:$0xa] =	wrdreg s12  }
0x15: {  	s6 =	smax.u32 s3, $0x1;
	s24 =	simm.s32 $0xB220;
	[dreg:$0x5] =	wrdreg s1  }
0x16: {  	s25 =	simm.s32 $0xA;
	s1 =	sadd.s32 $0x9C40, s1;
	[dreg:$0x9] =	wrdreg s6  }
0x17: {  	s0 =	sadd.s32 $0xA1600, s0;
	s6 =	simm.s32 $0x10;
	[dreg:$0x7] =	wrdreg s1  }
0x18: {  	[dreg:$0x8] =	wrdreg s0;
	s0 =	simm.s32 $0x3;
	s1 =	simm.s32 $0x4  }
.LBB2_1:
0x19: {  	s3 =	simm.s32 $0x11;
	s7 =	rddreg [dreg:$0x4]  }
0x1a: {  	[spmem:s12], [sflag:s11] =	dma.local [hbm:s7], $0x1400  }
0x1b: {  	_ =	swait.ge [sflag:s3], $0x1400  }
0x1c: {  	[sflag:s3] =	ssyncset.done $0x0  }
0x1d: {  	s7 =	simm.s32 $0x0;
	s12 =	rddreg [dreg:$0x5];
	[sflag:s3] =	ssyncadd.s32 $0xFFFFEC00  }
0x1e: {  	[tilespmem:s7], [sflag:$0x11] =	stream.linear.gather [hbm4b:s12+s7], $0x2710, $0x38;
	[tilespmem:$0x18E20] =	vst v63  }
0x1f: {  	_ =	swait.ge [sflag:s3], $0x2710  }
0x20: {  	[sflag:s3] =	ssyncset.done $0x0  }
0x21: {  	s12 =	simm.s32 $0x2710;
	s11 =	rddreg [dreg:$0x7];
	[sflag:s3] =	ssyncadd.s32 $0xFFFFD8F0  }
0x22: {  	[tilespmem:s12], [sflag:$0x11] =	stream.linear.gather [hbm4b:s11+s7], $0x2710, $0x38;
	[tilespmem:$0x18E20] =	vst v63  }
0x23: {  	_ =	swait.ge [sflag:s3], $0x2710  }
0x24: {  	[sflag:s3] =	ssyncset.done $0x0  }
0x25: {  	[sflag:s3] =	ssyncadd.s32 $0xFFFFD8F0  }
0x26: {  	[bflag:$0x0] =	sbarrier.arrive $0xFFFF  }
0x27: {  	[tilespmem:s15], [sflag:$0x1] =	stream.indirect.gather [hbm4b:s4+s14], $0x40, s7, s14, $0xb8;
	[tilespmem:$0x18E20] =	vst v63  }
0x28: {  	_ = 	snop  }
0x29: {  	[tilespmem:s16], [sflag:$0x2] =	stream.indirect.gather [hbm4b:s4+s14], $0x40, s14, s14, $0xb8;
	[tilespmem:$0x18E20] =	vst v63  }
0x2a: {  	s7 =	simm.s32 $0xA0  }
0x2b: {  	[tilespmem:s18], [sflag:$0x3] =	stream.indirect.gather [hbm4b:s4+s14], $0x40, s7, s14, $0xb8;
	[tilespmem:$0x18E20] =	vst v63  }
0x2c: {  	s11 =	simm.s32 $0xF0  }
0x2d: {  	[tilespmem:s20], [sflag:$0x4] =	stream.indirect.gather [hbm4b:s4+s14], $0x40, s11, s14, $0xb8;
	[tilespmem:$0x18E20] =	vst v63  }
0x2e: {  	s12 =	simm.s32 $0x140  }
0x2f: {  	[tilespmem:s22], [sflag:$0x5] =	stream.indirect.gather [hbm4b:s4+s14], $0x40, s12, s14, $0xb8;
	[tilespmem:$0x18E20] =	vst v63  }
0x30: {  	s7 =	simm.s32 $0x190  }
0x31: {  	[tilespmem:s24], [sflag:$0x6] =	stream.indirect.gather [hbm4b:s4+s14], $0x40, s7, s14, $0xb8;
	[tilespmem:$0x18E20] =	vst v63  }
0x32: {  	s11 =	simm.s32 $0x1E0  }
0x33: {  	[tilespmem:s26], [sflag:$0x7] =	stream.indirect.gather [hbm4b:s4+s14], $0x40, s11, s14, $0xb8;
	[tilespmem:$0x18E20] =	vst v63  }
0x34: {  	s12 =	simm.s32 $0x230  }
0x35: {  	[tilespmem:s29], [sflag:$0x8] =	stream.indirect.gather [hbm4b:s4+s14], $0x40, s12, s14, $0xb8;
	[tilespmem:$0x18E20] =	vst v63  }
0x36: {  	_ =	swait.ge [sflag:s30], $0x1400  }
0x37: {  	[sflag:s30] =	ssyncset.done $0x0  }
0x38: {  	s3 =	simm.s32 $0x2710;
	[sflag:s30] =	ssyncadd.s32 $0xFFFFEC00  }
0x39: {  	[spmem:s2] =	stream.indirect.scatter.add.f32 [tilespmem:s15], [sflag:$0x9], $0x40, s3, s14, $0xb8;
	[tilespmem:$0x18E20] =	vst v63  }
0x3a: {  	_ =	swait.ge [sflag:s31], $0x1400  }
0x3b: {  	[sflag:s31] =	ssyncset.done $0x0  }
0x3c: {  	s11 =	simm.s32 $0x2760;
	[sflag:s31] =	ssyncadd.s32 $0xFFFFEC00  }
0x3d: {  	[spmem:s2] =	stream.indirect.scatter.add.f32 [tilespmem:s16], [sflag:$0xA], $0x40, s11, s14, $0xb8;
	[tilespmem:$0x18E20] =	vst v63  }
0x3e: {  	_ =	swait.ge [sflag:s0], $0x1400  }
0x3f: {  	[sflag:s0] =	ssyncset.done $0x0  }
0x40: {  	s12 =	simm.s32 $0x27B0;
	[sflag:s0] =	ssyncadd.s32 $0xFFFFEC00  }
0x41: {  	[spmem:s2] =	stream.indirect.scatter.add.f32 [tilespmem:s18], [sflag:$0xB], $0x40, s12, s14, $0xb8;
	[tilespmem:$0x18E20] =	vst v63  }
0x42: {  	_ =	swait.ge [sflag:s1], $0x1400  }
0x43: {  	[sflag:s1] =	ssyncset.done $0x0  }
0x44: {  	s3 =	simm.s32 $0x2800;
	[sflag:s1] =	ssyncadd.s32 $0xFFFFEC00  }
0x45: {  	[spmem:s2] =	stream.indirect.scatter.add.f32 [tilespmem:s20], [sflag:$0xC], $0x40, s3, s14, $0xb8;
	[tilespmem:$0x18E20] =	vst v63  }
0x46: {  	_ =	swait.ge [sflag:s13], $0x1400  }
0x47: {  	[sflag:s13] =	ssyncset.done $0x0  }
0x48: {  	s11 =	simm.s32 $0x2850;
	[sflag:s13] =	ssyncadd.s32 $0xFFFFEC00  }
0x49: {  	[spmem:s2] =	stream.indirect.scatter.add.f32 [tilespmem:s22], [sflag:$0xD], $0x40, s11, s14, $0xb8;
	[tilespmem:$0x18E20] =	vst v63  }
0x4a: {  	_ =	swait.ge [sflag:s17], $0x1400  }
0x4b: {  	[sflag:s17] =	ssyncset.done $0x0  }
0x4c: {  	s12 =	simm.s32 $0x28A0;
	[sflag:s17] =	ssyncadd.s32 $0xFFFFEC00  }
0x4d: {  	[spmem:s2] =	stream.indirect.scatter.add.f32 [tilespmem:s24], [sflag:$0xE], $0x40, s12, s14, $0xb8;
	[tilespmem:$0x18E20] =	vst v63  }
0x4e: {  	_ =	swait.ge [sflag:s19], $0x1400  }
0x4f: {  	[sflag:s19] =	ssyncset.done $0x0  }
0x50: {  	s3 =	simm.s32 $0x28F0;
	[sflag:s19] =	ssyncadd.s32 $0xFFFFEC00  }
0x51: {  	[spmem:s2] =	stream.indirect.scatter.add.f32 [tilespmem:s26], [sflag:$0xF], $0x40, s3, s14, $0xb8;
	[tilespmem:$0x18E20] =	vst v63  }
0x52: {  	_ =	swait.ge [sflag:s21], $0x1400  }
0x53: {  	[sflag:s21] =	ssyncset.done $0x0  }
0x54: {  	s11 =	simm.s32 $0x2940;
	[sflag:s21] =	ssyncadd.s32 $0xFFFFEC00  }
0x55: {  	[spmem:s2] =	stream.indirect.scatter.add.f32 [tilespmem:s29], [sflag:$0x10], $0x40, s11, s14, $0xb8;
	[tilespmem:$0x18E20] =	vst v63  }
0x56: {  	_ =	swait.ge [sflag:s23], $0x1400  }
0x57: {  	[sflag:s23] =	ssyncset.done $0x0  }
0x58: {  	s12 =	simm.s32 $0x280;
	[sflag:s23] =	ssyncadd.s32 $0xFFFFEC00  }
0x59: {  	[tilespmem:s15], [sflag:$0x1] =	stream.indirect.gather [hbm4b:s4+s14], $0x40, s12, s14, $0xb8;
	[tilespmem:$0x18E20] =	vst v63  }
0x5a: {  	_ =	swait.ge [sflag:s25], $0x1400  }
0x5b: {  	[sflag:s25] =	ssyncset.done $0x0  }
0x5c: {  	s3 =	simm.s32 $0x2D0;
	[sflag:s25] =	ssyncadd.s32 $0xFFFFEC00  }
0x5d: {  	[tilespmem:s16], [sflag:$0x2] =	stream.indirect.gather [hbm4b:s4+s14], $0x40, s3, s14, $0xb8;
	[tilespmem:$0x18E20] =	vst v63  }
0x5e: {  	_ =	swait.ge [sflag:s28], $0x1400  }
0x5f: {  	[sflag:s28] =	ssyncset.done $0x0  }
0x60: {  	s11 =	simm.s32 $0x320;
	[sflag:s28] =	ssyncadd.s32 $0xFFFFEC00  }
0x61: {  	[tilespmem:s18], [sflag:$0x3] =	stream.indirect.gather [hbm4b:s4+s14], $0x40, s11, s14, $0xb8;
	[tilespmem:$0x18E20] =	vst v63  }
0x62: {  	_ =	swait.ge [sflag:s5], $0x1400  }
0x63: {  	[sflag:s5] =	ssyncset.done $0x0  }
0x64: {  	s12 =	simm.s32 $0x370;
	[sflag:s5] =	ssyncadd.s32 $0xFFFFEC00  }
0x65: {  	[tilespmem:s20], [sflag:$0x4] =	stream.indirect.gather [hbm4b:s4+s14], $0x40, s12, s14, $0xb8;
	[tilespmem:$0x18E20] =	vst v63  }
0x66: {  	_ =	swait.ge [sflag:s8], $0x1400  }
0x67: {  	[sflag:s8] =	ssyncset.done $0x0  }
0x68: {  	s3 =	simm.s32 $0x3C0;
	[sflag:s8] =	ssyncadd.s32 $0xFFFFEC00  }
0x69: {  	[tilespmem:s22], [sflag:$0x5] =	stream.indirect.gather [hbm4b:s4+s14], $0x40, s3, s14, $0xb8;
	[tilespmem:$0x18E20] =	vst v63  }
0x6a: {  	_ =	swait.ge [sflag:s9], $0x1400  }
0x6b: {  	[sflag:s9] =	ssyncset.done $0x0  }
0x6c: {  	s11 =	simm.s32 $0x410;
	[sflag:s9] =	ssyncadd.s32 $0xFFFFEC00  }
0x6d: {  	[tilespmem:s24], [sflag:$0x6] =	stream.indirect.gather [hbm4b:s4+s14], $0x40, s11, s14, $0xb8;
	[tilespmem:$0x18E20] =	vst v63  }
0x6e: {  	_ =	swait.ge [sflag:s10], $0x1400  }
0x6f: {  	[sflag:s10] =	ssyncset.done $0x0  }
0x70: {  	s12 =	simm.s32 $0x460;
	[sflag:s10] =	ssyncadd.s32 $0xFFFFEC00  }
0x71: {  	[tilespmem:s26], [sflag:$0x7] =	stream.indirect.gather [hbm4b:s4+s14], $0x40, s12, s14, $0xb8;
	[tilespmem:$0x18E20] =	vst v63  }
0x72: {  	_ =	swait.ge [sflag:s6], $0x1400  }
0x73: {  	[sflag:s6] =	ssyncset.done $0x0  }
0x74: {  	s7 =	simm.s32 $0xA00;
	s11 =	simm.s32 $0x4B0;
	[sflag:s6] =	ssyncadd.s32 $0xFFFFEC00  }
.LBB2_2:
0x75: {  	[tilespmem:s29], [sflag:$0x8] =	stream.indirect.gather [hbm4b:s4+s14], $0x40, s11, s14, $0xb8;
	[tilespmem:$0x18E20] =	vst v63  }
0x76: {  	s11 =	smov.u32 s7  }
0x77: {  	p0 =	sne.s32 s7, $0x8200;
	s7 =	sadd.s32 $0xA00, s7;
	_ =	swait.ge [sflag:s30], $0x1400  }
0x78: {  	s11 =	sshra.s32 s11, $0x2;
	[sflag:s30] =	ssyncset.done $0x0  }
0x79: {  	s12 =	sadd.s32 $0x2710, s11;
	[sflag:s30] =	ssyncadd.s32 $0xFFFFEC00  }
0x7a: {  	[spmem:s2] =	stream.indirect.scatter.add.f32 [tilespmem:s15], [sflag:$0x9], $0x40, s12, s14, $0xb8;
	[tilespmem:$0x18E20] =	vst v63  }
0x7b: {  	_ =	swait.ge [sflag:s31], $0x1400  }
0x7c: {  	[sflag:s31] =	ssyncset.done $0x0  }
0x7d: {  	s12 =	sadd.s32 $0x2760, s11;
	[sflag:s31] =	ssyncadd.s32 $0xFFFFEC00  }
0x7e: {  	[spmem:s2] =	stream.indirect.scatter.add.f32 [tilespmem:s16], [sflag:$0xA], $0x40, s12, s14, $0xb8;
	[tilespmem:$0x18E20] =	vst v63  }
0x7f: {  	_ =	swait.ge [sflag:s0], $0x1400  }
0x80: {  	[sflag:s0] =	ssyncset.done $0x0  }
0x81: {  	s12 =	sadd.s32 $0x27B0, s11;
	[sflag:s0] =	ssyncadd.s32 $0xFFFFEC00  }
0x82: {  	[spmem:s2] =	stream.indirect.scatter.add.f32 [tilespmem:s18], [sflag:$0xB], $0x40, s12, s14, $0xb8;
	[tilespmem:$0x18E20] =	vst v63  }
0x83: {  	_ =	swait.ge [sflag:s1], $0x1400  }
0x84: {  	[sflag:s1] =	ssyncset.done $0x0  }
0x85: {  	s12 =	sadd.s32 $0x2800, s11;
	[sflag:s1] =	ssyncadd.s32 $0xFFFFEC00  }
0x86: {  	[spmem:s2] =	stream.indirect.scatter.add.f32 [tilespmem:s20], [sflag:$0xC], $0x40, s12, s14, $0xb8;
	[tilespmem:$0x18E20] =	vst v63  }
0x87: {  	_ =	swait.ge [sflag:s13], $0x1400  }
0x88: {  	[sflag:s13] =	ssyncset.done $0x0  }
0x89: {  	s12 =	sadd.s32 $0x2850, s11;
	[sflag:s13] =	ssyncadd.s32 $0xFFFFEC00  }
0x8a: {  	[spmem:s2] =	stream.indirect.scatter.add.f32 [tilespmem:s22], [sflag:$0xD], $0x40, s12, s14, $0xb8;
	[tilespmem:$0x18E20] =	vst v63  }
0x8b: {  	_ =	swait.ge [sflag:s17], $0x1400  }
0x8c: {  	[sflag:s17] =	ssyncset.done $0x0  }
0x8d: {  	s12 =	sadd.s32 $0x28A0, s11;
	[sflag:s17] =	ssyncadd.s32 $0xFFFFEC00  }
0x8e: {  	[spmem:s2] =	stream.indirect.scatter.add.f32 [tilespmem:s24], [sflag:$0xE], $0x40, s12, s14, $0xb8;
	[tilespmem:$0x18E20] =	vst v63  }
0x8f: {  	_ =	swait.ge [sflag:s19], $0x1400  }
0x90: {  	[sflag:s19] =	ssyncset.done $0x0  }
0x91: {  	s12 =	sadd.s32 $0x28F0, s11;
	[sflag:s19] =	ssyncadd.s32 $0xFFFFEC00  }
0x92: {  	[spmem:s2] =	stream.indirect.scatter.add.f32 [tilespmem:s26], [sflag:$0xF], $0x40, s12, s14, $0xb8;
	[tilespmem:$0x18E20] =	vst v63  }
0x93: {  	_ =	swait.ge [sflag:s21], $0x1400  }
0x94: {  	[sflag:s21] =	ssyncset.done $0x0  }
0x95: {  	s12 =	sadd.s32 $0x2940, s11;
	[sflag:s21] =	ssyncadd.s32 $0xFFFFEC00  }
0x96: {  	[spmem:s2] =	stream.indirect.scatter.add.f32 [tilespmem:s29], [sflag:$0x10], $0x40, s12, s14, $0xb8;
	[tilespmem:$0x18E20] =	vst v63  }
0x97: {  	_ =	swait.ge [sflag:s23], $0x1400  }
0x98: {  	[sflag:s23] =	ssyncset.done $0x0  }
0x99: {  	s12 =	sadd.s32 $0x280, s11;
	[sflag:s23] =	ssyncadd.s32 $0xFFFFEC00  }
0x9a: {  	[tilespmem:s15], [sflag:$0x1] =	stream.indirect.gather [hbm4b:s4+s14], $0x40, s12, s14, $0xb8;
	[tilespmem:$0x18E20] =	vst v63  }
0x9b: {  	_ =	swait.ge [sflag:s25], $0x1400  }
0x9c: {  	[sflag:s25] =	ssyncset.done $0x0  }
0x9d: {  	s12 =	sadd.s32 $0x2D0, s11;
	[sflag:s25] =	ssyncadd.s32 $0xFFFFEC00  }
0x9e: {  	[tilespmem:s16], [sflag:$0x2] =	stream.indirect.gather [hbm4b:s4+s14], $0x40, s12, s14, $0xb8;
	[tilespmem:$0x18E20] =	vst v63  }
0x9f: {  	_ =	swait.ge [sflag:s28], $0x1400  }
0xa0: {  	[sflag:s28] =	ssyncset.done $0x0  }
0xa1: {  	s12 =	sadd.s32 $0x320, s11;
	[sflag:s28] =	ssyncadd.s32 $0xFFFFEC00  }
0xa2: {  	[tilespmem:s18], [sflag:$0x3] =	stream.indirect.gather [hbm4b:s4+s14], $0x40, s12, s14, $0xb8;
	[tilespmem:$0x18E20] =	vst v63  }
0xa3: {  	_ =	swait.ge [sflag:s5], $0x1400  }
0xa4: {  	[sflag:s5] =	ssyncset.done $0x0  }
0xa5: {  	s12 =	sadd.s32 $0x370, s11;
	[sflag:s5] =	ssyncadd.s32 $0xFFFFEC00  }
0xa6: {  	[tilespmem:s20], [sflag:$0x4] =	stream.indirect.gather [hbm4b:s4+s14], $0x40, s12, s14, $0xb8;
	[tilespmem:$0x18E20] =	vst v63  }
0xa7: {  	_ =	swait.ge [sflag:s8], $0x1400  }
0xa8: {  	[sflag:s8] =	ssyncset.done $0x0  }
0xa9: {  	s12 =	sadd.s32 $0x3C0, s11;
	[sflag:s8] =	ssyncadd.s32 $0xFFFFEC00  }
0xaa: {  	[tilespmem:s22], [sflag:$0x5] =	stream.indirect.gather [hbm4b:s4+s14], $0x40, s12, s14, $0xb8;
	[tilespmem:$0x18E20] =	vst v63  }
0xab: {  	_ =	swait.ge [sflag:s9], $0x1400  }
0xac: {  	[sflag:s9] =	ssyncset.done $0x0  }
0xad: {  	s12 =	sadd.s32 $0x410, s11;
	[sflag:s9] =	ssyncadd.s32 $0xFFFFEC00  }
0xae: {  	[tilespmem:s24], [sflag:$0x6] =	stream.indirect.gather [hbm4b:s4+s14], $0x40, s12, s14, $0xb8;
	[tilespmem:$0x18E20] =	vst v63  }
0xaf: {  	_ =	swait.ge [sflag:s10], $0x1400  }
0xb0: {  	[sflag:s10] =	ssyncset.done $0x0  }
.Ltmp0:
0xb1: {  	s12 =	sadd.s32 $0x460, s11;
	[sflag:s10] =	ssyncadd.s32 $0xFFFFEC00;
	(pc) =	sbr.rel @p0 .LBB2_2-.Ltmp0, $4  }
0xb2: {  	[tilespmem:s26], [sflag:$0x7] =	stream.indirect.gather [hbm4b:s4+s14], $0x40, s12, s14, $0xb8;
	[tilespmem:$0x18E20] =	vst v63  }
0xb3: {  	_ =	swait.ge [sflag:s6], $0x1400  }
0xb4: {  	[sflag:s6] =	ssyncset.done $0x0  }
0xb5: {  	s11 =	sadd.s32 $0x4B0, s11;
	[sflag:s6] =	ssyncadd.s32 $0xFFFFEC00  }
0xb6: {  	[tilespmem:s29], [sflag:$0x8] =	stream.indirect.gather [hbm4b:s4+s14], $0x40, s11, s14, $0xb8;
	[tilespmem:$0x18E20] =	vst v63  }
0xb7: {  	_ =	swait.ge [sflag:s30], $0x1400  }
0xb8: {  	[sflag:s30] =	ssyncset.done $0x0  }
0xb9: {  	s3 =	simm.s32 $0x4A10;
	[sflag:s30] =	ssyncadd.s32 $0xFFFFEC00  }
0xba: {  	[spmem:s2] =	stream.indirect.scatter.add.f32 [tilespmem:s15], [sflag:$0x9], $0x40, s3, s14, $0xb8;
	[tilespmem:$0x18E20] =	vst v63  }
0xbb: {  	_ =	swait.ge [sflag:s31], $0x1400  }
0xbc: {  	[sflag:s31] =	ssyncset.done $0x0  }
0xbd: {  	s11 =	simm.s32 $0x4A60;
	[sflag:s31] =	ssyncadd.s32 $0xFFFFEC00  }
0xbe: {  	[spmem:s2] =	stream.indirect.scatter.add.f32 [tilespmem:s16], [sflag:$0xA], $0x40, s11, s14, $0xb8;
	[tilespmem:$0x18E20] =	vst v63  }
0xbf: {  	_ =	swait.ge [sflag:s0], $0x1400  }
0xc0: {  	[sflag:s0] =	ssyncset.done $0x0  }
0xc1: {  	s12 =	simm.s32 $0x4AB0;
	[sflag:s0] =	ssyncadd.s32 $0xFFFFEC00  }
0xc2: {  	[spmem:s2] =	stream.indirect.scatter.add.f32 [tilespmem:s18], [sflag:$0xB], $0x40, s12, s14, $0xb8;
	[tilespmem:$0x18E20] =	vst v63  }
0xc3: {  	_ =	swait.ge [sflag:s1], $0x1400  }
0xc4: {  	[sflag:s1] =	ssyncset.done $0x0  }
0xc5: {  	s7 =	simm.s32 $0x4B00;
	[sflag:s1] =	ssyncadd.s32 $0xFFFFEC00  }
0xc6: {  	[spmem:s2] =	stream.indirect.scatter.add.f32 [tilespmem:s20], [sflag:$0xC], $0x40, s7, s14, $0xb8;
	[tilespmem:$0x18E20] =	vst v63  }
0xc7: {  	_ =	swait.ge [sflag:s13], $0x1400  }
0xc8: {  	[sflag:s13] =	ssyncset.done $0x0  }
0xc9: {  	s11 =	simm.s32 $0x4B50;
	[sflag:s13] =	ssyncadd.s32 $0xFFFFEC00  }
0xca: {  	[spmem:s2] =	stream.indirect.scatter.add.f32 [tilespmem:s22], [sflag:$0xD], $0x40, s11, s14, $0xb8;
	[tilespmem:$0x18E20] =	vst v63  }
0xcb: {  	_ =	swait.ge [sflag:s17], $0x1400  }
0xcc: {  	[sflag:s17] =	ssyncset.done $0x0  }
0xcd: {  	s12 =	simm.s32 $0x4BA0;
	[sflag:s17] =	ssyncadd.s32 $0xFFFFEC00  }
0xce: {  	[spmem:s2] =	stream.indirect.scatter.add.f32 [tilespmem:s24], [sflag:$0xE], $0x40, s12, s14, $0xb8;
	[tilespmem:$0x18E20] =	vst v63  }
0xcf: {  	_ =	swait.ge [sflag:s19], $0x1400  }
0xd0: {  	[sflag:s19] =	ssyncset.done $0x0  }
0xd1: {  	s7 =	simm.s32 $0x4BF0;
	[sflag:s19] =	ssyncadd.s32 $0xFFFFEC00  }
0xd2: {  	[spmem:s2] =	stream.indirect.scatter.add.f32 [tilespmem:s26], [sflag:$0xF], $0x40, s7, s14, $0xb8;
	[tilespmem:$0x18E20] =	vst v63  }
0xd3: {  	_ =	swait.ge [sflag:s21], $0x1400  }
0xd4: {  	[sflag:s21] =	ssyncset.done $0x0  }
0xd5: {  	s11 =	simm.s32 $0x4C40;
	[sflag:s21] =	ssyncadd.s32 $0xFFFFEC00  }
0xd6: {  	[spmem:s2] =	stream.indirect.scatter.add.f32 [tilespmem:s29], [sflag:$0x10], $0x40, s11, s14, $0xb8;
	[tilespmem:$0x18E20] =	vst v63  }
0xd7: {  	_ =	swait.ge [sflag:s23], $0x1400  }
0xd8: {  	[sflag:s23] =	ssyncset.done $0x0  }
0xd9: {  	[sflag:s23] =	ssyncadd.s32 $0xFFFFEC00  }
0xda: {  	_ =	swait.ge [sflag:s25], $0x1400  }
0xdb: {  	[sflag:s25] =	ssyncset.done $0x0  }
0xdc: {  	[sflag:s25] =	ssyncadd.s32 $0xFFFFEC00  }
0xdd: {  	_ =	swait.ge [sflag:s28], $0x1400  }
0xde: {  	[sflag:s28] =	ssyncset.done $0x0  }
0xdf: {  	[sflag:s28] =	ssyncadd.s32 $0xFFFFEC00  }
0xe0: {  	_ =	swait.ge [sflag:s5], $0x1400  }
0xe1: {  	[sflag:s5] =	ssyncset.done $0x0  }
0xe2: {  	[sflag:s5] =	ssyncadd.s32 $0xFFFFEC00  }
0xe3: {  	_ =	swait.ge [sflag:s8], $0x1400  }
0xe4: {  	[sflag:s8] =	ssyncset.done $0x0  }
0xe5: {  	[sflag:s8] =	ssyncadd.s32 $0xFFFFEC00  }
0xe6: {  	_ =	swait.ge [sflag:s9], $0x1400  }
0xe7: {  	[sflag:s9] =	ssyncset.done $0x0  }
0xe8: {  	[sflag:s9] =	ssyncadd.s32 $0xFFFFEC00  }
0xe9: {  	_ =	swait.ge [sflag:s10], $0x1400  }
0xea: {  	[sflag:s10] =	ssyncset.done $0x0  }
0xeb: {  	[sflag:s10] =	ssyncadd.s32 $0xFFFFEC00  }
0xec: {  	_ =	swait.ge [sflag:s6], $0x1400  }
0xed: {  	[sflag:s6] =	ssyncset.done $0x0  }
0xee: {  	s12 =	simm.s32 $0x2580;
	[sflag:s6] =	ssyncadd.s32 $0xFFFFEC00  }
0xef: {  	[tilespmem:s15], [sflag:$0x1] =	stream.indirect.gather [hbm4b:s4+s14], $0x40, s12, s14, $0xb8;
	[tilespmem:$0x18E20] =	vst v63  }
0xf0: {  	s7 =	simm.s32 $0x25D0  }
0xf1: {  	[tilespmem:s16], [sflag:$0x2] =	stream.indirect.gather [hbm4b:s4+s14], $0x40, s7, s14, $0xb8;
	[tilespmem:$0x18E20] =	vst v63  }
0xf2: {  	s11 =	simm.s32 $0x2620  }
0xf3: {  	[tilespmem:s18], [sflag:$0x3] =	stream.indirect.gather [hbm4b:s4+s14], $0x40, s11, s14, $0xb8;
	[tilespmem:$0x18E20] =	vst v63  }
0xf4: {  	s12 =	simm.s32 $0x2670  }
0xf5: {  	[tilespmem:s20], [sflag:$0x4] =	stream.indirect.gather [hbm4b:s4+s14], $0x40, s12, s14, $0xb8;
	[tilespmem:$0x18E20] =	vst v63  }
0xf6: {  	s7 =	simm.s32 $0x26C0  }
0xf7: {  	[tilespmem:s22], [sflag:$0x5] =	stream.indirect.gather [hbm4b:s4+s14], $0x40, s7, s14, $0xb8;
	[tilespmem:$0x18E20] =	vst v63  }
0xf8: {  	_ =	swait.ge [sflag:s30], $0x1400  }
0xf9: {  	[sflag:s30] =	ssyncset.done $0x0  }
0xfa: {  	s11 =	simm.s32 $0x4C90;
	[sflag:s30] =	ssyncadd.s32 $0xFFFFEC00  }
0xfb: {  	[spmem:s2] =	stream.indirect.scatter.add.f32 [tilespmem:s15], [sflag:$0x9], $0x40, s11, s14, $0xb8;
	[tilespmem:$0x18E20] =	vst v63  }
0xfc: {  	_ =	swait.ge [sflag:s31], $0x1400  }
0xfd: {  	[sflag:s31] =	ssyncset.done $0x0  }
0xfe: {  	s12 =	simm.s32 $0x4CE0;
	[sflag:s31] =	ssyncadd.s32 $0xFFFFEC00  }
0xff: {  	[spmem:s2] =	stream.indirect.scatter.add.f32 [tilespmem:s16], [sflag:$0xA], $0x40, s12, s14, $0xb8;
	[tilespmem:$0x18E20] =	vst v63  }
0x100: {  	_ =	swait.ge [sflag:s0], $0x1400  }
0x101: {  	[sflag:s0] =	ssyncset.done $0x0  }
0x102: {  	s7 =	simm.s32 $0x4D30;
	[sflag:s0] =	ssyncadd.s32 $0xFFFFEC00  }
0x103: {  	[spmem:s2] =	stream.indirect.scatter.add.f32 [tilespmem:s18], [sflag:$0xB], $0x40, s7, s14, $0xb8;
	[tilespmem:$0x18E20] =	vst v63  }
0x104: {  	_ =	swait.ge [sflag:s1], $0x1400  }
0x105: {  	[sflag:s1] =	ssyncset.done $0x0  }
0x106: {  	s11 =	simm.s32 $0x4D80;
	[sflag:s1] =	ssyncadd.s32 $0xFFFFEC00  }
0x107: {  	[spmem:s2] =	stream.indirect.scatter.add.f32 [tilespmem:s20], [sflag:$0xC], $0x40, s11, s14, $0xb8;
	[tilespmem:$0x18E20] =	vst v63  }
0x108: {  	_ =	swait.ge [sflag:s13], $0x1400  }
0x109: {  	[sflag:s13] =	ssyncset.done $0x0  }
0x10a: {  	s12 =	simm.s32 $0x4DD0;
	[sflag:s13] =	ssyncadd.s32 $0xFFFFEC00  }
0x10b: {  	[spmem:s2] =	stream.indirect.scatter.add.f32 [tilespmem:s22], [sflag:$0xD], $0x40, s12, s14, $0xb8;
	[tilespmem:$0x18E20] =	vst v63  }
0x10c: {  	_ =	swait.ge [sflag:s23], $0x1400  }
0x10d: {  	[sflag:s23] =	ssyncset.done $0x0  }
0x10e: {  	[sflag:s23] =	ssyncadd.s32 $0xFFFFEC00  }
0x10f: {  	_ =	swait.ge [sflag:s25], $0x1400  }
0x110: {  	[sflag:s25] =	ssyncset.done $0x0  }
0x111: {  	[sflag:s25] =	ssyncadd.s32 $0xFFFFEC00  }
0x112: {  	_ =	swait.ge [sflag:s28], $0x1400  }
0x113: {  	[sflag:s28] =	ssyncset.done $0x0  }
0x114: {  	[sflag:s28] =	ssyncadd.s32 $0xFFFFEC00  }
0x115: {  	_ =	swait.ge [sflag:s5], $0x1400  }
0x116: {  	[sflag:s5] =	ssyncset.done $0x0  }
0x117: {  	[sflag:s5] =	ssyncadd.s32 $0xFFFFEC00  }
0x118: {  	_ =	swait.ge [sflag:s8], $0x1400  }
0x119: {  	[sflag:s8] =	ssyncset.done $0x0  }
0x11a: {  	[sflag:s8] =	ssyncadd.s32 $0xFFFFEC00  }
0x11b: {  	[bflag:$0x0] =	sbarrier.arrive $0xFFFF  }
0x11c: {  	s11 =	rddreg [dreg:$0x6]  }
0x11d: {  	s7 =	rddreg [dreg:$0x8]  }
0x11e: {  	s12 =	rddreg [dreg:$0xa]  }
0x11f: {  	[hbm:s7], [sflag:s11] =	dma.local [spmem:s12], $0x1400  }
0x120: {  	s7 =	simm.s32 $0x11  }
0x121: {  	_ =	swait.ge [sflag:s7], $0x1400  }
0x122: {  	s3 =	rddreg [dreg:$0xb]  }
0x123: {  	[sflag:s7] =	ssyncset.done $0x0;
	s7 =	rddreg [dreg:$0x9];
	s3 =	sadd.s32 $0x1, s3  }
0x124: {  	p0 =	sne.s32 s3, s7  }
.Ltmp1:
0x125: {  	_ = 	snop;
	(pc) =	sbr.rel @p0 .LBB2_1-.Ltmp1, $3  }
0x126: {  	_ =	sdelay $0x1  }
0x127: {  	s7 =	simm.s32 $0x11  }
0x128: {  	[dreg:$0xb] =	wrdreg s3;
	[sflag:s7] =	ssyncadd.s32 $0xFFFFEC00  }
0x129: {  	_ =	sfence.sel $0x180000  }
0x12a: {  	[bflag:$0x0] =	sbarrier.arrive $0xFFFF  }
0x12b: {  	_ =	strace $0x9000004A  }
0x12c: {  	s0 =	stileid.u32;
	[bflag:$0x2] =	sbarrier.arrive $0xFFFF  }
0x12d: {  	p0 =	sne.s32 s0, $0x0;
	s0 =	rddreg [dreg:$0x3]  }
0x12e: {  	s0 =	sadd.s32 @!p0 $0x100000, s0  }
0x12f: {  	[sflag:s0] =	ssyncadd.tile.s32 @!p0 $0x1;
	_ =	shalt  }
.Lfunc_end2:
_tile_overlayer_lowered:
.L_overlay_start_2:
0x130: {  	(tag) =	ssettag $0x2  }
0x131: {  	s0 =	rddreg [dreg:$0x0];
	s2 =	stileid.u32  }
0x132: {  	s1 =	rddreg [dreg:$0x1];
	p0 =	sne.s32 s2, $0x0  }
0x133: {  	s3 =	rddreg [dreg:$0x2];
	[bflag:$0x3] =	sbarrier.arrive $0xFFFF;
	s2 =	simm.s32 @!p0 $0x1C11  }
0x134: {  	[timem:s3], [sflag:s2] =	dma.local @!p0 [hbm:s0], s1  }
0x135: {  	s0 =	simm.s32 @!p0 $0x11  }
0x136: {  	_ =	swait.ge @!p0 [sflag:s0], s1  }
0x137: {  	s1 =	ssub.s32 @!p0 $0x0, s1;
	[sflag:s0] =	ssyncset.done @!p0 $0x0  }
0x138: {  	[sflag:s0] =	ssyncadd.s32 @!p0 s1  }
0x139: {  	[bflag:$0x3] =	sbarrier.arrive $0xFFFF  }
0x13a: {  	_ =	shalt  }

// kernel: kernel.14.cloned.1.call-start
scs
__scs_entry_jumppad:
0x0: {  	(pc) =	sbr.rel $0x88, $3  }
0x1: {  	(tag) =	ssettag $0x0;
	lr =	simm.s32 $0x1  }
0x2: {  	[smem:$0x3F8F] =	sst lr;
	_ =	strace $0xD0000000  }
0x3: {  	_ = 	snop  }
0x4: {  	_ = 	snop  }
0x5: {  	_ = 	snop  }
0x6: {  	_ = 	snop  }
0x7: {  	_ = 	snop  }
__scs_overlays_trampoline_lowered:
0x8: {  	[smem:$0x3F9E] =	sst s0  }
0x9: {  	[smem:$0x3F9F] =	sst s1  }
0xa: {  	[smem:$0x3FA0] =	sst s2  }
0xb: {  	[smem:$0x3FA1] =	sst s3  }
0xc: {  	[smem:$0x3FA2] =	sst s4  }
0xd: {  	[smem:$0x3FA3] =	sst s5  }
0xe: {  	[smem:$0x3FA4] =	sst s6  }
0xf: {  	[smem:$0x3FA5] =	sst s7  }
0x10: {  	[smem:$0x3FA6] =	sst s8  }
0x11: {  	[smem:$0x3FA7] =	sst s9;
	s0 =	simm.s32 @!p0 $0x0  }
0x12: {  	s1 =	sld [smem:$0x3F8D];
	s0 =	simm.s32 @p0 $0x1  }
0x13: {  	[smem:$0x3FA8] =	sst s0;
	s0 =	simm.s32 @!p1 $0x0  }
0x14: {  	s2 =	sld [smem:$0x3F8C];
	s0 =	simm.s32 @p1 $0x1  }
0x15: {  	[smem:$0x3FA9] =	sst s0;
	s0 =	simm.s32 @!p2 $0x0  }
0x16: {  	s3 =	sld [smem:$0x3FDB];
	s0 =	simm.s32 @p2 $0x1  }
0x17: {  	s4 =	simm.s32 $0x1BF5;
	[smem:$0x3FAB] =	sst s0  }
0x18: {  	s0 =	sld [smem:$0x3F8E];
	_ =	swait.ge [sflag:s4], $0x0  }
0x19: {  	s7 =	sld [smem:$0x3F8F]  }
0x1a: {  	s8 =	sadd.s32 $0xFFFFE003, lr  }
0x1b: {  	s9 =	sadd.s32 $0xFFFFFEF7, lr;
	s5 =	simm.s32 $0xFFFFFFFF;
	p2 =	slt.u32 s8, $0xFFFFF086  }
0x1c: {  	p1 =	slt.u32 s9, $0xF7A;
	s5 =	simm.s32 @!p2 $0x0  }
0x1d: {  	s5 =	simm.s32 @p1 $0x1;
	p0 =	seq.s32 s7, s2  }
0x1e: {  	s7 =	smul.u32 @!p0 $0xF7A, s2;
	p2 =	seq.s32 @!p0 s5, $0x0  }
0x1f: {  	s9 =	smul.u32 $0xF7A, s1;
	s8 =	simm.s32 @!p0 $0x1BF5;
	p2 =	por !p2, p0  }
0x20: {  	[sflag:s8] =	ssyncset.s32 @!p0 $0xFFFFF086;
	s6 =	sadd.s32 @!p0 s3, s7;
	s7 =	simm.s32 @!p0 $0x108  }
0x21: {  	s3 =	sadd.s32 s3, s9;
	s6 =	sadd.s32 @!p0 $0x88, s6;
	s7 =	simm.s32 @p2 $0x1082  }
0x22: {  	[simem:s7], [sflag:s8] =	dma.local @!p0 [hbm:s6], $0xF7A  }
0x23: {  	s9 =	sor.u32 $0xD0000000, s2;
	s6 =	simm.s32 $0x108;
	_ =	swait.ge @!p0 [sflag:s8], $0x0  }
0x24: {  	s3 =	sadd.s32 $0x88, s3;
	s6 =	simm.s32 @!p1 $0x1082;
	[sflag:s4] =	ssyncset.s32 $0xFFFFF086  }
0x25: {  	[simem:s6], [sflag:s4] =	dma.local [hbm:s3], $0xF7A  }
0x26: {  	[smem:$0x3F8F] =	sst s1;
	(tag) =	ssettag s2;
	_ =	strace s9  }
0x27: {  	s1 =	sld [smem:$0x3F9F]  }
0x28: {  	s2 =	sld [smem:$0x3FA0]  }
0x29: {  	s4 =	sld [smem:$0x3FA2]  }
0x2a: {  	p0 =	seq.s32 s5, $0x0;
	s5 =	sld [smem:$0x3FA3]  }
0x2b: {  	s6 =	sld [smem:$0x3FA4]  }
0x2c: {  	s7 =	sld [smem:$0x3FA5]  }
0x2d: {  	s3 =	simm.s32 $0x108;
	s8 =	sld [smem:$0x3FA6]  }
0x2e: {  	s3 =	simm.s32 @!p0 $0x1082;
	s9 =	sld [smem:$0x3FA7]  }
0x2f: {  	lr =	sadd.s32 s0, s3;
	s0 =	sld [smem:$0x3F9E]  }
0x30: {  	s3 =	sld [smem:$0x3FA1]  }
0x31: {  	[smem:$0x3FAA] =	sst s10  }
0x32: {  	s10 =	sld [smem:$0x3FA8];
	_ =	sdelay $0x3  }
0x33: {  	p0 =	seq.s32 s10, $0x1;
	s10 =	sld [smem:$0x3FAA];
	_ =	sdelay $0x3  }
0x34: {  	[smem:$0x3FAA] =	sst s10  }
0x35: {  	s10 =	sld [smem:$0x3FA9];
	_ =	sdelay $0x3  }
0x36: {  	p1 =	seq.s32 s10, $0x1;
	s10 =	sld [smem:$0x3FAA];
	_ =	sdelay $0x3  }
0x37: {  	[smem:$0x3FAA] =	sst s10  }
0x38: {  	s10 =	sld [smem:$0x3FAB]  }
0x39: {  	_ = 	snop;
	(pc) =	sbr.ind lr, $3  }
0x3a: {  	_ = 	snop  }
0x3b: {  	_ = 	snop  }
0x3c: {  	p2 =	seq.s32 s10, $0x1;
	s10 =	sld [smem:$0x3FAA]  }
0x3d: {  	_ =	shalt  }
0x3e: {  	_ =	shalt  }
0x3f: {  	_ =	shalt  }
0x40: {  	_ =	shalt  }
0x41: {  	_ =	shalt  }
0x42: {  	_ =	shalt  }
0x43: {  	_ =	shalt  }
0x44: {  	_ =	shalt  }
0x45: {  	_ =	shalt  }
0x46: {  	_ =	shalt  }
0x47: {  	_ =	shalt  }
0x48: {  	_ =	shalt  }
0x49: {  	_ =	shalt  }
0x4a: {  	_ =	shalt  }
0x4b: {  	_ =	shalt  }
0x4c: {  	_ =	shalt  }
0x4d: {  	_ =	shalt  }
0x4e: {  	_ =	shalt  }
0x4f: {  	_ =	shalt  }
0x50: {  	_ =	shalt  }
0x51: {  	_ =	shalt  }
0x52: {  	_ =	shalt  }
0x53: {  	_ =	shalt  }
0x54: {  	_ =	shalt  }
0x55: {  	_ =	shalt  }
0x56: {  	_ =	shalt  }
0x57: {  	_ =	shalt  }
0x58: {  	_ =	shalt  }
0x59: {  	_ =	shalt  }
0x5a: {  	_ =	shalt  }
0x5b: {  	_ =	shalt  }
0x5c: {  	_ =	shalt  }
0x5d: {  	_ =	shalt  }
0x5e: {  	_ =	shalt  }
0x5f: {  	_ =	shalt  }
0x60: {  	_ =	shalt  }
0x61: {  	_ =	shalt  }
0x62: {  	_ =	shalt  }
0x63: {  	_ =	shalt  }
0x64: {  	_ =	shalt  }
0x65: {  	_ =	shalt  }
0x66: {  	_ =	shalt  }
0x67: {  	_ =	shalt  }
0x68: {  	_ =	shalt  }
0x69: {  	_ =	shalt  }
0x6a: {  	_ =	shalt  }
0x6b: {  	_ =	shalt  }
0x6c: {  	_ =	shalt  }
0x6d: {  	_ =	shalt  }
0x6e: {  	_ =	shalt  }
0x6f: {  	_ =	shalt  }
0x70: {  	_ =	shalt  }
0x71: {  	_ =	shalt  }
0x72: {  	_ =	shalt  }
0x73: {  	_ =	shalt  }
0x74: {  	_ =	shalt  }
0x75: {  	_ =	shalt  }
0x76: {  	_ =	shalt  }
0x77: {  	_ =	shalt  }
0x78: {  	_ =	shalt  }
0x79: {  	_ =	shalt  }
0x7a: {  	_ =	shalt  }
0x7b: {  	_ =	shalt  }
0x7c: {  	_ =	shalt  }
0x7d: {  	_ =	shalt  }
0x7e: {  	_ =	shalt  }
0x7f: {  	_ =	shalt  }
0x80: {  	_ =	shalt  }
0x81: {  	_ =	shalt  }
0x82: {  	_ =	shalt  }
0x83: {  	_ =	shalt  }
0x84: {  	_ =	shalt  }
0x85: {  	_ =	shalt  }
0x86: {  	_ =	shalt  }
0x87: {  	_ =	shalt  }
.Lfunc_end0:
.L_simem_size_0:
called_computation.2_lowered:
.L_overlay_start_0:
0x88: {  	s2 =	sld [smem:$0x3FD9]  }
0x89: {  	s3 =	sld [smem:$0x3FFE];
	_ =	sdelay $0x1  }
0x8a: {  	s1 =	srdreg.scid  }
0x8b: {  	s0 =	sand.u32 $0x1, s1  }
0x8c: {  	s14 =	sshll.u32 s0, $0xA;
	s2 =	sadd.s32 s3, s2  }
0x8d: {  	s2 =	sadd.s32 s2, s14  }
0x8e: {  	[smem:$0x3FB6] =	sst s2  }
0x8f: {  	_ = 	snop  }
0x90: {  	s2 =	sld [smem:$0x3FD0];
	_ =	sdelay $0x2  }
0x91: {  	s15 =	simm.s32 $0xA;
	s4 =	simm.s32 $0x10  }
0x92: {  	[smem:s4], [sflag:s15] =	dma.local [hbm:s2], $0x1  }
0x93: {  	_ =	swait.eq [sflag:s15], $0x1  }
0x94: {  	[sflag:s15] =	ssyncset.done $0x0  }
0x95: {  	[sflag:s15] =	ssyncadd.s32 $0xFFFFFFFF  }
0x96: {  	s16 =	sld [smem:$0x10];
	(tm) =	ssettm $0x1  }
0x97: {  	s17 =	sld [smem:$0x3FFB];
	_ =	sdelay $0x3  }
0x98: {  	_ =	strace s17  }
0x99: {  	s3 =	sld [smem:$0x3FFC];
	_ =	sdelay $0x3  }
0x9a: {  	_ =	strace s3  }
0x9b: {  	s3 =	sld [smem:$0x3FFD];
	_ =	sdelay $0x3  }
0x9c: {  	_ =	strace s3  }
0x9d: {  	_ =	strace $0x8FFFFFFF  }
0x9e: {  	s18 =	sld [smem:$0x3FDB];
	_ =	sdelay $0x1  }
0x9f: {  	s19 =	simm.s32 $_scs_section_size  }
0xa0: {  	s5 =	simm.s32 $_size__tile_overlayer_lowered;
	s6 =	simm.s32 $_tile_overlayer_lowered  }
0xa1: {  	s22 =	simm.s32 $0x1BFF;
	s21 =	sshll.u32 s6, $0x1;
	s3 =	sadd.s32 s19, s18  }
0xa2: {  	s7 =	simm.s32 $0x0;
	s20 =	sshll.u32 s5, $0x1;
	s5 =	sadd.s32 s21, s3  }
0xa3: {  	[timem:s7], [sflag:s22] =	dma.local [hbm:s5], s20  }
0xa4: {  	_ =	swait.ge [sflag:s22], s20  }
0xa5: {  	s4 =	ssub.s32 $0x0, s20;
	[sflag:s22] =	ssyncset.done $0x0  }
0xa6: {  	[sflag:s22] =	ssyncadd.s32 s4;
	_ =	sdelay $0x1  }
0xa7: {  	s23 =	simm.s32 $0x1B8B  }
0xa8: {  	_ =	swait.ge [sflag:s23], $0x1  }
0xa9: {  	[sflag:s23] =	ssyncset.done $0x0  }
0xaa: {  	s25 =	simm.s32 $0x1B8E;
	s24 =	sld [smem:$0x3FFE];
	[sflag:s23] =	ssyncadd.s32 $0xFFFFFFFF  }
0xab: {  	s26 =	simm.s32 $execute0_lowered;
	[smem:$0x3FD2] =	sst s25  }
0xac: {  	s5 =	sshll.u32 s26, $0x1;
	_ =	strace $0x8000004C;
	[dreg:$0x1] =	wrdreg $0xFFFFFFFF  }
0xad: {  	s28 =	simm.s32 $_size_execute0_lowered;
	s3 =	sadd.s32 s3, s5;
	[dreg:$0x0] =	wrdreg $0x0  }
0xae: {  	s5 =	sshll.u32 s28, $0x1;
	[dreg:$0x2] =	wrdreg s3  }
0xaf: {  	[dreg:$0x3] =	wrdreg s5  }
0xb0: {  	[dreg:$0x4] =	wrdreg $0xC0  }
0xb1: {  	_ =	task [dreg:s7], $0x5FFFF  }
0xb2: {  	[dreg:$0x1] =	wrdreg $0xFFFFFFFF  }
0xb3: {  	[dreg:$0x0] =	wrdreg $0x60  }
0xb4: {  	[dreg:$0x2] =	wrdreg s24  }
0xb5: {  	[dreg:$0x3] =	wrdreg s16  }
0xb6: {  	[dreg:$0x4] =	wrdreg $0xEE200  }
0xb7: {  	[dreg:$0x5] =	wrdreg $0x9  }
0xb8: {  	_ =	task.clear_ibuf [dreg:s7], $0x6FFFF;
	_ =	strace $0x9000004C  }
0xb9: {  	s29 =	simm.s32 $0x9;
	_ =	strace $0x8000004E  }
0xba: {  	_ =	swait.ge [sflag:s29], $0x1  }
0xbb: {  	[sflag:s29] =	ssyncadd.s32 $0xFFFFFFFF  }
0xbc: {  	_ =	strace $0x9000004E  }
0xbd: {  	_ =	sfence  }
0xbe: {  	s30 =	sld [smem:$0x0];
	_ =	sdelay $0x2  }
0xbf: {  	s31 =	sshll.u32 s1, $0xD;
	s1 =	sshrl.u32 s1, $0x2  }
0xc0: {  	s3 =	sand.u32 $0x4000, s31;
	s1 =	sadd.s32 s1, s30  }
0xc1: {  	s0 =	sor.u32 s3, s0;
	s1 =	sshll.u32 s1, $0x11  }
0xc2: {  	s0 =	sor.u32 s1, s0  }
0xc3: {  	s0 =	sadd.s32 $0x8F2B, s0  }
0xc4: {  	[sflag:s0] =	ssyncadd.remote.s32 $0x1  }
0xc5: {  	_ =	sfence.sel $0xFFFF  }
0xc6: {  	[dreg:$0x0] =	wrdreg $0xFFFFFFFF;
	(pc) =	sbr.abs _section_cstart, $3  }
0xc7: {  	[dreg:$0x1] =	wrdreg $0xFFFFFFFF  }
0xc8: {  	_ =	task.clear_ibuf [dreg:s7], $0x2FFFF;
	_ =	strace $0x9FFFFFFF  }
0xc9: {  	(tm) =	ssettm $0x7FFFFFFF  }
tec
execute0_lowered:
.L_overlay_start_1:
0x0: {  	(tag) =	ssettag $0x1  }
0x1: {  	s0 =	rddreg [dreg:$0x0]  }
0x2: {  	s1 =	rddreg [dreg:$0x1]  }
0x3: {  	s2 =	rddreg [dreg:$0x2];
	s10 =	stileid.u32  }
0x4: {  	s3 =	srdreg.scid;
	s4 =	simm.s32 $0x0;
	s14 =	simm.s32 $0x50  }
0x5: {  	s15 =	simm.s32 $0x4E20;
	s16 =	simm.s32 $0x6220;
	s18 =	simm.s32 $0x7620  }
0x6: {  	s20 =	simm.s32 $0x8A20;
	s22 =	simm.s32 $0x9E20;
	s29 =	simm.s32 $0xDA20  }
0x7: {  	s30 =	simm.s32 $0x1;
	s31 =	simm.s32 $0x2;
	s13 =	simm.s32 $0x5  }
0x8: {  	s17 =	simm.s32 $0x6;
	s19 =	simm.s32 $0x7;
	s21 =	simm.s32 $0x8  }
0x9: {  	s28 =	simm.s32 $0xB;
	s5 =	smul.u32 $0xA000, s10;
	s3 =	sand.u32 $0x1, s3  }
0xa: {  	[smem:$0x7FF] =	sst s4;
	s4 =	sadd.s32 $0x52A00, s0;
	s9 =	smul.u32 $0x2710, s10  }
0xb: {  	s26 =	sshll.u32 s10, $0x6;
	s10 =	simm.s32 $0xF;
	s6 =	smul.u32 $0xA0000, s3  }
0xc: {  	_ =	strace $0x8000004D;
	s7 =	smul.u32 $0x27100, s3;
	s3 =	ssub.s32 $0x2, s3  }
0xd: {  	s11 =	sor.u32 $0x1C11, s26;
	s26 =	simm.s32 $0xC620;
	s8 =	sshrl.u32 s5, $0x3  }
0xe: {  	s23 =	sshrl.u32 s3, $0x1;
	[dreg:$0x6] =	wrdreg s11;
	s6 =	sadd.s32 s5, s6  }
0xf: {  	s8 =	sadd.s32 s8, s0;
	s7 =	sadd.s32 s9, s7;
	s3 =	ssub.s32 s3, s23  }
0x10: {  	s5 =	sadd.s32 s5, s2;
	s23 =	simm.s32 $0x9;
	s9 =	simm.s32 $0xE  }
0x11: {  	s6 =	sshrl.u32 s6, $0x3;
	s24 =	sshrl.u32 s7, $0x3;
	s25 =	sadd.s32 $0x8D600, s8  }
0x12: {  	s12 =	sshrl.u32 s5, $0x3;
	s7 =	simm.s32 $0x0;
	[dreg:$0x4] =	wrdreg s25  }
0x13: {  	s5 =	simm.s32 $0xC;
	s8 =	simm.s32 $0xD;
	[dreg:$0xb] =	wrdreg s7  }
0x14: {  	s0 =	sadd.s32 s6, s0;
	s1 =	sadd.s32 s1, s24;
	[dreg:$0xa] =	wrdreg s12  }
0x15: {  	s6 =	smax.u32 s3, $0x1;
	s24 =	simm.s32 $0xB220;
	[dreg:$0x5] =	wrdreg s1  }
0x16: {  	s25 =	simm.s32 $0xA;
	s1 =	sadd.s32 $0x9C40, s1;
	[dreg:$0x9] =	wrdreg s6  }
0x17: {  	s0 =	sadd.s32 $0xA1600, s0;
	s6 =	simm.s32 $0x10;
	[dreg:$0x7] =	wrdreg s1  }
0x18: {  	[dreg:$0x8] =	wrdreg s0;
	s0 =	simm.s32 $0x3;
	s1 =	simm.s32 $0x4  }
.LBB2_1:
0x19: {  	s3 =	simm.s32 $0x11;
	s7 =	rddreg [dreg:$0x4]  }
0x1a: {  	[spmem:s12], [sflag:s11] =	dma.local [hbm:s7], $0x1400  }
0x1b: {  	_ =	swait.ge [sflag:s3], $0x1400  }
0x1c: {  	[sflag:s3] =	ssyncset.done $0x0  }
0x1d: {  	s7 =	simm.s32 $0x0;
	s12 =	rddreg [dreg:$0x5];
	[sflag:s3] =	ssyncadd.s32 $0xFFFFEC00  }
0x1e: {  	[tilespmem:s7], [sflag:$0x11] =	stream.linear.gather [hbm4b:s12+s7], $0x2710, $0x38;
	[tilespmem:$0x18E20] =	vst v63  }
0x1f: {  	_ =	swait.ge [sflag:s3], $0x2710  }
0x20: {  	[sflag:s3] =	ssyncset.done $0x0  }
0x21: {  	s12 =	simm.s32 $0x2710;
	s11 =	rddreg [dreg:$0x7];
	[sflag:s3] =	ssyncadd.s32 $0xFFFFD8F0  }
0x22: {  	[tilespmem:s12], [sflag:$0x11] =	stream.linear.gather [hbm4b:s11+s7], $0x2710, $0x38;
	[tilespmem:$0x18E20] =	vst v63  }
0x23: {  	_ =	swait.ge [sflag:s3], $0x2710  }
0x24: {  	[sflag:s3] =	ssyncset.done $0x0  }
0x25: {  	[sflag:s3] =	ssyncadd.s32 $0xFFFFD8F0  }
0x26: {  	[bflag:$0x0] =	sbarrier.arrive $0xFFFF  }
0x27: {  	[tilespmem:s15], [sflag:$0x1] =	stream.indirect.gather [hbm4b:s4+s14], $0x40, s7, s14, $0xb8;
	[tilespmem:$0x18E20] =	vst v63  }
0x28: {  	_ = 	snop  }
0x29: {  	[tilespmem:s16], [sflag:$0x2] =	stream.indirect.gather [hbm4b:s4+s14], $0x40, s14, s14, $0xb8;
	[tilespmem:$0x18E20] =	vst v63  }
0x2a: {  	s7 =	simm.s32 $0xA0  }
0x2b: {  	[tilespmem:s18], [sflag:$0x3] =	stream.indirect.gather [hbm4b:s4+s14], $0x40, s7, s14, $0xb8;
	[tilespmem:$0x18E20] =	vst v63  }
0x2c: {  	s11 =	simm.s32 $0xF0  }
0x2d: {  	[tilespmem:s20], [sflag:$0x4] =	stream.indirect.gather [hbm4b:s4+s14], $0x40, s11, s14, $0xb8;
	[tilespmem:$0x18E20] =	vst v63  }
0x2e: {  	s12 =	simm.s32 $0x140  }
0x2f: {  	[tilespmem:s22], [sflag:$0x5] =	stream.indirect.gather [hbm4b:s4+s14], $0x40, s12, s14, $0xb8;
	[tilespmem:$0x18E20] =	vst v63  }
0x30: {  	s7 =	simm.s32 $0x190  }
0x31: {  	[tilespmem:s24], [sflag:$0x6] =	stream.indirect.gather [hbm4b:s4+s14], $0x40, s7, s14, $0xb8;
	[tilespmem:$0x18E20] =	vst v63  }
0x32: {  	s11 =	simm.s32 $0x1E0  }
0x33: {  	[tilespmem:s26], [sflag:$0x7] =	stream.indirect.gather [hbm4b:s4+s14], $0x40, s11, s14, $0xb8;
	[tilespmem:$0x18E20] =	vst v63  }
0x34: {  	s12 =	simm.s32 $0x230  }
0x35: {  	[tilespmem:s29], [sflag:$0x8] =	stream.indirect.gather [hbm4b:s4+s14], $0x40, s12, s14, $0xb8;
	[tilespmem:$0x18E20] =	vst v63  }
0x36: {  	_ =	swait.ge [sflag:s30], $0x1400  }
0x37: {  	[sflag:s30] =	ssyncset.done $0x0  }
0x38: {  	s3 =	simm.s32 $0x2710;
	[sflag:s30] =	ssyncadd.s32 $0xFFFFEC00  }
0x39: {  	[spmem:s2] =	stream.indirect.scatter.add.f32 [tilespmem:s15], [sflag:$0x9], $0x40, s3, s14, $0xb8;
	[tilespmem:$0x18E20] =	vst v63  }
0x3a: {  	_ =	swait.ge [sflag:s31], $0x1400  }
0x3b: {  	[sflag:s31] =	ssyncset.done $0x0  }
0x3c: {  	s11 =	simm.s32 $0x2760;
	[sflag:s31] =	ssyncadd.s32 $0xFFFFEC00  }
0x3d: {  	[spmem:s2] =	stream.indirect.scatter.add.f32 [tilespmem:s16], [sflag:$0xA], $0x40, s11, s14, $0xb8;
	[tilespmem:$0x18E20] =	vst v63  }
0x3e: {  	_ =	swait.ge [sflag:s0], $0x1400  }
0x3f: {  	[sflag:s0] =	ssyncset.done $0x0  }
0x40: {  	s12 =	simm.s32 $0x27B0;
	[sflag:s0] =	ssyncadd.s32 $0xFFFFEC00  }
0x41: {  	[spmem:s2] =	stream.indirect.scatter.add.f32 [tilespmem:s18], [sflag:$0xB], $0x40, s12, s14, $0xb8;
	[tilespmem:$0x18E20] =	vst v63  }
0x42: {  	_ =	swait.ge [sflag:s1], $0x1400  }
0x43: {  	[sflag:s1] =	ssyncset.done $0x0  }
0x44: {  	s3 =	simm.s32 $0x2800;
	[sflag:s1] =	ssyncadd.s32 $0xFFFFEC00  }
0x45: {  	[spmem:s2] =	stream.indirect.scatter.add.f32 [tilespmem:s20], [sflag:$0xC], $0x40, s3, s14, $0xb8;
	[tilespmem:$0x18E20] =	vst v63  }
0x46: {  	_ =	swait.ge [sflag:s13], $0x1400  }
0x47: {  	[sflag:s13] =	ssyncset.done $0x0  }
0x48: {  	s11 =	simm.s32 $0x2850;
	[sflag:s13] =	ssyncadd.s32 $0xFFFFEC00  }
0x49: {  	[spmem:s2] =	stream.indirect.scatter.add.f32 [tilespmem:s22], [sflag:$0xD], $0x40, s11, s14, $0xb8;
	[tilespmem:$0x18E20] =	vst v63  }
0x4a: {  	_ =	swait.ge [sflag:s17], $0x1400  }
0x4b: {  	[sflag:s17] =	ssyncset.done $0x0  }
0x4c: {  	s12 =	simm.s32 $0x28A0;
	[sflag:s17] =	ssyncadd.s32 $0xFFFFEC00  }
0x4d: {  	[spmem:s2] =	stream.indirect.scatter.add.f32 [tilespmem:s24], [sflag:$0xE], $0x40, s12, s14, $0xb8;
	[tilespmem:$0x18E20] =	vst v63  }
0x4e: {  	_ =	swait.ge [sflag:s19], $0x1400  }
0x4f: {  	[sflag:s19] =	ssyncset.done $0x0  }
0x50: {  	s3 =	simm.s32 $0x28F0;
	[sflag:s19] =	ssyncadd.s32 $0xFFFFEC00  }
0x51: {  	[spmem:s2] =	stream.indirect.scatter.add.f32 [tilespmem:s26], [sflag:$0xF], $0x40, s3, s14, $0xb8;
	[tilespmem:$0x18E20] =	vst v63  }
0x52: {  	_ =	swait.ge [sflag:s21], $0x1400  }
0x53: {  	[sflag:s21] =	ssyncset.done $0x0  }
0x54: {  	s11 =	simm.s32 $0x2940;
	[sflag:s21] =	ssyncadd.s32 $0xFFFFEC00  }
0x55: {  	[spmem:s2] =	stream.indirect.scatter.add.f32 [tilespmem:s29], [sflag:$0x10], $0x40, s11, s14, $0xb8;
	[tilespmem:$0x18E20] =	vst v63  }
0x56: {  	_ =	swait.ge [sflag:s23], $0x1400  }
0x57: {  	[sflag:s23] =	ssyncset.done $0x0  }
0x58: {  	s12 =	simm.s32 $0x280;
	[sflag:s23] =	ssyncadd.s32 $0xFFFFEC00  }
0x59: {  	[tilespmem:s15], [sflag:$0x1] =	stream.indirect.gather [hbm4b:s4+s14], $0x40, s12, s14, $0xb8;
	[tilespmem:$0x18E20] =	vst v63  }
0x5a: {  	_ =	swait.ge [sflag:s25], $0x1400  }
0x5b: {  	[sflag:s25] =	ssyncset.done $0x0  }
0x5c: {  	s3 =	simm.s32 $0x2D0;
	[sflag:s25] =	ssyncadd.s32 $0xFFFFEC00  }
0x5d: {  	[tilespmem:s16], [sflag:$0x2] =	stream.indirect.gather [hbm4b:s4+s14], $0x40, s3, s14, $0xb8;
	[tilespmem:$0x18E20] =	vst v63  }
0x5e: {  	_ =	swait.ge [sflag:s28], $0x1400  }
0x5f: {  	[sflag:s28] =	ssyncset.done $0x0  }
0x60: {  	s11 =	simm.s32 $0x320;
	[sflag:s28] =	ssyncadd.s32 $0xFFFFEC00  }
0x61: {  	[tilespmem:s18], [sflag:$0x3] =	stream.indirect.gather [hbm4b:s4+s14], $0x40, s11, s14, $0xb8;
	[tilespmem:$0x18E20] =	vst v63  }
0x62: {  	_ =	swait.ge [sflag:s5], $0x1400  }
0x63: {  	[sflag:s5] =	ssyncset.done $0x0  }
0x64: {  	s12 =	simm.s32 $0x370;
	[sflag:s5] =	ssyncadd.s32 $0xFFFFEC00  }
0x65: {  	[tilespmem:s20], [sflag:$0x4] =	stream.indirect.gather [hbm4b:s4+s14], $0x40, s12, s14, $0xb8;
	[tilespmem:$0x18E20] =	vst v63  }
0x66: {  	_ =	swait.ge [sflag:s8], $0x1400  }
0x67: {  	[sflag:s8] =	ssyncset.done $0x0  }
0x68: {  	s3 =	simm.s32 $0x3C0;
	[sflag:s8] =	ssyncadd.s32 $0xFFFFEC00  }
0x69: {  	[tilespmem:s22], [sflag:$0x5] =	stream.indirect.gather [hbm4b:s4+s14], $0x40, s3, s14, $0xb8;
	[tilespmem:$0x18E20] =	vst v63  }
0x6a: {  	_ =	swait.ge [sflag:s9], $0x1400  }
0x6b: {  	[sflag:s9] =	ssyncset.done $0x0  }
0x6c: {  	s11 =	simm.s32 $0x410;
	[sflag:s9] =	ssyncadd.s32 $0xFFFFEC00  }
0x6d: {  	[tilespmem:s24], [sflag:$0x6] =	stream.indirect.gather [hbm4b:s4+s14], $0x40, s11, s14, $0xb8;
	[tilespmem:$0x18E20] =	vst v63  }
0x6e: {  	_ =	swait.ge [sflag:s10], $0x1400  }
0x6f: {  	[sflag:s10] =	ssyncset.done $0x0  }
0x70: {  	s12 =	simm.s32 $0x460;
	[sflag:s10] =	ssyncadd.s32 $0xFFFFEC00  }
0x71: {  	[tilespmem:s26], [sflag:$0x7] =	stream.indirect.gather [hbm4b:s4+s14], $0x40, s12, s14, $0xb8;
	[tilespmem:$0x18E20] =	vst v63  }
0x72: {  	_ =	swait.ge [sflag:s6], $0x1400  }
0x73: {  	[sflag:s6] =	ssyncset.done $0x0  }
0x74: {  	s7 =	simm.s32 $0xA00;
	s11 =	simm.s32 $0x4B0;
	[sflag:s6] =	ssyncadd.s32 $0xFFFFEC00  }
.LBB2_2:
0x75: {  	[tilespmem:s29], [sflag:$0x8] =	stream.indirect.gather [hbm4b:s4+s14], $0x40, s11, s14, $0xb8;
	[tilespmem:$0x18E20] =	vst v63  }
0x76: {  	s11 =	smov.u32 s7  }
0x77: {  	p0 =	sne.s32 s7, $0x8200;
	s7 =	sadd.s32 $0xA00, s7;
	_ =	swait.ge [sflag:s30], $0x1400  }
0x78: {  	s11 =	sshra.s32 s11, $0x2;
	[sflag:s30] =	ssyncset.done $0x0  }
0x79: {  	s12 =	sadd.s32 $0x2710, s11;
	[sflag:s30] =	ssyncadd.s32 $0xFFFFEC00  }
0x7a: {  	[spmem:s2] =	stream.indirect.scatter.add.f32 [tilespmem:s15], [sflag:$0x9], $0x40, s12, s14, $0xb8;
	[tilespmem:$0x18E20] =	vst v63  }
0x7b: {  	_ =	swait.ge [sflag:s31], $0x1400  }
0x7c: {  	[sflag:s31] =	ssyncset.done $0x0  }
0x7d: {  	s12 =	sadd.s32 $0x2760, s11;
	[sflag:s31] =	ssyncadd.s32 $0xFFFFEC00  }
0x7e: {  	[spmem:s2] =	stream.indirect.scatter.add.f32 [tilespmem:s16], [sflag:$0xA], $0x40, s12, s14, $0xb8;
	[tilespmem:$0x18E20] =	vst v63  }
0x7f: {  	_ =	swait.ge [sflag:s0], $0x1400  }
0x80: {  	[sflag:s0] =	ssyncset.done $0x0  }
0x81: {  	s12 =	sadd.s32 $0x27B0, s11;
	[sflag:s0] =	ssyncadd.s32 $0xFFFFEC00  }
0x82: {  	[spmem:s2] =	stream.indirect.scatter.add.f32 [tilespmem:s18], [sflag:$0xB], $0x40, s12, s14, $0xb8;
	[tilespmem:$0x18E20] =	vst v63  }
0x83: {  	_ =	swait.ge [sflag:s1], $0x1400  }
0x84: {  	[sflag:s1] =	ssyncset.done $0x0  }
0x85: {  	s12 =	sadd.s32 $0x2800, s11;
	[sflag:s1] =	ssyncadd.s32 $0xFFFFEC00  }
0x86: {  	[spmem:s2] =	stream.indirect.scatter.add.f32 [tilespmem:s20], [sflag:$0xC], $0x40, s12, s14, $0xb8;
	[tilespmem:$0x18E20] =	vst v63  }
0x87: {  	_ =	swait.ge [sflag:s13], $0x1400  }
0x88: {  	[sflag:s13] =	ssyncset.done $0x0  }
0x89: {  	s12 =	sadd.s32 $0x2850, s11;
	[sflag:s13] =	ssyncadd.s32 $0xFFFFEC00  }
0x8a: {  	[spmem:s2] =	stream.indirect.scatter.add.f32 [tilespmem:s22], [sflag:$0xD], $0x40, s12, s14, $0xb8;
	[tilespmem:$0x18E20] =	vst v63  }
0x8b: {  	_ =	swait.ge [sflag:s17], $0x1400  }
0x8c: {  	[sflag:s17] =	ssyncset.done $0x0  }
0x8d: {  	s12 =	sadd.s32 $0x28A0, s11;
	[sflag:s17] =	ssyncadd.s32 $0xFFFFEC00  }
0x8e: {  	[spmem:s2] =	stream.indirect.scatter.add.f32 [tilespmem:s24], [sflag:$0xE], $0x40, s12, s14, $0xb8;
	[tilespmem:$0x18E20] =	vst v63  }
0x8f: {  	_ =	swait.ge [sflag:s19], $0x1400  }
0x90: {  	[sflag:s19] =	ssyncset.done $0x0  }
0x91: {  	s12 =	sadd.s32 $0x28F0, s11;
	[sflag:s19] =	ssyncadd.s32 $0xFFFFEC00  }
0x92: {  	[spmem:s2] =	stream.indirect.scatter.add.f32 [tilespmem:s26], [sflag:$0xF], $0x40, s12, s14, $0xb8;
	[tilespmem:$0x18E20] =	vst v63  }
0x93: {  	_ =	swait.ge [sflag:s21], $0x1400  }
0x94: {  	[sflag:s21] =	ssyncset.done $0x0  }
0x95: {  	s12 =	sadd.s32 $0x2940, s11;
	[sflag:s21] =	ssyncadd.s32 $0xFFFFEC00  }
0x96: {  	[spmem:s2] =	stream.indirect.scatter.add.f32 [tilespmem:s29], [sflag:$0x10], $0x40, s12, s14, $0xb8;
	[tilespmem:$0x18E20] =	vst v63  }
0x97: {  	_ =	swait.ge [sflag:s23], $0x1400  }
0x98: {  	[sflag:s23] =	ssyncset.done $0x0  }
0x99: {  	s12 =	sadd.s32 $0x280, s11;
	[sflag:s23] =	ssyncadd.s32 $0xFFFFEC00  }
0x9a: {  	[tilespmem:s15], [sflag:$0x1] =	stream.indirect.gather [hbm4b:s4+s14], $0x40, s12, s14, $0xb8;
	[tilespmem:$0x18E20] =	vst v63  }
0x9b: {  	_ =	swait.ge [sflag:s25], $0x1400  }
0x9c: {  	[sflag:s25] =	ssyncset.done $0x0  }
0x9d: {  	s12 =	sadd.s32 $0x2D0, s11;
	[sflag:s25] =	ssyncadd.s32 $0xFFFFEC00  }
0x9e: {  	[tilespmem:s16], [sflag:$0x2] =	stream.indirect.gather [hbm4b:s4+s14], $0x40, s12, s14, $0xb8;
	[tilespmem:$0x18E20] =	vst v63  }
0x9f: {  	_ =	swait.ge [sflag:s28], $0x1400  }
0xa0: {  	[sflag:s28] =	ssyncset.done $0x0  }
0xa1: {  	s12 =	sadd.s32 $0x320, s11;
	[sflag:s28] =	ssyncadd.s32 $0xFFFFEC00  }
0xa2: {  	[tilespmem:s18], [sflag:$0x3] =	stream.indirect.gather [hbm4b:s4+s14], $0x40, s12, s14, $0xb8;
	[tilespmem:$0x18E20] =	vst v63  }
0xa3: {  	_ =	swait.ge [sflag:s5], $0x1400  }
0xa4: {  	[sflag:s5] =	ssyncset.done $0x0  }
0xa5: {  	s12 =	sadd.s32 $0x370, s11;
	[sflag:s5] =	ssyncadd.s32 $0xFFFFEC00  }
0xa6: {  	[tilespmem:s20], [sflag:$0x4] =	stream.indirect.gather [hbm4b:s4+s14], $0x40, s12, s14, $0xb8;
	[tilespmem:$0x18E20] =	vst v63  }
0xa7: {  	_ =	swait.ge [sflag:s8], $0x1400  }
0xa8: {  	[sflag:s8] =	ssyncset.done $0x0  }
0xa9: {  	s12 =	sadd.s32 $0x3C0, s11;
	[sflag:s8] =	ssyncadd.s32 $0xFFFFEC00  }
0xaa: {  	[tilespmem:s22], [sflag:$0x5] =	stream.indirect.gather [hbm4b:s4+s14], $0x40, s12, s14, $0xb8;
	[tilespmem:$0x18E20] =	vst v63  }
0xab: {  	_ =	swait.ge [sflag:s9], $0x1400  }
0xac: {  	[sflag:s9] =	ssyncset.done $0x0  }
0xad: {  	s12 =	sadd.s32 $0x410, s11;
	[sflag:s9] =	ssyncadd.s32 $0xFFFFEC00  }
0xae: {  	[tilespmem:s24], [sflag:$0x6] =	stream.indirect.gather [hbm4b:s4+s14], $0x40, s12, s14, $0xb8;
	[tilespmem:$0x18E20] =	vst v63  }
0xaf: {  	_ =	swait.ge [sflag:s10], $0x1400  }
0xb0: {  	[sflag:s10] =	ssyncset.done $0x0  }
.Ltmp0:
0xb1: {  	s12 =	sadd.s32 $0x460, s11;
	[sflag:s10] =	ssyncadd.s32 $0xFFFFEC00;
	(pc) =	sbr.rel @p0 .LBB2_2-.Ltmp0, $4  }
0xb2: {  	[tilespmem:s26], [sflag:$0x7] =	stream.indirect.gather [hbm4b:s4+s14], $0x40, s12, s14, $0xb8;
	[tilespmem:$0x18E20] =	vst v63  }
0xb3: {  	_ =	swait.ge [sflag:s6], $0x1400  }
0xb4: {  	[sflag:s6] =	ssyncset.done $0x0  }
0xb5: {  	s11 =	sadd.s32 $0x4B0, s11;
	[sflag:s6] =	ssyncadd.s32 $0xFFFFEC00  }
0xb6: {  	[tilespmem:s29], [sflag:$0x8] =	stream.indirect.gather [hbm4b:s4+s14], $0x40, s11, s14, $0xb8;
	[tilespmem:$0x18E20] =	vst v63  }
0xb7: {  	_ =	swait.ge [sflag:s30], $0x1400  }
0xb8: {  	[sflag:s30] =	ssyncset.done $0x0  }
0xb9: {  	s3 =	simm.s32 $0x4A10;
	[sflag:s30] =	ssyncadd.s32 $0xFFFFEC00  }
0xba: {  	[spmem:s2] =	stream.indirect.scatter.add.f32 [tilespmem:s15], [sflag:$0x9], $0x40, s3, s14, $0xb8;
	[tilespmem:$0x18E20] =	vst v63  }
0xbb: {  	_ =	swait.ge [sflag:s31], $0x1400  }
0xbc: {  	[sflag:s31] =	ssyncset.done $0x0  }
0xbd: {  	s11 =	simm.s32 $0x4A60;
	[sflag:s31] =	ssyncadd.s32 $0xFFFFEC00  }
0xbe: {  	[spmem:s2] =	stream.indirect.scatter.add.f32 [tilespmem:s16], [sflag:$0xA], $0x40, s11, s14, $0xb8;
	[tilespmem:$0x18E20] =	vst v63  }
0xbf: {  	_ =	swait.ge [sflag:s0], $0x1400  }
0xc0: {  	[sflag:s0] =	ssyncset.done $0x0  }
0xc1: {  	s12 =	simm.s32 $0x4AB0;
	[sflag:s0] =	ssyncadd.s32 $0xFFFFEC00  }
0xc2: {  	[spmem:s2] =	stream.indirect.scatter.add.f32 [tilespmem:s18], [sflag:$0xB], $0x40, s12, s14, $0xb8;
	[tilespmem:$0x18E20] =	vst v63  }
0xc3: {  	_ =	swait.ge [sflag:s1], $0x1400  }
0xc4: {  	[sflag:s1] =	ssyncset.done $0x0  }
0xc5: {  	s7 =	simm.s32 $0x4B00;
	[sflag:s1] =	ssyncadd.s32 $0xFFFFEC00  }
0xc6: {  	[spmem:s2] =	stream.indirect.scatter.add.f32 [tilespmem:s20], [sflag:$0xC], $0x40, s7, s14, $0xb8;
	[tilespmem:$0x18E20] =	vst v63  }
0xc7: {  	_ =	swait.ge [sflag:s13], $0x1400  }
0xc8: {  	[sflag:s13] =	ssyncset.done $0x0  }
0xc9: {  	s11 =	simm.s32 $0x4B50;
	[sflag:s13] =	ssyncadd.s32 $0xFFFFEC00  }
0xca: {  	[spmem:s2] =	stream.indirect.scatter.add.f32 [tilespmem:s22], [sflag:$0xD], $0x40, s11, s14, $0xb8;
	[tilespmem:$0x18E20] =	vst v63  }
0xcb: {  	_ =	swait.ge [sflag:s17], $0x1400  }
0xcc: {  	[sflag:s17] =	ssyncset.done $0x0  }
0xcd: {  	s12 =	simm.s32 $0x4BA0;
	[sflag:s17] =	ssyncadd.s32 $0xFFFFEC00  }
0xce: {  	[spmem:s2] =	stream.indirect.scatter.add.f32 [tilespmem:s24], [sflag:$0xE], $0x40, s12, s14, $0xb8;
	[tilespmem:$0x18E20] =	vst v63  }
0xcf: {  	_ =	swait.ge [sflag:s19], $0x1400  }
0xd0: {  	[sflag:s19] =	ssyncset.done $0x0  }
0xd1: {  	s7 =	simm.s32 $0x4BF0;
	[sflag:s19] =	ssyncadd.s32 $0xFFFFEC00  }
0xd2: {  	[spmem:s2] =	stream.indirect.scatter.add.f32 [tilespmem:s26], [sflag:$0xF], $0x40, s7, s14, $0xb8;
	[tilespmem:$0x18E20] =	vst v63  }
0xd3: {  	_ =	swait.ge [sflag:s21], $0x1400  }
0xd4: {  	[sflag:s21] =	ssyncset.done $0x0  }
0xd5: {  	s11 =	simm.s32 $0x4C40;
	[sflag:s21] =	ssyncadd.s32 $0xFFFFEC00  }
0xd6: {  	[spmem:s2] =	stream.indirect.scatter.add.f32 [tilespmem:s29], [sflag:$0x10], $0x40, s11, s14, $0xb8;
	[tilespmem:$0x18E20] =	vst v63  }
0xd7: {  	_ =	swait.ge [sflag:s23], $0x1400  }
0xd8: {  	[sflag:s23] =	ssyncset.done $0x0  }
0xd9: {  	[sflag:s23] =	ssyncadd.s32 $0xFFFFEC00  }
0xda: {  	_ =	swait.ge [sflag:s25], $0x1400  }
0xdb: {  	[sflag:s25] =	ssyncset.done $0x0  }
0xdc: {  	[sflag:s25] =	ssyncadd.s32 $0xFFFFEC00  }
0xdd: {  	_ =	swait.ge [sflag:s28], $0x1400  }
0xde: {  	[sflag:s28] =	ssyncset.done $0x0  }
0xdf: {  	[sflag:s28] =	ssyncadd.s32 $0xFFFFEC00  }
0xe0: {  	_ =	swait.ge [sflag:s5], $0x1400  }
0xe1: {  	[sflag:s5] =	ssyncset.done $0x0  }
0xe2: {  	[sflag:s5] =	ssyncadd.s32 $0xFFFFEC00  }
0xe3: {  	_ =	swait.ge [sflag:s8], $0x1400  }
0xe4: {  	[sflag:s8] =	ssyncset.done $0x0  }
0xe5: {  	[sflag:s8] =	ssyncadd.s32 $0xFFFFEC00  }
0xe6: {  	_ =	swait.ge [sflag:s9], $0x1400  }
0xe7: {  	[sflag:s9] =	ssyncset.done $0x0  }
0xe8: {  	[sflag:s9] =	ssyncadd.s32 $0xFFFFEC00  }
0xe9: {  	_ =	swait.ge [sflag:s10], $0x1400  }
0xea: {  	[sflag:s10] =	ssyncset.done $0x0  }
0xeb: {  	[sflag:s10] =	ssyncadd.s32 $0xFFFFEC00  }
0xec: {  	_ =	swait.ge [sflag:s6], $0x1400  }
0xed: {  	[sflag:s6] =	ssyncset.done $0x0  }
0xee: {  	s12 =	simm.s32 $0x2580;
	[sflag:s6] =	ssyncadd.s32 $0xFFFFEC00  }
0xef: {  	[tilespmem:s15], [sflag:$0x1] =	stream.indirect.gather [hbm4b:s4+s14], $0x40, s12, s14, $0xb8;
	[tilespmem:$0x18E20] =	vst v63  }
0xf0: {  	s7 =	simm.s32 $0x25D0  }
0xf1: {  	[tilespmem:s16], [sflag:$0x2] =	stream.indirect.gather [hbm4b:s4+s14], $0x40, s7, s14, $0xb8;
	[tilespmem:$0x18E20] =	vst v63  }
0xf2: {  	s11 =	simm.s32 $0x2620  }
0xf3: {  	[tilespmem:s18], [sflag:$0x3] =	stream.indirect.gather [hbm4b:s4+s14], $0x40, s11, s14, $0xb8;
	[tilespmem:$0x18E20] =	vst v63  }
0xf4: {  	s12 =	simm.s32 $0x2670  }
0xf5: {  	[tilespmem:s20], [sflag:$0x4] =	stream.indirect.gather [hbm4b:s4+s14], $0x40, s12, s14, $0xb8;
	[tilespmem:$0x18E20] =	vst v63  }
0xf6: {  	s7 =	simm.s32 $0x26C0  }
0xf7: {  	[tilespmem:s22], [sflag:$0x5] =	stream.indirect.gather [hbm4b:s4+s14], $0x40, s7, s14, $0xb8;
	[tilespmem:$0x18E20] =	vst v63  }
0xf8: {  	_ =	swait.ge [sflag:s30], $0x1400  }
0xf9: {  	[sflag:s30] =	ssyncset.done $0x0  }
0xfa: {  	s11 =	simm.s32 $0x4C90;
	[sflag:s30] =	ssyncadd.s32 $0xFFFFEC00  }
0xfb: {  	[spmem:s2] =	stream.indirect.scatter.add.f32 [tilespmem:s15], [sflag:$0x9], $0x40, s11, s14, $0xb8;
	[tilespmem:$0x18E20] =	vst v63  }
0xfc: {  	_ =	swait.ge [sflag:s31], $0x1400  }
0xfd: {  	[sflag:s31] =	ssyncset.done $0x0  }
0xfe: {  	s12 =	simm.s32 $0x4CE0;
	[sflag:s31] =	ssyncadd.s32 $0xFFFFEC00  }
0xff: {  	[spmem:s2] =	stream.indirect.scatter.add.f32 [tilespmem:s16], [sflag:$0xA], $0x40, s12, s14, $0xb8;
	[tilespmem:$0x18E20] =	vst v63  }
0x100: {  	_ =	swait.ge [sflag:s0], $0x1400  }
0x101: {  	[sflag:s0] =	ssyncset.done $0x0  }
0x102: {  	s7 =	simm.s32 $0x4D30;
	[sflag:s0] =	ssyncadd.s32 $0xFFFFEC00  }
0x103: {  	[spmem:s2] =	stream.indirect.scatter.add.f32 [tilespmem:s18], [sflag:$0xB], $0x40, s7, s14, $0xb8;
	[tilespmem:$0x18E20] =	vst v63  }
0x104: {  	_ =	swait.ge [sflag:s1], $0x1400  }
0x105: {  	[sflag:s1] =	ssyncset.done $0x0  }
0x106: {  	s11 =	simm.s32 $0x4D80;
	[sflag:s1] =	ssyncadd.s32 $0xFFFFEC00  }
0x107: {  	[spmem:s2] =	stream.indirect.scatter.add.f32 [tilespmem:s20], [sflag:$0xC], $0x40, s11, s14, $0xb8;
	[tilespmem:$0x18E20] =	vst v63  }
0x108: {  	_ =	swait.ge [sflag:s13], $0x1400  }
0x109: {  	[sflag:s13] =	ssyncset.done $0x0  }
0x10a: {  	s12 =	simm.s32 $0x4DD0;
	[sflag:s13] =	ssyncadd.s32 $0xFFFFEC00  }
0x10b: {  	[spmem:s2] =	stream.indirect.scatter.add.f32 [tilespmem:s22], [sflag:$0xD], $0x40, s12, s14, $0xb8;
	[tilespmem:$0x18E20] =	vst v63  }
0x10c: {  	_ =	swait.ge [sflag:s23], $0x1400  }
0x10d: {  	[sflag:s23] =	ssyncset.done $0x0  }
0x10e: {  	[sflag:s23] =	ssyncadd.s32 $0xFFFFEC00  }
0x10f: {  	_ =	swait.ge [sflag:s25], $0x1400  }
0x110: {  	[sflag:s25] =	ssyncset.done $0x0  }
0x111: {  	[sflag:s25] =	ssyncadd.s32 $0xFFFFEC00  }
0x112: {  	_ =	swait.ge [sflag:s28], $0x1400  }
0x113: {  	[sflag:s28] =	ssyncset.done $0x0  }
0x114: {  	[sflag:s28] =	ssyncadd.s32 $0xFFFFEC00  }
0x115: {  	_ =	swait.ge [sflag:s5], $0x1400  }
0x116: {  	[sflag:s5] =	ssyncset.done $0x0  }
0x117: {  	[sflag:s5] =	ssyncadd.s32 $0xFFFFEC00  }
0x118: {  	_ =	swait.ge [sflag:s8], $0x1400  }
0x119: {  	[sflag:s8] =	ssyncset.done $0x0  }
0x11a: {  	[sflag:s8] =	ssyncadd.s32 $0xFFFFEC00  }
0x11b: {  	[bflag:$0x0] =	sbarrier.arrive $0xFFFF  }
0x11c: {  	s11 =	rddreg [dreg:$0x6]  }
0x11d: {  	s7 =	rddreg [dreg:$0x8]  }
0x11e: {  	s12 =	rddreg [dreg:$0xa]  }
0x11f: {  	[hbm:s7], [sflag:s11] =	dma.local [spmem:s12], $0x1400  }
0x120: {  	s7 =	simm.s32 $0x11  }
0x121: {  	_ =	swait.ge [sflag:s7], $0x1400  }
0x122: {  	s3 =	rddreg [dreg:$0xb]  }
0x123: {  	[sflag:s7] =	ssyncset.done $0x0;
	s7 =	rddreg [dreg:$0x9];
	s3 =	sadd.s32 $0x1, s3  }
0x124: {  	p0 =	sne.s32 s3, s7  }
.Ltmp1:
0x125: {  	_ = 	snop;
	(pc) =	sbr.rel @p0 .LBB2_1-.Ltmp1, $3  }
0x126: {  	_ =	sdelay $0x1  }
0x127: {  	s7 =	simm.s32 $0x11  }
0x128: {  	[dreg:$0xb] =	wrdreg s3;
	[sflag:s7] =	ssyncadd.s32 $0xFFFFEC00  }
0x129: {  	_ =	sfence.sel $0x180000  }
0x12a: {  	[bflag:$0x0] =	sbarrier.arrive $0xFFFF  }
0x12b: {  	_ =	strace $0x9000004D  }
0x12c: {  	s0 =	stileid.u32;
	[bflag:$0x2] =	sbarrier.arrive $0xFFFF  }
0x12d: {  	p0 =	sne.s32 s0, $0x0;
	s0 =	rddreg [dreg:$0x3]  }
0x12e: {  	s0 =	sadd.s32 @!p0 $0x100000, s0  }
0x12f: {  	[sflag:s0] =	ssyncadd.tile.s32 @!p0 $0x1;
	_ =	shalt  }
.Lfunc_end2:
_tile_overlayer_lowered:
.L_overlay_start_2:
0x130: {  	(tag) =	ssettag $0x2  }
0x131: {  	s0 =	rddreg [dreg:$0x0];
	s2 =	stileid.u32  }
0x132: {  	s1 =	rddreg [dreg:$0x1];
	p0 =	sne.s32 s2, $0x0  }
0x133: {  	s3 =	rddreg [dreg:$0x2];
	[bflag:$0x3] =	sbarrier.arrive $0xFFFF;
	s2 =	simm.s32 @!p0 $0x1C11  }
0x134: {  	[timem:s3], [sflag:s2] =	dma.local @!p0 [hbm:s0], s1  }
0x135: {  	s0 =	simm.s32 @!p0 $0x11  }
0x136: {  	_ =	swait.ge @!p0 [sflag:s0], s1  }
0x137: {  	s1 =	ssub.s32 @!p0 $0x0, s1;
	[sflag:s0] =	ssyncset.done @!p0 $0x0  }
0x138: {  	[sflag:s0] =	ssyncadd.s32 @!p0 s1  }
0x139: {  	[bflag:$0x3] =	sbarrier.arrive $0xFFFF  }
0x13a: {  	_ =	shalt  }

// kernel: kernel.8.cloned.1.call-start
scs
__scs_entry_jumppad:
0x0: {  	(pc) =	sbr.rel $0x88, $3  }
0x1: {  	(tag) =	ssettag $0x0;
	lr =	simm.s32 $0x1  }
0x2: {  	[smem:$0x3F8F] =	sst lr;
	_ =	strace $0xD0000000  }
0x3: {  	_ = 	snop  }
0x4: {  	_ = 	snop  }
0x5: {  	_ = 	snop  }
0x6: {  	_ = 	snop  }
0x7: {  	_ = 	snop  }
__scs_overlays_trampoline_lowered:
0x8: {  	[smem:$0x3F9E] =	sst s0  }
0x9: {  	[smem:$0x3F9F] =	sst s1  }
0xa: {  	[smem:$0x3FA0] =	sst s2  }
0xb: {  	[smem:$0x3FA1] =	sst s3  }
0xc: {  	[smem:$0x3FA2] =	sst s4  }
0xd: {  	[smem:$0x3FA3] =	sst s5  }
0xe: {  	[smem:$0x3FA4] =	sst s6  }
0xf: {  	[smem:$0x3FA5] =	sst s7  }
0x10: {  	[smem:$0x3FA6] =	sst s8  }
0x11: {  	[smem:$0x3FA7] =	sst s9;
	s0 =	simm.s32 @!p0 $0x0  }
0x12: {  	s1 =	sld [smem:$0x3F8D];
	s0 =	simm.s32 @p0 $0x1  }
0x13: {  	[smem:$0x3FA8] =	sst s0;
	s0 =	simm.s32 @!p1 $0x0  }
0x14: {  	s2 =	sld [smem:$0x3F8C];
	s0 =	simm.s32 @p1 $0x1  }
0x15: {  	[smem:$0x3FA9] =	sst s0;
	s0 =	simm.s32 @!p2 $0x0  }
0x16: {  	s3 =	sld [smem:$0x3FDB];
	s0 =	simm.s32 @p2 $0x1  }
0x17: {  	s4 =	simm.s32 $0x1BF5;
	[smem:$0x3FAB] =	sst s0  }
0x18: {  	s0 =	sld [smem:$0x3F8E];
	_ =	swait.ge [sflag:s4], $0x0  }
0x19: {  	s7 =	sld [smem:$0x3F8F]  }
0x1a: {  	s8 =	sadd.s32 $0xFFFFE003, lr  }
0x1b: {  	s9 =	sadd.s32 $0xFFFFFEF7, lr;
	s5 =	simm.s32 $0xFFFFFFFF;
	p2 =	slt.u32 s8, $0xFFFFF086  }
0x1c: {  	p1 =	slt.u32 s9, $0xF7A;
	s5 =	simm.s32 @!p2 $0x0  }
0x1d: {  	s5 =	simm.s32 @p1 $0x1;
	p0 =	seq.s32 s7, s2  }
0x1e: {  	s7 =	smul.u32 @!p0 $0xF7A, s2;
	p2 =	seq.s32 @!p0 s5, $0x0  }
0x1f: {  	s9 =	smul.u32 $0xF7A, s1;
	s8 =	simm.s32 @!p0 $0x1BF5;
	p2 =	por !p2, p0  }
0x20: {  	[sflag:s8] =	ssyncset.s32 @!p0 $0xFFFFF086;
	s6 =	sadd.s32 @!p0 s3, s7;
	s7 =	simm.s32 @!p0 $0x108  }
0x21: {  	s3 =	sadd.s32 s3, s9;
	s6 =	sadd.s32 @!p0 $0x88, s6;
	s7 =	simm.s32 @p2 $0x1082  }
0x22: {  	[simem:s7], [sflag:s8] =	dma.local @!p0 [hbm:s6], $0xF7A  }
0x23: {  	s9 =	sor.u32 $0xD0000000, s2;
	s6 =	simm.s32 $0x108;
	_ =	swait.ge @!p0 [sflag:s8], $0x0  }
0x24: {  	s3 =	sadd.s32 $0x88, s3;
	s6 =	simm.s32 @!p1 $0x1082;
	[sflag:s4] =	ssyncset.s32 $0xFFFFF086  }
0x25: {  	[simem:s6], [sflag:s4] =	dma.local [hbm:s3], $0xF7A  }
0x26: {  	[smem:$0x3F8F] =	sst s1;
	(tag) =	ssettag s2;
	_ =	strace s9  }
0x27: {  	s1 =	sld [smem:$0x3F9F]  }
0x28: {  	s2 =	sld [smem:$0x3FA0]  }
0x29: {  	s4 =	sld [smem:$0x3FA2]  }
0x2a: {  	p0 =	seq.s32 s5, $0x0;
	s5 =	sld [smem:$0x3FA3]  }
0x2b: {  	s6 =	sld [smem:$0x3FA4]  }
0x2c: {  	s7 =	sld [smem:$0x3FA5]  }
0x2d: {  	s3 =	simm.s32 $0x108;
	s8 =	sld [smem:$0x3FA6]  }
0x2e: {  	s3 =	simm.s32 @!p0 $0x1082;
	s9 =	sld [smem:$0x3FA7]  }
0x2f: {  	lr =	sadd.s32 s0, s3;
	s0 =	sld [smem:$0x3F9E]  }
0x30: {  	s3 =	sld [smem:$0x3FA1]  }
0x31: {  	[smem:$0x3FAA] =	sst s10  }
0x32: {  	s10 =	sld [smem:$0x3FA8];
	_ =	sdelay $0x3  }
0x33: {  	p0 =	seq.s32 s10, $0x1;
	s10 =	sld [smem:$0x3FAA];
	_ =	sdelay $0x3  }
0x34: {  	[smem:$0x3FAA] =	sst s10  }
0x35: {  	s10 =	sld [smem:$0x3FA9];
	_ =	sdelay $0x3  }
0x36: {  	p1 =	seq.s32 s10, $0x1;
	s10 =	sld [smem:$0x3FAA];
	_ =	sdelay $0x3  }
0x37: {  	[smem:$0x3FAA] =	sst s10  }
0x38: {  	s10 =	sld [smem:$0x3FAB]  }
0x39: {  	_ = 	snop;
	(pc) =	sbr.ind lr, $3  }
0x3a: {  	_ = 	snop  }
0x3b: {  	_ = 	snop  }
0x3c: {  	p2 =	seq.s32 s10, $0x1;
	s10 =	sld [smem:$0x3FAA]  }
0x3d: {  	_ =	shalt  }
0x3e: {  	_ =	shalt  }
0x3f: {  	_ =	shalt  }
0x40: {  	_ =	shalt  }
0x41: {  	_ =	shalt  }
0x42: {  	_ =	shalt  }
0x43: {  	_ =	shalt  }
0x44: {  	_ =	shalt  }
0x45: {  	_ =	shalt  }
0x46: {  	_ =	shalt  }
0x47: {  	_ =	shalt  }
0x48: {  	_ =	shalt  }
0x49: {  	_ =	shalt  }
0x4a: {  	_ =	shalt  }
0x4b: {  	_ =	shalt  }
0x4c: {  	_ =	shalt  }
0x4d: {  	_ =	shalt  }
0x4e: {  	_ =	shalt  }
0x4f: {  	_ =	shalt  }
0x50: {  	_ =	shalt  }
0x51: {  	_ =	shalt  }
0x52: {  	_ =	shalt  }
0x53: {  	_ =	shalt  }
0x54: {  	_ =	shalt  }
0x55: {  	_ =	shalt  }
0x56: {  	_ =	shalt  }
0x57: {  	_ =	shalt  }
0x58: {  	_ =	shalt  }
0x59: {  	_ =	shalt  }
0x5a: {  	_ =	shalt  }
0x5b: {  	_ =	shalt  }
0x5c: {  	_ =	shalt  }
0x5d: {  	_ =	shalt  }
0x5e: {  	_ =	shalt  }
0x5f: {  	_ =	shalt  }
0x60: {  	_ =	shalt  }
0x61: {  	_ =	shalt  }
0x62: {  	_ =	shalt  }
0x63: {  	_ =	shalt  }
0x64: {  	_ =	shalt  }
0x65: {  	_ =	shalt  }
0x66: {  	_ =	shalt  }
0x67: {  	_ =	shalt  }
0x68: {  	_ =	shalt  }
0x69: {  	_ =	shalt  }
0x6a: {  	_ =	shalt  }
0x6b: {  	_ =	shalt  }
0x6c: {  	_ =	shalt  }
0x6d: {  	_ =	shalt  }
0x6e: {  	_ =	shalt  }
0x6f: {  	_ =	shalt  }
0x70: {  	_ =	shalt  }
0x71: {  	_ =	shalt  }
0x72: {  	_ =	shalt  }
0x73: {  	_ =	shalt  }
0x74: {  	_ =	shalt  }
0x75: {  	_ =	shalt  }
0x76: {  	_ =	shalt  }
0x77: {  	_ =	shalt  }
0x78: {  	_ =	shalt  }
0x79: {  	_ =	shalt  }
0x7a: {  	_ =	shalt  }
0x7b: {  	_ =	shalt  }
0x7c: {  	_ =	shalt  }
0x7d: {  	_ =	shalt  }
0x7e: {  	_ =	shalt  }
0x7f: {  	_ =	shalt  }
0x80: {  	_ =	shalt  }
0x81: {  	_ =	shalt  }
0x82: {  	_ =	shalt  }
0x83: {  	_ =	shalt  }
0x84: {  	_ =	shalt  }
0x85: {  	_ =	shalt  }
0x86: {  	_ =	shalt  }
0x87: {  	_ =	shalt  }
.Lfunc_end0:
.L_simem_size_0:
called_computation_lowered:
.L_overlay_start_0:
0x88: {  	s2 =	sld [smem:$0x3FD9]  }
0x89: {  	s3 =	sld [smem:$0x3FFE];
	_ =	sdelay $0x1  }
0x8a: {  	s1 =	srdreg.scid  }
0x8b: {  	s0 =	sand.u32 $0x1, s1  }
0x8c: {  	s14 =	sshll.u32 s0, $0xA;
	s2 =	sadd.s32 s3, s2  }
0x8d: {  	s2 =	sadd.s32 s2, s14  }
0x8e: {  	[smem:$0x3FB6] =	sst s2  }
0x8f: {  	_ = 	snop  }
0x90: {  	s2 =	sld [smem:$0x3FD0];
	_ =	sdelay $0x2  }
0x91: {  	s15 =	simm.s32 $0xA;
	s4 =	simm.s32 $0x10  }
0x92: {  	[smem:s4], [sflag:s15] =	dma.local [hbm:s2], $0x1  }
0x93: {  	_ =	swait.eq [sflag:s15], $0x1  }
0x94: {  	[sflag:s15] =	ssyncset.done $0x0  }
0x95: {  	s16 =	sld [smem:$0x10];
	[sflag:s15] =	ssyncadd.s32 $0xFFFFFFFF  }
0x96: {  	s17 =	sld [smem:$0x13];
	(tm) =	ssettm $0x1  }
0x97: {  	s18 =	sld [smem:$0x3FFB];
	_ =	sdelay $0x3  }
0x98: {  	_ =	strace s18  }
0x99: {  	s4 =	sld [smem:$0x3FFC];
	_ =	sdelay $0x3  }
0x9a: {  	_ =	strace s4  }
0x9b: {  	s4 =	sld [smem:$0x3FFD];
	_ =	sdelay $0x3  }
0x9c: {  	_ =	strace s4  }
0x9d: {  	_ =	strace $0x8FFFFFFF  }
0x9e: {  	s19 =	sld [smem:$0x3FDB];
	_ =	sdelay $0x1  }
0x9f: {  	s5 =	simm.s32 $_scs_section_size  }
0xa0: {  	s6 =	simm.s32 $_size__tile_overlayer_lowered;
	s7 =	simm.s32 $_tile_overlayer_lowered  }
0xa1: {  	s22 =	simm.s32 $0x1BFF;
	s21 =	sshll.u32 s7, $0x1;
	s4 =	sadd.s32 s5, s19  }
0xa2: {  	s8 =	simm.s32 $0x0;
	s20 =	sshll.u32 s6, $0x1;
	s6 =	sadd.s32 s21, s4  }
0xa3: {  	[timem:s8], [sflag:s22] =	dma.local [hbm:s6], s20  }
0xa4: {  	_ =	swait.ge [sflag:s22], s20  }
0xa5: {  	s5 =	ssub.s32 $0x0, s20;
	[sflag:s22] =	ssyncset.done $0x0  }
0xa6: {  	[sflag:s22] =	ssyncadd.s32 s5;
	_ =	sdelay $0x1  }
0xa7: {  	s23 =	simm.s32 $0x1B8B  }
0xa8: {  	_ =	swait.ge [sflag:s23], $0x1  }
0xa9: {  	[sflag:s23] =	ssyncset.done $0x0  }
0xaa: {  	s25 =	simm.s32 $0x1B8E;
	s24 =	sld [smem:$0x3FFE];
	[sflag:s23] =	ssyncadd.s32 $0xFFFFFFFF  }
0xab: {  	s26 =	simm.s32 $execute0_lowered;
	[smem:$0x3FD2] =	sst s25  }
0xac: {  	s6 =	sshll.u32 s26, $0x1;
	_ =	strace $0x80000046;
	[dreg:$0x1] =	wrdreg $0xFFFFFFFF  }
0xad: {  	s28 =	simm.s32 $_size_execute0_lowered;
	s4 =	sadd.s32 s4, s6;
	[dreg:$0x0] =	wrdreg $0x0  }
0xae: {  	s6 =	sshll.u32 s28, $0x1;
	[dreg:$0x2] =	wrdreg s4  }
0xaf: {  	[dreg:$0x3] =	wrdreg s6  }
0xb0: {  	[dreg:$0x4] =	wrdreg $0xC0  }
0xb1: {  	_ =	task [dreg:s8], $0x5FFFF  }
0xb2: {  	[dreg:$0x1] =	wrdreg $0xFFFFFFFF  }
0xb3: {  	[dreg:$0x0] =	wrdreg $0x60  }
0xb4: {  	[dreg:$0x2] =	wrdreg s16  }
0xb5: {  	[dreg:$0x3] =	wrdreg s17  }
0xb6: {  	[dreg:$0x4] =	wrdreg s24  }
0xb7: {  	[dreg:$0x5] =	wrdreg $0x29900  }
0xb8: {  	[dreg:$0x6] =	wrdreg $0x9  }
0xb9: {  	_ =	task.clear_ibuf [dreg:s8], $0x7FFFF;
	_ =	strace $0x90000046  }
0xba: {  	s29 =	simm.s32 $0x9;
	_ =	strace $0x80000048  }
0xbb: {  	_ =	swait.ge [sflag:s29], $0x1  }
0xbc: {  	[sflag:s29] =	ssyncadd.s32 $0xFFFFFFFF  }
0xbd: {  	_ =	strace $0x90000048  }
0xbe: {  	_ =	sfence  }
0xbf: {  	s30 =	sld [smem:$0x0];
	_ =	sdelay $0x2  }
0xc0: {  	s31 =	sshll.u32 s1, $0xD;
	s1 =	sshrl.u32 s1, $0x2  }
0xc1: {  	s3 =	sand.u32 $0x4000, s31;
	s1 =	sadd.s32 s1, s30  }
0xc2: {  	s0 =	sor.u32 s3, s0;
	s1 =	sshll.u32 s1, $0x11  }
0xc3: {  	s0 =	sor.u32 s1, s0  }
0xc4: {  	s0 =	sadd.s32 $0x8F2B, s0  }
0xc5: {  	[sflag:s0] =	ssyncadd.remote.s32 $0x1  }
0xc6: {  	_ =	sfence.sel $0xFFFF  }
0xc7: {  	[dreg:$0x0] =	wrdreg $0xFFFFFFFF;
	(pc) =	sbr.abs _section_cstart, $3  }
0xc8: {  	[dreg:$0x1] =	wrdreg $0xFFFFFFFF  }
0xc9: {  	_ =	task.clear_ibuf [dreg:s8], $0x2FFFF;
	_ =	strace $0x9FFFFFFF  }
0xca: {  	(tm) =	ssettm $0x7FFFFFFF  }
0xcb: {  	_ =	shalt  }
tec
execute0_lowered:
.L_overlay_start_1:
0x0: {  	(tag) =	ssettag $0x1  }
0x1: {  	s7 =	rddreg [dreg:$0x0]  }
0x2: {  	s2 =	rddreg [dreg:$0x1]  }
0x3: {  	s5 =	rddreg [dreg:$0x2]  }
0x4: {  	s3 =	rddreg [dreg:$0x3]  }
0x5: {  	s0 =	rddreg [dreg:$0x4];
	s1 =	stileid.u32  }
0x6: {  	s6 =	srdreg.scid;
	s4 =	simm.s32 $0x0;
	s14 =	simm.s32 $0xA0  }
0x7: {  	s15 =	simm.s32 $0xF0;
	s16 =	simm.s32 $0x140;
	s17 =	simm.s32 $0x190  }
0x8: {  	s18 =	simm.s32 $0x1E0;
	s19 =	simm.s32 $0x230;
	s8 =	smul.u32 $0x1400, s1  }
0x9: {  	s20 =	simm.s32 $0x1;
	s6 =	sand.u32 $0x1, s6;
	s12 =	smul.u32 $0x2710, s1  }
0xa: {  	s21 =	simm.s32 $0x0;
	[smem:$0x7FF] =	sst s4;
	s9 =	smul.u32 $0x14000, s6  }
0xb: {  	s30 =	sshll.u32 s1, $0x6;
	s11 =	smul.u32 $0x27100, s6;
	s6 =	ssub.s32 $0x2, s6  }
0xc: {  	_ =	strace $0x80000047;
	s10 =	sshrl.u32 s8, $0x3;
	s13 =	sshrl.u32 s6, $0x1  }
0xd: {  	s29 =	sadd.s32 s8, s3;
	s9 =	sadd.s32 s8, s9;
	s10 =	sadd.s32 s10, s5  }
0xe: {  	s13 =	ssub.s32 s6, s13;
	s28 =	sadd.s32 s11, s12;
	s6 =	sor.u32 $0x1C02, s30  }
0xf: {  	s11 =	simm.s32 $0x2;
	s9 =	sshrl.u32 s9, $0x3;
	s31 =	sshrl.u32 s28, $0x3  }
0x10: {  	s12 =	simm.s32 $0x2710;
	s9 =	sadd.s32 s9, s5;
	s7 =	sadd.s32 s7, s31  }
0x11: {  	s5 =	sadd.s32 $0x2A00, s10;
	s10 =	sshrl.u32 s29, $0x3;
	s7 =	sadd.s32 $0x9C40, s7  }
0x12: {  	s8 =	sadd.s32 $0x5200, s9;
	s9 =	smax.u32 s13, $0x1;
	s13 =	simm.s32 $0x50  }
.LBB2_1:
0x13: {  	[spmem:s10], [sflag:s6] =	dma.local [hbm:s5], $0x280  }
0x14: {  	_ =	swait.ge [sflag:s11], $0x280  }
0x15: {  	[sflag:s11] =	ssyncset.done $0x0  }
0x16: {  	[sflag:s11] =	ssyncadd.s32 $0xFFFFFD80  }
0x17: {  	[tilespmem:s4], [sflag:$0x2] =	stream.linear.gather [hbm4b:s7+s4], $0x2710, $0x38;
	[tilespmem:$0x3D90] =	vst v63  }
0x18: {  	_ =	swait.ge [sflag:s11], $0x2710  }
0x19: {  	[sflag:s11] =	ssyncset.done $0x0  }
0x1a: {  	[sflag:s11] =	ssyncadd.s32 $0xFFFFD8F0  }
0x1b: {  	[tilespmem:s12], [sflag:$0x2] =	stream.linear.gather [hbm4b:s2+s4], $0x280, $0x38;
	[tilespmem:$0x3D90] =	vst v63  }
0x1c: {  	_ =	swait.ge [sflag:s11], $0x280  }
0x1d: {  	[sflag:s11] =	ssyncset.done $0x0  }
0x1e: {  	[sflag:s11] =	ssyncadd.s32 $0xFFFFFD80  }
0x1f: {  	[bflag:$0x0] =	sbarrier.arrive $0xFFFF  }
0x20: {  	[spmem:s3] =	stream.indirect.scatter.add.f32 [tilespmem:s12], [sflag:$0x1], $0x8, s4, s13, $0xb8;
	[tilespmem:$0x3D90] =	vst v63  }
0x21: {  	_ = 	snop  }
0x22: {  	[spmem:s3] =	stream.indirect.scatter.add.f32 [tilespmem:s12], [sflag:$0x1], $0x8, s13, s13, $0xb8;
	[tilespmem:$0x3D90] =	vst v63  }
0x23: {  	_ = 	snop  }
0x24: {  	[spmem:s3] =	stream.indirect.scatter.add.f32 [tilespmem:s12], [sflag:$0x1], $0x8, s14, s13, $0xb8;
	[tilespmem:$0x3D90] =	vst v63  }
0x25: {  	_ = 	snop  }
0x26: {  	[spmem:s3] =	stream.indirect.scatter.add.f32 [tilespmem:s12], [sflag:$0x1], $0x8, s15, s13, $0xb8;
	[tilespmem:$0x3D90] =	vst v63  }
0x27: {  	_ = 	snop  }
0x28: {  	[spmem:s3] =	stream.indirect.scatter.add.f32 [tilespmem:s12], [sflag:$0x1], $0x8, s16, s13, $0xb8;
	[tilespmem:$0x3D90] =	vst v63  }
0x29: {  	_ = 	snop  }
0x2a: {  	[spmem:s3] =	stream.indirect.scatter.add.f32 [tilespmem:s12], [sflag:$0x1], $0x8, s17, s13, $0xb8;
	[tilespmem:$0x3D90] =	vst v63  }
0x2b: {  	_ = 	snop  }
0x2c: {  	[spmem:s3] =	stream.indirect.scatter.add.f32 [tilespmem:s12], [sflag:$0x1], $0x8, s18, s13, $0xb8;
	[tilespmem:$0x3D90] =	vst v63  }
0x2d: {  	_ = 	snop  }
0x2e: {  	[spmem:s3] =	stream.indirect.scatter.add.f32 [tilespmem:s12], [sflag:$0x1], $0x8, s19, s13, $0xb8;
	[tilespmem:$0x3D90] =	vst v63  }
0x2f: {  	_ =	swait.ge [sflag:s20], $0x280  }
0x30: {  	[sflag:s20] =	ssyncset.done $0x0  }
0x31: {  	s22 =	simm.s32 $0xB40;
	s23 =	simm.s32 $0x280;
	[sflag:s20] =	ssyncadd.s32 $0xFFFFFD80  }
.LBB2_2:
0x32: {  	[spmem:s3] =	stream.indirect.scatter.add.f32 [tilespmem:s12], [sflag:$0x1], $0x8, s23, s13, $0xb8;
	[tilespmem:$0x3D90] =	vst v63  }
0x33: {  	s23 =	smov.u32 s22;
	p0 =	sne.s32 s22, $0x9B00  }
.Ltmp0:
0x34: {  	s22 =	sadd.s32 $0x140, s22;
	(pc) =	sbr.rel @p0 .LBB2_2-.Ltmp0, $4  }
0x35: {  	_ = 	snop  }
0x36: {  	_ =	swait.ge [sflag:s20], $0x280  }
0x37: {  	[sflag:s20] =	ssyncset.done $0x0  }
0x38: {  	s23 =	sshra.s32 s23, $0x2;
	[sflag:s20] =	ssyncadd.s32 $0xFFFFFD80  }
0x39: {  	[spmem:s3] =	stream.indirect.scatter.add.f32 [tilespmem:s12], [sflag:$0x1], $0x8, s23, s13, $0xb8;
	[tilespmem:$0x3D90] =	vst v63  }
0x3a: {  	_ =	swait.ge [sflag:s20], $0x280  }
0x3b: {  	[sflag:s20] =	ssyncset.done $0x0  }
0x3c: {  	[sflag:s20] =	ssyncadd.s32 $0xFFFFFD80  }
0x3d: {  	_ =	swait.ge [sflag:s20], $0x280  }
0x3e: {  	[sflag:s20] =	ssyncset.done $0x0  }
0x3f: {  	[sflag:s20] =	ssyncadd.s32 $0xFFFFFD80  }
0x40: {  	_ =	swait.ge [sflag:s20], $0x280  }
0x41: {  	[sflag:s20] =	ssyncset.done $0x0  }
0x42: {  	[sflag:s20] =	ssyncadd.s32 $0xFFFFFD80  }
0x43: {  	_ =	swait.ge [sflag:s20], $0x280  }
0x44: {  	[sflag:s20] =	ssyncset.done $0x0  }
0x45: {  	[sflag:s20] =	ssyncadd.s32 $0xFFFFFD80  }
0x46: {  	_ =	swait.ge [sflag:s20], $0x280  }
0x47: {  	[sflag:s20] =	ssyncset.done $0x0  }
0x48: {  	[sflag:s20] =	ssyncadd.s32 $0xFFFFFD80  }
0x49: {  	_ =	swait.ge [sflag:s20], $0x280  }
0x4a: {  	[sflag:s20] =	ssyncset.done $0x0  }
0x4b: {  	[sflag:s20] =	ssyncadd.s32 $0xFFFFFD80  }
0x4c: {  	_ =	swait.ge [sflag:s20], $0x280  }
0x4d: {  	[sflag:s20] =	ssyncset.done $0x0  }
0x4e: {  	[sflag:s20] =	ssyncadd.s32 $0xFFFFFD80  }
0x4f: {  	_ =	swait.ge [sflag:s20], $0x280  }
0x50: {  	s21 =	sadd.s32 $0x1, s21;
	[sflag:s20] =	ssyncset.done $0x0  }
0x51: {  	p0 =	sne.s32 s21, s9;
	[sflag:s20] =	ssyncadd.s32 $0xFFFFFD80  }
.Ltmp1:
0x52: {  	[bflag:$0x0] =	sbarrier.arrive $0xFFFF;
	(pc) =	sbr.rel @p0 .LBB2_1-.Ltmp1, $4  }
0x53: {  	[hbm:s8], [sflag:s6] =	dma.local [spmem:s10], $0x280  }
0x54: {  	_ =	swait.ge [sflag:s11], $0x280  }
0x55: {  	[sflag:s11] =	ssyncset.done $0x0  }
0x56: {  	[sflag:s11] =	ssyncadd.s32 $0xFFFFFD80  }
0x57: {  	_ =	sfence.sel $0x180000  }
0x58: {  	[bflag:$0x0] =	sbarrier.arrive $0xFFFF  }
0x59: {  	p0 =	sne.s32 s1, $0x0;
	_ =	strace $0x90000047  }
0x5a: {  	s0 =	sadd.s32 @!p0 $0x100000, s0;
	[bflag:$0x2] =	sbarrier.arrive $0xFFFF  }
0x5b: {  	[sflag:s0] =	ssyncadd.tile.s32 @!p0 $0x1;
	_ =	shalt  }
.Lfunc_end2:
_tile_overlayer_lowered:
.L_overlay_start_2:
0x5c: {  	(tag) =	ssettag $0x2  }
0x5d: {  	s0 =	rddreg [dreg:$0x0];
	s2 =	stileid.u32  }
0x5e: {  	s1 =	rddreg [dreg:$0x1];
	p0 =	sne.s32 s2, $0x0  }
0x5f: {  	s3 =	rddreg [dreg:$0x2];
	[bflag:$0x3] =	sbarrier.arrive $0xFFFF;
	s2 =	simm.s32 @!p0 $0x1C02  }
0x60: {  	[timem:s3], [sflag:s2] =	dma.local @!p0 [hbm:s0], s1  }
0x61: {  	s0 =	simm.s32 @!p0 $0x2  }
0x62: {  	_ =	swait.ge @!p0 [sflag:s0], s1  }
0x63: {  	s1 =	ssub.s32 @!p0 $0x0, s1;
	[sflag:s0] =	ssyncset.done @!p0 $0x0  }
0x64: {  	[sflag:s0] =	ssyncadd.s32 @!p0 s1  }
0x65: {  	[bflag:$0x3] =	sbarrier.arrive $0xFFFF  }
0x66: {  	_ =	shalt  }

</sc_bundles>
